<compile_context>
chip_gen: v7x
topology: tpu7x:2x2x1
jax: 0.10.2.dev20260603
libtpu: 0.0.44.dev20260713+nightly
codegen_flags: <defaults>
</compile_context>

<pallas_src>
import functools

import jax
import jax.numpy as jnp
from jax import lax
from jax.experimental import pallas as pl
from jax.experimental.pallas import tpu as pltpu
from jax.experimental.pallas import tpu_sc as plsc

V = 65
VS = 72
N = 64 * 2048
NW = 32
PER_W = N // NW
CHUNK = 256
NCHUNK = PER_W // CHUNK
L = 16


def _nll_body(table_ref, nll_ref):
    t = table_ref[...]
    m = jnp.max(t, axis=1, keepdims=True)
    s = jnp.sum(jnp.exp(t - m), axis=1, keepdims=True)
    nll_ref[...] = (m + jnp.log(s)) - t


def _nll_table(table):
    return pl.pallas_call(
        _nll_body,
        out_shape=jax.ShapeDtypeStruct((V, V), jnp.float32),
    )(table).reshape(V * V)


def _sc_body(tabf_hbm, nllf_hbm, inp_hbm, tgt_hbm, out_hbm, part_hbm,
             inp_v, tgt_v, nll_v, tmp_v, tab_s, rows_a, rows_b, acc_v,
             fsem, gsem_a, gsem_b, wsem_a, wsem_b):
    wid = lax.axis_index("s") * 2 + lax.axis_index("c")
    base = wid * PER_W
    pltpu.sync_copy(inp_hbm.at[pl.ds(base, PER_W)], inp_v)
    pltpu.sync_copy(tgt_hbm.at[pl.ds(base, PER_W)], tgt_v)
    pltpu.sync_copy(nllf_hbm, nll_v)

    fills = [
        pltpu.async_copy(tabf_hbm.at[pl.ds(VS * r, V)], tmp_v.at[r], fsem)
        for r in range(V)
    ]

    def loss_body(i, acc):
        iv = inp_v[pl.ds(i * L, L)]
        tv = tgt_v[pl.ds(i * L, L)]
        return acc + plsc.load_gather(nll_v, [iv * V + tv])

    acc = lax.fori_loop(0, PER_W // L, loss_body, jnp.zeros((L,), jnp.float32))
    acc_v[...] = acc
    pltpu.sync_copy(acc_v, part_hbm.at[pl.ds(wid * L, L)])
    for cp in fills:
        cp.wait()
    pltpu.sync_copy(tmp_v, tab_s)

    bufs = (rows_a, rows_b)
    gsems = (gsem_a, gsem_b)
    wsems = (wsem_a, wsem_b)

    def gather_start(c):
        idx = inp_v.at[pl.ds(c * CHUNK, CHUNK)]
        return pltpu.async_copy(tab_s.at[idx], bufs[c % 2], gsems[c % 2])

    def write_start(c):
        return pltpu.async_copy(
            bufs[c % 2], out_hbm.at[pl.ds(base + c * CHUNK, CHUNK)],
            wsems[c % 2])

    gcp = [None, None]
    wcp = [None, None]
    gcp[0] = gather_start(0)
    for c in range(NCHUNK):
        if c + 1 < NCHUNK:
            if wcp[(c + 1) % 2] is not None:
                wcp[(c + 1) % 2].wait()
            gcp[(c + 1) % 2] = gather_start(c + 1)
        gcp[c % 2].wait()
        wcp[c % 2] = write_start(c)
    wcp[(NCHUNK - 2) % 2].wait()
    wcp[(NCHUNK - 1) % 2].wait()


_sc_call = functools.partial(
    pl.kernel,
    out_type=(jax.ShapeDtypeStruct((N, V), jnp.float32),
              jax.ShapeDtypeStruct((NW * L,), jnp.float32)),
    mesh=plsc.VectorSubcoreMesh(core_axis_name="c", subcore_axis_name="s"),
    scratch_types=[
        pltpu.VMEM((PER_W,), jnp.int32),
        pltpu.VMEM((PER_W,), jnp.int32),
        pltpu.VMEM((V * V,), jnp.float32),
        pltpu.VMEM((V, V), jnp.float32),
        pltpu.VMEM_SHARED((V, V), jnp.float32),
        pltpu.VMEM((CHUNK, V), jnp.float32),
        pltpu.VMEM((CHUNK, V), jnp.float32),
        pltpu.VMEM((L,), jnp.float32),
        pltpu.SemaphoreType.DMA,
        pltpu.SemaphoreType.DMA,
        pltpu.SemaphoreType.DMA,
        pltpu.SemaphoreType.DMA,
        pltpu.SemaphoreType.DMA,
    ],
    compiler_params=pltpu.CompilerParams(needs_layout_passes=False),
)(_sc_body)


def _loss_reduce_body(p_ref, o_ref):
    o_ref[...] = (jnp.sum(p_ref[...]) / N).reshape(1, 1)


def _loss_reduce(partials):
    return pl.pallas_call(
        _loss_reduce_body,
        out_shape=jax.ShapeDtypeStruct((1, 1), jnp.float32),
    )(partials)


def kernel(input, target, table):
    nllf = _nll_table(table)
    tabf = jnp.pad(table, ((0, 0), (0, VS - V))).reshape(V * VS)
    logits_flat, partials = _sc_call(
        tabf, nllf, input.reshape(N), target.reshape(N))
    logits = logits_flat.reshape(input.shape + (V,))
    loss = _loss_reduce(partials.reshape(NW, L))[0, 0]
    return (logits, loss)

# --- scband reference (transcript-rebuilt; emitter-appended) ---
"""Pipeline reference for scband-bigram-model-17746804867407 (READ-ONLY COPY).

The authoritative reference and input builder live on the scoring server;
editing this copy changes nothing except your own understanding.
"""

import jax, jax.numpy as jnp
import numpy as np

VOCAB_SIZE = 65


def setup_inputs(seed: int = 0) -> dict:
    key = jax.random.key(seed)
    k1, k2, k3 = jax.random.split(key, 3)
    inp = jax.random.randint(k1, (64, 2048), 0, VOCAB_SIZE, dtype=jnp.int32)
    target = jax.random.randint(k2, (64, 2048), 0, VOCAB_SIZE, dtype=jnp.int32)
    # Learned parameter: nn.Embedding(VOCAB_SIZE, VOCAB_SIZE) weight
    table = jax.random.normal(k3, (VOCAB_SIZE, VOCAB_SIZE), dtype=jnp.float32)
    return {"input": inp, "target": target, "table": table}


def reference(input, target, table):
    # logits = self.embedding(input)  -> gather rows of table
    logits = jnp.take(table, input, axis=0)  # [B, T, V]
    # CrossEntropyLoss(permute(logits,(0,2,1)), target) with mean reduction
    logp = jax.nn.log_softmax(logits, axis=-1)
    nll = -jnp.take_along_axis(logp, target[..., None], axis=-1)[..., 0]  # [B, T]
    loss = jnp.mean(nll)
    return (logits, loss)

if __name__ == "__main__":
    import jax
    _d = setup_inputs()
    print(jax.jit(kernel)(*tuple(_d.values())))

</pallas_src>

<mosaic_0001>
#map = affine_map<(d0, d1) -> (0)>
#map1 = affine_map<(d0, d1) -> (0, 0)>
module attributes {stable_mosaic.version = 14 : i64} {
  func.func @_sc_body(%arg0: i32, %arg1: i32, %arg2: memref<4680xf32, #tpu.memory_space<hbm>>, %arg3: memref<4225xf32, #tpu.memory_space<hbm>>, %arg4: memref<131072xi32, #tpu.memory_space<hbm>>, %arg5: memref<131072xi32, #tpu.memory_space<hbm>>, %arg6: memref<131072x65xf32, #tpu.memory_space<hbm>>, %arg7: memref<512xf32, #tpu.memory_space<hbm>>, %arg8: memref<4096xi32, #tpu.memory_space<vmem>>, %arg9: memref<4096xi32, #tpu.memory_space<vmem>>, %arg10: memref<4225xf32, #tpu.memory_space<vmem>>, %arg11: memref<65x65xf32, #tpu.memory_space<vmem>>, %arg12: memref<65x65xf32, #tpu.memory_space<vmem_shared>>, %arg13: memref<256x65xf32, #tpu.memory_space<vmem>>, %arg14: memref<256x65xf32, #tpu.memory_space<vmem>>, %arg15: memref<16xf32, #tpu.memory_space<vmem>>, %arg16: memref<!tpu.dma_semaphore, #tpu.memory_space<semaphore_mem>>, %arg17: memref<!tpu.dma_semaphore, #tpu.memory_space<semaphore_mem>>, %arg18: memref<!tpu.dma_semaphore, #tpu.memory_space<semaphore_mem>>, %arg19: memref<!tpu.dma_semaphore, #tpu.memory_space<semaphore_mem>>, %arg20: memref<!tpu.dma_semaphore, #tpu.memory_space<semaphore_mem>>) attributes {dimension_semantics = [#tpu.dimension_semantics<core_parallel>, #tpu.dimension_semantics<subcore_parallel>], iteration_bounds = array<i64: 2, 16>, scalar_prefetch = 0 : i64, scratch_operands = 13 : i64, tpu.core_type = #tpu.core_type<sc_vector_subcore>, window_params = [{transform_indices = #map}, {transform_indices = #map}, {transform_indices = #map}, {transform_indices = #map}, {transform_indices = #map1}, {transform_indices = #map}]} {
    %mul3A = arith.constant 2 : i32
    %mul3A_0 = arith.muli %arg1, %mul3A : i32
    %add3A = arith.addi %mul3A_0, %arg0 : i32
    %mul3A_1 = arith.constant 4096 : i32
    %mul3A_2 = arith.muli %add3A, %mul3A_1 : i32
    "tpu.region"() ({
      %run_scoped3A = tpu.sem_alloc : memref<!tpu.dma_semaphore, #tpu.memory_space<semaphore_mem>>
      %dma_start3A_1760 = tpu.memref_slice %arg4[%mul3A_2] : memref<131072xi32, #tpu.memory_space<hbm>> -> memref<4096xi32, #tpu.memory_space<hbm>>
      %dma_start3A_1761 = tpu.memref_slice %arg4[%mul3A_2] : memref<131072xi32, #tpu.memory_space<hbm>> -> memref<4096xi32, #tpu.memory_space<hbm>>
      tpu.enqueue_dma source(%dma_start3A_1761 : memref<4096xi32, #tpu.memory_space<hbm>>) target(%arg8 : memref<4096xi32, #tpu.memory_space<vmem>>) target_semaphore(%run_scoped3A : memref<!tpu.dma_semaphore, #tpu.memory_space<semaphore_mem>>)
      %dma_wait3A_1762 = tpu.memref_slice %arg4[%mul3A_2] : memref<131072xi32, #tpu.memory_space<hbm>> -> memref<4096xi32, #tpu.memory_space<hbm>>
      %dma_wait3A_1763 = tpu.memref_slice %arg4[%mul3A_2] : memref<131072xi32, #tpu.memory_space<hbm>> -> memref<4096xi32, #tpu.memory_space<hbm>>
      tpu.wait_dma2 semaphore(%run_scoped3A : memref<!tpu.dma_semaphore, #tpu.memory_space<semaphore_mem>>) src(%dma_wait3A_1763 : memref<4096xi32, #tpu.memory_space<hbm>>) dst(%arg8 : memref<4096xi32, #tpu.memory_space<vmem>>)
      tpu.yield
    }) : () -> ()
    "tpu.region"() ({
      %run_scoped3A = tpu.sem_alloc : memref<!tpu.dma_semaphore, #tpu.memory_space<semaphore_mem>>
      %dma_start3A_1760 = tpu.memref_slice %arg5[%mul3A_2] : memref<131072xi32, #tpu.memory_space<hbm>> -> memref<4096xi32, #tpu.memory_space<hbm>>
      %dma_start3A_1761 = tpu.memref_slice %arg5[%mul3A_2] : memref<131072xi32, #tpu.memory_space<hbm>> -> memref<4096xi32, #tpu.memory_space<hbm>>
      tpu.enqueue_dma source(%dma_start3A_1761 : memref<4096xi32, #tpu.memory_space<hbm>>) target(%arg9 : memref<4096xi32, #tpu.memory_space<vmem>>) target_semaphore(%run_scoped3A : memref<!tpu.dma_semaphore, #tpu.memory_space<semaphore_mem>>)
      %dma_wait3A_1762 = tpu.memref_slice %arg5[%mul3A_2] : memref<131072xi32, #tpu.memory_space<hbm>> -> memref<4096xi32, #tpu.memory_space<hbm>>
      %dma_wait3A_1763 = tpu.memref_slice %arg5[%mul3A_2] : memref<131072xi32, #tpu.memory_space<hbm>> -> memref<4096xi32, #tpu.memory_space<hbm>>
      tpu.wait_dma2 semaphore(%run_scoped3A : memref<!tpu.dma_semaphore, #tpu.memory_space<semaphore_mem>>) src(%dma_wait3A_1763 : memref<4096xi32, #tpu.memory_space<hbm>>) dst(%arg9 : memref<4096xi32, #tpu.memory_space<vmem>>)
      tpu.yield
    }) : () -> ()
    "tpu.region"() ({
      %run_scoped3A = tpu.sem_alloc : memref<!tpu.dma_semaphore, #tpu.memory_space<semaphore_mem>>
      tpu.enqueue_dma source(%arg3 : memref<4225xf32, #tpu.memory_space<hbm>>) target(%arg10 : memref<4225xf32, #tpu.memory_space<vmem>>) target_semaphore(%run_scoped3A : memref<!tpu.dma_semaphore, #tpu.memory_space<semaphore_mem>>)
      tpu.wait_dma2 semaphore(%run_scoped3A : memref<!tpu.dma_semaphore, #tpu.memory_space<semaphore_mem>>) src(%arg3 : memref<4225xf32, #tpu.memory_space<hbm>>) dst(%arg10 : memref<4225xf32, #tpu.memory_space<vmem>>)
      tpu.yield
    }) : () -> ()
    %dma_start3A = arith.constant 0 : i32
    %dma_start3A_3 = arith.constant 0 : i32
    %dma_start3A_4 = tpu.memref_slice %arg11[%dma_start3A, %dma_start3A_3] : memref<65x65xf32, #tpu.memory_space<vmem>> -> memref<1x65xf32, #tpu.memory_space<vmem>>
    %dma_start3A_5 = tpu.memref_squeeze %dma_start3A_4 : memref<1x65xf32, #tpu.memory_space<vmem>> -> memref<65xf32, #tpu.memory_space<vmem>>
    %dma_start3A_6 = arith.constant 0 : i32
    %dma_start3A_7 = tpu.memref_slice %arg2[%dma_start3A_6] : memref<4680xf32, #tpu.memory_space<hbm>> -> memref<65xf32, #tpu.memory_space<hbm>>
    %dma_start3A_8 = arith.constant 0 : i32
    %dma_start3A_9 = tpu.memref_slice %arg11[%dma_start3A, %dma_start3A_8] : memref<65x65xf32, #tpu.memory_space<vmem>> -> memref<1x65xf32, #tpu.memory_space<vmem>>
    %dma_start3A_10 = tpu.memref_squeeze %dma_start3A_9 : memref<1x65xf32, #tpu.memory_space<vmem>> -> memref<65xf32, #tpu.memory_space<vmem>>
    %dma_start3A_11 = arith.constant 0 : i32
    %dma_start3A_12 = tpu.memref_slice %arg2[%dma_start3A_11] : memref<4680xf32, #tpu.memory_space<hbm>> -> memref<65xf32, #tpu.memory_space<hbm>>
    tpu.enqueue_dma source(%dma_start3A_12 : memref<65xf32, #tpu.memory_space<hbm>>) target(%dma_start3A_10 : memref<65xf32, #tpu.memory_space<vmem>>) target_semaphore(%arg16 : memref<!tpu.dma_semaphore, #tpu.memory_space<semaphore_mem>>)
    %dma_start3A_13 = arith.constant 1 : i32
    %dma_start3A_14 = arith.constant 0 : i32
    %dma_start3A_15 = tpu.memref_slice %arg11[%dma_start3A_13, %dma_start3A_14] : memref<65x65xf32, #tpu.memory_space<vmem>> -> memref<1x65xf32, #tpu.memory_space<vmem>>
    %dma_start3A_16 = tpu.memref_squeeze %dma_start3A_15 : memref<1x65xf32, #tpu.memory_space<vmem>> -> memref<65xf32, #tpu.memory_space<vmem>>
    %dma_start3A_17 = arith.constant 72 : i32
    %dma_start3A_18 = tpu.memref_slice %arg2[%dma_start3A_17] : memref<4680xf32, #tpu.memory_space<hbm>> -> memref<65xf32, #tpu.memory_space<hbm>>
    %dma_start3A_19 = arith.constant 0 : i32
    %dma_start3A_20 = tpu.memref_slice %arg11[%dma_start3A_13, %dma_start3A_19] : memref<65x65xf32, #tpu.memory_space<vmem>> -> memref<1x65xf32, #tpu.memory_space<vmem>>
    %dma_start3A_21 = tpu.memref_squeeze %dma_start3A_20 : memref<1x65xf32, #tpu.memory_space<vmem>> -> memref<65xf32, #tpu.memory_space<vmem>>
    %dma_start3A_22 = arith.constant 72 : i32
    %dma_start3A_23 = tpu.memref_slice %arg2[%dma_start3A_22] : memref<4680xf32, #tpu.memory_space<hbm>> -> memref<65xf32, #tpu.memory_space<hbm>>
    tpu.enqueue_dma source(%dma_start3A_23 : memref<65xf32, #tpu.memory_space<hbm>>) target(%dma_start3A_21 : memref<65xf32, #tpu.memory_space<vmem>>) target_semaphore(%arg16 : memref<!tpu.dma_semaphore, #tpu.memory_space<semaphore_mem>>)
    %dma_start3A_24 = arith.constant 2 : i32
    %dma_start3A_25 = arith.constant 0 : i32
    %dma_start3A_26 = tpu.memref_slice %arg11[%dma_start3A_24, %dma_start3A_25] : memref<65x65xf32, #tpu.memory_space<vmem>> -> memref<1x65xf32, #tpu.memory_space<vmem>>
    %dma_start3A_27 = tpu.memref_squeeze %dma_start3A_26 : memref<1x65xf32, #tpu.memory_space<vmem>> -> memref<65xf32, #tpu.memory_space<vmem>>
    %dma_start3A_28 = arith.constant 144 : i32
    %dma_start3A_29 = tpu.memref_slice %arg2[%dma_start3A_28] : memref<4680xf32, #tpu.memory_space<hbm>> -> memref<65xf32, #tpu.memory_space<hbm>>
    %dma_start3A_30 = arith.constant 0 : i32
    %dma_start3A_31 = tpu.memref_slice %arg11[%dma_start3A_24, %dma_start3A_30] : memref<65x65xf32, #tpu.memory_space<vmem>> -> memref<1x65xf32, #tpu.memory_space<vmem>>
    %dma_start3A_32 = tpu.memref_squeeze %dma_start3A_31 : memref<1x65xf32, #tpu.memory_space<vmem>> -> memref<65xf32, #tpu.memory_space<vmem>>
    %dma_start3A_33 = arith.constant 144 : i32
    %dma_start3A_34 = tpu.memref_slice %arg2[%dma_start3A_33] : memref<4680xf32, #tpu.memory_space<hbm>> -> memref<65xf32, #tpu.memory_space<hbm>>
    tpu.enqueue_dma source(%dma_start3A_34 : memref<65xf32, #tpu.memory_space<hbm>>) target(%dma_start3A_32 : memref<65xf32, #tpu.memory_space<vmem>>) target_semaphore(%arg16 : memref<!tpu.dma_semaphore, #tpu.memory_space<semaphore_mem>>)
    %dma_start3A_35 = arith.constant 3 : i32
    %dma_start3A_36 = arith.constant 0 : i32
    %dma_start3A_37 = tpu.memref_slice %arg11[%dma_start3A_35, %dma_start3A_36] : memref<65x65xf32, #tpu.memory_space<vmem>> -> memref<1x65xf32, #tpu.memory_space<vmem>>
    %dma_start3A_38 = tpu.memref_squeeze %dma_start3A_37 : memref<1x65xf32, #tpu.memory_space<vmem>> -> memref<65xf32, #tpu.memory_space<vmem>>
    %dma_start3A_39 = arith.constant 216 : i32
    %dma_start3A_40 = tpu.memref_slice %arg2[%dma_start3A_39] : memref<4680xf32, #tpu.memory_space<hbm>> -> memref<65xf32, #tpu.memory_space<hbm>>
    %dma_start3A_41 = arith.constant 0 : i32
    %dma_start3A_42 = tpu.memref_slice %arg11[%dma_start3A_35, %dma_start3A_41] : memref<65x65xf32, #tpu.memory_space<vmem>> -> memref<1x65xf32, #tpu.memory_space<vmem>>
    %dma_start3A_43 = tpu.memref_squeeze %dma_start3A_42 : memref<1x65xf32, #tpu.memory_space<vmem>> -> memref<65xf32, #tpu.memory_space<vmem>>
    %dma_start3A_44 = arith.constant 216 : i32
    %dma_start3A_45 = tpu.memref_slice %arg2[%dma_start3A_44] : memref<4680xf32, #tpu.memory_space<hbm>> -> memref<65xf32, #tpu.memory_space<hbm>>
    tpu.enqueue_dma source(%dma_start3A_45 : memref<65xf32, #tpu.memory_space<hbm>>) target(%dma_start3A_43 : memref<65xf32, #tpu.memory_space<vmem>>) target_semaphore(%arg16 : memref<!tpu.dma_semaphore, #tpu.memory_space<semaphore_mem>>)
    %dma_start3A_46 = arith.constant 4 : i32
    %dma_start3A_47 = arith.constant 0 : i32
    %dma_start3A_48 = tpu.memref_slice %arg11[%dma_start3A_46, %dma_start3A_47] : memref<65x65xf32, #tpu.memory_space<vmem>> -> memref<1x65xf32, #tpu.memory_space<vmem>>
    %dma_start3A_49 = tpu.memref_squeeze %dma_start3A_48 : memref<1x65xf32, #tpu.memory_space<vmem>> -> memref<65xf32, #tpu.memory_space<vmem>>
    %dma_start3A_50 = arith.constant 288 : i32
    %dma_start3A_51 = tpu.memref_slice %arg2[%dma_start3A_50] : memref<4680xf32, #tpu.memory_space<hbm>> -> memref<65xf32, #tpu.memory_space<hbm>>
    %dma_start3A_52 = arith.constant 0 : i32
    %dma_start3A_53 = tpu.memref_slice %arg11[%dma_start3A_46, %dma_start3A_52] : memref<65x65xf32, #tpu.memory_space<vmem>> -> memref<1x65xf32, #tpu.memory_space<vmem>>
    %dma_start3A_54 = tpu.memref_squeeze %dma_start3A_53 : memref<1x65xf32, #tpu.memory_space<vmem>> -> memref<65xf32, #tpu.memory_space<vmem>>
    %dma_start3A_55 = arith.constant 288 : i32
    %dma_start3A_56 = tpu.memref_slice %arg2[%dma_start3A_55] : memref<4680xf32, #tpu.memory_space<hbm>> -> memref<65xf32, #tpu.memory_space<hbm>>
    tpu.enqueue_dma source(%dma_start3A_56 : memref<65xf32, #tpu.memory_space<hbm>>) target(%dma_start3A_54 : memref<65xf32, #tpu.memory_space<vmem>>) target_semaphore(%arg16 : memref<!tpu.dma_semaphore, #tpu.memory_space<semaphore_mem>>)
    %dma_start3A_57 = arith.constant 5 : i32
    %dma_start3A_58 = arith.constant 0 : i32
    %dma_start3A_59 = tpu.memref_slice %arg11[%dma_start3A_57, %dma_start3A_58] : memref<65x65xf32, #tpu.memory_space<vmem>> -> memref<1x65xf32, #tpu.memory_space<vmem>>
    %dma_start3A_60 = tpu.memref_squeeze %dma_start3A_59 : memref<1x65xf32, #tpu.memory_space<vmem>> -> memref<65xf32, #tpu.memory_space<vmem>>
    %dma_start3A_61 = arith.constant 360 : i32
    %dma_start3A_62 = tpu.memref_slice %arg2[%dma_start3A_61] : memref<4680xf32, #tpu.memory_space<hbm>> -> memref<65xf32, #tpu.memory_space<hbm>>
    %dma_start3A_63 = arith.constant 0 : i32
    %dma_start3A_64 = tpu.memref_slice %arg11[%dma_start3A_57, %dma_start3A_63] : memref<65x65xf32, #tpu.memory_space<vmem>> -> memref<1x65xf32, #tpu.memory_space<vmem>>
    %dma_start3A_65 = tpu.memref_squeeze %dma_start3A_64 : memref<1x65xf32, #tpu.memory_space<vmem>> -> memref<65xf32, #tpu.memory_space<vmem>>
    %dma_start3A_66 = arith.constant 360 : i32
    %dma_start3A_67 = tpu.memref_slice %arg2[%dma_start3A_66] : memref<4680xf32, #tpu.memory_space<hbm>> -> memref<65xf32, #tpu.memory_space<hbm>>
    tpu.enqueue_dma source(%dma_start3A_67 : memref<65xf32, #tpu.memory_space<hbm>>) target(%dma_start3A_65 : memref<65xf32, #tpu.memory_space<vmem>>) target_semaphore(%arg16 : memref<!tpu.dma_semaphore, #tpu.memory_space<semaphore_mem>>)
    %dma_start3A_68 = arith.constant 6 : i32
    %dma_start3A_69 = arith.constant 0 : i32
    %dma_start3A_70 = tpu.memref_slice %arg11[%dma_start3A_68, %dma_start3A_69] : memref<65x65xf32, #tpu.memory_space<vmem>> -> memref<1x65xf32, #tpu.memory_space<vmem>>
    %dma_start3A_71 = tpu.memref_squeeze %dma_start3A_70 : memref<1x65xf32, #tpu.memory_space<vmem>> -> memref<65xf32, #tpu.memory_space<vmem>>
    %dma_start3A_72 = arith.constant 432 : i32
    %dma_start3A_73 = tpu.memref_slice %arg2[%dma_start3A_72] : memref<4680xf32, #tpu.memory_space<hbm>> -> memref<65xf32, #tpu.memory_space<hbm>>
    %dma_start3A_74 = arith.constant 0 : i32
    %dma_start3A_75 = tpu.memref_slice %arg11[%dma_start3A_68, %dma_start3A_74] : memref<65x65xf32, #tpu.memory_space<vmem>> -> memref<1x65xf32, #tpu.memory_space<vmem>>
    %dma_start3A_76 = tpu.memref_squeeze %dma_start3A_75 : memref<1x65xf32, #tpu.memory_space<vmem>> -> memref<65xf32, #tpu.memory_space<vmem>>
    %dma_start3A_77 = arith.constant 432 : i32
    %dma_start3A_78 = tpu.memref_slice %arg2[%dma_start3A_77] : memref<4680xf32, #tpu.memory_space<hbm>> -> memref<65xf32, #tpu.memory_space<hbm>>
    tpu.enqueue_dma source(%dma_start3A_78 : memref<65xf32, #tpu.memory_space<hbm>>) target(%dma_start3A_76 : memref<65xf32, #tpu.memory_space<vmem>>) target_semaphore(%arg16 : memref<!tpu.dma_semaphore, #tpu.memory_space<semaphore_mem>>)
    %dma_start3A_79 = arith.constant 7 : i32
    %dma_start3A_80 = arith.constant 0 : i32
    %dma_start3A_81 = tpu.memref_slice %arg11[%dma_start3A_79, %dma_start3A_80] : memref<65x65xf32, #tpu.memory_space<vmem>> -> memref<1x65xf32, #tpu.memory_space<vmem>>
    %dma_start3A_82 = tpu.memref_squeeze %dma_start3A_81 : memref<1x65xf32, #tpu.memory_space<vmem>> -> memref<65xf32, #tpu.memory_space<vmem>>
    %dma_start3A_83 = arith.constant 504 : i32
    %dma_start3A_84 = tpu.memref_slice %arg2[%dma_start3A_83] : memref<4680xf32, #tpu.memory_space<hbm>> -> memref<65xf32, #tpu.memory_space<hbm>>
    %dma_start3A_85 = arith.constant 0 : i32
    %dma_start3A_86 = tpu.memref_slice %arg11[%dma_start3A_79, %dma_start3A_85] : memref<65x65xf32, #tpu.memory_space<vmem>> -> memref<1x65xf32, #tpu.memory_space<vmem>>
    %dma_start3A_87 = tpu.memref_squeeze %dma_start3A_86 : memref<1x65xf32, #tpu.memory_space<vmem>> -> memref<65xf32, #tpu.memory_space<vmem>>
    %dma_start3A_88 = arith.constant 504 : i32
    %dma_start3A_89 = tpu.memref_slice %arg2[%dma_start3A_88] : memref<4680xf32, #tpu.memory_space<hbm>> -> memref<65xf32, #tpu.memory_space<hbm>>
    tpu.enqueue_dma source(%dma_start3A_89 : memref<65xf32, #tpu.memory_space<hbm>>) target(%dma_start3A_87 : memref<65xf32, #tpu.memory_space<vmem>>) target_semaphore(%arg16 : memref<!tpu.dma_semaphore, #tpu.memory_space<semaphore_mem>>)
    %dma_start3A_90 = arith.constant 8 : i32
    %dma_start3A_91 = arith.constant 0 : i32
    %dma_start3A_92 = tpu.memref_slice %arg11[%dma_start3A_90, %dma_start3A_91] : memref<65x65xf32, #tpu.memory_space<vmem>> -> memref<1x65xf32, #tpu.memory_space<vmem>>
    %dma_start3A_93 = tpu.memref_squeeze %dma_start3A_92 : memref<1x65xf32, #tpu.memory_space<vmem>> -> memref<65xf32, #tpu.memory_space<vmem>>
    %dma_start3A_94 = arith.constant 576 : i32
    %dma_start3A_95 = tpu.memref_slice %arg2[%dma_start3A_94] : memref<4680xf32, #tpu.memory_space<hbm>> -> memref<65xf32, #tpu.memory_space<hbm>>
    %dma_start3A_96 = arith.constant 0 : i32
    %dma_start3A_97 = tpu.memref_slice %arg11[%dma_start3A_90, %dma_start3A_96] : memref<65x65xf32, #tpu.memory_space<vmem>> -> memref<1x65xf32, #tpu.memory_space<vmem>>
    %dma_start3A_98 = tpu.memref_squeeze %dma_start3A_97 : memref<1x65xf32, #tpu.memory_space<vmem>> -> memref<65xf32, #tpu.memory_space<vmem>>
    %dma_start3A_99 = arith.constant 576 : i32
    %dma_start3A_100 = tpu.memref_slice %arg2[%dma_start3A_99] : memref<4680xf32, #tpu.memory_space<hbm>> -> memref<65xf32, #tpu.memory_space<hbm>>
    tpu.enqueue_dma source(%dma_start3A_100 : memref<65xf32, #tpu.memory_space<hbm>>) target(%dma_start3A_98 : memref<65xf32, #tpu.memory_space<vmem>>) target_semaphore(%arg16 : memref<!tpu.dma_semaphore, #tpu.memory_space<semaphore_mem>>)
    %dma_start3A_101 = arith.constant 9 : i32
    %dma_start3A_102 = arith.constant 0 : i32
    %dma_start3A_103 = tpu.memref_slice %arg11[%dma_start3A_101, %dma_start3A_102] : memref<65x65xf32, #tpu.memory_space<vmem>> -> memref<1x65xf32, #tpu.memory_space<vmem>>
    %dma_start3A_104 = tpu.memref_squeeze %dma_start3A_103 : memref<1x65xf32, #tpu.memory_space<vmem>> -> memref<65xf32, #tpu.memory_space<vmem>>
    %dma_start3A_105 = arith.constant 648 : i32
    %dma_start3A_106 = tpu.memref_slice %arg2[%dma_start3A_105] : memref<4680xf32, #tpu.memory_space<hbm>> -> memref<65xf32, #tpu.memory_space<hbm>>
    %dma_start3A_107 = arith.constant 0 : i32
    %dma_start3A_108 = tpu.memref_slice %arg11[%dma_start3A_101, %dma_start3A_107] : memref<65x65xf32, #tpu.memory_space<vmem>> -> memref<1x65xf32, #tpu.memory_space<vmem>>
    %dma_start3A_109 = tpu.memref_squeeze %dma_start3A_108 : memref<1x65xf32, #tpu.memory_space<vmem>> -> memref<65xf32, #tpu.memory_space<vmem>>
    %dma_start3A_110 = arith.constant 648 : i32
    %dma_start3A_111 = tpu.memref_slice %arg2[%dma_start3A_110] : memref<4680xf32, #tpu.memory_space<hbm>> -> memref<65xf32, #tpu.memory_space<hbm>>
    tpu.enqueue_dma source(%dma_start3A_111 : memref<65xf32, #tpu.memory_space<hbm>>) target(%dma_start3A_109 : memref<65xf32, #tpu.memory_space<vmem>>) target_semaphore(%arg16 : memref<!tpu.dma_semaphore, #tpu.memory_space<semaphore_mem>>)
    %dma_start3A_112 = arith.constant 10 : i32
    %dma_start3A_113 = arith.constant 0 : i32
    %dma_start3A_114 = tpu.memref_slice %arg11[%dma_start3A_112, %dma_start3A_113] : memref<65x65xf32, #tpu.memory_space<vmem>> -> memref<1x65xf32, #tpu.memory_space<vmem>>
    %dma_start3A_115 = tpu.memref_squeeze %dma_start3A_114 : memref<1x65xf32, #tpu.memory_space<vmem>> -> memref<65xf32, #tpu.memory_space<vmem>>
    %dma_start3A_116 = arith.constant 720 : i32
    %dma_start3A_117 = tpu.memref_slice %arg2[%dma_start3A_116] : memref<4680xf32, #tpu.memory_space<hbm>> -> memref<65xf32, #tpu.memory_space<hbm>>
    %dma_start3A_118 = arith.constant 0 : i32
    %dma_start3A_119 = tpu.memref_slice %arg11[%dma_start3A_112, %dma_start3A_118] : memref<65x65xf32, #tpu.memory_space<vmem>> -> memref<1x65xf32, #tpu.memory_space<vmem>>
    %dma_start3A_120 = tpu.memref_squeeze %dma_start3A_119 : memref<1x65xf32, #tpu.memory_space<vmem>> -> memref<65xf32, #tpu.memory_space<vmem>>
    %dma_start3A_121 = arith.constant 720 : i32
    %dma_start3A_122 = tpu.memref_slice %arg2[%dma_start3A_121] : memref<4680xf32, #tpu.memory_space<hbm>> -> memref<65xf32, #tpu.memory_space<hbm>>
    tpu.enqueue_dma source(%dma_start3A_122 : memref<65xf32, #tpu.memory_space<hbm>>) target(%dma_start3A_120 : memref<65xf32, #tpu.memory_space<vmem>>) target_semaphore(%arg16 : memref<!tpu.dma_semaphore, #tpu.memory_space<semaphore_mem>>)
    %dma_start3A_123 = arith.constant 11 : i32
    %dma_start3A_124 = arith.constant 0 : i32
    %dma_start3A_125 = tpu.memref_slice %arg11[%dma_start3A_123, %dma_start3A_124] : memref<65x65xf32, #tpu.memory_space<vmem>> -> memref<1x65xf32, #tpu.memory_space<vmem>>
    %dma_start3A_126 = tpu.memref_squeeze %dma_start3A_125 : memref<1x65xf32, #tpu.memory_space<vmem>> -> memref<65xf32, #tpu.memory_space<vmem>>
    %dma_start3A_127 = arith.constant 792 : i32
    %dma_start3A_128 = tpu.memref_slice %arg2[%dma_start3A_127] : memref<4680xf32, #tpu.memory_space<hbm>> -> memref<65xf32, #tpu.memory_space<hbm>>
    %dma_start3A_129 = arith.constant 0 : i32
    %dma_start3A_130 = tpu.memref_slice %arg11[%dma_start3A_123, %dma_start3A_129] : memref<65x65xf32, #tpu.memory_space<vmem>> -> memref<1x65xf32, #tpu.memory_space<vmem>>
    %dma_start3A_131 = tpu.memref_squeeze %dma_start3A_130 : memref<1x65xf32, #tpu.memory_space<vmem>> -> memref<65xf32, #tpu.memory_space<vmem>>
    %dma_start3A_132 = arith.constant 792 : i32
    %dma_start3A_133 = tpu.memref_slice %arg2[%dma_start3A_132] : memref<4680xf32, #tpu.memory_space<hbm>> -> memref<65xf32, #tpu.memory_space<hbm>>
    tpu.enqueue_dma source(%dma_start3A_133 : memref<65xf32, #tpu.memory_space<hbm>>) target(%dma_start3A_131 : memref<65xf32, #tpu.memory_space<vmem>>) target_semaphore(%arg16 : memref<!tpu.dma_semaphore, #tpu.memory_space<semaphore_mem>>)
    %dma_start3A_134 = arith.constant 12 : i32
    %dma_start3A_135 = arith.constant 0 : i32
    %dma_start3A_136 = tpu.memref_slice %arg11[%dma_start3A_134, %dma_start3A_135] : memref<65x65xf32, #tpu.memory_space<vmem>> -> memref<1x65xf32, #tpu.memory_space<vmem>>
    %dma_start3A_137 = tpu.memref_squeeze %dma_start3A_136 : memref<1x65xf32, #tpu.memory_space<vmem>> -> memref<65xf32, #tpu.memory_space<vmem>>
    %dma_start3A_138 = arith.constant 864 : i32
    %dma_start3A_139 = tpu.memref_slice %arg2[%dma_start3A_138] : memref<4680xf32, #tpu.memory_space<hbm>> -> memref<65xf32, #tpu.memory_space<hbm>>
    %dma_start3A_140 = arith.constant 0 : i32
    %dma_start3A_141 = tpu.memref_slice %arg11[%dma_start3A_134, %dma_start3A_140] : memref<65x65xf32, #tpu.memory_space<vmem>> -> memref<1x65xf32, #tpu.memory_space<vmem>>
    %dma_start3A_142 = tpu.memref_squeeze %dma_start3A_141 : memref<1x65xf32, #tpu.memory_space<vmem>> -> memref<65xf32, #tpu.memory_space<vmem>>
    %dma_start3A_143 = arith.constant 864 : i32
    %dma_start3A_144 = tpu.memref_slice %arg2[%dma_start3A_143] : memref<4680xf32, #tpu.memory_space<hbm>> -> memref<65xf32, #tpu.memory_space<hbm>>
    tpu.enqueue_dma source(%dma_start3A_144 : memref<65xf32, #tpu.memory_space<hbm>>) target(%dma_start3A_142 : memref<65xf32, #tpu.memory_space<vmem>>) target_semaphore(%arg16 : memref<!tpu.dma_semaphore, #tpu.memory_space<semaphore_mem>>)
    %dma_start3A_145 = arith.constant 13 : i32
    %dma_start3A_146 = arith.constant 0 : i32
    %dma_start3A_147 = tpu.memref_slice %arg11[%dma_start3A_145, %dma_start3A_146] : memref<65x65xf32, #tpu.memory_space<vmem>> -> memref<1x65xf32, #tpu.memory_space<vmem>>
    %dma_start3A_148 = tpu.memref_squeeze %dma_start3A_147 : memref<1x65xf32, #tpu.memory_space<vmem>> -> memref<65xf32, #tpu.memory_space<vmem>>
    %dma_start3A_149 = arith.constant 936 : i32
    %dma_start3A_150 = tpu.memref_slice %arg2[%dma_start3A_149] : memref<4680xf32, #tpu.memory_space<hbm>> -> memref<65xf32, #tpu.memory_space<hbm>>
    %dma_start3A_151 = arith.constant 0 : i32
    %dma_start3A_152 = tpu.memref_slice %arg11[%dma_start3A_145, %dma_start3A_151] : memref<65x65xf32, #tpu.memory_space<vmem>> -> memref<1x65xf32, #tpu.memory_space<vmem>>
    %dma_start3A_153 = tpu.memref_squeeze %dma_start3A_152 : memref<1x65xf32, #tpu.memory_space<vmem>> -> memref<65xf32, #tpu.memory_space<vmem>>
    %dma_start3A_154 = arith.constant 936 : i32
    %dma_start3A_155 = tpu.memref_slice %arg2[%dma_start3A_154] : memref<4680xf32, #tpu.memory_space<hbm>> -> memref<65xf32, #tpu.memory_space<hbm>>
    tpu.enqueue_dma source(%dma_start3A_155 : memref<65xf32, #tpu.memory_space<hbm>>) target(%dma_start3A_153 : memref<65xf32, #tpu.memory_space<vmem>>) target_semaphore(%arg16 : memref<!tpu.dma_semaphore, #tpu.memory_space<semaphore_mem>>)
    %dma_start3A_156 = arith.constant 14 : i32
    %dma_start3A_157 = arith.constant 0 : i32
    %dma_start3A_158 = tpu.memref_slice %arg11[%dma_start3A_156, %dma_start3A_157] : memref<65x65xf32, #tpu.memory_space<vmem>> -> memref<1x65xf32, #tpu.memory_space<vmem>>
    %dma_start3A_159 = tpu.memref_squeeze %dma_start3A_158 : memref<1x65xf32, #tpu.memory_space<vmem>> -> memref<65xf32, #tpu.memory_space<vmem>>
    %dma_start3A_160 = arith.constant 1008 : i32
    %dma_start3A_161 = tpu.memref_slice %arg2[%dma_start3A_160] : memref<4680xf32, #tpu.memory_space<hbm>> -> memref<65xf32, #tpu.memory_space<hbm>>
    %dma_start3A_162 = arith.constant 0 : i32
    %dma_start3A_163 = tpu.memref_slice %arg11[%dma_start3A_156, %dma_start3A_162] : memref<65x65xf32, #tpu.memory_space<vmem>> -> memref<1x65xf32, #tpu.memory_space<vmem>>
    %dma_start3A_164 = tpu.memref_squeeze %dma_start3A_163 : memref<1x65xf32, #tpu.memory_space<vmem>> -> memref<65xf32, #tpu.memory_space<vmem>>
    %dma_start3A_165 = arith.constant 1008 : i32
    %dma_start3A_166 = tpu.memref_slice %arg2[%dma_start3A_165] : memref<4680xf32, #tpu.memory_space<hbm>> -> memref<65xf32, #tpu.memory_space<hbm>>
    tpu.enqueue_dma source(%dma_start3A_166 : memref<65xf32, #tpu.memory_space<hbm>>) target(%dma_start3A_164 : memref<65xf32, #tpu.memory_space<vmem>>) target_semaphore(%arg16 : memref<!tpu.dma_semaphore, #tpu.memory_space<semaphore_mem>>)
    %dma_start3A_167 = arith.constant 15 : i32
    %dma_start3A_168 = arith.constant 0 : i32
    %dma_start3A_169 = tpu.memref_slice %arg11[%dma_start3A_167, %dma_start3A_168] : memref<65x65xf32, #tpu.memory_space<vmem>> -> memref<1x65xf32, #tpu.memory_space<vmem>>
    %dma_start3A_170 = tpu.memref_squeeze %dma_start3A_169 : memref<1x65xf32, #tpu.memory_space<vmem>> -> memref<65xf32, #tpu.memory_space<vmem>>
    %dma_start3A_171 = arith.constant 1080 : i32
    %dma_start3A_172 = tpu.memref_slice %arg2[%dma_start3A_171] : memref<4680xf32, #tpu.memory_space<hbm>> -> memref<65xf32, #tpu.memory_space<hbm>>
    %dma_start3A_173 = arith.constant 0 : i32
    %dma_start3A_174 = tpu.memref_slice %arg11[%dma_start3A_167, %dma_start3A_173] : memref<65x65xf32, #tpu.memory_space<vmem>> -> memref<1x65xf32, #tpu.memory_space<vmem>>
    %dma_start3A_175 = tpu.memref_squeeze %dma_start3A_174 : memref<1x65xf32, #tpu.memory_space<vmem>> -> memref<65xf32, #tpu.memory_space<vmem>>
    %dma_start3A_176 = arith.constant 1080 : i32
    %dma_start3A_177 = tpu.memref_slice %arg2[%dma_start3A_176] : memref<4680xf32, #tpu.memory_space<hbm>> -> memref<65xf32, #tpu.memory_space<hbm>>
    tpu.enqueue_dma source(%dma_start3A_177 : memref<65xf32, #tpu.memory_space<hbm>>) target(%dma_start3A_175 : memref<65xf32, #tpu.memory_space<vmem>>) target_semaphore(%arg16 : memref<!tpu.dma_semaphore, #tpu.memory_space<semaphore_mem>>)
    %dma_start3A_178 = arith.constant 16 : i32
    %dma_start3A_179 = arith.constant 0 : i32
    %dma_start3A_180 = tpu.memref_slice %arg11[%dma_start3A_178, %dma_start3A_179] : memref<65x65xf32, #tpu.memory_space<vmem>> -> memref<1x65xf32, #tpu.memory_space<vmem>>
    %dma_start3A_181 = tpu.memref_squeeze %dma_start3A_180 : memref<1x65xf32, #tpu.memory_space<vmem>> -> memref<65xf32, #tpu.memory_space<vmem>>
    %dma_start3A_182 = arith.constant 1152 : i32
    %dma_start3A_183 = tpu.memref_slice %arg2[%dma_start3A_182] : memref<4680xf32, #tpu.memory_space<hbm>> -> memref<65xf32, #tpu.memory_space<hbm>>
    %dma_start3A_184 = arith.constant 0 : i32
    %dma_start3A_185 = tpu.memref_slice %arg11[%dma_start3A_178, %dma_start3A_184] : memref<65x65xf32, #tpu.memory_space<vmem>> -> memref<1x65xf32, #tpu.memory_space<vmem>>
    %dma_start3A_186 = tpu.memref_squeeze %dma_start3A_185 : memref<1x65xf32, #tpu.memory_space<vmem>> -> memref<65xf32, #tpu.memory_space<vmem>>
    %dma_start3A_187 = arith.constant 1152 : i32
    %dma_start3A_188 = tpu.memref_slice %arg2[%dma_start3A_187] : memref<4680xf32, #tpu.memory_space<hbm>> -> memref<65xf32, #tpu.memory_space<hbm>>
    tpu.enqueue_dma source(%dma_start3A_188 : memref<65xf32, #tpu.memory_space<hbm>>) target(%dma_start3A_186 : memref<65xf32, #tpu.memory_space<vmem>>) target_semaphore(%arg16 : memref<!tpu.dma_semaphore, #tpu.memory_space<semaphore_mem>>)
    %dma_start3A_189 = arith.constant 17 : i32
    %dma_start3A_190 = arith.constant 0 : i32
    %dma_start3A_191 = tpu.memref_slice %arg11[%dma_start3A_189, %dma_start3A_190] : memref<65x65xf32, #tpu.memory_space<vmem>> -> memref<1x65xf32, #tpu.memory_space<vmem>>
    %dma_start3A_192 = tpu.memref_squeeze %dma_start3A_191 : memref<1x65xf32, #tpu.memory_space<vmem>> -> memref<65xf32, #tpu.memory_space<vmem>>
    %dma_start3A_193 = arith.constant 1224 : i32
    %dma_start3A_194 = tpu.memref_slice %arg2[%dma_start3A_193] : memref<4680xf32, #tpu.memory_space<hbm>> -> memref<65xf32, #tpu.memory_space<hbm>>
    %dma_start3A_195 = arith.constant 0 : i32
    %dma_start3A_196 = tpu.memref_slice %arg11[%dma_start3A_189, %dma_start3A_195] : memref<65x65xf32, #tpu.memory_space<vmem>> -> memref<1x65xf32, #tpu.memory_space<vmem>>
    %dma_start3A_197 = tpu.memref_squeeze %dma_start3A_196 : memref<1x65xf32, #tpu.memory_space<vmem>> -> memref<65xf32, #tpu.memory_space<vmem>>
    %dma_start3A_198 = arith.constant 1224 : i32
    %dma_start3A_199 = tpu.memref_slice %arg2[%dma_start3A_198] : memref<4680xf32, #tpu.memory_space<hbm>> -> memref<65xf32, #tpu.memory_space<hbm>>
    tpu.enqueue_dma source(%dma_start3A_199 : memref<65xf32, #tpu.memory_space<hbm>>) target(%dma_start3A_197 : memref<65xf32, #tpu.memory_space<vmem>>) target_semaphore(%arg16 : memref<!tpu.dma_semaphore, #tpu.memory_space<semaphore_mem>>)
    %dma_start3A_200 = arith.constant 18 : i32
    %dma_start3A_201 = arith.constant 0 : i32
    %dma_start3A_202 = tpu.memref_slice %arg11[%dma_start3A_200, %dma_start3A_201] : memref<65x65xf32, #tpu.memory_space<vmem>> -> memref<1x65xf32, #tpu.memory_space<vmem>>
    %dma_start3A_203 = tpu.memref_squeeze %dma_start3A_202 : memref<1x65xf32, #tpu.memory_space<vmem>> -> memref<65xf32, #tpu.memory_space<vmem>>
    %dma_start3A_204 = arith.constant 1296 : i32
    %dma_start3A_205 = tpu.memref_slice %arg2[%dma_start3A_204] : memref<4680xf32, #tpu.memory_space<hbm>> -> memref<65xf32, #tpu.memory_space<hbm>>
    %dma_start3A_206 = arith.constant 0 : i32
    %dma_start3A_207 = tpu.memref_slice %arg11[%dma_start3A_200, %dma_start3A_206] : memref<65x65xf32, #tpu.memory_space<vmem>> -> memref<1x65xf32, #tpu.memory_space<vmem>>
    %dma_start3A_208 = tpu.memref_squeeze %dma_start3A_207 : memref<1x65xf32, #tpu.memory_space<vmem>> -> memref<65xf32, #tpu.memory_space<vmem>>
    %dma_start3A_209 = arith.constant 1296 : i32
    %dma_start3A_210 = tpu.memref_slice %arg2[%dma_start3A_209] : memref<4680xf32, #tpu.memory_space<hbm>> -> memref<65xf32, #tpu.memory_space<hbm>>
    tpu.enqueue_dma source(%dma_start3A_210 : memref<65xf32, #tpu.memory_space<hbm>>) target(%dma_start3A_208 : memref<65xf32, #tpu.memory_space<vmem>>) target_semaphore(%arg16 : memref<!tpu.dma_semaphore, #tpu.memory_space<semaphore_mem>>)
    %dma_start3A_211 = arith.constant 19 : i32
    %dma_start3A_212 = arith.constant 0 : i32
    %dma_start3A_213 = tpu.memref_slice %arg11[%dma_start3A_211, %dma_start3A_212] : memref<65x65xf32, #tpu.memory_space<vmem>> -> memref<1x65xf32, #tpu.memory_space<vmem>>
    %dma_start3A_214 = tpu.memref_squeeze %dma_start3A_213 : memref<1x65xf32, #tpu.memory_space<vmem>> -> memref<65xf32, #tpu.memory_space<vmem>>
    %dma_start3A_215 = arith.constant 1368 : i32
    %dma_start3A_216 = tpu.memref_slice %arg2[%dma_start3A_215] : memref<4680xf32, #tpu.memory_space<hbm>> -> memref<65xf32, #tpu.memory_space<hbm>>
    %dma_start3A_217 = arith.constant 0 : i32
    %dma_start3A_218 = tpu.memref_slice %arg11[%dma_start3A_211, %dma_start3A_217] : memref<65x65xf32, #tpu.memory_space<vmem>> -> memref<1x65xf32, #tpu.memory_space<vmem>>
    %dma_start3A_219 = tpu.memref_squeeze %dma_start3A_218 : memref<1x65xf32, #tpu.memory_space<vmem>> -> memref<65xf32, #tpu.memory_space<vmem>>
    %dma_start3A_220 = arith.constant 1368 : i32
    %dma_start3A_221 = tpu.memref_slice %arg2[%dma_start3A_220] : memref<4680xf32, #tpu.memory_space<hbm>> -> memref<65xf32, #tpu.memory_space<hbm>>
    tpu.enqueue_dma source(%dma_start3A_221 : memref<65xf32, #tpu.memory_space<hbm>>) target(%dma_start3A_219 : memref<65xf32, #tpu.memory_space<vmem>>) target_semaphore(%arg16 : memref<!tpu.dma_semaphore, #tpu.memory_space<semaphore_mem>>)
    %dma_start3A_222 = arith.constant 20 : i32
    %dma_start3A_223 = arith.constant 0 : i32
    %dma_start3A_224 = tpu.memref_slice %arg11[%dma_start3A_222, %dma_start3A_223] : memref<65x65xf32, #tpu.memory_space<vmem>> -> memref<1x65xf32, #tpu.memory_space<vmem>>
    %dma_start3A_225 = tpu.memref_squeeze %dma_start3A_224 : memref<1x65xf32, #tpu.memory_space<vmem>> -> memref<65xf32, #tpu.memory_space<vmem>>
    %dma_start3A_226 = arith.constant 1440 : i32
    %dma_start3A_227 = tpu.memref_slice %arg2[%dma_start3A_226] : memref<4680xf32, #tpu.memory_space<hbm>> -> memref<65xf32, #tpu.memory_space<hbm>>
    %dma_start3A_228 = arith.constant 0 : i32
    %dma_start3A_229 = tpu.memref_slice %arg11[%dma_start3A_222, %dma_start3A_228] : memref<65x65xf32, #tpu.memory_space<vmem>> -> memref<1x65xf32, #tpu.memory_space<vmem>>
    %dma_start3A_230 = tpu.memref_squeeze %dma_start3A_229 : memref<1x65xf32, #tpu.memory_space<vmem>> -> memref<65xf32, #tpu.memory_space<vmem>>
    %dma_start3A_231 = arith.constant 1440 : i32
    %dma_start3A_232 = tpu.memref_slice %arg2[%dma_start3A_231] : memref<4680xf32, #tpu.memory_space<hbm>> -> memref<65xf32, #tpu.memory_space<hbm>>
    tpu.enqueue_dma source(%dma_start3A_232 : memref<65xf32, #tpu.memory_space<hbm>>) target(%dma_start3A_230 : memref<65xf32, #tpu.memory_space<vmem>>) target_semaphore(%arg16 : memref<!tpu.dma_semaphore, #tpu.memory_space<semaphore_mem>>)
    %dma_start3A_233 = arith.constant 21 : i32
    %dma_start3A_234 = arith.constant 0 : i32
    %dma_start3A_235 = tpu.memref_slice %arg11[%dma_start3A_233, %dma_start3A_234] : memref<65x65xf32, #tpu.memory_space<vmem>> -> memref<1x65xf32, #tpu.memory_space<vmem>>
    %dma_start3A_236 = tpu.memref_squeeze %dma_start3A_235 : memref<1x65xf32, #tpu.memory_space<vmem>> -> memref<65xf32, #tpu.memory_space<vmem>>
    %dma_start3A_237 = arith.constant 1512 : i32
    %dma_start3A_238 = tpu.memref_slice %arg2[%dma_start3A_237] : memref<4680xf32, #tpu.memory_space<hbm>> -> memref<65xf32, #tpu.memory_space<hbm>>
    %dma_start3A_239 = arith.constant 0 : i32
    %dma_start3A_240 = tpu.memref_slice %arg11[%dma_start3A_233, %dma_start3A_239] : memref<65x65xf32, #tpu.memory_space<vmem>> -> memref<1x65xf32, #tpu.memory_space<vmem>>
    %dma_start3A_241 = tpu.memref_squeeze %dma_start3A_240 : memref<1x65xf32, #tpu.memory_space<vmem>> -> memref<65xf32, #tpu.memory_space<vmem>>
    %dma_start3A_242 = arith.constant 1512 : i32
    %dma_start3A_243 = tpu.memref_slice %arg2[%dma_start3A_242] : memref<4680xf32, #tpu.memory_space<hbm>> -> memref<65xf32, #tpu.memory_space<hbm>>
    tpu.enqueue_dma source(%dma_start3A_243 : memref<65xf32, #tpu.memory_space<hbm>>) target(%dma_start3A_241 : memref<65xf32, #tpu.memory_space<vmem>>) target_semaphore(%arg16 : memref<!tpu.dma_semaphore, #tpu.memory_space<semaphore_mem>>)
    %dma_start3A_244 = arith.constant 22 : i32
    %dma_start3A_245 = arith.constant 0 : i32
    %dma_start3A_246 = tpu.memref_slice %arg11[%dma_start3A_244, %dma_start3A_245] : memref<65x65xf32, #tpu.memory_space<vmem>> -> memref<1x65xf32, #tpu.memory_space<vmem>>
    %dma_start3A_247 = tpu.memref_squeeze %dma_start3A_246 : memref<1x65xf32, #tpu.memory_space<vmem>> -> memref<65xf32, #tpu.memory_space<vmem>>
    %dma_start3A_248 = arith.constant 1584 : i32
    %dma_start3A_249 = tpu.memref_slice %arg2[%dma_start3A_248] : memref<4680xf32, #tpu.memory_space<hbm>> -> memref<65xf32, #tpu.memory_space<hbm>>
    %dma_start3A_250 = arith.constant 0 : i32
    %dma_start3A_251 = tpu.memref_slice %arg11[%dma_start3A_244, %dma_start3A_250] : memref<65x65xf32, #tpu.memory_space<vmem>> -> memref<1x65xf32, #tpu.memory_space<vmem>>
    %dma_start3A_252 = tpu.memref_squeeze %dma_start3A_251 : memref<1x65xf32, #tpu.memory_space<vmem>> -> memref<65xf32, #tpu.memory_space<vmem>>
    %dma_start3A_253 = arith.constant 1584 : i32
    %dma_start3A_254 = tpu.memref_slice %arg2[%dma_start3A_253] : memref<4680xf32, #tpu.memory_space<hbm>> -> memref<65xf32, #tpu.memory_space<hbm>>
    tpu.enqueue_dma source(%dma_start3A_254 : memref<65xf32, #tpu.memory_space<hbm>>) target(%dma_start3A_252 : memref<65xf32, #tpu.memory_space<vmem>>) target_semaphore(%arg16 : memref<!tpu.dma_semaphore, #tpu.memory_space<semaphore_mem>>)
    %dma_start3A_255 = arith.constant 23 : i32
    %dma_start3A_256 = arith.constant 0 : i32
    %dma_start3A_257 = tpu.memref_slice %arg11[%dma_start3A_255, %dma_start3A_256] : memref<65x65xf32, #tpu.memory_space<vmem>> -> memref<1x65xf32, #tpu.memory_space<vmem>>
    %dma_start3A_258 = tpu.memref_squeeze %dma_start3A_257 : memref<1x65xf32, #tpu.memory_space<vmem>> -> memref<65xf32, #tpu.memory_space<vmem>>
    %dma_start3A_259 = arith.constant 1656 : i32
    %dma_start3A_260 = tpu.memref_slice %arg2[%dma_start3A_259] : memref<4680xf32, #tpu.memory_space<hbm>> -> memref<65xf32, #tpu.memory_space<hbm>>
    %dma_start3A_261 = arith.constant 0 : i32
    %dma_start3A_262 = tpu.memref_slice %arg11[%dma_start3A_255, %dma_start3A_261] : memref<65x65xf32, #tpu.memory_space<vmem>> -> memref<1x65xf32, #tpu.memory_space<vmem>>
    %dma_start3A_263 = tpu.memref_squeeze %dma_start3A_262 : memref<1x65xf32, #tpu.memory_space<vmem>> -> memref<65xf32, #tpu.memory_space<vmem>>
    %dma_start3A_264 = arith.constant 1656 : i32
    %dma_start3A_265 = tpu.memref_slice %arg2[%dma_start3A_264] : memref<4680xf32, #tpu.memory_space<hbm>> -> memref<65xf32, #tpu.memory_space<hbm>>
    tpu.enqueue_dma source(%dma_start3A_265 : memref<65xf32, #tpu.memory_space<hbm>>) target(%dma_start3A_263 : memref<65xf32, #tpu.memory_space<vmem>>) target_semaphore(%arg16 : memref<!tpu.dma_semaphore, #tpu.memory_space<semaphore_mem>>)
    %dma_start3A_266 = arith.constant 24 : i32
    %dma_start3A_267 = arith.constant 0 : i32
    %dma_start3A_268 = tpu.memref_slice %arg11[%dma_start3A_266, %dma_start3A_267] : memref<65x65xf32, #tpu.memory_space<vmem>> -> memref<1x65xf32, #tpu.memory_space<vmem>>
    %dma_start3A_269 = tpu.memref_squeeze %dma_start3A_268 : memref<1x65xf32, #tpu.memory_space<vmem>> -> memref<65xf32, #tpu.memory_space<vmem>>
    %dma_start3A_270 = arith.constant 1728 : i32
    %dma_start3A_271 = tpu.memref_slice %arg2[%dma_start3A_270] : memref<4680xf32, #tpu.memory_space<hbm>> -> memref<65xf32, #tpu.memory_space<hbm>>
    %dma_start3A_272 = arith.constant 0 : i32
    %dma_start3A_273 = tpu.memref_slice %arg11[%dma_start3A_266, %dma_start3A_272] : memref<65x65xf32, #tpu.memory_space<vmem>> -> memref<1x65xf32, #tpu.memory_space<vmem>>
    %dma_start3A_274 = tpu.memref_squeeze %dma_start3A_273 : memref<1x65xf32, #tpu.memory_space<vmem>> -> memref<65xf32, #tpu.memory_space<vmem>>
    %dma_start3A_275 = arith.constant 1728 : i32
    %dma_start3A_276 = tpu.memref_slice %arg2[%dma_start3A_275] : memref<4680xf32, #tpu.memory_space<hbm>> -> memref<65xf32, #tpu.memory_space<hbm>>
    tpu.enqueue_dma source(%dma_start3A_276 : memref<65xf32, #tpu.memory_space<hbm>>) target(%dma_start3A_274 : memref<65xf32, #tpu.memory_space<vmem>>) target_semaphore(%arg16 : memref<!tpu.dma_semaphore, #tpu.memory_space<semaphore_mem>>)
    %dma_start3A_277 = arith.constant 25 : i32
    %dma_start3A_278 = arith.constant 0 : i32
    %dma_start3A_279 = tpu.memref_slice %arg11[%dma_start3A_277, %dma_start3A_278] : memref<65x65xf32, #tpu.memory_space<vmem>> -> memref<1x65xf32, #tpu.memory_space<vmem>>
    %dma_start3A_280 = tpu.memref_squeeze %dma_start3A_279 : memref<1x65xf32, #tpu.memory_space<vmem>> -> memref<65xf32, #tpu.memory_space<vmem>>
    %dma_start3A_281 = arith.constant 1800 : i32
    %dma_start3A_282 = tpu.memref_slice %arg2[%dma_start3A_281] : memref<4680xf32, #tpu.memory_space<hbm>> -> memref<65xf32, #tpu.memory_space<hbm>>
    %dma_start3A_283 = arith.constant 0 : i32
    %dma_start3A_284 = tpu.memref_slice %arg11[%dma_start3A_277, %dma_start3A_283] : memref<65x65xf32, #tpu.memory_space<vmem>> -> memref<1x65xf32, #tpu.memory_space<vmem>>
    %dma_start3A_285 = tpu.memref_squeeze %dma_start3A_284 : memref<1x65xf32, #tpu.memory_space<vmem>> -> memref<65xf32, #tpu.memory_space<vmem>>
    %dma_start3A_286 = arith.constant 1800 : i32
    %dma_start3A_287 = tpu.memref_slice %arg2[%dma_start3A_286] : memref<4680xf32, #tpu.memory_space<hbm>> -> memref<65xf32, #tpu.memory_space<hbm>>
    tpu.enqueue_dma source(%dma_start3A_287 : memref<65xf32, #tpu.memory_space<hbm>>) target(%dma_start3A_285 : memref<65xf32, #tpu.memory_space<vmem>>) target_semaphore(%arg16 : memref<!tpu.dma_semaphore, #tpu.memory_space<semaphore_mem>>)
    %dma_start3A_288 = arith.constant 26 : i32
    %dma_start3A_289 = arith.constant 0 : i32
    %dma_start3A_290 = tpu.memref_slice %arg11[%dma_start3A_288, %dma_start3A_289] : memref<65x65xf32, #tpu.memory_space<vmem>> -> memref<1x65xf32, #tpu.memory_space<vmem>>
    %dma_start3A_291 = tpu.memref_squeeze %dma_start3A_290 : memref<1x65xf32, #tpu.memory_space<vmem>> -> memref<65xf32, #tpu.memory_space<vmem>>
    %dma_start3A_292 = arith.constant 1872 : i32
    %dma_start3A_293 = tpu.memref_slice %arg2[%dma_start3A_292] : memref<4680xf32, #tpu.memory_space<hbm>> -> memref<65xf32, #tpu.memory_space<hbm>>
    %dma_start3A_294 = arith.constant 0 : i32
    %dma_start3A_295 = tpu.memref_slice %arg11[%dma_start3A_288, %dma_start3A_294] : memref<65x65xf32, #tpu.memory_space<vmem>> -> memref<1x65xf32, #tpu.memory_space<vmem>>
    %dma_start3A_296 = tpu.memref_squeeze %dma_start3A_295 : memref<1x65xf32, #tpu.memory_space<vmem>> -> memref<65xf32, #tpu.memory_space<vmem>>
    %dma_start3A_297 = arith.constant 1872 : i32
    %dma_start3A_298 = tpu.memref_slice %arg2[%dma_start3A_297] : memref<4680xf32, #tpu.memory_space<hbm>> -> memref<65xf32, #tpu.memory_space<hbm>>
    tpu.enqueue_dma source(%dma_start3A_298 : memref<65xf32, #tpu.memory_space<hbm>>) target(%dma_start3A_296 : memref<65xf32, #tpu.memory_space<vmem>>) target_semaphore(%arg16 : memref<!tpu.dma_semaphore, #tpu.memory_space<semaphore_mem>>)
    %dma_start3A_299 = arith.constant 27 : i32
    %dma_start3A_300 = arith.constant 0 : i32
    %dma_start3A_301 = tpu.memref_slice %arg11[%dma_start3A_299, %dma_start3A_300] : memref<65x65xf32, #tpu.memory_space<vmem>> -> memref<1x65xf32, #tpu.memory_space<vmem>>
    %dma_start3A_302 = tpu.memref_squeeze %dma_start3A_301 : memref<1x65xf32, #tpu.memory_space<vmem>> -> memref<65xf32, #tpu.memory_space<vmem>>
    %dma_start3A_303 = arith.constant 1944 : i32
    %dma_start3A_304 = tpu.memref_slice %arg2[%dma_start3A_303] : memref<4680xf32, #tpu.memory_space<hbm>> -> memref<65xf32, #tpu.memory_space<hbm>>
    %dma_start3A_305 = arith.constant 0 : i32
    %dma_start3A_306 = tpu.memref_slice %arg11[%dma_start3A_299, %dma_start3A_305] : memref<65x65xf32, #tpu.memory_space<vmem>> -> memref<1x65xf32, #tpu.memory_space<vmem>>
    %dma_start3A_307 = tpu.memref_squeeze %dma_start3A_306 : memref<1x65xf32, #tpu.memory_space<vmem>> -> memref<65xf32, #tpu.memory_space<vmem>>
    %dma_start3A_308 = arith.constant 1944 : i32
    %dma_start3A_309 = tpu.memref_slice %arg2[%dma_start3A_308] : memref<4680xf32, #tpu.memory_space<hbm>> -> memref<65xf32, #tpu.memory_space<hbm>>
    tpu.enqueue_dma source(%dma_start3A_309 : memref<65xf32, #tpu.memory_space<hbm>>) target(%dma_start3A_307 : memref<65xf32, #tpu.memory_space<vmem>>) target_semaphore(%arg16 : memref<!tpu.dma_semaphore, #tpu.memory_space<semaphore_mem>>)
    %dma_start3A_310 = arith.constant 28 : i32
    %dma_start3A_311 = arith.constant 0 : i32
    %dma_start3A_312 = tpu.memref_slice %arg11[%dma_start3A_310, %dma_start3A_311] : memref<65x65xf32, #tpu.memory_space<vmem>> -> memref<1x65xf32, #tpu.memory_space<vmem>>
    %dma_start3A_313 = tpu.memref_squeeze %dma_start3A_312 : memref<1x65xf32, #tpu.memory_space<vmem>> -> memref<65xf32, #tpu.memory_space<vmem>>
    %dma_start3A_314 = arith.constant 2016 : i32
    %dma_start3A_315 = tpu.memref_slice %arg2[%dma_start3A_314] : memref<4680xf32, #tpu.memory_space<hbm>> -> memref<65xf32, #tpu.memory_space<hbm>>
    %dma_start3A_316 = arith.constant 0 : i32
    %dma_start3A_317 = tpu.memref_slice %arg11[%dma_start3A_310, %dma_start3A_316] : memref<65x65xf32, #tpu.memory_space<vmem>> -> memref<1x65xf32, #tpu.memory_space<vmem>>
    %dma_start3A_318 = tpu.memref_squeeze %dma_start3A_317 : memref<1x65xf32, #tpu.memory_space<vmem>> -> memref<65xf32, #tpu.memory_space<vmem>>
    %dma_start3A_319 = arith.constant 2016 : i32
    %dma_start3A_320 = tpu.memref_slice %arg2[%dma_start3A_319] : memref<4680xf32, #tpu.memory_space<hbm>> -> memref<65xf32, #tpu.memory_space<hbm>>
    tpu.enqueue_dma source(%dma_start3A_320 : memref<65xf32, #tpu.memory_space<hbm>>) target(%dma_start3A_318 : memref<65xf32, #tpu.memory_space<vmem>>) target_semaphore(%arg16 : memref<!tpu.dma_semaphore, #tpu.memory_space<semaphore_mem>>)
    %dma_start3A_321 = arith.constant 29 : i32
    %dma_start3A_322 = arith.constant 0 : i32
    %dma_start3A_323 = tpu.memref_slice %arg11[%dma_start3A_321, %dma_start3A_322] : memref<65x65xf32, #tpu.memory_space<vmem>> -> memref<1x65xf32, #tpu.memory_space<vmem>>
    %dma_start3A_324 = tpu.memref_squeeze %dma_start3A_323 : memref<1x65xf32, #tpu.memory_space<vmem>> -> memref<65xf32, #tpu.memory_space<vmem>>
    %dma_start3A_325 = arith.constant 2088 : i32
    %dma_start3A_326 = tpu.memref_slice %arg2[%dma_start3A_325] : memref<4680xf32, #tpu.memory_space<hbm>> -> memref<65xf32, #tpu.memory_space<hbm>>
    %dma_start3A_327 = arith.constant 0 : i32
    %dma_start3A_328 = tpu.memref_slice %arg11[%dma_start3A_321, %dma_start3A_327] : memref<65x65xf32, #tpu.memory_space<vmem>> -> memref<1x65xf32, #tpu.memory_space<vmem>>
    %dma_start3A_329 = tpu.memref_squeeze %dma_start3A_328 : memref<1x65xf32, #tpu.memory_space<vmem>> -> memref<65xf32, #tpu.memory_space<vmem>>
    %dma_start3A_330 = arith.constant 2088 : i32
    %dma_start3A_331 = tpu.memref_slice %arg2[%dma_start3A_330] : memref<4680xf32, #tpu.memory_space<hbm>> -> memref<65xf32, #tpu.memory_space<hbm>>
    tpu.enqueue_dma source(%dma_start3A_331 : memref<65xf32, #tpu.memory_space<hbm>>) target(%dma_start3A_329 : memref<65xf32, #tpu.memory_space<vmem>>) target_semaphore(%arg16 : memref<!tpu.dma_semaphore, #tpu.memory_space<semaphore_mem>>)
    %dma_start3A_332 = arith.constant 30 : i32
    %dma_start3A_333 = arith.constant 0 : i32
    %dma_start3A_334 = tpu.memref_slice %arg11[%dma_start3A_332, %dma_start3A_333] : memref<65x65xf32, #tpu.memory_space<vmem>> -> memref<1x65xf32, #tpu.memory_space<vmem>>
    %dma_start3A_335 = tpu.memref_squeeze %dma_start3A_334 : memref<1x65xf32, #tpu.memory_space<vmem>> -> memref<65xf32, #tpu.memory_space<vmem>>
    %dma_start3A_336 = arith.constant 2160 : i32
    %dma_start3A_337 = tpu.memref_slice %arg2[%dma_start3A_336] : memref<4680xf32, #tpu.memory_space<hbm>> -> memref<65xf32, #tpu.memory_space<hbm>>
    %dma_start3A_338 = arith.constant 0 : i32
    %dma_start3A_339 = tpu.memref_slice %arg11[%dma_start3A_332, %dma_start3A_338] : memref<65x65xf32, #tpu.memory_space<vmem>> -> memref<1x65xf32, #tpu.memory_space<vmem>>
    %dma_start3A_340 = tpu.memref_squeeze %dma_start3A_339 : memref<1x65xf32, #tpu.memory_space<vmem>> -> memref<65xf32, #tpu.memory_space<vmem>>
    %dma_start3A_341 = arith.constant 2160 : i32
    %dma_start3A_342 = tpu.memref_slice %arg2[%dma_start3A_341] : memref<4680xf32, #tpu.memory_space<hbm>> -> memref<65xf32, #tpu.memory_space<hbm>>
    tpu.enqueue_dma source(%dma_start3A_342 : memref<65xf32, #tpu.memory_space<hbm>>) target(%dma_start3A_340 : memref<65xf32, #tpu.memory_space<vmem>>) target_semaphore(%arg16 : memref<!tpu.dma_semaphore, #tpu.memory_space<semaphore_mem>>)
    %dma_start3A_343 = arith.constant 31 : i32
    %dma_start3A_344 = arith.constant 0 : i32
    %dma_start3A_345 = tpu.memref_slice %arg11[%dma_start3A_343, %dma_start3A_344] : memref<65x65xf32, #tpu.memory_space<vmem>> -> memref<1x65xf32, #tpu.memory_space<vmem>>
    %dma_start3A_346 = tpu.memref_squeeze %dma_start3A_345 : memref<1x65xf32, #tpu.memory_space<vmem>> -> memref<65xf32, #tpu.memory_space<vmem>>
    %dma_start3A_347 = arith.constant 2232 : i32
    %dma_start3A_348 = tpu.memref_slice %arg2[%dma_start3A_347] : memref<4680xf32, #tpu.memory_space<hbm>> -> memref<65xf32, #tpu.memory_space<hbm>>
    %dma_start3A_349 = arith.constant 0 : i32
    %dma_start3A_350 = tpu.memref_slice %arg11[%dma_start3A_343, %dma_start3A_349] : memref<65x65xf32, #tpu.memory_space<vmem>> -> memref<1x65xf32, #tpu.memory_space<vmem>>
    %dma_start3A_351 = tpu.memref_squeeze %dma_start3A_350 : memref<1x65xf32, #tpu.memory_space<vmem>> -> memref<65xf32, #tpu.memory_space<vmem>>
    %dma_start3A_352 = arith.constant 2232 : i32
    %dma_start3A_353 = tpu.memref_slice %arg2[%dma_start3A_352] : memref<4680xf32, #tpu.memory_space<hbm>> -> memref<65xf32, #tpu.memory_space<hbm>>
    tpu.enqueue_dma source(%dma_start3A_353 : memref<65xf32, #tpu.memory_space<hbm>>) target(%dma_start3A_351 : memref<65xf32, #tpu.memory_space<vmem>>) target_semaphore(%arg16 : memref<!tpu.dma_semaphore, #tpu.memory_space<semaphore_mem>>)
    %dma_start3A_354 = arith.constant 32 : i32
    %dma_start3A_355 = arith.constant 0 : i32
    %dma_start3A_356 = tpu.memref_slice %arg11[%dma_start3A_354, %dma_start3A_355] : memref<65x65xf32, #tpu.memory_space<vmem>> -> memref<1x65xf32, #tpu.memory_space<vmem>>
    %dma_start3A_357 = tpu.memref_squeeze %dma_start3A_356 : memref<1x65xf32, #tpu.memory_space<vmem>> -> memref<65xf32, #tpu.memory_space<vmem>>
    %dma_start3A_358 = arith.constant 2304 : i32
    %dma_start3A_359 = tpu.memref_slice %arg2[%dma_start3A_358] : memref<4680xf32, #tpu.memory_space<hbm>> -> memref<65xf32, #tpu.memory_space<hbm>>
    %dma_start3A_360 = arith.constant 0 : i32
    %dma_start3A_361 = tpu.memref_slice %arg11[%dma_start3A_354, %dma_start3A_360] : memref<65x65xf32, #tpu.memory_space<vmem>> -> memref<1x65xf32, #tpu.memory_space<vmem>>
    %dma_start3A_362 = tpu.memref_squeeze %dma_start3A_361 : memref<1x65xf32, #tpu.memory_space<vmem>> -> memref<65xf32, #tpu.memory_space<vmem>>
    %dma_start3A_363 = arith.constant 2304 : i32
    %dma_start3A_364 = tpu.memref_slice %arg2[%dma_start3A_363] : memref<4680xf32, #tpu.memory_space<hbm>> -> memref<65xf32, #tpu.memory_space<hbm>>
    tpu.enqueue_dma source(%dma_start3A_364 : memref<65xf32, #tpu.memory_space<hbm>>) target(%dma_start3A_362 : memref<65xf32, #tpu.memory_space<vmem>>) target_semaphore(%arg16 : memref<!tpu.dma_semaphore, #tpu.memory_space<semaphore_mem>>)
    %dma_start3A_365 = arith.constant 33 : i32
    %dma_start3A_366 = arith.constant 0 : i32
    %dma_start3A_367 = tpu.memref_slice %arg11[%dma_start3A_365, %dma_start3A_366] : memref<65x65xf32, #tpu.memory_space<vmem>> -> memref<1x65xf32, #tpu.memory_space<vmem>>
    %dma_start3A_368 = tpu.memref_squeeze %dma_start3A_367 : memref<1x65xf32, #tpu.memory_space<vmem>> -> memref<65xf32, #tpu.memory_space<vmem>>
    %dma_start3A_369 = arith.constant 2376 : i32
    %dma_start3A_370 = tpu.memref_slice %arg2[%dma_start3A_369] : memref<4680xf32, #tpu.memory_space<hbm>> -> memref<65xf32, #tpu.memory_space<hbm>>
    %dma_start3A_371 = arith.constant 0 : i32
    %dma_start3A_372 = tpu.memref_slice %arg11[%dma_start3A_365, %dma_start3A_371] : memref<65x65xf32, #tpu.memory_space<vmem>> -> memref<1x65xf32, #tpu.memory_space<vmem>>
    %dma_start3A_373 = tpu.memref_squeeze %dma_start3A_372 : memref<1x65xf32, #tpu.memory_space<vmem>> -> memref<65xf32, #tpu.memory_space<vmem>>
    %dma_start3A_374 = arith.constant 2376 : i32
    %dma_start3A_375 = tpu.memref_slice %arg2[%dma_start3A_374] : memref<4680xf32, #tpu.memory_space<hbm>> -> memref<65xf32, #tpu.memory_space<hbm>>
    tpu.enqueue_dma source(%dma_start3A_375 : memref<65xf32, #tpu.memory_space<hbm>>) target(%dma_start3A_373 : memref<65xf32, #tpu.memory_space<vmem>>) target_semaphore(%arg16 : memref<!tpu.dma_semaphore, #tpu.memory_space<semaphore_mem>>)
    %dma_start3A_376 = arith.constant 34 : i32
    %dma_start3A_377 = arith.constant 0 : i32
    %dma_start3A_378 = tpu.memref_slice %arg11[%dma_start3A_376, %dma_start3A_377] : memref<65x65xf32, #tpu.memory_space<vmem>> -> memref<1x65xf32, #tpu.memory_space<vmem>>
    %dma_start3A_379 = tpu.memref_squeeze %dma_start3A_378 : memref<1x65xf32, #tpu.memory_space<vmem>> -> memref<65xf32, #tpu.memory_space<vmem>>
    %dma_start3A_380 = arith.constant 2448 : i32
    %dma_start3A_381 = tpu.memref_slice %arg2[%dma_start3A_380] : memref<4680xf32, #tpu.memory_space<hbm>> -> memref<65xf32, #tpu.memory_space<hbm>>
    %dma_start3A_382 = arith.constant 0 : i32
    %dma_start3A_383 = tpu.memref_slice %arg11[%dma_start3A_376, %dma_start3A_382] : memref<65x65xf32, #tpu.memory_space<vmem>> -> memref<1x65xf32, #tpu.memory_space<vmem>>
    %dma_start3A_384 = tpu.memref_squeeze %dma_start3A_383 : memref<1x65xf32, #tpu.memory_space<vmem>> -> memref<65xf32, #tpu.memory_space<vmem>>
    %dma_start3A_385 = arith.constant 2448 : i32
    %dma_start3A_386 = tpu.memref_slice %arg2[%dma_start3A_385] : memref<4680xf32, #tpu.memory_space<hbm>> -> memref<65xf32, #tpu.memory_space<hbm>>
    tpu.enqueue_dma source(%dma_start3A_386 : memref<65xf32, #tpu.memory_space<hbm>>) target(%dma_start3A_384 : memref<65xf32, #tpu.memory_space<vmem>>) target_semaphore(%arg16 : memref<!tpu.dma_semaphore, #tpu.memory_space<semaphore_mem>>)
    %dma_start3A_387 = arith.constant 35 : i32
    %dma_start3A_388 = arith.constant 0 : i32
    %dma_start3A_389 = tpu.memref_slice %arg11[%dma_start3A_387, %dma_start3A_388] : memref<65x65xf32, #tpu.memory_space<vmem>> -> memref<1x65xf32, #tpu.memory_space<vmem>>
    %dma_start3A_390 = tpu.memref_squeeze %dma_start3A_389 : memref<1x65xf32, #tpu.memory_space<vmem>> -> memref<65xf32, #tpu.memory_space<vmem>>
    %dma_start3A_391 = arith.constant 2520 : i32
    %dma_start3A_392 = tpu.memref_slice %arg2[%dma_start3A_391] : memref<4680xf32, #tpu.memory_space<hbm>> -> memref<65xf32, #tpu.memory_space<hbm>>
    %dma_start3A_393 = arith.constant 0 : i32
    %dma_start3A_394 = tpu.memref_slice %arg11[%dma_start3A_387, %dma_start3A_393] : memref<65x65xf32, #tpu.memory_space<vmem>> -> memref<1x65xf32, #tpu.memory_space<vmem>>
    %dma_start3A_395 = tpu.memref_squeeze %dma_start3A_394 : memref<1x65xf32, #tpu.memory_space<vmem>> -> memref<65xf32, #tpu.memory_space<vmem>>
    %dma_start3A_396 = arith.constant 2520 : i32
    %dma_start3A_397 = tpu.memref_slice %arg2[%dma_start3A_396] : memref<4680xf32, #tpu.memory_space<hbm>> -> memref<65xf32, #tpu.memory_space<hbm>>
    tpu.enqueue_dma source(%dma_start3A_397 : memref<65xf32, #tpu.memory_space<hbm>>) target(%dma_start3A_395 : memref<65xf32, #tpu.memory_space<vmem>>) target_semaphore(%arg16 : memref<!tpu.dma_semaphore, #tpu.memory_space<semaphore_mem>>)
    %dma_start3A_398 = arith.constant 36 : i32
    %dma_start3A_399 = arith.constant 0 : i32
    %dma_start3A_400 = tpu.memref_slice %arg11[%dma_start3A_398, %dma_start3A_399] : memref<65x65xf32, #tpu.memory_space<vmem>> -> memref<1x65xf32, #tpu.memory_space<vmem>>
    %dma_start3A_401 = tpu.memref_squeeze %dma_start3A_400 : memref<1x65xf32, #tpu.memory_space<vmem>> -> memref<65xf32, #tpu.memory_space<vmem>>
    %dma_start3A_402 = arith.constant 2592 : i32
    %dma_start3A_403 = tpu.memref_slice %arg2[%dma_start3A_402] : memref<4680xf32, #tpu.memory_space<hbm>> -> memref<65xf32, #tpu.memory_space<hbm>>
    %dma_start3A_404 = arith.constant 0 : i32
    %dma_start3A_405 = tpu.memref_slice %arg11[%dma_start3A_398, %dma_start3A_404] : memref<65x65xf32, #tpu.memory_space<vmem>> -> memref<1x65xf32, #tpu.memory_space<vmem>>
    %dma_start3A_406 = tpu.memref_squeeze %dma_start3A_405 : memref<1x65xf32, #tpu.memory_space<vmem>> -> memref<65xf32, #tpu.memory_space<vmem>>
    %dma_start3A_407 = arith.constant 2592 : i32
    %dma_start3A_408 = tpu.memref_slice %arg2[%dma_start3A_407] : memref<4680xf32, #tpu.memory_space<hbm>> -> memref<65xf32, #tpu.memory_space<hbm>>
    tpu.enqueue_dma source(%dma_start3A_408 : memref<65xf32, #tpu.memory_space<hbm>>) target(%dma_start3A_406 : memref<65xf32, #tpu.memory_space<vmem>>) target_semaphore(%arg16 : memref<!tpu.dma_semaphore, #tpu.memory_space<semaphore_mem>>)
    %dma_start3A_409 = arith.constant 37 : i32
    %dma_start3A_410 = arith.constant 0 : i32
    %dma_start3A_411 = tpu.memref_slice %arg11[%dma_start3A_409, %dma_start3A_410] : memref<65x65xf32, #tpu.memory_space<vmem>> -> memref<1x65xf32, #tpu.memory_space<vmem>>
    %dma_start3A_412 = tpu.memref_squeeze %dma_start3A_411 : memref<1x65xf32, #tpu.memory_space<vmem>> -> memref<65xf32, #tpu.memory_space<vmem>>
    %dma_start3A_413 = arith.constant 2664 : i32
    %dma_start3A_414 = tpu.memref_slice %arg2[%dma_start3A_413] : memref<4680xf32, #tpu.memory_space<hbm>> -> memref<65xf32, #tpu.memory_space<hbm>>
    %dma_start3A_415 = arith.constant 0 : i32
    %dma_start3A_416 = tpu.memref_slice %arg11[%dma_start3A_409, %dma_start3A_415] : memref<65x65xf32, #tpu.memory_space<vmem>> -> memref<1x65xf32, #tpu.memory_space<vmem>>
    %dma_start3A_417 = tpu.memref_squeeze %dma_start3A_416 : memref<1x65xf32, #tpu.memory_space<vmem>> -> memref<65xf32, #tpu.memory_space<vmem>>
    %dma_start3A_418 = arith.constant 2664 : i32
    %dma_start3A_419 = tpu.memref_slice %arg2[%dma_start3A_418] : memref<4680xf32, #tpu.memory_space<hbm>> -> memref<65xf32, #tpu.memory_space<hbm>>
    tpu.enqueue_dma source(%dma_start3A_419 : memref<65xf32, #tpu.memory_space<hbm>>) target(%dma_start3A_417 : memref<65xf32, #tpu.memory_space<vmem>>) target_semaphore(%arg16 : memref<!tpu.dma_semaphore, #tpu.memory_space<semaphore_mem>>)
    %dma_start3A_420 = arith.constant 38 : i32
    %dma_start3A_421 = arith.constant 0 : i32
    %dma_start3A_422 = tpu.memref_slice %arg11[%dma_start3A_420, %dma_start3A_421] : memref<65x65xf32, #tpu.memory_space<vmem>> -> memref<1x65xf32, #tpu.memory_space<vmem>>
    %dma_start3A_423 = tpu.memref_squeeze %dma_start3A_422 : memref<1x65xf32, #tpu.memory_space<vmem>> -> memref<65xf32, #tpu.memory_space<vmem>>
    %dma_start3A_424 = arith.constant 2736 : i32
    %dma_start3A_425 = tpu.memref_slice %arg2[%dma_start3A_424] : memref<4680xf32, #tpu.memory_space<hbm>> -> memref<65xf32, #tpu.memory_space<hbm>>
    %dma_start3A_426 = arith.constant 0 : i32
    %dma_start3A_427 = tpu.memref_slice %arg11[%dma_start3A_420, %dma_start3A_426] : memref<65x65xf32, #tpu.memory_space<vmem>> -> memref<1x65xf32, #tpu.memory_space<vmem>>
    %dma_start3A_428 = tpu.memref_squeeze %dma_start3A_427 : memref<1x65xf32, #tpu.memory_space<vmem>> -> memref<65xf32, #tpu.memory_space<vmem>>
    %dma_start3A_429 = arith.constant 2736 : i32
    %dma_start3A_430 = tpu.memref_slice %arg2[%dma_start3A_429] : memref<4680xf32, #tpu.memory_space<hbm>> -> memref<65xf32, #tpu.memory_space<hbm>>
    tpu.enqueue_dma source(%dma_start3A_430 : memref<65xf32, #tpu.memory_space<hbm>>) target(%dma_start3A_428 : memref<65xf32, #tpu.memory_space<vmem>>) target_semaphore(%arg16 : memref<!tpu.dma_semaphore, #tpu.memory_space<semaphore_mem>>)
    %dma_start3A_431 = arith.constant 39 : i32
    %dma_start3A_432 = arith.constant 0 : i32
    %dma_start3A_433 = tpu.memref_slice %arg11[%dma_start3A_431, %dma_start3A_432] : memref<65x65xf32, #tpu.memory_space<vmem>> -> memref<1x65xf32, #tpu.memory_space<vmem>>
    %dma_start3A_434 = tpu.memref_squeeze %dma_start3A_433 : memref<1x65xf32, #tpu.memory_space<vmem>> -> memref<65xf32, #tpu.memory_space<vmem>>
    %dma_start3A_435 = arith.constant 2808 : i32
    %dma_start3A_436 = tpu.memref_slice %arg2[%dma_start3A_435] : memref<4680xf32, #tpu.memory_space<hbm>> -> memref<65xf32, #tpu.memory_space<hbm>>
    %dma_start3A_437 = arith.constant 0 : i32
    %dma_start3A_438 = tpu.memref_slice %arg11[%dma_start3A_431, %dma_start3A_437] : memref<65x65xf32, #tpu.memory_space<vmem>> -> memref<1x65xf32, #tpu.memory_space<vmem>>
    %dma_start3A_439 = tpu.memref_squeeze %dma_start3A_438 : memref<1x65xf32, #tpu.memory_space<vmem>> -> memref<65xf32, #tpu.memory_space<vmem>>
    %dma_start3A_440 = arith.constant 2808 : i32
    %dma_start3A_441 = tpu.memref_slice %arg2[%dma_start3A_440] : memref<4680xf32, #tpu.memory_space<hbm>> -> memref<65xf32, #tpu.memory_space<hbm>>
    tpu.enqueue_dma source(%dma_start3A_441 : memref<65xf32, #tpu.memory_space<hbm>>) target(%dma_start3A_439 : memref<65xf32, #tpu.memory_space<vmem>>) target_semaphore(%arg16 : memref<!tpu.dma_semaphore, #tpu.memory_space<semaphore_mem>>)
    %dma_start3A_442 = arith.constant 40 : i32
    %dma_start3A_443 = arith.constant 0 : i32
    %dma_start3A_444 = tpu.memref_slice %arg11[%dma_start3A_442, %dma_start3A_443] : memref<65x65xf32, #tpu.memory_space<vmem>> -> memref<1x65xf32, #tpu.memory_space<vmem>>
    %dma_start3A_445 = tpu.memref_squeeze %dma_start3A_444 : memref<1x65xf32, #tpu.memory_space<vmem>> -> memref<65xf32, #tpu.memory_space<vmem>>
    %dma_start3A_446 = arith.constant 2880 : i32
    %dma_start3A_447 = tpu.memref_slice %arg2[%dma_start3A_446] : memref<4680xf32, #tpu.memory_space<hbm>> -> memref<65xf32, #tpu.memory_space<hbm>>
    %dma_start3A_448 = arith.constant 0 : i32
    %dma_start3A_449 = tpu.memref_slice %arg11[%dma_start3A_442, %dma_start3A_448] : memref<65x65xf32, #tpu.memory_space<vmem>> -> memref<1x65xf32, #tpu.memory_space<vmem>>
    %dma_start3A_450 = tpu.memref_squeeze %dma_start3A_449 : memref<1x65xf32, #tpu.memory_space<vmem>> -> memref<65xf32, #tpu.memory_space<vmem>>
    %dma_start3A_451 = arith.constant 2880 : i32
    %dma_start3A_452 = tpu.memref_slice %arg2[%dma_start3A_451] : memref<4680xf32, #tpu.memory_space<hbm>> -> memref<65xf32, #tpu.memory_space<hbm>>
    tpu.enqueue_dma source(%dma_start3A_452 : memref<65xf32, #tpu.memory_space<hbm>>) target(%dma_start3A_450 : memref<65xf32, #tpu.memory_space<vmem>>) target_semaphore(%arg16 : memref<!tpu.dma_semaphore, #tpu.memory_space<semaphore_mem>>)
    %dma_start3A_453 = arith.constant 41 : i32
    %dma_start3A_454 = arith.constant 0 : i32
    %dma_start3A_455 = tpu.memref_slice %arg11[%dma_start3A_453, %dma_start3A_454] : memref<65x65xf32, #tpu.memory_space<vmem>> -> memref<1x65xf32, #tpu.memory_space<vmem>>
    %dma_start3A_456 = tpu.memref_squeeze %dma_start3A_455 : memref<1x65xf32, #tpu.memory_space<vmem>> -> memref<65xf32, #tpu.memory_space<vmem>>
    %dma_start3A_457 = arith.constant 2952 : i32
    %dma_start3A_458 = tpu.memref_slice %arg2[%dma_start3A_457] : memref<4680xf32, #tpu.memory_space<hbm>> -> memref<65xf32, #tpu.memory_space<hbm>>
    %dma_start3A_459 = arith.constant 0 : i32
    %dma_start3A_460 = tpu.memref_slice %arg11[%dma_start3A_453, %dma_start3A_459] : memref<65x65xf32, #tpu.memory_space<vmem>> -> memref<1x65xf32, #tpu.memory_space<vmem>>
    %dma_start3A_461 = tpu.memref_squeeze %dma_start3A_460 : memref<1x65xf32, #tpu.memory_space<vmem>> -> memref<65xf32, #tpu.memory_space<vmem>>
    %dma_start3A_462 = arith.constant 2952 : i32
    %dma_start3A_463 = tpu.memref_slice %arg2[%dma_start3A_462] : memref<4680xf32, #tpu.memory_space<hbm>> -> memref<65xf32, #tpu.memory_space<hbm>>
    tpu.enqueue_dma source(%dma_start3A_463 : memref<65xf32, #tpu.memory_space<hbm>>) target(%dma_start3A_461 : memref<65xf32, #tpu.memory_space<vmem>>) target_semaphore(%arg16 : memref<!tpu.dma_semaphore, #tpu.memory_space<semaphore_mem>>)
    %dma_start3A_464 = arith.constant 42 : i32
    %dma_start3A_465 = arith.constant 0 : i32
    %dma_start3A_466 = tpu.memref_slice %arg11[%dma_start3A_464, %dma_start3A_465] : memref<65x65xf32, #tpu.memory_space<vmem>> -> memref<1x65xf32, #tpu.memory_space<vmem>>
    %dma_start3A_467 = tpu.memref_squeeze %dma_start3A_466 : memref<1x65xf32, #tpu.memory_space<vmem>> -> memref<65xf32, #tpu.memory_space<vmem>>
    %dma_start3A_468 = arith.constant 3024 : i32
    %dma_start3A_469 = tpu.memref_slice %arg2[%dma_start3A_468] : memref<4680xf32, #tpu.memory_space<hbm>> -> memref<65xf32, #tpu.memory_space<hbm>>
    %dma_start3A_470 = arith.constant 0 : i32
    %dma_start3A_471 = tpu.memref_slice %arg11[%dma_start3A_464, %dma_start3A_470] : memref<65x65xf32, #tpu.memory_space<vmem>> -> memref<1x65xf32, #tpu.memory_space<vmem>>
    %dma_start3A_472 = tpu.memref_squeeze %dma_start3A_471 : memref<1x65xf32, #tpu.memory_space<vmem>> -> memref<65xf32, #tpu.memory_space<vmem>>
    %dma_start3A_473 = arith.constant 3024 : i32
    %dma_start3A_474 = tpu.memref_slice %arg2[%dma_start3A_473] : memref<4680xf32, #tpu.memory_space<hbm>> -> memref<65xf32, #tpu.memory_space<hbm>>
    tpu.enqueue_dma source(%dma_start3A_474 : memref<65xf32, #tpu.memory_space<hbm>>) target(%dma_start3A_472 : memref<65xf32, #tpu.memory_space<vmem>>) target_semaphore(%arg16 : memref<!tpu.dma_semaphore, #tpu.memory_space<semaphore_mem>>)
    %dma_start3A_475 = arith.constant 43 : i32
    %dma_start3A_476 = arith.constant 0 : i32
    %dma_start3A_477 = tpu.memref_slice %arg11[%dma_start3A_475, %dma_start3A_476] : memref<65x65xf32, #tpu.memory_space<vmem>> -> memref<1x65xf32, #tpu.memory_space<vmem>>
    %dma_start3A_478 = tpu.memref_squeeze %dma_start3A_477 : memref<1x65xf32, #tpu.memory_space<vmem>> -> memref<65xf32, #tpu.memory_space<vmem>>
    %dma_start3A_479 = arith.constant 3096 : i32
    %dma_start3A_480 = tpu.memref_slice %arg2[%dma_start3A_479] : memref<4680xf32, #tpu.memory_space<hbm>> -> memref<65xf32, #tpu.memory_space<hbm>>
    %dma_start3A_481 = arith.constant 0 : i32
    %dma_start3A_482 = tpu.memref_slice %arg11[%dma_start3A_475, %dma_start3A_481] : memref<65x65xf32, #tpu.memory_space<vmem>> -> memref<1x65xf32, #tpu.memory_space<vmem>>
    %dma_start3A_483 = tpu.memref_squeeze %dma_start3A_482 : memref<1x65xf32, #tpu.memory_space<vmem>> -> memref<65xf32, #tpu.memory_space<vmem>>
    %dma_start3A_484 = arith.constant 3096 : i32
    %dma_start3A_485 = tpu.memref_slice %arg2[%dma_start3A_484] : memref<4680xf32, #tpu.memory_space<hbm>> -> memref<65xf32, #tpu.memory_space<hbm>>
    tpu.enqueue_dma source(%dma_start3A_485 : memref<65xf32, #tpu.memory_space<hbm>>) target(%dma_start3A_483 : memref<65xf32, #tpu.memory_space<vmem>>) target_semaphore(%arg16 : memref<!tpu.dma_semaphore, #tpu.memory_space<semaphore_mem>>)
    %dma_start3A_486 = arith.constant 44 : i32
    %dma_start3A_487 = arith.constant 0 : i32
    %dma_start3A_488 = tpu.memref_slice %arg11[%dma_start3A_486, %dma_start3A_487] : memref<65x65xf32, #tpu.memory_space<vmem>> -> memref<1x65xf32, #tpu.memory_space<vmem>>
    %dma_start3A_489 = tpu.memref_squeeze %dma_start3A_488 : memref<1x65xf32, #tpu.memory_space<vmem>> -> memref<65xf32, #tpu.memory_space<vmem>>
    %dma_start3A_490 = arith.constant 3168 : i32
    %dma_start3A_491 = tpu.memref_slice %arg2[%dma_start3A_490] : memref<4680xf32, #tpu.memory_space<hbm>> -> memref<65xf32, #tpu.memory_space<hbm>>
    %dma_start3A_492 = arith.constant 0 : i32
    %dma_start3A_493 = tpu.memref_slice %arg11[%dma_start3A_486, %dma_start3A_492] : memref<65x65xf32, #tpu.memory_space<vmem>> -> memref<1x65xf32, #tpu.memory_space<vmem>>
    %dma_start3A_494 = tpu.memref_squeeze %dma_start3A_493 : memref<1x65xf32, #tpu.memory_space<vmem>> -> memref<65xf32, #tpu.memory_space<vmem>>
    %dma_start3A_495 = arith.constant 3168 : i32
    %dma_start3A_496 = tpu.memref_slice %arg2[%dma_start3A_495] : memref<4680xf32, #tpu.memory_space<hbm>> -> memref<65xf32, #tpu.memory_space<hbm>>
    tpu.enqueue_dma source(%dma_start3A_496 : memref<65xf32, #tpu.memory_space<hbm>>) target(%dma_start3A_494 : memref<65xf32, #tpu.memory_space<vmem>>) target_semaphore(%arg16 : memref<!tpu.dma_semaphore, #tpu.memory_space<semaphore_mem>>)
    %dma_start3A_497 = arith.constant 45 : i32
    %dma_start3A_498 = arith.constant 0 : i32
    %dma_start3A_499 = tpu.memref_slice %arg11[%dma_start3A_497, %dma_start3A_498] : memref<65x65xf32, #tpu.memory_space<vmem>> -> memref<1x65xf32, #tpu.memory_space<vmem>>
    %dma_start3A_500 = tpu.memref_squeeze %dma_start3A_499 : memref<1x65xf32, #tpu.memory_space<vmem>> -> memref<65xf32, #tpu.memory_space<vmem>>
    %dma_start3A_501 = arith.constant 3240 : i32
    %dma_start3A_502 = tpu.memref_slice %arg2[%dma_start3A_501] : memref<4680xf32, #tpu.memory_space<hbm>> -> memref<65xf32, #tpu.memory_space<hbm>>
    %dma_start3A_503 = arith.constant 0 : i32
    %dma_start3A_504 = tpu.memref_slice %arg11[%dma_start3A_497, %dma_start3A_503] : memref<65x65xf32, #tpu.memory_space<vmem>> -> memref<1x65xf32, #tpu.memory_space<vmem>>
    %dma_start3A_505 = tpu.memref_squeeze %dma_start3A_504 : memref<1x65xf32, #tpu.memory_space<vmem>> -> memref<65xf32, #tpu.memory_space<vmem>>
    %dma_start3A_506 = arith.constant 3240 : i32
    %dma_start3A_507 = tpu.memref_slice %arg2[%dma_start3A_506] : memref<4680xf32, #tpu.memory_space<hbm>> -> memref<65xf32, #tpu.memory_space<hbm>>
    tpu.enqueue_dma source(%dma_start3A_507 : memref<65xf32, #tpu.memory_space<hbm>>) target(%dma_start3A_505 : memref<65xf32, #tpu.memory_space<vmem>>) target_semaphore(%arg16 : memref<!tpu.dma_semaphore, #tpu.memory_space<semaphore_mem>>)
    %dma_start3A_508 = arith.constant 46 : i32
    %dma_start3A_509 = arith.constant 0 : i32
    %dma_start3A_510 = tpu.memref_slice %arg11[%dma_start3A_508, %dma_start3A_509] : memref<65x65xf32, #tpu.memory_space<vmem>> -> memref<1x65xf32, #tpu.memory_space<vmem>>
    %dma_start3A_511 = tpu.memref_squeeze %dma_start3A_510 : memref<1x65xf32, #tpu.memory_space<vmem>> -> memref<65xf32, #tpu.memory_space<vmem>>
    %dma_start3A_512 = arith.constant 3312 : i32
    %dma_start3A_513 = tpu.memref_slice %arg2[%dma_start3A_512] : memref<4680xf32, #tpu.memory_space<hbm>> -> memref<65xf32, #tpu.memory_space<hbm>>
    %dma_start3A_514 = arith.constant 0 : i32
    %dma_start3A_515 = tpu.memref_slice %arg11[%dma_start3A_508, %dma_start3A_514] : memref<65x65xf32, #tpu.memory_space<vmem>> -> memref<1x65xf32, #tpu.memory_space<vmem>>
    %dma_start3A_516 = tpu.memref_squeeze %dma_start3A_515 : memref<1x65xf32, #tpu.memory_space<vmem>> -> memref<65xf32, #tpu.memory_space<vmem>>
    %dma_start3A_517 = arith.constant 3312 : i32
    %dma_start3A_518 = tpu.memref_slice %arg2[%dma_start3A_517] : memref<4680xf32, #tpu.memory_space<hbm>> -> memref<65xf32, #tpu.memory_space<hbm>>
    tpu.enqueue_dma source(%dma_start3A_518 : memref<65xf32, #tpu.memory_space<hbm>>) target(%dma_start3A_516 : memref<65xf32, #tpu.memory_space<vmem>>) target_semaphore(%arg16 : memref<!tpu.dma_semaphore, #tpu.memory_space<semaphore_mem>>)
    %dma_start3A_519 = arith.constant 47 : i32
    %dma_start3A_520 = arith.constant 0 : i32
    %dma_start3A_521 = tpu.memref_slice %arg11[%dma_start3A_519, %dma_start3A_520] : memref<65x65xf32, #tpu.memory_space<vmem>> -> memref<1x65xf32, #tpu.memory_space<vmem>>
    %dma_start3A_522 = tpu.memref_squeeze %dma_start3A_521 : memref<1x65xf32, #tpu.memory_space<vmem>> -> memref<65xf32, #tpu.memory_space<vmem>>
    %dma_start3A_523 = arith.constant 3384 : i32
    %dma_start3A_524 = tpu.memref_slice %arg2[%dma_start3A_523] : memref<4680xf32, #tpu.memory_space<hbm>> -> memref<65xf32, #tpu.memory_space<hbm>>
    %dma_start3A_525 = arith.constant 0 : i32
    %dma_start3A_526 = tpu.memref_slice %arg11[%dma_start3A_519, %dma_start3A_525] : memref<65x65xf32, #tpu.memory_space<vmem>> -> memref<1x65xf32, #tpu.memory_space<vmem>>
    %dma_start3A_527 = tpu.memref_squeeze %dma_start3A_526 : memref<1x65xf32, #tpu.memory_space<vmem>> -> memref<65xf32, #tpu.memory_space<vmem>>
    %dma_start3A_528 = arith.constant 3384 : i32
    %dma_start3A_529 = tpu.memref_slice %arg2[%dma_start3A_528] : memref<4680xf32, #tpu.memory_space<hbm>> -> memref<65xf32, #tpu.memory_space<hbm>>
    tpu.enqueue_dma source(%dma_start3A_529 : memref<65xf32, #tpu.memory_space<hbm>>) target(%dma_start3A_527 : memref<65xf32, #tpu.memory_space<vmem>>) target_semaphore(%arg16 : memref<!tpu.dma_semaphore, #tpu.memory_space<semaphore_mem>>)
    %dma_start3A_530 = arith.constant 48 : i32
    %dma_start3A_531 = arith.constant 0 : i32
    %dma_start3A_532 = tpu.memref_slice %arg11[%dma_start3A_530, %dma_start3A_531] : memref<65x65xf32, #tpu.memory_space<vmem>> -> memref<1x65xf32, #tpu.memory_space<vmem>>
    %dma_start3A_533 = tpu.memref_squeeze %dma_start3A_532 : memref<1x65xf32, #tpu.memory_space<vmem>> -> memref<65xf32, #tpu.memory_space<vmem>>
    %dma_start3A_534 = arith.constant 3456 : i32
    %dma_start3A_535 = tpu.memref_slice %arg2[%dma_start3A_534] : memref<4680xf32, #tpu.memory_space<hbm>> -> memref<65xf32, #tpu.memory_space<hbm>>
    %dma_start3A_536 = arith.constant 0 : i32
    %dma_start3A_537 = tpu.memref_slice %arg11[%dma_start3A_530, %dma_start3A_536] : memref<65x65xf32, #tpu.memory_space<vmem>> -> memref<1x65xf32, #tpu.memory_space<vmem>>
    %dma_start3A_538 = tpu.memref_squeeze %dma_start3A_537 : memref<1x65xf32, #tpu.memory_space<vmem>> -> memref<65xf32, #tpu.memory_space<vmem>>
    %dma_start3A_539 = arith.constant 3456 : i32
    %dma_start3A_540 = tpu.memref_slice %arg2[%dma_start3A_539] : memref<4680xf32, #tpu.memory_space<hbm>> -> memref<65xf32, #tpu.memory_space<hbm>>
    tpu.enqueue_dma source(%dma_start3A_540 : memref<65xf32, #tpu.memory_space<hbm>>) target(%dma_start3A_538 : memref<65xf32, #tpu.memory_space<vmem>>) target_semaphore(%arg16 : memref<!tpu.dma_semaphore, #tpu.memory_space<semaphore_mem>>)
    %dma_start3A_541 = arith.constant 49 : i32
    %dma_start3A_542 = arith.constant 0 : i32
    %dma_start3A_543 = tpu.memref_slice %arg11[%dma_start3A_541, %dma_start3A_542] : memref<65x65xf32, #tpu.memory_space<vmem>> -> memref<1x65xf32, #tpu.memory_space<vmem>>
    %dma_start3A_544 = tpu.memref_squeeze %dma_start3A_543 : memref<1x65xf32, #tpu.memory_space<vmem>> -> memref<65xf32, #tpu.memory_space<vmem>>
    %dma_start3A_545 = arith.constant 3528 : i32
    %dma_start3A_546 = tpu.memref_slice %arg2[%dma_start3A_545] : memref<4680xf32, #tpu.memory_space<hbm>> -> memref<65xf32, #tpu.memory_space<hbm>>
    %dma_start3A_547 = arith.constant 0 : i32
    %dma_start3A_548 = tpu.memref_slice %arg11[%dma_start3A_541, %dma_start3A_547] : memref<65x65xf32, #tpu.memory_space<vmem>> -> memref<1x65xf32, #tpu.memory_space<vmem>>
    %dma_start3A_549 = tpu.memref_squeeze %dma_start3A_548 : memref<1x65xf32, #tpu.memory_space<vmem>> -> memref<65xf32, #tpu.memory_space<vmem>>
    %dma_start3A_550 = arith.constant 3528 : i32
    %dma_start3A_551 = tpu.memref_slice %arg2[%dma_start3A_550] : memref<4680xf32, #tpu.memory_space<hbm>> -> memref<65xf32, #tpu.memory_space<hbm>>
    tpu.enqueue_dma source(%dma_start3A_551 : memref<65xf32, #tpu.memory_space<hbm>>) target(%dma_start3A_549 : memref<65xf32, #tpu.memory_space<vmem>>) target_semaphore(%arg16 : memref<!tpu.dma_semaphore, #tpu.memory_space<semaphore_mem>>)
    %dma_start3A_552 = arith.constant 50 : i32
    %dma_start3A_553 = arith.constant 0 : i32
    %dma_start3A_554 = tpu.memref_slice %arg11[%dma_start3A_552, %dma_start3A_553] : memref<65x65xf32, #tpu.memory_space<vmem>> -> memref<1x65xf32, #tpu.memory_space<vmem>>
    %dma_start3A_555 = tpu.memref_squeeze %dma_start3A_554 : memref<1x65xf32, #tpu.memory_space<vmem>> -> memref<65xf32, #tpu.memory_space<vmem>>
    %dma_start3A_556 = arith.constant 3600 : i32
    %dma_start3A_557 = tpu.memref_slice %arg2[%dma_start3A_556] : memref<4680xf32, #tpu.memory_space<hbm>> -> memref<65xf32, #tpu.memory_space<hbm>>
    %dma_start3A_558 = arith.constant 0 : i32
    %dma_start3A_559 = tpu.memref_slice %arg11[%dma_start3A_552, %dma_start3A_558] : memref<65x65xf32, #tpu.memory_space<vmem>> -> memref<1x65xf32, #tpu.memory_space<vmem>>
    %dma_start3A_560 = tpu.memref_squeeze %dma_start3A_559 : memref<1x65xf32, #tpu.memory_space<vmem>> -> memref<65xf32, #tpu.memory_space<vmem>>
    %dma_start3A_561 = arith.constant 3600 : i32
    %dma_start3A_562 = tpu.memref_slice %arg2[%dma_start3A_561] : memref<4680xf32, #tpu.memory_space<hbm>> -> memref<65xf32, #tpu.memory_space<hbm>>
    tpu.enqueue_dma source(%dma_start3A_562 : memref<65xf32, #tpu.memory_space<hbm>>) target(%dma_start3A_560 : memref<65xf32, #tpu.memory_space<vmem>>) target_semaphore(%arg16 : memref<!tpu.dma_semaphore, #tpu.memory_space<semaphore_mem>>)
    %dma_start3A_563 = arith.constant 51 : i32
    %dma_start3A_564 = arith.constant 0 : i32
    %dma_start3A_565 = tpu.memref_slice %arg11[%dma_start3A_563, %dma_start3A_564] : memref<65x65xf32, #tpu.memory_space<vmem>> -> memref<1x65xf32, #tpu.memory_space<vmem>>
    %dma_start3A_566 = tpu.memref_squeeze %dma_start3A_565 : memref<1x65xf32, #tpu.memory_space<vmem>> -> memref<65xf32, #tpu.memory_space<vmem>>
    %dma_start3A_567 = arith.constant 3672 : i32
    %dma_start3A_568 = tpu.memref_slice %arg2[%dma_start3A_567] : memref<4680xf32, #tpu.memory_space<hbm>> -> memref<65xf32, #tpu.memory_space<hbm>>
    %dma_start3A_569 = arith.constant 0 : i32
    %dma_start3A_570 = tpu.memref_slice %arg11[%dma_start3A_563, %dma_start3A_569] : memref<65x65xf32, #tpu.memory_space<vmem>> -> memref<1x65xf32, #tpu.memory_space<vmem>>
    %dma_start3A_571 = tpu.memref_squeeze %dma_start3A_570 : memref<1x65xf32, #tpu.memory_space<vmem>> -> memref<65xf32, #tpu.memory_space<vmem>>
    %dma_start3A_572 = arith.constant 3672 : i32
    %dma_start3A_573 = tpu.memref_slice %arg2[%dma_start3A_572] : memref<4680xf32, #tpu.memory_space<hbm>> -> memref<65xf32, #tpu.memory_space<hbm>>
    tpu.enqueue_dma source(%dma_start3A_573 : memref<65xf32, #tpu.memory_space<hbm>>) target(%dma_start3A_571 : memref<65xf32, #tpu.memory_space<vmem>>) target_semaphore(%arg16 : memref<!tpu.dma_semaphore, #tpu.memory_space<semaphore_mem>>)
    %dma_start3A_574 = arith.constant 52 : i32
    %dma_start3A_575 = arith.constant 0 : i32
    %dma_start3A_576 = tpu.memref_slice %arg11[%dma_start3A_574, %dma_start3A_575] : memref<65x65xf32, #tpu.memory_space<vmem>> -> memref<1x65xf32, #tpu.memory_space<vmem>>
    %dma_start3A_577 = tpu.memref_squeeze %dma_start3A_576 : memref<1x65xf32, #tpu.memory_space<vmem>> -> memref<65xf32, #tpu.memory_space<vmem>>
    %dma_start3A_578 = arith.constant 3744 : i32
    %dma_start3A_579 = tpu.memref_slice %arg2[%dma_start3A_578] : memref<4680xf32, #tpu.memory_space<hbm>> -> memref<65xf32, #tpu.memory_space<hbm>>
    %dma_start3A_580 = arith.constant 0 : i32
    %dma_start3A_581 = tpu.memref_slice %arg11[%dma_start3A_574, %dma_start3A_580] : memref<65x65xf32, #tpu.memory_space<vmem>> -> memref<1x65xf32, #tpu.memory_space<vmem>>
    %dma_start3A_582 = tpu.memref_squeeze %dma_start3A_581 : memref<1x65xf32, #tpu.memory_space<vmem>> -> memref<65xf32, #tpu.memory_space<vmem>>
    %dma_start3A_583 = arith.constant 3744 : i32
    %dma_start3A_584 = tpu.memref_slice %arg2[%dma_start3A_583] : memref<4680xf32, #tpu.memory_space<hbm>> -> memref<65xf32, #tpu.memory_space<hbm>>
    tpu.enqueue_dma source(%dma_start3A_584 : memref<65xf32, #tpu.memory_space<hbm>>) target(%dma_start3A_582 : memref<65xf32, #tpu.memory_space<vmem>>) target_semaphore(%arg16 : memref<!tpu.dma_semaphore, #tpu.memory_space<semaphore_mem>>)
    %dma_start3A_585 = arith.constant 53 : i32
    %dma_start3A_586 = arith.constant 0 : i32
    %dma_start3A_587 = tpu.memref_slice %arg11[%dma_start3A_585, %dma_start3A_586] : memref<65x65xf32, #tpu.memory_space<vmem>> -> memref<1x65xf32, #tpu.memory_space<vmem>>
    %dma_start3A_588 = tpu.memref_squeeze %dma_start3A_587 : memref<1x65xf32, #tpu.memory_space<vmem>> -> memref<65xf32, #tpu.memory_space<vmem>>
    %dma_start3A_589 = arith.constant 3816 : i32
    %dma_start3A_590 = tpu.memref_slice %arg2[%dma_start3A_589] : memref<4680xf32, #tpu.memory_space<hbm>> -> memref<65xf32, #tpu.memory_space<hbm>>
    %dma_start3A_591 = arith.constant 0 : i32
    %dma_start3A_592 = tpu.memref_slice %arg11[%dma_start3A_585, %dma_start3A_591] : memref<65x65xf32, #tpu.memory_space<vmem>> -> memref<1x65xf32, #tpu.memory_space<vmem>>
    %dma_start3A_593 = tpu.memref_squeeze %dma_start3A_592 : memref<1x65xf32, #tpu.memory_space<vmem>> -> memref<65xf32, #tpu.memory_space<vmem>>
    %dma_start3A_594 = arith.constant 3816 : i32
    %dma_start3A_595 = tpu.memref_slice %arg2[%dma_start3A_594] : memref<4680xf32, #tpu.memory_space<hbm>> -> memref<65xf32, #tpu.memory_space<hbm>>
    tpu.enqueue_dma source(%dma_start3A_595 : memref<65xf32, #tpu.memory_space<hbm>>) target(%dma_start3A_593 : memref<65xf32, #tpu.memory_space<vmem>>) target_semaphore(%arg16 : memref<!tpu.dma_semaphore, #tpu.memory_space<semaphore_mem>>)
    %dma_start3A_596 = arith.constant 54 : i32
    %dma_start3A_597 = arith.constant 0 : i32
    %dma_start3A_598 = tpu.memref_slice %arg11[%dma_start3A_596, %dma_start3A_597] : memref<65x65xf32, #tpu.memory_space<vmem>> -> memref<1x65xf32, #tpu.memory_space<vmem>>
    %dma_start3A_599 = tpu.memref_squeeze %dma_start3A_598 : memref<1x65xf32, #tpu.memory_space<vmem>> -> memref<65xf32, #tpu.memory_space<vmem>>
    %dma_start3A_600 = arith.constant 3888 : i32
    %dma_start3A_601 = tpu.memref_slice %arg2[%dma_start3A_600] : memref<4680xf32, #tpu.memory_space<hbm>> -> memref<65xf32, #tpu.memory_space<hbm>>
    %dma_start3A_602 = arith.constant 0 : i32
    %dma_start3A_603 = tpu.memref_slice %arg11[%dma_start3A_596, %dma_start3A_602] : memref<65x65xf32, #tpu.memory_space<vmem>> -> memref<1x65xf32, #tpu.memory_space<vmem>>
    %dma_start3A_604 = tpu.memref_squeeze %dma_start3A_603 : memref<1x65xf32, #tpu.memory_space<vmem>> -> memref<65xf32, #tpu.memory_space<vmem>>
    %dma_start3A_605 = arith.constant 3888 : i32
    %dma_start3A_606 = tpu.memref_slice %arg2[%dma_start3A_605] : memref<4680xf32, #tpu.memory_space<hbm>> -> memref<65xf32, #tpu.memory_space<hbm>>
    tpu.enqueue_dma source(%dma_start3A_606 : memref<65xf32, #tpu.memory_space<hbm>>) target(%dma_start3A_604 : memref<65xf32, #tpu.memory_space<vmem>>) target_semaphore(%arg16 : memref<!tpu.dma_semaphore, #tpu.memory_space<semaphore_mem>>)
    %dma_start3A_607 = arith.constant 55 : i32
    %dma_start3A_608 = arith.constant 0 : i32
    %dma_start3A_609 = tpu.memref_slice %arg11[%dma_start3A_607, %dma_start3A_608] : memref<65x65xf32, #tpu.memory_space<vmem>> -> memref<1x65xf32, #tpu.memory_space<vmem>>
    %dma_start3A_610 = tpu.memref_squeeze %dma_start3A_609 : memref<1x65xf32, #tpu.memory_space<vmem>> -> memref<65xf32, #tpu.memory_space<vmem>>
    %dma_start3A_611 = arith.constant 3960 : i32
    %dma_start3A_612 = tpu.memref_slice %arg2[%dma_start3A_611] : memref<4680xf32, #tpu.memory_space<hbm>> -> memref<65xf32, #tpu.memory_space<hbm>>
    %dma_start3A_613 = arith.constant 0 : i32
    %dma_start3A_614 = tpu.memref_slice %arg11[%dma_start3A_607, %dma_start3A_613] : memref<65x65xf32, #tpu.memory_space<vmem>> -> memref<1x65xf32, #tpu.memory_space<vmem>>
    %dma_start3A_615 = tpu.memref_squeeze %dma_start3A_614 : memref<1x65xf32, #tpu.memory_space<vmem>> -> memref<65xf32, #tpu.memory_space<vmem>>
    %dma_start3A_616 = arith.constant 3960 : i32
    %dma_start3A_617 = tpu.memref_slice %arg2[%dma_start3A_616] : memref<4680xf32, #tpu.memory_space<hbm>> -> memref<65xf32, #tpu.memory_space<hbm>>
    tpu.enqueue_dma source(%dma_start3A_617 : memref<65xf32, #tpu.memory_space<hbm>>) target(%dma_start3A_615 : memref<65xf32, #tpu.memory_space<vmem>>) target_semaphore(%arg16 : memref<!tpu.dma_semaphore, #tpu.memory_space<semaphore_mem>>)
    %dma_start3A_618 = arith.constant 56 : i32
    %dma_start3A_619 = arith.constant 0 : i32
    %dma_start3A_620 = tpu.memref_slice %arg11[%dma_start3A_618, %dma_start3A_619] : memref<65x65xf32, #tpu.memory_space<vmem>> -> memref<1x65xf32, #tpu.memory_space<vmem>>
    %dma_start3A_621 = tpu.memref_squeeze %dma_start3A_620 : memref<1x65xf32, #tpu.memory_space<vmem>> -> memref<65xf32, #tpu.memory_space<vmem>>
    %dma_start3A_622 = arith.constant 4032 : i32
    %dma_start3A_623 = tpu.memref_slice %arg2[%dma_start3A_622] : memref<4680xf32, #tpu.memory_space<hbm>> -> memref<65xf32, #tpu.memory_space<hbm>>
    %dma_start3A_624 = arith.constant 0 : i32
    %dma_start3A_625 = tpu.memref_slice %arg11[%dma_start3A_618, %dma_start3A_624] : memref<65x65xf32, #tpu.memory_space<vmem>> -> memref<1x65xf32, #tpu.memory_space<vmem>>
    %dma_start3A_626 = tpu.memref_squeeze %dma_start3A_625 : memref<1x65xf32, #tpu.memory_space<vmem>> -> memref<65xf32, #tpu.memory_space<vmem>>
    %dma_start3A_627 = arith.constant 4032 : i32
    %dma_start3A_628 = tpu.memref_slice %arg2[%dma_start3A_627] : memref<4680xf32, #tpu.memory_space<hbm>> -> memref<65xf32, #tpu.memory_space<hbm>>
    tpu.enqueue_dma source(%dma_start3A_628 : memref<65xf32, #tpu.memory_space<hbm>>) target(%dma_start3A_626 : memref<65xf32, #tpu.memory_space<vmem>>) target_semaphore(%arg16 : memref<!tpu.dma_semaphore, #tpu.memory_space<semaphore_mem>>)
    %dma_start3A_629 = arith.constant 57 : i32
    %dma_start3A_630 = arith.constant 0 : i32
    %dma_start3A_631 = tpu.memref_slice %arg11[%dma_start3A_629, %dma_start3A_630] : memref<65x65xf32, #tpu.memory_space<vmem>> -> memref<1x65xf32, #tpu.memory_space<vmem>>
    %dma_start3A_632 = tpu.memref_squeeze %dma_start3A_631 : memref<1x65xf32, #tpu.memory_space<vmem>> -> memref<65xf32, #tpu.memory_space<vmem>>
    %dma_start3A_633 = arith.constant 4104 : i32
    %dma_start3A_634 = tpu.memref_slice %arg2[%dma_start3A_633] : memref<4680xf32, #tpu.memory_space<hbm>> -> memref<65xf32, #tpu.memory_space<hbm>>
    %dma_start3A_635 = arith.constant 0 : i32
    %dma_start3A_636 = tpu.memref_slice %arg11[%dma_start3A_629, %dma_start3A_635] : memref<65x65xf32, #tpu.memory_space<vmem>> -> memref<1x65xf32, #tpu.memory_space<vmem>>
    %dma_start3A_637 = tpu.memref_squeeze %dma_start3A_636 : memref<1x65xf32, #tpu.memory_space<vmem>> -> memref<65xf32, #tpu.memory_space<vmem>>
    %dma_start3A_638 = arith.constant 4104 : i32
    %dma_start3A_639 = tpu.memref_slice %arg2[%dma_start3A_638] : memref<4680xf32, #tpu.memory_space<hbm>> -> memref<65xf32, #tpu.memory_space<hbm>>
    tpu.enqueue_dma source(%dma_start3A_639 : memref<65xf32, #tpu.memory_space<hbm>>) target(%dma_start3A_637 : memref<65xf32, #tpu.memory_space<vmem>>) target_semaphore(%arg16 : memref<!tpu.dma_semaphore, #tpu.memory_space<semaphore_mem>>)
    %dma_start3A_640 = arith.constant 58 : i32
    %dma_start3A_641 = arith.constant 0 : i32
    %dma_start3A_642 = tpu.memref_slice %arg11[%dma_start3A_640, %dma_start3A_641] : memref<65x65xf32, #tpu.memory_space<vmem>> -> memref<1x65xf32, #tpu.memory_space<vmem>>
    %dma_start3A_643 = tpu.memref_squeeze %dma_start3A_642 : memref<1x65xf32, #tpu.memory_space<vmem>> -> memref<65xf32, #tpu.memory_space<vmem>>
    %dma_start3A_644 = arith.constant 4176 : i32
    %dma_start3A_645 = tpu.memref_slice %arg2[%dma_start3A_644] : memref<4680xf32, #tpu.memory_space<hbm>> -> memref<65xf32, #tpu.memory_space<hbm>>
    %dma_start3A_646 = arith.constant 0 : i32
    %dma_start3A_647 = tpu.memref_slice %arg11[%dma_start3A_640, %dma_start3A_646] : memref<65x65xf32, #tpu.memory_space<vmem>> -> memref<1x65xf32, #tpu.memory_space<vmem>>
    %dma_start3A_648 = tpu.memref_squeeze %dma_start3A_647 : memref<1x65xf32, #tpu.memory_space<vmem>> -> memref<65xf32, #tpu.memory_space<vmem>>
    %dma_start3A_649 = arith.constant 4176 : i32
    %dma_start3A_650 = tpu.memref_slice %arg2[%dma_start3A_649] : memref<4680xf32, #tpu.memory_space<hbm>> -> memref<65xf32, #tpu.memory_space<hbm>>
    tpu.enqueue_dma source(%dma_start3A_650 : memref<65xf32, #tpu.memory_space<hbm>>) target(%dma_start3A_648 : memref<65xf32, #tpu.memory_space<vmem>>) target_semaphore(%arg16 : memref<!tpu.dma_semaphore, #tpu.memory_space<semaphore_mem>>)
    %dma_start3A_651 = arith.constant 59 : i32
    %dma_start3A_652 = arith.constant 0 : i32
    %dma_start3A_653 = tpu.memref_slice %arg11[%dma_start3A_651, %dma_start3A_652] : memref<65x65xf32, #tpu.memory_space<vmem>> -> memref<1x65xf32, #tpu.memory_space<vmem>>
    %dma_start3A_654 = tpu.memref_squeeze %dma_start3A_653 : memref<1x65xf32, #tpu.memory_space<vmem>> -> memref<65xf32, #tpu.memory_space<vmem>>
    %dma_start3A_655 = arith.constant 4248 : i32
    %dma_start3A_656 = tpu.memref_slice %arg2[%dma_start3A_655] : memref<4680xf32, #tpu.memory_space<hbm>> -> memref<65xf32, #tpu.memory_space<hbm>>
    %dma_start3A_657 = arith.constant 0 : i32
    %dma_start3A_658 = tpu.memref_slice %arg11[%dma_start3A_651, %dma_start3A_657] : memref<65x65xf32, #tpu.memory_space<vmem>> -> memref<1x65xf32, #tpu.memory_space<vmem>>
    %dma_start3A_659 = tpu.memref_squeeze %dma_start3A_658 : memref<1x65xf32, #tpu.memory_space<vmem>> -> memref<65xf32, #tpu.memory_space<vmem>>
    %dma_start3A_660 = arith.constant 4248 : i32
    %dma_start3A_661 = tpu.memref_slice %arg2[%dma_start3A_660] : memref<4680xf32, #tpu.memory_space<hbm>> -> memref<65xf32, #tpu.memory_space<hbm>>
    tpu.enqueue_dma source(%dma_start3A_661 : memref<65xf32, #tpu.memory_space<hbm>>) target(%dma_start3A_659 : memref<65xf32, #tpu.memory_space<vmem>>) target_semaphore(%arg16 : memref<!tpu.dma_semaphore, #tpu.memory_space<semaphore_mem>>)
    %dma_start3A_662 = arith.constant 60 : i32
    %dma_start3A_663 = arith.constant 0 : i32
    %dma_start3A_664 = tpu.memref_slice %arg11[%dma_start3A_662, %dma_start3A_663] : memref<65x65xf32, #tpu.memory_space<vmem>> -> memref<1x65xf32, #tpu.memory_space<vmem>>
    %dma_start3A_665 = tpu.memref_squeeze %dma_start3A_664 : memref<1x65xf32, #tpu.memory_space<vmem>> -> memref<65xf32, #tpu.memory_space<vmem>>
    %dma_start3A_666 = arith.constant 4320 : i32
    %dma_start3A_667 = tpu.memref_slice %arg2[%dma_start3A_666] : memref<4680xf32, #tpu.memory_space<hbm>> -> memref<65xf32, #tpu.memory_space<hbm>>
    %dma_start3A_668 = arith.constant 0 : i32
    %dma_start3A_669 = tpu.memref_slice %arg11[%dma_start3A_662, %dma_start3A_668] : memref<65x65xf32, #tpu.memory_space<vmem>> -> memref<1x65xf32, #tpu.memory_space<vmem>>
    %dma_start3A_670 = tpu.memref_squeeze %dma_start3A_669 : memref<1x65xf32, #tpu.memory_space<vmem>> -> memref<65xf32, #tpu.memory_space<vmem>>
    %dma_start3A_671 = arith.constant 4320 : i32
    %dma_start3A_672 = tpu.memref_slice %arg2[%dma_start3A_671] : memref<4680xf32, #tpu.memory_space<hbm>> -> memref<65xf32, #tpu.memory_space<hbm>>
    tpu.enqueue_dma source(%dma_start3A_672 : memref<65xf32, #tpu.memory_space<hbm>>) target(%dma_start3A_670 : memref<65xf32, #tpu.memory_space<vmem>>) target_semaphore(%arg16 : memref<!tpu.dma_semaphore, #tpu.memory_space<semaphore_mem>>)
    %dma_start3A_673 = arith.constant 61 : i32
    %dma_start3A_674 = arith.constant 0 : i32
    %dma_start3A_675 = tpu.memref_slice %arg11[%dma_start3A_673, %dma_start3A_674] : memref<65x65xf32, #tpu.memory_space<vmem>> -> memref<1x65xf32, #tpu.memory_space<vmem>>
    %dma_start3A_676 = tpu.memref_squeeze %dma_start3A_675 : memref<1x65xf32, #tpu.memory_space<vmem>> -> memref<65xf32, #tpu.memory_space<vmem>>
    %dma_start3A_677 = arith.constant 4392 : i32
    %dma_start3A_678 = tpu.memref_slice %arg2[%dma_start3A_677] : memref<4680xf32, #tpu.memory_space<hbm>> -> memref<65xf32, #tpu.memory_space<hbm>>
    %dma_start3A_679 = arith.constant 0 : i32
    %dma_start3A_680 = tpu.memref_slice %arg11[%dma_start3A_673, %dma_start3A_679] : memref<65x65xf32, #tpu.memory_space<vmem>> -> memref<1x65xf32, #tpu.memory_space<vmem>>
    %dma_start3A_681 = tpu.memref_squeeze %dma_start3A_680 : memref<1x65xf32, #tpu.memory_space<vmem>> -> memref<65xf32, #tpu.memory_space<vmem>>
    %dma_start3A_682 = arith.constant 4392 : i32
    %dma_start3A_683 = tpu.memref_slice %arg2[%dma_start3A_682] : memref<4680xf32, #tpu.memory_space<hbm>> -> memref<65xf32, #tpu.memory_space<hbm>>
    tpu.enqueue_dma source(%dma_start3A_683 : memref<65xf32, #tpu.memory_space<hbm>>) target(%dma_start3A_681 : memref<65xf32, #tpu.memory_space<vmem>>) target_semaphore(%arg16 : memref<!tpu.dma_semaphore, #tpu.memory_space<semaphore_mem>>)
    %dma_start3A_684 = arith.constant 62 : i32
    %dma_start3A_685 = arith.constant 0 : i32
    %dma_start3A_686 = tpu.memref_slice %arg11[%dma_start3A_684, %dma_start3A_685] : memref<65x65xf32, #tpu.memory_space<vmem>> -> memref<1x65xf32, #tpu.memory_space<vmem>>
    %dma_start3A_687 = tpu.memref_squeeze %dma_start3A_686 : memref<1x65xf32, #tpu.memory_space<vmem>> -> memref<65xf32, #tpu.memory_space<vmem>>
    %dma_start3A_688 = arith.constant 4464 : i32
    %dma_start3A_689 = tpu.memref_slice %arg2[%dma_start3A_688] : memref<4680xf32, #tpu.memory_space<hbm>> -> memref<65xf32, #tpu.memory_space<hbm>>
    %dma_start3A_690 = arith.constant 0 : i32
    %dma_start3A_691 = tpu.memref_slice %arg11[%dma_start3A_684, %dma_start3A_690] : memref<65x65xf32, #tpu.memory_space<vmem>> -> memref<1x65xf32, #tpu.memory_space<vmem>>
    %dma_start3A_692 = tpu.memref_squeeze %dma_start3A_691 : memref<1x65xf32, #tpu.memory_space<vmem>> -> memref<65xf32, #tpu.memory_space<vmem>>
    %dma_start3A_693 = arith.constant 4464 : i32
    %dma_start3A_694 = tpu.memref_slice %arg2[%dma_start3A_693] : memref<4680xf32, #tpu.memory_space<hbm>> -> memref<65xf32, #tpu.memory_space<hbm>>
    tpu.enqueue_dma source(%dma_start3A_694 : memref<65xf32, #tpu.memory_space<hbm>>) target(%dma_start3A_692 : memref<65xf32, #tpu.memory_space<vmem>>) target_semaphore(%arg16 : memref<!tpu.dma_semaphore, #tpu.memory_space<semaphore_mem>>)
    %dma_start3A_695 = arith.constant 63 : i32
    %dma_start3A_696 = arith.constant 0 : i32
    %dma_start3A_697 = tpu.memref_slice %arg11[%dma_start3A_695, %dma_start3A_696] : memref<65x65xf32, #tpu.memory_space<vmem>> -> memref<1x65xf32, #tpu.memory_space<vmem>>
    %dma_start3A_698 = tpu.memref_squeeze %dma_start3A_697 : memref<1x65xf32, #tpu.memory_space<vmem>> -> memref<65xf32, #tpu.memory_space<vmem>>
    %dma_start3A_699 = arith.constant 4536 : i32
    %dma_start3A_700 = tpu.memref_slice %arg2[%dma_start3A_699] : memref<4680xf32, #tpu.memory_space<hbm>> -> memref<65xf32, #tpu.memory_space<hbm>>
    %dma_start3A_701 = arith.constant 0 : i32
    %dma_start3A_702 = tpu.memref_slice %arg11[%dma_start3A_695, %dma_start3A_701] : memref<65x65xf32, #tpu.memory_space<vmem>> -> memref<1x65xf32, #tpu.memory_space<vmem>>
    %dma_start3A_703 = tpu.memref_squeeze %dma_start3A_702 : memref<1x65xf32, #tpu.memory_space<vmem>> -> memref<65xf32, #tpu.memory_space<vmem>>
    %dma_start3A_704 = arith.constant 4536 : i32
    %dma_start3A_705 = tpu.memref_slice %arg2[%dma_start3A_704] : memref<4680xf32, #tpu.memory_space<hbm>> -> memref<65xf32, #tpu.memory_space<hbm>>
    tpu.enqueue_dma source(%dma_start3A_705 : memref<65xf32, #tpu.memory_space<hbm>>) target(%dma_start3A_703 : memref<65xf32, #tpu.memory_space<vmem>>) target_semaphore(%arg16 : memref<!tpu.dma_semaphore, #tpu.memory_space<semaphore_mem>>)
    %dma_start3A_706 = arith.constant 64 : i32
    %dma_start3A_707 = arith.constant 0 : i32
    %dma_start3A_708 = tpu.memref_slice %arg11[%dma_start3A_706, %dma_start3A_707] : memref<65x65xf32, #tpu.memory_space<vmem>> -> memref<1x65xf32, #tpu.memory_space<vmem>>
    %dma_start3A_709 = tpu.memref_squeeze %dma_start3A_708 : memref<1x65xf32, #tpu.memory_space<vmem>> -> memref<65xf32, #tpu.memory_space<vmem>>
    %dma_start3A_710 = arith.constant 4608 : i32
    %dma_start3A_711 = tpu.memref_slice %arg2[%dma_start3A_710] : memref<4680xf32, #tpu.memory_space<hbm>> -> memref<65xf32, #tpu.memory_space<hbm>>
    %dma_start3A_712 = arith.constant 0 : i32
    %dma_start3A_713 = tpu.memref_slice %arg11[%dma_start3A_706, %dma_start3A_712] : memref<65x65xf32, #tpu.memory_space<vmem>> -> memref<1x65xf32, #tpu.memory_space<vmem>>
    %dma_start3A_714 = tpu.memref_squeeze %dma_start3A_713 : memref<1x65xf32, #tpu.memory_space<vmem>> -> memref<65xf32, #tpu.memory_space<vmem>>
    %dma_start3A_715 = arith.constant 4608 : i32
    %dma_start3A_716 = tpu.memref_slice %arg2[%dma_start3A_715] : memref<4680xf32, #tpu.memory_space<hbm>> -> memref<65xf32, #tpu.memory_space<hbm>>
    tpu.enqueue_dma source(%dma_start3A_716 : memref<65xf32, #tpu.memory_space<hbm>>) target(%dma_start3A_714 : memref<65xf32, #tpu.memory_space<vmem>>) target_semaphore(%arg16 : memref<!tpu.dma_semaphore, #tpu.memory_space<semaphore_mem>>)
    %broadcast_in_dim3A = arith.constant 0.000000e+00 : f32
    %broadcast_in_dim3A_717 = vector.broadcast %broadcast_in_dim3A : f32 to vector<16xf32>
    %scan3A = arith.constant 0 : i32
    %scan3A_718 = arith.constant 256 : i32
    %scan3A_719 = arith.addi %scan3A, %scan3A_718 : i32
    %scan3A_720 = arith.constant 1 : i32
    %scan3A_721 = scf.for %scan3A_1760 = %scan3A to %scan3A_719 step %scan3A_720 iter_args(%scan3A_1761 = %broadcast_in_dim3A_717) -> (vector<16xf32>)  : i32 {
      %mul3A_1762 = arith.constant 16 : i32
      %mul3A_1763 = arith.muli %scan3A_1760, %mul3A_1762 : i32
      %get3A = arith.index_cast %mul3A_1763 : i32 to index
      %get3A_1764 = tpu.vector_load %arg8[%get3A] {strides = array<i32>} : memref<4096xi32, #tpu.memory_space<vmem>>, vector<16xi32>,
      %mul3A_1765 = arith.constant 16 : i32
      %mul3A_1766 = arith.muli %scan3A_1760, %mul3A_1765 : i32
      %get3A_1767 = arith.index_cast %mul3A_1766 : i32 to index
      %get3A_1768 = tpu.vector_load %arg9[%get3A_1767] {strides = array<i32>} : memref<4096xi32, #tpu.memory_space<vmem>>, vector<16xi32>,
      %mul3A_1769 = arith.constant 65 : i32
      %mul3A_1770 = vector.broadcast %mul3A_1769 : i32 to vector<16xi32>
      %mul3A_1771 = arith.muli %get3A_1764, %mul3A_1770 : vector<16xi32>
      %add3A_1772 = arith.addi %mul3A_1771, %get3A_1768 : vector<16xi32>
      %gather3A = tpu.vector_load_idx %arg10[%add3A_1772] : memref<4225xf32, #tpu.memory_space<vmem>>[vector<16xi32>], vector<16xf32>,
      %add3A_1773 = arith.addf %scan3A_1761, %gather3A : vector<16xf32>
      scf.yield %add3A_1773 : vector<16xf32>
    }
    %scan3A_722 = arith.constant 256 : i32
    %swap3A = arith.constant 0 : index
    %swap3A_723 = tpu.vector_load %arg15[%swap3A] {strides = array<i32>} : memref<16xf32, #tpu.memory_space<vmem>>, vector<16xf32>,
    tpu.vector_store %arg15[%swap3A], %scan3A_721 {strides = array<i32>} : memref<16xf32, #tpu.memory_space<vmem>>, vector<16xf32>,
    %mul3A_724 = arith.constant 16 : i32
    %mul3A_725 = arith.muli %add3A, %mul3A_724 : i32
    "tpu.region"() ({
      %run_scoped3A = tpu.sem_alloc : memref<!tpu.dma_semaphore, #tpu.memory_space<semaphore_mem>>
      %dma_start3A_1760 = tpu.memref_slice %arg7[%mul3A_725] : memref<512xf32, #tpu.memory_space<hbm>> -> memref<16xf32, #tpu.memory_space<hbm>>
      %dma_start3A_1761 = tpu.memref_slice %arg7[%mul3A_725] : memref<512xf32, #tpu.memory_space<hbm>> -> memref<16xf32, #tpu.memory_space<hbm>>
      tpu.enqueue_dma source(%arg15 : memref<16xf32, #tpu.memory_space<vmem>>) target(%dma_start3A_1761 : memref<16xf32, #tpu.memory_space<hbm>>) target_semaphore(%run_scoped3A : memref<!tpu.dma_semaphore, #tpu.memory_space<semaphore_mem>>)
      %dma_wait3A_1762 = tpu.memref_slice %arg7[%mul3A_725] : memref<512xf32, #tpu.memory_space<hbm>> -> memref<16xf32, #tpu.memory_space<hbm>>
      %dma_wait3A_1763 = tpu.memref_slice %arg7[%mul3A_725] : memref<512xf32, #tpu.memory_space<hbm>> -> memref<16xf32, #tpu.memory_space<hbm>>
      tpu.wait_dma2 semaphore(%run_scoped3A : memref<!tpu.dma_semaphore, #tpu.memory_space<semaphore_mem>>) src(%arg15 : memref<16xf32, #tpu.memory_space<vmem>>) dst(%dma_wait3A_1763 : memref<16xf32, #tpu.memory_space<hbm>>)
      tpu.yield
    }) : () -> ()
    %dma_wait3A = arith.constant 0 : i32
    %dma_wait3A_726 = arith.constant 0 : i32
    %dma_wait3A_727 = tpu.memref_slice %arg11[%dma_wait3A, %dma_wait3A_726] : memref<65x65xf32, #tpu.memory_space<vmem>> -> memref<1x65xf32, #tpu.memory_space<vmem>>
    %dma_wait3A_728 = tpu.memref_squeeze %dma_wait3A_727 : memref<1x65xf32, #tpu.memory_space<vmem>> -> memref<65xf32, #tpu.memory_space<vmem>>
    %dma_wait3A_729 = arith.constant 0 : i32
    %dma_wait3A_730 = tpu.memref_slice %arg2[%dma_wait3A_729] : memref<4680xf32, #tpu.memory_space<hbm>> -> memref<65xf32, #tpu.memory_space<hbm>>
    %dma_wait3A_731 = arith.constant 0 : i32
    %dma_wait3A_732 = tpu.memref_slice %arg11[%dma_wait3A, %dma_wait3A_731] : memref<65x65xf32, #tpu.memory_space<vmem>> -> memref<1x65xf32, #tpu.memory_space<vmem>>
    %dma_wait3A_733 = tpu.memref_squeeze %dma_wait3A_732 : memref<1x65xf32, #tpu.memory_space<vmem>> -> memref<65xf32, #tpu.memory_space<vmem>>
    %dma_wait3A_734 = arith.constant 0 : i32
    %dma_wait3A_735 = tpu.memref_slice %arg2[%dma_wait3A_734] : memref<4680xf32, #tpu.memory_space<hbm>> -> memref<65xf32, #tpu.memory_space<hbm>>
    tpu.wait_dma2 semaphore(%arg16 : memref<!tpu.dma_semaphore, #tpu.memory_space<semaphore_mem>>) src(%dma_wait3A_735 : memref<65xf32, #tpu.memory_space<hbm>>) dst(%dma_wait3A_733 : memref<65xf32, #tpu.memory_space<vmem>>)
    %dma_wait3A_736 = arith.constant 1 : i32
    %dma_wait3A_737 = arith.constant 0 : i32
    %dma_wait3A_738 = tpu.memref_slice %arg11[%dma_wait3A_736, %dma_wait3A_737] : memref<65x65xf32, #tpu.memory_space<vmem>> -> memref<1x65xf32, #tpu.memory_space<vmem>>
    %dma_wait3A_739 = tpu.memref_squeeze %dma_wait3A_738 : memref<1x65xf32, #tpu.memory_space<vmem>> -> memref<65xf32, #tpu.memory_space<vmem>>
    %dma_wait3A_740 = arith.constant 72 : i32
    %dma_wait3A_741 = tpu.memref_slice %arg2[%dma_wait3A_740] : memref<4680xf32, #tpu.memory_space<hbm>> -> memref<65xf32, #tpu.memory_space<hbm>>
    %dma_wait3A_742 = arith.constant 0 : i32
    %dma_wait3A_743 = tpu.memref_slice %arg11[%dma_wait3A_736, %dma_wait3A_742] : memref<65x65xf32, #tpu.memory_space<vmem>> -> memref<1x65xf32, #tpu.memory_space<vmem>>
    %dma_wait3A_744 = tpu.memref_squeeze %dma_wait3A_743 : memref<1x65xf32, #tpu.memory_space<vmem>> -> memref<65xf32, #tpu.memory_space<vmem>>
    %dma_wait3A_745 = arith.constant 72 : i32
    %dma_wait3A_746 = tpu.memref_slice %arg2[%dma_wait3A_745] : memref<4680xf32, #tpu.memory_space<hbm>> -> memref<65xf32, #tpu.memory_space<hbm>>
    tpu.wait_dma2 semaphore(%arg16 : memref<!tpu.dma_semaphore, #tpu.memory_space<semaphore_mem>>) src(%dma_wait3A_746 : memref<65xf32, #tpu.memory_space<hbm>>) dst(%dma_wait3A_744 : memref<65xf32, #tpu.memory_space<vmem>>)
    %dma_wait3A_747 = arith.constant 2 : i32
    %dma_wait3A_748 = arith.constant 0 : i32
    %dma_wait3A_749 = tpu.memref_slice %arg11[%dma_wait3A_747, %dma_wait3A_748] : memref<65x65xf32, #tpu.memory_space<vmem>> -> memref<1x65xf32, #tpu.memory_space<vmem>>
    %dma_wait3A_750 = tpu.memref_squeeze %dma_wait3A_749 : memref<1x65xf32, #tpu.memory_space<vmem>> -> memref<65xf32, #tpu.memory_space<vmem>>
    %dma_wait3A_751 = arith.constant 144 : i32
    %dma_wait3A_752 = tpu.memref_slice %arg2[%dma_wait3A_751] : memref<4680xf32, #tpu.memory_space<hbm>> -> memref<65xf32, #tpu.memory_space<hbm>>
    %dma_wait3A_753 = arith.constant 0 : i32
    %dma_wait3A_754 = tpu.memref_slice %arg11[%dma_wait3A_747, %dma_wait3A_753] : memref<65x65xf32, #tpu.memory_space<vmem>> -> memref<1x65xf32, #tpu.memory_space<vmem>>
    %dma_wait3A_755 = tpu.memref_squeeze %dma_wait3A_754 : memref<1x65xf32, #tpu.memory_space<vmem>> -> memref<65xf32, #tpu.memory_space<vmem>>
    %dma_wait3A_756 = arith.constant 144 : i32
    %dma_wait3A_757 = tpu.memref_slice %arg2[%dma_wait3A_756] : memref<4680xf32, #tpu.memory_space<hbm>> -> memref<65xf32, #tpu.memory_space<hbm>>
    tpu.wait_dma2 semaphore(%arg16 : memref<!tpu.dma_semaphore, #tpu.memory_space<semaphore_mem>>) src(%dma_wait3A_757 : memref<65xf32, #tpu.memory_space<hbm>>) dst(%dma_wait3A_755 : memref<65xf32, #tpu.memory_space<vmem>>)
    %dma_wait3A_758 = arith.constant 3 : i32
    %dma_wait3A_759 = arith.constant 0 : i32
    %dma_wait3A_760 = tpu.memref_slice %arg11[%dma_wait3A_758, %dma_wait3A_759] : memref<65x65xf32, #tpu.memory_space<vmem>> -> memref<1x65xf32, #tpu.memory_space<vmem>>
    %dma_wait3A_761 = tpu.memref_squeeze %dma_wait3A_760 : memref<1x65xf32, #tpu.memory_space<vmem>> -> memref<65xf32, #tpu.memory_space<vmem>>
    %dma_wait3A_762 = arith.constant 216 : i32
    %dma_wait3A_763 = tpu.memref_slice %arg2[%dma_wait3A_762] : memref<4680xf32, #tpu.memory_space<hbm>> -> memref<65xf32, #tpu.memory_space<hbm>>
    %dma_wait3A_764 = arith.constant 0 : i32
    %dma_wait3A_765 = tpu.memref_slice %arg11[%dma_wait3A_758, %dma_wait3A_764] : memref<65x65xf32, #tpu.memory_space<vmem>> -> memref<1x65xf32, #tpu.memory_space<vmem>>
    %dma_wait3A_766 = tpu.memref_squeeze %dma_wait3A_765 : memref<1x65xf32, #tpu.memory_space<vmem>> -> memref<65xf32, #tpu.memory_space<vmem>>
    %dma_wait3A_767 = arith.constant 216 : i32
    %dma_wait3A_768 = tpu.memref_slice %arg2[%dma_wait3A_767] : memref<4680xf32, #tpu.memory_space<hbm>> -> memref<65xf32, #tpu.memory_space<hbm>>
    tpu.wait_dma2 semaphore(%arg16 : memref<!tpu.dma_semaphore, #tpu.memory_space<semaphore_mem>>) src(%dma_wait3A_768 : memref<65xf32, #tpu.memory_space<hbm>>) dst(%dma_wait3A_766 : memref<65xf32, #tpu.memory_space<vmem>>)
    %dma_wait3A_769 = arith.constant 4 : i32
    %dma_wait3A_770 = arith.constant 0 : i32
    %dma_wait3A_771 = tpu.memref_slice %arg11[%dma_wait3A_769, %dma_wait3A_770] : memref<65x65xf32, #tpu.memory_space<vmem>> -> memref<1x65xf32, #tpu.memory_space<vmem>>
    %dma_wait3A_772 = tpu.memref_squeeze %dma_wait3A_771 : memref<1x65xf32, #tpu.memory_space<vmem>> -> memref<65xf32, #tpu.memory_space<vmem>>
    %dma_wait3A_773 = arith.constant 288 : i32
    %dma_wait3A_774 = tpu.memref_slice %arg2[%dma_wait3A_773] : memref<4680xf32, #tpu.memory_space<hbm>> -> memref<65xf32, #tpu.memory_space<hbm>>
    %dma_wait3A_775 = arith.constant 0 : i32
    %dma_wait3A_776 = tpu.memref_slice %arg11[%dma_wait3A_769, %dma_wait3A_775] : memref<65x65xf32, #tpu.memory_space<vmem>> -> memref<1x65xf32, #tpu.memory_space<vmem>>
    %dma_wait3A_777 = tpu.memref_squeeze %dma_wait3A_776 : memref<1x65xf32, #tpu.memory_space<vmem>> -> memref<65xf32, #tpu.memory_space<vmem>>
    %dma_wait3A_778 = arith.constant 288 : i32
    %dma_wait3A_779 = tpu.memref_slice %arg2[%dma_wait3A_778] : memref<4680xf32, #tpu.memory_space<hbm>> -> memref<65xf32, #tpu.memory_space<hbm>>
    tpu.wait_dma2 semaphore(%arg16 : memref<!tpu.dma_semaphore, #tpu.memory_space<semaphore_mem>>) src(%dma_wait3A_779 : memref<65xf32, #tpu.memory_space<hbm>>) dst(%dma_wait3A_777 : memref<65xf32, #tpu.memory_space<vmem>>)
    %dma_wait3A_780 = arith.constant 5 : i32
    %dma_wait3A_781 = arith.constant 0 : i32
    %dma_wait3A_782 = tpu.memref_slice %arg11[%dma_wait3A_780, %dma_wait3A_781] : memref<65x65xf32, #tpu.memory_space<vmem>> -> memref<1x65xf32, #tpu.memory_space<vmem>>
    %dma_wait3A_783 = tpu.memref_squeeze %dma_wait3A_782 : memref<1x65xf32, #tpu.memory_space<vmem>> -> memref<65xf32, #tpu.memory_space<vmem>>
    %dma_wait3A_784 = arith.constant 360 : i32
    %dma_wait3A_785 = tpu.memref_slice %arg2[%dma_wait3A_784] : memref<4680xf32, #tpu.memory_space<hbm>> -> memref<65xf32, #tpu.memory_space<hbm>>
    %dma_wait3A_786 = arith.constant 0 : i32
    %dma_wait3A_787 = tpu.memref_slice %arg11[%dma_wait3A_780, %dma_wait3A_786] : memref<65x65xf32, #tpu.memory_space<vmem>> -> memref<1x65xf32, #tpu.memory_space<vmem>>
    %dma_wait3A_788 = tpu.memref_squeeze %dma_wait3A_787 : memref<1x65xf32, #tpu.memory_space<vmem>> -> memref<65xf32, #tpu.memory_space<vmem>>
    %dma_wait3A_789 = arith.constant 360 : i32
    %dma_wait3A_790 = tpu.memref_slice %arg2[%dma_wait3A_789] : memref<4680xf32, #tpu.memory_space<hbm>> -> memref<65xf32, #tpu.memory_space<hbm>>
    tpu.wait_dma2 semaphore(%arg16 : memref<!tpu.dma_semaphore, #tpu.memory_space<semaphore_mem>>) src(%dma_wait3A_790 : memref<65xf32, #tpu.memory_space<hbm>>) dst(%dma_wait3A_788 : memref<65xf32, #tpu.memory_space<vmem>>)
    %dma_wait3A_791 = arith.constant 6 : i32
    %dma_wait3A_792 = arith.constant 0 : i32
    %dma_wait3A_793 = tpu.memref_slice %arg11[%dma_wait3A_791, %dma_wait3A_792] : memref<65x65xf32, #tpu.memory_space<vmem>> -> memref<1x65xf32, #tpu.memory_space<vmem>>
    %dma_wait3A_794 = tpu.memref_squeeze %dma_wait3A_793 : memref<1x65xf32, #tpu.memory_space<vmem>> -> memref<65xf32, #tpu.memory_space<vmem>>
    %dma_wait3A_795 = arith.constant 432 : i32
    %dma_wait3A_796 = tpu.memref_slice %arg2[%dma_wait3A_795] : memref<4680xf32, #tpu.memory_space<hbm>> -> memref<65xf32, #tpu.memory_space<hbm>>
    %dma_wait3A_797 = arith.constant 0 : i32
    %dma_wait3A_798 = tpu.memref_slice %arg11[%dma_wait3A_791, %dma_wait3A_797] : memref<65x65xf32, #tpu.memory_space<vmem>> -> memref<1x65xf32, #tpu.memory_space<vmem>>
    %dma_wait3A_799 = tpu.memref_squeeze %dma_wait3A_798 : memref<1x65xf32, #tpu.memory_space<vmem>> -> memref<65xf32, #tpu.memory_space<vmem>>
    %dma_wait3A_800 = arith.constant 432 : i32
    %dma_wait3A_801 = tpu.memref_slice %arg2[%dma_wait3A_800] : memref<4680xf32, #tpu.memory_space<hbm>> -> memref<65xf32, #tpu.memory_space<hbm>>
    tpu.wait_dma2 semaphore(%arg16 : memref<!tpu.dma_semaphore, #tpu.memory_space<semaphore_mem>>) src(%dma_wait3A_801 : memref<65xf32, #tpu.memory_space<hbm>>) dst(%dma_wait3A_799 : memref<65xf32, #tpu.memory_space<vmem>>)
    %dma_wait3A_802 = arith.constant 7 : i32
    %dma_wait3A_803 = arith.constant 0 : i32
    %dma_wait3A_804 = tpu.memref_slice %arg11[%dma_wait3A_802, %dma_wait3A_803] : memref<65x65xf32, #tpu.memory_space<vmem>> -> memref<1x65xf32, #tpu.memory_space<vmem>>
    %dma_wait3A_805 = tpu.memref_squeeze %dma_wait3A_804 : memref<1x65xf32, #tpu.memory_space<vmem>> -> memref<65xf32, #tpu.memory_space<vmem>>
    %dma_wait3A_806 = arith.constant 504 : i32
    %dma_wait3A_807 = tpu.memref_slice %arg2[%dma_wait3A_806] : memref<4680xf32, #tpu.memory_space<hbm>> -> memref<65xf32, #tpu.memory_space<hbm>>
    %dma_wait3A_808 = arith.constant 0 : i32
    %dma_wait3A_809 = tpu.memref_slice %arg11[%dma_wait3A_802, %dma_wait3A_808] : memref<65x65xf32, #tpu.memory_space<vmem>> -> memref<1x65xf32, #tpu.memory_space<vmem>>
    %dma_wait3A_810 = tpu.memref_squeeze %dma_wait3A_809 : memref<1x65xf32, #tpu.memory_space<vmem>> -> memref<65xf32, #tpu.memory_space<vmem>>
    %dma_wait3A_811 = arith.constant 504 : i32
    %dma_wait3A_812 = tpu.memref_slice %arg2[%dma_wait3A_811] : memref<4680xf32, #tpu.memory_space<hbm>> -> memref<65xf32, #tpu.memory_space<hbm>>
    tpu.wait_dma2 semaphore(%arg16 : memref<!tpu.dma_semaphore, #tpu.memory_space<semaphore_mem>>) src(%dma_wait3A_812 : memref<65xf32, #tpu.memory_space<hbm>>) dst(%dma_wait3A_810 : memref<65xf32, #tpu.memory_space<vmem>>)
    %dma_wait3A_813 = arith.constant 8 : i32
    %dma_wait3A_814 = arith.constant 0 : i32
    %dma_wait3A_815 = tpu.memref_slice %arg11[%dma_wait3A_813, %dma_wait3A_814] : memref<65x65xf32, #tpu.memory_space<vmem>> -> memref<1x65xf32, #tpu.memory_space<vmem>>
    %dma_wait3A_816 = tpu.memref_squeeze %dma_wait3A_815 : memref<1x65xf32, #tpu.memory_space<vmem>> -> memref<65xf32, #tpu.memory_space<vmem>>
    %dma_wait3A_817 = arith.constant 576 : i32
    %dma_wait3A_818 = tpu.memref_slice %arg2[%dma_wait3A_817] : memref<4680xf32, #tpu.memory_space<hbm>> -> memref<65xf32, #tpu.memory_space<hbm>>
    %dma_wait3A_819 = arith.constant 0 : i32
    %dma_wait3A_820 = tpu.memref_slice %arg11[%dma_wait3A_813, %dma_wait3A_819] : memref<65x65xf32, #tpu.memory_space<vmem>> -> memref<1x65xf32, #tpu.memory_space<vmem>>
    %dma_wait3A_821 = tpu.memref_squeeze %dma_wait3A_820 : memref<1x65xf32, #tpu.memory_space<vmem>> -> memref<65xf32, #tpu.memory_space<vmem>>
    %dma_wait3A_822 = arith.constant 576 : i32
    %dma_wait3A_823 = tpu.memref_slice %arg2[%dma_wait3A_822] : memref<4680xf32, #tpu.memory_space<hbm>> -> memref<65xf32, #tpu.memory_space<hbm>>
    tpu.wait_dma2 semaphore(%arg16 : memref<!tpu.dma_semaphore, #tpu.memory_space<semaphore_mem>>) src(%dma_wait3A_823 : memref<65xf32, #tpu.memory_space<hbm>>) dst(%dma_wait3A_821 : memref<65xf32, #tpu.memory_space<vmem>>)
    %dma_wait3A_824 = arith.constant 9 : i32
    %dma_wait3A_825 = arith.constant 0 : i32
    %dma_wait3A_826 = tpu.memref_slice %arg11[%dma_wait3A_824, %dma_wait3A_825] : memref<65x65xf32, #tpu.memory_space<vmem>> -> memref<1x65xf32, #tpu.memory_space<vmem>>
    %dma_wait3A_827 = tpu.memref_squeeze %dma_wait3A_826 : memref<1x65xf32, #tpu.memory_space<vmem>> -> memref<65xf32, #tpu.memory_space<vmem>>
    %dma_wait3A_828 = arith.constant 648 : i32
    %dma_wait3A_829 = tpu.memref_slice %arg2[%dma_wait3A_828] : memref<4680xf32, #tpu.memory_space<hbm>> -> memref<65xf32, #tpu.memory_space<hbm>>
    %dma_wait3A_830 = arith.constant 0 : i32
    %dma_wait3A_831 = tpu.memref_slice %arg11[%dma_wait3A_824, %dma_wait3A_830] : memref<65x65xf32, #tpu.memory_space<vmem>> -> memref<1x65xf32, #tpu.memory_space<vmem>>
    %dma_wait3A_832 = tpu.memref_squeeze %dma_wait3A_831 : memref<1x65xf32, #tpu.memory_space<vmem>> -> memref<65xf32, #tpu.memory_space<vmem>>
    %dma_wait3A_833 = arith.constant 648 : i32
    %dma_wait3A_834 = tpu.memref_slice %arg2[%dma_wait3A_833] : memref<4680xf32, #tpu.memory_space<hbm>> -> memref<65xf32, #tpu.memory_space<hbm>>
    tpu.wait_dma2 semaphore(%arg16 : memref<!tpu.dma_semaphore, #tpu.memory_space<semaphore_mem>>) src(%dma_wait3A_834 : memref<65xf32, #tpu.memory_space<hbm>>) dst(%dma_wait3A_832 : memref<65xf32, #tpu.memory_space<vmem>>)
    %dma_wait3A_835 = arith.constant 10 : i32
    %dma_wait3A_836 = arith.constant 0 : i32
    %dma_wait3A_837 = tpu.memref_slice %arg11[%dma_wait3A_835, %dma_wait3A_836] : memref<65x65xf32, #tpu.memory_space<vmem>> -> memref<1x65xf32, #tpu.memory_space<vmem>>
    %dma_wait3A_838 = tpu.memref_squeeze %dma_wait3A_837 : memref<1x65xf32, #tpu.memory_space<vmem>> -> memref<65xf32, #tpu.memory_space<vmem>>
    %dma_wait3A_839 = arith.constant 720 : i32
    %dma_wait3A_840 = tpu.memref_slice %arg2[%dma_wait3A_839] : memref<4680xf32, #tpu.memory_space<hbm>> -> memref<65xf32, #tpu.memory_space<hbm>>
    %dma_wait3A_841 = arith.constant 0 : i32
    %dma_wait3A_842 = tpu.memref_slice %arg11[%dma_wait3A_835, %dma_wait3A_841] : memref<65x65xf32, #tpu.memory_space<vmem>> -> memref<1x65xf32, #tpu.memory_space<vmem>>
    %dma_wait3A_843 = tpu.memref_squeeze %dma_wait3A_842 : memref<1x65xf32, #tpu.memory_space<vmem>> -> memref<65xf32, #tpu.memory_space<vmem>>
    %dma_wait3A_844 = arith.constant 720 : i32
    %dma_wait3A_845 = tpu.memref_slice %arg2[%dma_wait3A_844] : memref<4680xf32, #tpu.memory_space<hbm>> -> memref<65xf32, #tpu.memory_space<hbm>>
    tpu.wait_dma2 semaphore(%arg16 : memref<!tpu.dma_semaphore, #tpu.memory_space<semaphore_mem>>) src(%dma_wait3A_845 : memref<65xf32, #tpu.memory_space<hbm>>) dst(%dma_wait3A_843 : memref<65xf32, #tpu.memory_space<vmem>>)
    %dma_wait3A_846 = arith.constant 11 : i32
    %dma_wait3A_847 = arith.constant 0 : i32
    %dma_wait3A_848 = tpu.memref_slice %arg11[%dma_wait3A_846, %dma_wait3A_847] : memref<65x65xf32, #tpu.memory_space<vmem>> -> memref<1x65xf32, #tpu.memory_space<vmem>>
    %dma_wait3A_849 = tpu.memref_squeeze %dma_wait3A_848 : memref<1x65xf32, #tpu.memory_space<vmem>> -> memref<65xf32, #tpu.memory_space<vmem>>
    %dma_wait3A_850 = arith.constant 792 : i32
    %dma_wait3A_851 = tpu.memref_slice %arg2[%dma_wait3A_850] : memref<4680xf32, #tpu.memory_space<hbm>> -> memref<65xf32, #tpu.memory_space<hbm>>
    %dma_wait3A_852 = arith.constant 0 : i32
    %dma_wait3A_853 = tpu.memref_slice %arg11[%dma_wait3A_846, %dma_wait3A_852] : memref<65x65xf32, #tpu.memory_space<vmem>> -> memref<1x65xf32, #tpu.memory_space<vmem>>
    %dma_wait3A_854 = tpu.memref_squeeze %dma_wait3A_853 : memref<1x65xf32, #tpu.memory_space<vmem>> -> memref<65xf32, #tpu.memory_space<vmem>>
    %dma_wait3A_855 = arith.constant 792 : i32
    %dma_wait3A_856 = tpu.memref_slice %arg2[%dma_wait3A_855] : memref<4680xf32, #tpu.memory_space<hbm>> -> memref<65xf32, #tpu.memory_space<hbm>>
    tpu.wait_dma2 semaphore(%arg16 : memref<!tpu.dma_semaphore, #tpu.memory_space<semaphore_mem>>) src(%dma_wait3A_856 : memref<65xf32, #tpu.memory_space<hbm>>) dst(%dma_wait3A_854 : memref<65xf32, #tpu.memory_space<vmem>>)
    %dma_wait3A_857 = arith.constant 12 : i32
    %dma_wait3A_858 = arith.constant 0 : i32
    %dma_wait3A_859 = tpu.memref_slice %arg11[%dma_wait3A_857, %dma_wait3A_858] : memref<65x65xf32, #tpu.memory_space<vmem>> -> memref<1x65xf32, #tpu.memory_space<vmem>>
    %dma_wait3A_860 = tpu.memref_squeeze %dma_wait3A_859 : memref<1x65xf32, #tpu.memory_space<vmem>> -> memref<65xf32, #tpu.memory_space<vmem>>
    %dma_wait3A_861 = arith.constant 864 : i32
    %dma_wait3A_862 = tpu.memref_slice %arg2[%dma_wait3A_861] : memref<4680xf32, #tpu.memory_space<hbm>> -> memref<65xf32, #tpu.memory_space<hbm>>
    %dma_wait3A_863 = arith.constant 0 : i32
    %dma_wait3A_864 = tpu.memref_slice %arg11[%dma_wait3A_857, %dma_wait3A_863] : memref<65x65xf32, #tpu.memory_space<vmem>> -> memref<1x65xf32, #tpu.memory_space<vmem>>
    %dma_wait3A_865 = tpu.memref_squeeze %dma_wait3A_864 : memref<1x65xf32, #tpu.memory_space<vmem>> -> memref<65xf32, #tpu.memory_space<vmem>>
    %dma_wait3A_866 = arith.constant 864 : i32
    %dma_wait3A_867 = tpu.memref_slice %arg2[%dma_wait3A_866] : memref<4680xf32, #tpu.memory_space<hbm>> -> memref<65xf32, #tpu.memory_space<hbm>>
    tpu.wait_dma2 semaphore(%arg16 : memref<!tpu.dma_semaphore, #tpu.memory_space<semaphore_mem>>) src(%dma_wait3A_867 : memref<65xf32, #tpu.memory_space<hbm>>) dst(%dma_wait3A_865 : memref<65xf32, #tpu.memory_space<vmem>>)
    %dma_wait3A_868 = arith.constant 13 : i32
    %dma_wait3A_869 = arith.constant 0 : i32
    %dma_wait3A_870 = tpu.memref_slice %arg11[%dma_wait3A_868, %dma_wait3A_869] : memref<65x65xf32, #tpu.memory_space<vmem>> -> memref<1x65xf32, #tpu.memory_space<vmem>>
    %dma_wait3A_871 = tpu.memref_squeeze %dma_wait3A_870 : memref<1x65xf32, #tpu.memory_space<vmem>> -> memref<65xf32, #tpu.memory_space<vmem>>
    %dma_wait3A_872 = arith.constant 936 : i32
    %dma_wait3A_873 = tpu.memref_slice %arg2[%dma_wait3A_872] : memref<4680xf32, #tpu.memory_space<hbm>> -> memref<65xf32, #tpu.memory_space<hbm>>
    %dma_wait3A_874 = arith.constant 0 : i32
    %dma_wait3A_875 = tpu.memref_slice %arg11[%dma_wait3A_868, %dma_wait3A_874] : memref<65x65xf32, #tpu.memory_space<vmem>> -> memref<1x65xf32, #tpu.memory_space<vmem>>
    %dma_wait3A_876 = tpu.memref_squeeze %dma_wait3A_875 : memref<1x65xf32, #tpu.memory_space<vmem>> -> memref<65xf32, #tpu.memory_space<vmem>>
    %dma_wait3A_877 = arith.constant 936 : i32
    %dma_wait3A_878 = tpu.memref_slice %arg2[%dma_wait3A_877] : memref<4680xf32, #tpu.memory_space<hbm>> -> memref<65xf32, #tpu.memory_space<hbm>>
    tpu.wait_dma2 semaphore(%arg16 : memref<!tpu.dma_semaphore, #tpu.memory_space<semaphore_mem>>) src(%dma_wait3A_878 : memref<65xf32, #tpu.memory_space<hbm>>) dst(%dma_wait3A_876 : memref<65xf32, #tpu.memory_space<vmem>>)
    %dma_wait3A_879 = arith.constant 14 : i32
    %dma_wait3A_880 = arith.constant 0 : i32
    %dma_wait3A_881 = tpu.memref_slice %arg11[%dma_wait3A_879, %dma_wait3A_880] : memref<65x65xf32, #tpu.memory_space<vmem>> -> memref<1x65xf32, #tpu.memory_space<vmem>>
    %dma_wait3A_882 = tpu.memref_squeeze %dma_wait3A_881 : memref<1x65xf32, #tpu.memory_space<vmem>> -> memref<65xf32, #tpu.memory_space<vmem>>
    %dma_wait3A_883 = arith.constant 1008 : i32
    %dma_wait3A_884 = tpu.memref_slice %arg2[%dma_wait3A_883] : memref<4680xf32, #tpu.memory_space<hbm>> -> memref<65xf32, #tpu.memory_space<hbm>>
    %dma_wait3A_885 = arith.constant 0 : i32
    %dma_wait3A_886 = tpu.memref_slice %arg11[%dma_wait3A_879, %dma_wait3A_885] : memref<65x65xf32, #tpu.memory_space<vmem>> -> memref<1x65xf32, #tpu.memory_space<vmem>>
    %dma_wait3A_887 = tpu.memref_squeeze %dma_wait3A_886 : memref<1x65xf32, #tpu.memory_space<vmem>> -> memref<65xf32, #tpu.memory_space<vmem>>
    %dma_wait3A_888 = arith.constant 1008 : i32
    %dma_wait3A_889 = tpu.memref_slice %arg2[%dma_wait3A_888] : memref<4680xf32, #tpu.memory_space<hbm>> -> memref<65xf32, #tpu.memory_space<hbm>>
    tpu.wait_dma2 semaphore(%arg16 : memref<!tpu.dma_semaphore, #tpu.memory_space<semaphore_mem>>) src(%dma_wait3A_889 : memref<65xf32, #tpu.memory_space<hbm>>) dst(%dma_wait3A_887 : memref<65xf32, #tpu.memory_space<vmem>>)
    %dma_wait3A_890 = arith.constant 15 : i32
    %dma_wait3A_891 = arith.constant 0 : i32
    %dma_wait3A_892 = tpu.memref_slice %arg11[%dma_wait3A_890, %dma_wait3A_891] : memref<65x65xf32, #tpu.memory_space<vmem>> -> memref<1x65xf32, #tpu.memory_space<vmem>>
    %dma_wait3A_893 = tpu.memref_squeeze %dma_wait3A_892 : memref<1x65xf32, #tpu.memory_space<vmem>> -> memref<65xf32, #tpu.memory_space<vmem>>
    %dma_wait3A_894 = arith.constant 1080 : i32
    %dma_wait3A_895 = tpu.memref_slice %arg2[%dma_wait3A_894] : memref<4680xf32, #tpu.memory_space<hbm>> -> memref<65xf32, #tpu.memory_space<hbm>>
    %dma_wait3A_896 = arith.constant 0 : i32
    %dma_wait3A_897 = tpu.memref_slice %arg11[%dma_wait3A_890, %dma_wait3A_896] : memref<65x65xf32, #tpu.memory_space<vmem>> -> memref<1x65xf32, #tpu.memory_space<vmem>>
    %dma_wait3A_898 = tpu.memref_squeeze %dma_wait3A_897 : memref<1x65xf32, #tpu.memory_space<vmem>> -> memref<65xf32, #tpu.memory_space<vmem>>
    %dma_wait3A_899 = arith.constant 1080 : i32
    %dma_wait3A_900 = tpu.memref_slice %arg2[%dma_wait3A_899] : memref<4680xf32, #tpu.memory_space<hbm>> -> memref<65xf32, #tpu.memory_space<hbm>>
    tpu.wait_dma2 semaphore(%arg16 : memref<!tpu.dma_semaphore, #tpu.memory_space<semaphore_mem>>) src(%dma_wait3A_900 : memref<65xf32, #tpu.memory_space<hbm>>) dst(%dma_wait3A_898 : memref<65xf32, #tpu.memory_space<vmem>>)
    %dma_wait3A_901 = arith.constant 16 : i32
    %dma_wait3A_902 = arith.constant 0 : i32
    %dma_wait3A_903 = tpu.memref_slice %arg11[%dma_wait3A_901, %dma_wait3A_902] : memref<65x65xf32, #tpu.memory_space<vmem>> -> memref<1x65xf32, #tpu.memory_space<vmem>>
    %dma_wait3A_904 = tpu.memref_squeeze %dma_wait3A_903 : memref<1x65xf32, #tpu.memory_space<vmem>> -> memref<65xf32, #tpu.memory_space<vmem>>
    %dma_wait3A_905 = arith.constant 1152 : i32
    %dma_wait3A_906 = tpu.memref_slice %arg2[%dma_wait3A_905] : memref<4680xf32, #tpu.memory_space<hbm>> -> memref<65xf32, #tpu.memory_space<hbm>>
    %dma_wait3A_907 = arith.constant 0 : i32
    %dma_wait3A_908 = tpu.memref_slice %arg11[%dma_wait3A_901, %dma_wait3A_907] : memref<65x65xf32, #tpu.memory_space<vmem>> -> memref<1x65xf32, #tpu.memory_space<vmem>>
    %dma_wait3A_909 = tpu.memref_squeeze %dma_wait3A_908 : memref<1x65xf32, #tpu.memory_space<vmem>> -> memref<65xf32, #tpu.memory_space<vmem>>
    %dma_wait3A_910 = arith.constant 1152 : i32
    %dma_wait3A_911 = tpu.memref_slice %arg2[%dma_wait3A_910] : memref<4680xf32, #tpu.memory_space<hbm>> -> memref<65xf32, #tpu.memory_space<hbm>>
    tpu.wait_dma2 semaphore(%arg16 : memref<!tpu.dma_semaphore, #tpu.memory_space<semaphore_mem>>) src(%dma_wait3A_911 : memref<65xf32, #tpu.memory_space<hbm>>) dst(%dma_wait3A_909 : memref<65xf32, #tpu.memory_space<vmem>>)
    %dma_wait3A_912 = arith.constant 17 : i32
    %dma_wait3A_913 = arith.constant 0 : i32
    %dma_wait3A_914 = tpu.memref_slice %arg11[%dma_wait3A_912, %dma_wait3A_913] : memref<65x65xf32, #tpu.memory_space<vmem>> -> memref<1x65xf32, #tpu.memory_space<vmem>>
    %dma_wait3A_915 = tpu.memref_squeeze %dma_wait3A_914 : memref<1x65xf32, #tpu.memory_space<vmem>> -> memref<65xf32, #tpu.memory_space<vmem>>
    %dma_wait3A_916 = arith.constant 1224 : i32
    %dma_wait3A_917 = tpu.memref_slice %arg2[%dma_wait3A_916] : memref<4680xf32, #tpu.memory_space<hbm>> -> memref<65xf32, #tpu.memory_space<hbm>>
    %dma_wait3A_918 = arith.constant 0 : i32
    %dma_wait3A_919 = tpu.memref_slice %arg11[%dma_wait3A_912, %dma_wait3A_918] : memref<65x65xf32, #tpu.memory_space<vmem>> -> memref<1x65xf32, #tpu.memory_space<vmem>>
    %dma_wait3A_920 = tpu.memref_squeeze %dma_wait3A_919 : memref<1x65xf32, #tpu.memory_space<vmem>> -> memref<65xf32, #tpu.memory_space<vmem>>
    %dma_wait3A_921 = arith.constant 1224 : i32
    %dma_wait3A_922 = tpu.memref_slice %arg2[%dma_wait3A_921] : memref<4680xf32, #tpu.memory_space<hbm>> -> memref<65xf32, #tpu.memory_space<hbm>>
    tpu.wait_dma2 semaphore(%arg16 : memref<!tpu.dma_semaphore, #tpu.memory_space<semaphore_mem>>) src(%dma_wait3A_922 : memref<65xf32, #tpu.memory_space<hbm>>) dst(%dma_wait3A_920 : memref<65xf32, #tpu.memory_space<vmem>>)
    %dma_wait3A_923 = arith.constant 18 : i32
    %dma_wait3A_924 = arith.constant 0 : i32
    %dma_wait3A_925 = tpu.memref_slice %arg11[%dma_wait3A_923, %dma_wait3A_924] : memref<65x65xf32, #tpu.memory_space<vmem>> -> memref<1x65xf32, #tpu.memory_space<vmem>>
    %dma_wait3A_926 = tpu.memref_squeeze %dma_wait3A_925 : memref<1x65xf32, #tpu.memory_space<vmem>> -> memref<65xf32, #tpu.memory_space<vmem>>
    %dma_wait3A_927 = arith.constant 1296 : i32
    %dma_wait3A_928 = tpu.memref_slice %arg2[%dma_wait3A_927] : memref<4680xf32, #tpu.memory_space<hbm>> -> memref<65xf32, #tpu.memory_space<hbm>>
    %dma_wait3A_929 = arith.constant 0 : i32
    %dma_wait3A_930 = tpu.memref_slice %arg11[%dma_wait3A_923, %dma_wait3A_929] : memref<65x65xf32, #tpu.memory_space<vmem>> -> memref<1x65xf32, #tpu.memory_space<vmem>>
    %dma_wait3A_931 = tpu.memref_squeeze %dma_wait3A_930 : memref<1x65xf32, #tpu.memory_space<vmem>> -> memref<65xf32, #tpu.memory_space<vmem>>
    %dma_wait3A_932 = arith.constant 1296 : i32
    %dma_wait3A_933 = tpu.memref_slice %arg2[%dma_wait3A_932] : memref<4680xf32, #tpu.memory_space<hbm>> -> memref<65xf32, #tpu.memory_space<hbm>>
    tpu.wait_dma2 semaphore(%arg16 : memref<!tpu.dma_semaphore, #tpu.memory_space<semaphore_mem>>) src(%dma_wait3A_933 : memref<65xf32, #tpu.memory_space<hbm>>) dst(%dma_wait3A_931 : memref<65xf32, #tpu.memory_space<vmem>>)
    %dma_wait3A_934 = arith.constant 19 : i32
    %dma_wait3A_935 = arith.constant 0 : i32
    %dma_wait3A_936 = tpu.memref_slice %arg11[%dma_wait3A_934, %dma_wait3A_935] : memref<65x65xf32, #tpu.memory_space<vmem>> -> memref<1x65xf32, #tpu.memory_space<vmem>>
    %dma_wait3A_937 = tpu.memref_squeeze %dma_wait3A_936 : memref<1x65xf32, #tpu.memory_space<vmem>> -> memref<65xf32, #tpu.memory_space<vmem>>
    %dma_wait3A_938 = arith.constant 1368 : i32
    %dma_wait3A_939 = tpu.memref_slice %arg2[%dma_wait3A_938] : memref<4680xf32, #tpu.memory_space<hbm>> -> memref<65xf32, #tpu.memory_space<hbm>>
    %dma_wait3A_940 = arith.constant 0 : i32
    %dma_wait3A_941 = tpu.memref_slice %arg11[%dma_wait3A_934, %dma_wait3A_940] : memref<65x65xf32, #tpu.memory_space<vmem>> -> memref<1x65xf32, #tpu.memory_space<vmem>>
    %dma_wait3A_942 = tpu.memref_squeeze %dma_wait3A_941 : memref<1x65xf32, #tpu.memory_space<vmem>> -> memref<65xf32, #tpu.memory_space<vmem>>
    %dma_wait3A_943 = arith.constant 1368 : i32
    %dma_wait3A_944 = tpu.memref_slice %arg2[%dma_wait3A_943] : memref<4680xf32, #tpu.memory_space<hbm>> -> memref<65xf32, #tpu.memory_space<hbm>>
    tpu.wait_dma2 semaphore(%arg16 : memref<!tpu.dma_semaphore, #tpu.memory_space<semaphore_mem>>) src(%dma_wait3A_944 : memref<65xf32, #tpu.memory_space<hbm>>) dst(%dma_wait3A_942 : memref<65xf32, #tpu.memory_space<vmem>>)
    %dma_wait3A_945 = arith.constant 20 : i32
    %dma_wait3A_946 = arith.constant 0 : i32
    %dma_wait3A_947 = tpu.memref_slice %arg11[%dma_wait3A_945, %dma_wait3A_946] : memref<65x65xf32, #tpu.memory_space<vmem>> -> memref<1x65xf32, #tpu.memory_space<vmem>>
    %dma_wait3A_948 = tpu.memref_squeeze %dma_wait3A_947 : memref<1x65xf32, #tpu.memory_space<vmem>> -> memref<65xf32, #tpu.memory_space<vmem>>
    %dma_wait3A_949 = arith.constant 1440 : i32
    %dma_wait3A_950 = tpu.memref_slice %arg2[%dma_wait3A_949] : memref<4680xf32, #tpu.memory_space<hbm>> -> memref<65xf32, #tpu.memory_space<hbm>>
    %dma_wait3A_951 = arith.constant 0 : i32
    %dma_wait3A_952 = tpu.memref_slice %arg11[%dma_wait3A_945, %dma_wait3A_951] : memref<65x65xf32, #tpu.memory_space<vmem>> -> memref<1x65xf32, #tpu.memory_space<vmem>>
    %dma_wait3A_953 = tpu.memref_squeeze %dma_wait3A_952 : memref<1x65xf32, #tpu.memory_space<vmem>> -> memref<65xf32, #tpu.memory_space<vmem>>
    %dma_wait3A_954 = arith.constant 1440 : i32
    %dma_wait3A_955 = tpu.memref_slice %arg2[%dma_wait3A_954] : memref<4680xf32, #tpu.memory_space<hbm>> -> memref<65xf32, #tpu.memory_space<hbm>>
    tpu.wait_dma2 semaphore(%arg16 : memref<!tpu.dma_semaphore, #tpu.memory_space<semaphore_mem>>) src(%dma_wait3A_955 : memref<65xf32, #tpu.memory_space<hbm>>) dst(%dma_wait3A_953 : memref<65xf32, #tpu.memory_space<vmem>>)
    %dma_wait3A_956 = arith.constant 21 : i32
    %dma_wait3A_957 = arith.constant 0 : i32
    %dma_wait3A_958 = tpu.memref_slice %arg11[%dma_wait3A_956, %dma_wait3A_957] : memref<65x65xf32, #tpu.memory_space<vmem>> -> memref<1x65xf32, #tpu.memory_space<vmem>>
    %dma_wait3A_959 = tpu.memref_squeeze %dma_wait3A_958 : memref<1x65xf32, #tpu.memory_space<vmem>> -> memref<65xf32, #tpu.memory_space<vmem>>
    %dma_wait3A_960 = arith.constant 1512 : i32
    %dma_wait3A_961 = tpu.memref_slice %arg2[%dma_wait3A_960] : memref<4680xf32, #tpu.memory_space<hbm>> -> memref<65xf32, #tpu.memory_space<hbm>>
    %dma_wait3A_962 = arith.constant 0 : i32
    %dma_wait3A_963 = tpu.memref_slice %arg11[%dma_wait3A_956, %dma_wait3A_962] : memref<65x65xf32, #tpu.memory_space<vmem>> -> memref<1x65xf32, #tpu.memory_space<vmem>>
    %dma_wait3A_964 = tpu.memref_squeeze %dma_wait3A_963 : memref<1x65xf32, #tpu.memory_space<vmem>> -> memref<65xf32, #tpu.memory_space<vmem>>
    %dma_wait3A_965 = arith.constant 1512 : i32
    %dma_wait3A_966 = tpu.memref_slice %arg2[%dma_wait3A_965] : memref<4680xf32, #tpu.memory_space<hbm>> -> memref<65xf32, #tpu.memory_space<hbm>>
    tpu.wait_dma2 semaphore(%arg16 : memref<!tpu.dma_semaphore, #tpu.memory_space<semaphore_mem>>) src(%dma_wait3A_966 : memref<65xf32, #tpu.memory_space<hbm>>) dst(%dma_wait3A_964 : memref<65xf32, #tpu.memory_space<vmem>>)
    %dma_wait3A_967 = arith.constant 22 : i32
    %dma_wait3A_968 = arith.constant 0 : i32
    %dma_wait3A_969 = tpu.memref_slice %arg11[%dma_wait3A_967, %dma_wait3A_968] : memref<65x65xf32, #tpu.memory_space<vmem>> -> memref<1x65xf32, #tpu.memory_space<vmem>>
    %dma_wait3A_970 = tpu.memref_squeeze %dma_wait3A_969 : memref<1x65xf32, #tpu.memory_space<vmem>> -> memref<65xf32, #tpu.memory_space<vmem>>
    %dma_wait3A_971 = arith.constant 1584 : i32
    %dma_wait3A_972 = tpu.memref_slice %arg2[%dma_wait3A_971] : memref<4680xf32, #tpu.memory_space<hbm>> -> memref<65xf32, #tpu.memory_space<hbm>>
    %dma_wait3A_973 = arith.constant 0 : i32
    %dma_wait3A_974 = tpu.memref_slice %arg11[%dma_wait3A_967, %dma_wait3A_973] : memref<65x65xf32, #tpu.memory_space<vmem>> -> memref<1x65xf32, #tpu.memory_space<vmem>>
    %dma_wait3A_975 = tpu.memref_squeeze %dma_wait3A_974 : memref<1x65xf32, #tpu.memory_space<vmem>> -> memref<65xf32, #tpu.memory_space<vmem>>
    %dma_wait3A_976 = arith.constant 1584 : i32
    %dma_wait3A_977 = tpu.memref_slice %arg2[%dma_wait3A_976] : memref<4680xf32, #tpu.memory_space<hbm>> -> memref<65xf32, #tpu.memory_space<hbm>>
    tpu.wait_dma2 semaphore(%arg16 : memref<!tpu.dma_semaphore, #tpu.memory_space<semaphore_mem>>) src(%dma_wait3A_977 : memref<65xf32, #tpu.memory_space<hbm>>) dst(%dma_wait3A_975 : memref<65xf32, #tpu.memory_space<vmem>>)
    %dma_wait3A_978 = arith.constant 23 : i32
    %dma_wait3A_979 = arith.constant 0 : i32
    %dma_wait3A_980 = tpu.memref_slice %arg11[%dma_wait3A_978, %dma_wait3A_979] : memref<65x65xf32, #tpu.memory_space<vmem>> -> memref<1x65xf32, #tpu.memory_space<vmem>>
    %dma_wait3A_981 = tpu.memref_squeeze %dma_wait3A_980 : memref<1x65xf32, #tpu.memory_space<vmem>> -> memref<65xf32, #tpu.memory_space<vmem>>
    %dma_wait3A_982 = arith.constant 1656 : i32
    %dma_wait3A_983 = tpu.memref_slice %arg2[%dma_wait3A_982] : memref<4680xf32, #tpu.memory_space<hbm>> -> memref<65xf32, #tpu.memory_space<hbm>>
    %dma_wait3A_984 = arith.constant 0 : i32
    %dma_wait3A_985 = tpu.memref_slice %arg11[%dma_wait3A_978, %dma_wait3A_984] : memref<65x65xf32, #tpu.memory_space<vmem>> -> memref<1x65xf32, #tpu.memory_space<vmem>>
    %dma_wait3A_986 = tpu.memref_squeeze %dma_wait3A_985 : memref<1x65xf32, #tpu.memory_space<vmem>> -> memref<65xf32, #tpu.memory_space<vmem>>
    %dma_wait3A_987 = arith.constant 1656 : i32
    %dma_wait3A_988 = tpu.memref_slice %arg2[%dma_wait3A_987] : memref<4680xf32, #tpu.memory_space<hbm>> -> memref<65xf32, #tpu.memory_space<hbm>>
    tpu.wait_dma2 semaphore(%arg16 : memref<!tpu.dma_semaphore, #tpu.memory_space<semaphore_mem>>) src(%dma_wait3A_988 : memref<65xf32, #tpu.memory_space<hbm>>) dst(%dma_wait3A_986 : memref<65xf32, #tpu.memory_space<vmem>>)
    %dma_wait3A_989 = arith.constant 24 : i32
    %dma_wait3A_990 = arith.constant 0 : i32
    %dma_wait3A_991 = tpu.memref_slice %arg11[%dma_wait3A_989, %dma_wait3A_990] : memref<65x65xf32, #tpu.memory_space<vmem>> -> memref<1x65xf32, #tpu.memory_space<vmem>>
    %dma_wait3A_992 = tpu.memref_squeeze %dma_wait3A_991 : memref<1x65xf32, #tpu.memory_space<vmem>> -> memref<65xf32, #tpu.memory_space<vmem>>
    %dma_wait3A_993 = arith.constant 1728 : i32
    %dma_wait3A_994 = tpu.memref_slice %arg2[%dma_wait3A_993] : memref<4680xf32, #tpu.memory_space<hbm>> -> memref<65xf32, #tpu.memory_space<hbm>>
    %dma_wait3A_995 = arith.constant 0 : i32
    %dma_wait3A_996 = tpu.memref_slice %arg11[%dma_wait3A_989, %dma_wait3A_995] : memref<65x65xf32, #tpu.memory_space<vmem>> -> memref<1x65xf32, #tpu.memory_space<vmem>>
    %dma_wait3A_997 = tpu.memref_squeeze %dma_wait3A_996 : memref<1x65xf32, #tpu.memory_space<vmem>> -> memref<65xf32, #tpu.memory_space<vmem>>
    %dma_wait3A_998 = arith.constant 1728 : i32
    %dma_wait3A_999 = tpu.memref_slice %arg2[%dma_wait3A_998] : memref<4680xf32, #tpu.memory_space<hbm>> -> memref<65xf32, #tpu.memory_space<hbm>>
    tpu.wait_dma2 semaphore(%arg16 : memref<!tpu.dma_semaphore, #tpu.memory_space<semaphore_mem>>) src(%dma_wait3A_999 : memref<65xf32, #tpu.memory_space<hbm>>) dst(%dma_wait3A_997 : memref<65xf32, #tpu.memory_space<vmem>>)
    %dma_wait3A_1000 = arith.constant 25 : i32
    %dma_wait3A_1001 = arith.constant 0 : i32
    %dma_wait3A_1002 = tpu.memref_slice %arg11[%dma_wait3A_1000, %dma_wait3A_1001] : memref<65x65xf32, #tpu.memory_space<vmem>> -> memref<1x65xf32, #tpu.memory_space<vmem>>
    %dma_wait3A_1003 = tpu.memref_squeeze %dma_wait3A_1002 : memref<1x65xf32, #tpu.memory_space<vmem>> -> memref<65xf32, #tpu.memory_space<vmem>>
    %dma_wait3A_1004 = arith.constant 1800 : i32
    %dma_wait3A_1005 = tpu.memref_slice %arg2[%dma_wait3A_1004] : memref<4680xf32, #tpu.memory_space<hbm>> -> memref<65xf32, #tpu.memory_space<hbm>>
    %dma_wait3A_1006 = arith.constant 0 : i32
    %dma_wait3A_1007 = tpu.memref_slice %arg11[%dma_wait3A_1000, %dma_wait3A_1006] : memref<65x65xf32, #tpu.memory_space<vmem>> -> memref<1x65xf32, #tpu.memory_space<vmem>>
    %dma_wait3A_1008 = tpu.memref_squeeze %dma_wait3A_1007 : memref<1x65xf32, #tpu.memory_space<vmem>> -> memref<65xf32, #tpu.memory_space<vmem>>
    %dma_wait3A_1009 = arith.constant 1800 : i32
    %dma_wait3A_1010 = tpu.memref_slice %arg2[%dma_wait3A_1009] : memref<4680xf32, #tpu.memory_space<hbm>> -> memref<65xf32, #tpu.memory_space<hbm>>
    tpu.wait_dma2 semaphore(%arg16 : memref<!tpu.dma_semaphore, #tpu.memory_space<semaphore_mem>>) src(%dma_wait3A_1010 : memref<65xf32, #tpu.memory_space<hbm>>) dst(%dma_wait3A_1008 : memref<65xf32, #tpu.memory_space<vmem>>)
    %dma_wait3A_1011 = arith.constant 26 : i32
    %dma_wait3A_1012 = arith.constant 0 : i32
    %dma_wait3A_1013 = tpu.memref_slice %arg11[%dma_wait3A_1011, %dma_wait3A_1012] : memref<65x65xf32, #tpu.memory_space<vmem>> -> memref<1x65xf32, #tpu.memory_space<vmem>>
    %dma_wait3A_1014 = tpu.memref_squeeze %dma_wait3A_1013 : memref<1x65xf32, #tpu.memory_space<vmem>> -> memref<65xf32, #tpu.memory_space<vmem>>
    %dma_wait3A_1015 = arith.constant 1872 : i32
    %dma_wait3A_1016 = tpu.memref_slice %arg2[%dma_wait3A_1015] : memref<4680xf32, #tpu.memory_space<hbm>> -> memref<65xf32, #tpu.memory_space<hbm>>
    %dma_wait3A_1017 = arith.constant 0 : i32
    %dma_wait3A_1018 = tpu.memref_slice %arg11[%dma_wait3A_1011, %dma_wait3A_1017] : memref<65x65xf32, #tpu.memory_space<vmem>> -> memref<1x65xf32, #tpu.memory_space<vmem>>
    %dma_wait3A_1019 = tpu.memref_squeeze %dma_wait3A_1018 : memref<1x65xf32, #tpu.memory_space<vmem>> -> memref<65xf32, #tpu.memory_space<vmem>>
    %dma_wait3A_1020 = arith.constant 1872 : i32
    %dma_wait3A_1021 = tpu.memref_slice %arg2[%dma_wait3A_1020] : memref<4680xf32, #tpu.memory_space<hbm>> -> memref<65xf32, #tpu.memory_space<hbm>>
    tpu.wait_dma2 semaphore(%arg16 : memref<!tpu.dma_semaphore, #tpu.memory_space<semaphore_mem>>) src(%dma_wait3A_1021 : memref<65xf32, #tpu.memory_space<hbm>>) dst(%dma_wait3A_1019 : memref<65xf32, #tpu.memory_space<vmem>>)
    %dma_wait3A_1022 = arith.constant 27 : i32
    %dma_wait3A_1023 = arith.constant 0 : i32
    %dma_wait3A_1024 = tpu.memref_slice %arg11[%dma_wait3A_1022, %dma_wait3A_1023] : memref<65x65xf32, #tpu.memory_space<vmem>> -> memref<1x65xf32, #tpu.memory_space<vmem>>
    %dma_wait3A_1025 = tpu.memref_squeeze %dma_wait3A_1024 : memref<1x65xf32, #tpu.memory_space<vmem>> -> memref<65xf32, #tpu.memory_space<vmem>>
    %dma_wait3A_1026 = arith.constant 1944 : i32
    %dma_wait3A_1027 = tpu.memref_slice %arg2[%dma_wait3A_1026] : memref<4680xf32, #tpu.memory_space<hbm>> -> memref<65xf32, #tpu.memory_space<hbm>>
    %dma_wait3A_1028 = arith.constant 0 : i32
    %dma_wait3A_1029 = tpu.memref_slice %arg11[%dma_wait3A_1022, %dma_wait3A_1028] : memref<65x65xf32, #tpu.memory_space<vmem>> -> memref<1x65xf32, #tpu.memory_space<vmem>>
    %dma_wait3A_1030 = tpu.memref_squeeze %dma_wait3A_1029 : memref<1x65xf32, #tpu.memory_space<vmem>> -> memref<65xf32, #tpu.memory_space<vmem>>
    %dma_wait3A_1031 = arith.constant 1944 : i32
    %dma_wait3A_1032 = tpu.memref_slice %arg2[%dma_wait3A_1031] : memref<4680xf32, #tpu.memory_space<hbm>> -> memref<65xf32, #tpu.memory_space<hbm>>
    tpu.wait_dma2 semaphore(%arg16 : memref<!tpu.dma_semaphore, #tpu.memory_space<semaphore_mem>>) src(%dma_wait3A_1032 : memref<65xf32, #tpu.memory_space<hbm>>) dst(%dma_wait3A_1030 : memref<65xf32, #tpu.memory_space<vmem>>)
    %dma_wait3A_1033 = arith.constant 28 : i32
    %dma_wait3A_1034 = arith.constant 0 : i32
    %dma_wait3A_1035 = tpu.memref_slice %arg11[%dma_wait3A_1033, %dma_wait3A_1034] : memref<65x65xf32, #tpu.memory_space<vmem>> -> memref<1x65xf32, #tpu.memory_space<vmem>>
    %dma_wait3A_1036 = tpu.memref_squeeze %dma_wait3A_1035 : memref<1x65xf32, #tpu.memory_space<vmem>> -> memref<65xf32, #tpu.memory_space<vmem>>
    %dma_wait3A_1037 = arith.constant 2016 : i32
    %dma_wait3A_1038 = tpu.memref_slice %arg2[%dma_wait3A_1037] : memref<4680xf32, #tpu.memory_space<hbm>> -> memref<65xf32, #tpu.memory_space<hbm>>
    %dma_wait3A_1039 = arith.constant 0 : i32
    %dma_wait3A_1040 = tpu.memref_slice %arg11[%dma_wait3A_1033, %dma_wait3A_1039] : memref<65x65xf32, #tpu.memory_space<vmem>> -> memref<1x65xf32, #tpu.memory_space<vmem>>
    %dma_wait3A_1041 = tpu.memref_squeeze %dma_wait3A_1040 : memref<1x65xf32, #tpu.memory_space<vmem>> -> memref<65xf32, #tpu.memory_space<vmem>>
    %dma_wait3A_1042 = arith.constant 2016 : i32
    %dma_wait3A_1043 = tpu.memref_slice %arg2[%dma_wait3A_1042] : memref<4680xf32, #tpu.memory_space<hbm>> -> memref<65xf32, #tpu.memory_space<hbm>>
    tpu.wait_dma2 semaphore(%arg16 : memref<!tpu.dma_semaphore, #tpu.memory_space<semaphore_mem>>) src(%dma_wait3A_1043 : memref<65xf32, #tpu.memory_space<hbm>>) dst(%dma_wait3A_1041 : memref<65xf32, #tpu.memory_space<vmem>>)
    %dma_wait3A_1044 = arith.constant 29 : i32
    %dma_wait3A_1045 = arith.constant 0 : i32
    %dma_wait3A_1046 = tpu.memref_slice %arg11[%dma_wait3A_1044, %dma_wait3A_1045] : memref<65x65xf32, #tpu.memory_space<vmem>> -> memref<1x65xf32, #tpu.memory_space<vmem>>
    %dma_wait3A_1047 = tpu.memref_squeeze %dma_wait3A_1046 : memref<1x65xf32, #tpu.memory_space<vmem>> -> memref<65xf32, #tpu.memory_space<vmem>>
    %dma_wait3A_1048 = arith.constant 2088 : i32
    %dma_wait3A_1049 = tpu.memref_slice %arg2[%dma_wait3A_1048] : memref<4680xf32, #tpu.memory_space<hbm>> -> memref<65xf32, #tpu.memory_space<hbm>>
    %dma_wait3A_1050 = arith.constant 0 : i32
    %dma_wait3A_1051 = tpu.memref_slice %arg11[%dma_wait3A_1044, %dma_wait3A_1050] : memref<65x65xf32, #tpu.memory_space<vmem>> -> memref<1x65xf32, #tpu.memory_space<vmem>>
    %dma_wait3A_1052 = tpu.memref_squeeze %dma_wait3A_1051 : memref<1x65xf32, #tpu.memory_space<vmem>> -> memref<65xf32, #tpu.memory_space<vmem>>
    %dma_wait3A_1053 = arith.constant 2088 : i32
    %dma_wait3A_1054 = tpu.memref_slice %arg2[%dma_wait3A_1053] : memref<4680xf32, #tpu.memory_space<hbm>> -> memref<65xf32, #tpu.memory_space<hbm>>
    tpu.wait_dma2 semaphore(%arg16 : memref<!tpu.dma_semaphore, #tpu.memory_space<semaphore_mem>>) src(%dma_wait3A_1054 : memref<65xf32, #tpu.memory_space<hbm>>) dst(%dma_wait3A_1052 : memref<65xf32, #tpu.memory_space<vmem>>)
    %dma_wait3A_1055 = arith.constant 30 : i32
    %dma_wait3A_1056 = arith.constant 0 : i32
    %dma_wait3A_1057 = tpu.memref_slice %arg11[%dma_wait3A_1055, %dma_wait3A_1056] : memref<65x65xf32, #tpu.memory_space<vmem>> -> memref<1x65xf32, #tpu.memory_space<vmem>>
    %dma_wait3A_1058 = tpu.memref_squeeze %dma_wait3A_1057 : memref<1x65xf32, #tpu.memory_space<vmem>> -> memref<65xf32, #tpu.memory_space<vmem>>
    %dma_wait3A_1059 = arith.constant 2160 : i32
    %dma_wait3A_1060 = tpu.memref_slice %arg2[%dma_wait3A_1059] : memref<4680xf32, #tpu.memory_space<hbm>> -> memref<65xf32, #tpu.memory_space<hbm>>
    %dma_wait3A_1061 = arith.constant 0 : i32
    %dma_wait3A_1062 = tpu.memref_slice %arg11[%dma_wait3A_1055, %dma_wait3A_1061] : memref<65x65xf32, #tpu.memory_space<vmem>> -> memref<1x65xf32, #tpu.memory_space<vmem>>
    %dma_wait3A_1063 = tpu.memref_squeeze %dma_wait3A_1062 : memref<1x65xf32, #tpu.memory_space<vmem>> -> memref<65xf32, #tpu.memory_space<vmem>>
    %dma_wait3A_1064 = arith.constant 2160 : i32
    %dma_wait3A_1065 = tpu.memref_slice %arg2[%dma_wait3A_1064] : memref<4680xf32, #tpu.memory_space<hbm>> -> memref<65xf32, #tpu.memory_space<hbm>>
    tpu.wait_dma2 semaphore(%arg16 : memref<!tpu.dma_semaphore, #tpu.memory_space<semaphore_mem>>) src(%dma_wait3A_1065 : memref<65xf32, #tpu.memory_space<hbm>>) dst(%dma_wait3A_1063 : memref<65xf32, #tpu.memory_space<vmem>>)
    %dma_wait3A_1066 = arith.constant 31 : i32
    %dma_wait3A_1067 = arith.constant 0 : i32
    %dma_wait3A_1068 = tpu.memref_slice %arg11[%dma_wait3A_1066, %dma_wait3A_1067] : memref<65x65xf32, #tpu.memory_space<vmem>> -> memref<1x65xf32, #tpu.memory_space<vmem>>
    %dma_wait3A_1069 = tpu.memref_squeeze %dma_wait3A_1068 : memref<1x65xf32, #tpu.memory_space<vmem>> -> memref<65xf32, #tpu.memory_space<vmem>>
    %dma_wait3A_1070 = arith.constant 2232 : i32
    %dma_wait3A_1071 = tpu.memref_slice %arg2[%dma_wait3A_1070] : memref<4680xf32, #tpu.memory_space<hbm>> -> memref<65xf32, #tpu.memory_space<hbm>>
    %dma_wait3A_1072 = arith.constant 0 : i32
    %dma_wait3A_1073 = tpu.memref_slice %arg11[%dma_wait3A_1066, %dma_wait3A_1072] : memref<65x65xf32, #tpu.memory_space<vmem>> -> memref<1x65xf32, #tpu.memory_space<vmem>>
    %dma_wait3A_1074 = tpu.memref_squeeze %dma_wait3A_1073 : memref<1x65xf32, #tpu.memory_space<vmem>> -> memref<65xf32, #tpu.memory_space<vmem>>
    %dma_wait3A_1075 = arith.constant 2232 : i32
    %dma_wait3A_1076 = tpu.memref_slice %arg2[%dma_wait3A_1075] : memref<4680xf32, #tpu.memory_space<hbm>> -> memref<65xf32, #tpu.memory_space<hbm>>
    tpu.wait_dma2 semaphore(%arg16 : memref<!tpu.dma_semaphore, #tpu.memory_space<semaphore_mem>>) src(%dma_wait3A_1076 : memref<65xf32, #tpu.memory_space<hbm>>) dst(%dma_wait3A_1074 : memref<65xf32, #tpu.memory_space<vmem>>)
    %dma_wait3A_1077 = arith.constant 32 : i32
    %dma_wait3A_1078 = arith.constant 0 : i32
    %dma_wait3A_1079 = tpu.memref_slice %arg11[%dma_wait3A_1077, %dma_wait3A_1078] : memref<65x65xf32, #tpu.memory_space<vmem>> -> memref<1x65xf32, #tpu.memory_space<vmem>>
    %dma_wait3A_1080 = tpu.memref_squeeze %dma_wait3A_1079 : memref<1x65xf32, #tpu.memory_space<vmem>> -> memref<65xf32, #tpu.memory_space<vmem>>
    %dma_wait3A_1081 = arith.constant 2304 : i32
    %dma_wait3A_1082 = tpu.memref_slice %arg2[%dma_wait3A_1081] : memref<4680xf32, #tpu.memory_space<hbm>> -> memref<65xf32, #tpu.memory_space<hbm>>
    %dma_wait3A_1083 = arith.constant 0 : i32
    %dma_wait3A_1084 = tpu.memref_slice %arg11[%dma_wait3A_1077, %dma_wait3A_1083] : memref<65x65xf32, #tpu.memory_space<vmem>> -> memref<1x65xf32, #tpu.memory_space<vmem>>
    %dma_wait3A_1085 = tpu.memref_squeeze %dma_wait3A_1084 : memref<1x65xf32, #tpu.memory_space<vmem>> -> memref<65xf32, #tpu.memory_space<vmem>>
    %dma_wait3A_1086 = arith.constant 2304 : i32
    %dma_wait3A_1087 = tpu.memref_slice %arg2[%dma_wait3A_1086] : memref<4680xf32, #tpu.memory_space<hbm>> -> memref<65xf32, #tpu.memory_space<hbm>>
    tpu.wait_dma2 semaphore(%arg16 : memref<!tpu.dma_semaphore, #tpu.memory_space<semaphore_mem>>) src(%dma_wait3A_1087 : memref<65xf32, #tpu.memory_space<hbm>>) dst(%dma_wait3A_1085 : memref<65xf32, #tpu.memory_space<vmem>>)
    %dma_wait3A_1088 = arith.constant 33 : i32
    %dma_wait3A_1089 = arith.constant 0 : i32
    %dma_wait3A_1090 = tpu.memref_slice %arg11[%dma_wait3A_1088, %dma_wait3A_1089] : memref<65x65xf32, #tpu.memory_space<vmem>> -> memref<1x65xf32, #tpu.memory_space<vmem>>
    %dma_wait3A_1091 = tpu.memref_squeeze %dma_wait3A_1090 : memref<1x65xf32, #tpu.memory_space<vmem>> -> memref<65xf32, #tpu.memory_space<vmem>>
    %dma_wait3A_1092 = arith.constant 2376 : i32
    %dma_wait3A_1093 = tpu.memref_slice %arg2[%dma_wait3A_1092] : memref<4680xf32, #tpu.memory_space<hbm>> -> memref<65xf32, #tpu.memory_space<hbm>>
    %dma_wait3A_1094 = arith.constant 0 : i32
    %dma_wait3A_1095 = tpu.memref_slice %arg11[%dma_wait3A_1088, %dma_wait3A_1094] : memref<65x65xf32, #tpu.memory_space<vmem>> -> memref<1x65xf32, #tpu.memory_space<vmem>>
    %dma_wait3A_1096 = tpu.memref_squeeze %dma_wait3A_1095 : memref<1x65xf32, #tpu.memory_space<vmem>> -> memref<65xf32, #tpu.memory_space<vmem>>
    %dma_wait3A_1097 = arith.constant 2376 : i32
    %dma_wait3A_1098 = tpu.memref_slice %arg2[%dma_wait3A_1097] : memref<4680xf32, #tpu.memory_space<hbm>> -> memref<65xf32, #tpu.memory_space<hbm>>
    tpu.wait_dma2 semaphore(%arg16 : memref<!tpu.dma_semaphore, #tpu.memory_space<semaphore_mem>>) src(%dma_wait3A_1098 : memref<65xf32, #tpu.memory_space<hbm>>) dst(%dma_wait3A_1096 : memref<65xf32, #tpu.memory_space<vmem>>)
    %dma_wait3A_1099 = arith.constant 34 : i32
    %dma_wait3A_1100 = arith.constant 0 : i32
    %dma_wait3A_1101 = tpu.memref_slice %arg11[%dma_wait3A_1099, %dma_wait3A_1100] : memref<65x65xf32, #tpu.memory_space<vmem>> -> memref<1x65xf32, #tpu.memory_space<vmem>>
    %dma_wait3A_1102 = tpu.memref_squeeze %dma_wait3A_1101 : memref<1x65xf32, #tpu.memory_space<vmem>> -> memref<65xf32, #tpu.memory_space<vmem>>
    %dma_wait3A_1103 = arith.constant 2448 : i32
    %dma_wait3A_1104 = tpu.memref_slice %arg2[%dma_wait3A_1103] : memref<4680xf32, #tpu.memory_space<hbm>> -> memref<65xf32, #tpu.memory_space<hbm>>
    %dma_wait3A_1105 = arith.constant 0 : i32
    %dma_wait3A_1106 = tpu.memref_slice %arg11[%dma_wait3A_1099, %dma_wait3A_1105] : memref<65x65xf32, #tpu.memory_space<vmem>> -> memref<1x65xf32, #tpu.memory_space<vmem>>
    %dma_wait3A_1107 = tpu.memref_squeeze %dma_wait3A_1106 : memref<1x65xf32, #tpu.memory_space<vmem>> -> memref<65xf32, #tpu.memory_space<vmem>>
    %dma_wait3A_1108 = arith.constant 2448 : i32
    %dma_wait3A_1109 = tpu.memref_slice %arg2[%dma_wait3A_1108] : memref<4680xf32, #tpu.memory_space<hbm>> -> memref<65xf32, #tpu.memory_space<hbm>>
    tpu.wait_dma2 semaphore(%arg16 : memref<!tpu.dma_semaphore, #tpu.memory_space<semaphore_mem>>) src(%dma_wait3A_1109 : memref<65xf32, #tpu.memory_space<hbm>>) dst(%dma_wait3A_1107 : memref<65xf32, #tpu.memory_space<vmem>>)
    %dma_wait3A_1110 = arith.constant 35 : i32
    %dma_wait3A_1111 = arith.constant 0 : i32
    %dma_wait3A_1112 = tpu.memref_slice %arg11[%dma_wait3A_1110, %dma_wait3A_1111] : memref<65x65xf32, #tpu.memory_space<vmem>> -> memref<1x65xf32, #tpu.memory_space<vmem>>
    %dma_wait3A_1113 = tpu.memref_squeeze %dma_wait3A_1112 : memref<1x65xf32, #tpu.memory_space<vmem>> -> memref<65xf32, #tpu.memory_space<vmem>>
    %dma_wait3A_1114 = arith.constant 2520 : i32
    %dma_wait3A_1115 = tpu.memref_slice %arg2[%dma_wait3A_1114] : memref<4680xf32, #tpu.memory_space<hbm>> -> memref<65xf32, #tpu.memory_space<hbm>>
    %dma_wait3A_1116 = arith.constant 0 : i32
    %dma_wait3A_1117 = tpu.memref_slice %arg11[%dma_wait3A_1110, %dma_wait3A_1116] : memref<65x65xf32, #tpu.memory_space<vmem>> -> memref<1x65xf32, #tpu.memory_space<vmem>>
    %dma_wait3A_1118 = tpu.memref_squeeze %dma_wait3A_1117 : memref<1x65xf32, #tpu.memory_space<vmem>> -> memref<65xf32, #tpu.memory_space<vmem>>
    %dma_wait3A_1119 = arith.constant 2520 : i32
    %dma_wait3A_1120 = tpu.memref_slice %arg2[%dma_wait3A_1119] : memref<4680xf32, #tpu.memory_space<hbm>> -> memref<65xf32, #tpu.memory_space<hbm>>
    tpu.wait_dma2 semaphore(%arg16 : memref<!tpu.dma_semaphore, #tpu.memory_space<semaphore_mem>>) src(%dma_wait3A_1120 : memref<65xf32, #tpu.memory_space<hbm>>) dst(%dma_wait3A_1118 : memref<65xf32, #tpu.memory_space<vmem>>)
    %dma_wait3A_1121 = arith.constant 36 : i32
    %dma_wait3A_1122 = arith.constant 0 : i32
    %dma_wait3A_1123 = tpu.memref_slice %arg11[%dma_wait3A_1121, %dma_wait3A_1122] : memref<65x65xf32, #tpu.memory_space<vmem>> -> memref<1x65xf32, #tpu.memory_space<vmem>>
    %dma_wait3A_1124 = tpu.memref_squeeze %dma_wait3A_1123 : memref<1x65xf32, #tpu.memory_space<vmem>> -> memref<65xf32, #tpu.memory_space<vmem>>
    %dma_wait3A_1125 = arith.constant 2592 : i32
    %dma_wait3A_1126 = tpu.memref_slice %arg2[%dma_wait3A_1125] : memref<4680xf32, #tpu.memory_space<hbm>> -> memref<65xf32, #tpu.memory_space<hbm>>
    %dma_wait3A_1127 = arith.constant 0 : i32
    %dma_wait3A_1128 = tpu.memref_slice %arg11[%dma_wait3A_1121, %dma_wait3A_1127] : memref<65x65xf32, #tpu.memory_space<vmem>> -> memref<1x65xf32, #tpu.memory_space<vmem>>
    %dma_wait3A_1129 = tpu.memref_squeeze %dma_wait3A_1128 : memref<1x65xf32, #tpu.memory_space<vmem>> -> memref<65xf32, #tpu.memory_space<vmem>>
    %dma_wait3A_1130 = arith.constant 2592 : i32
    %dma_wait3A_1131 = tpu.memref_slice %arg2[%dma_wait3A_1130] : memref<4680xf32, #tpu.memory_space<hbm>> -> memref<65xf32, #tpu.memory_space<hbm>>
    tpu.wait_dma2 semaphore(%arg16 : memref<!tpu.dma_semaphore, #tpu.memory_space<semaphore_mem>>) src(%dma_wait3A_1131 : memref<65xf32, #tpu.memory_space<hbm>>) dst(%dma_wait3A_1129 : memref<65xf32, #tpu.memory_space<vmem>>)
    %dma_wait3A_1132 = arith.constant 37 : i32
    %dma_wait3A_1133 = arith.constant 0 : i32
    %dma_wait3A_1134 = tpu.memref_slice %arg11[%dma_wait3A_1132, %dma_wait3A_1133] : memref<65x65xf32, #tpu.memory_space<vmem>> -> memref<1x65xf32, #tpu.memory_space<vmem>>
    %dma_wait3A_1135 = tpu.memref_squeeze %dma_wait3A_1134 : memref<1x65xf32, #tpu.memory_space<vmem>> -> memref<65xf32, #tpu.memory_space<vmem>>
    %dma_wait3A_1136 = arith.constant 2664 : i32
    %dma_wait3A_1137 = tpu.memref_slice %arg2[%dma_wait3A_1136] : memref<4680xf32, #tpu.memory_space<hbm>> -> memref<65xf32, #tpu.memory_space<hbm>>
    %dma_wait3A_1138 = arith.constant 0 : i32
    %dma_wait3A_1139 = tpu.memref_slice %arg11[%dma_wait3A_1132, %dma_wait3A_1138] : memref<65x65xf32, #tpu.memory_space<vmem>> -> memref<1x65xf32, #tpu.memory_space<vmem>>
    %dma_wait3A_1140 = tpu.memref_squeeze %dma_wait3A_1139 : memref<1x65xf32, #tpu.memory_space<vmem>> -> memref<65xf32, #tpu.memory_space<vmem>>
    %dma_wait3A_1141 = arith.constant 2664 : i32
    %dma_wait3A_1142 = tpu.memref_slice %arg2[%dma_wait3A_1141] : memref<4680xf32, #tpu.memory_space<hbm>> -> memref<65xf32, #tpu.memory_space<hbm>>
    tpu.wait_dma2 semaphore(%arg16 : memref<!tpu.dma_semaphore, #tpu.memory_space<semaphore_mem>>) src(%dma_wait3A_1142 : memref<65xf32, #tpu.memory_space<hbm>>) dst(%dma_wait3A_1140 : memref<65xf32, #tpu.memory_space<vmem>>)
    %dma_wait3A_1143 = arith.constant 38 : i32
    %dma_wait3A_1144 = arith.constant 0 : i32
    %dma_wait3A_1145 = tpu.memref_slice %arg11[%dma_wait3A_1143, %dma_wait3A_1144] : memref<65x65xf32, #tpu.memory_space<vmem>> -> memref<1x65xf32, #tpu.memory_space<vmem>>
    %dma_wait3A_1146 = tpu.memref_squeeze %dma_wait3A_1145 : memref<1x65xf32, #tpu.memory_space<vmem>> -> memref<65xf32, #tpu.memory_space<vmem>>
    %dma_wait3A_1147 = arith.constant 2736 : i32
    %dma_wait3A_1148 = tpu.memref_slice %arg2[%dma_wait3A_1147] : memref<4680xf32, #tpu.memory_space<hbm>> -> memref<65xf32, #tpu.memory_space<hbm>>
    %dma_wait3A_1149 = arith.constant 0 : i32
    %dma_wait3A_1150 = tpu.memref_slice %arg11[%dma_wait3A_1143, %dma_wait3A_1149] : memref<65x65xf32, #tpu.memory_space<vmem>> -> memref<1x65xf32, #tpu.memory_space<vmem>>
    %dma_wait3A_1151 = tpu.memref_squeeze %dma_wait3A_1150 : memref<1x65xf32, #tpu.memory_space<vmem>> -> memref<65xf32, #tpu.memory_space<vmem>>
    %dma_wait3A_1152 = arith.constant 2736 : i32
    %dma_wait3A_1153 = tpu.memref_slice %arg2[%dma_wait3A_1152] : memref<4680xf32, #tpu.memory_space<hbm>> -> memref<65xf32, #tpu.memory_space<hbm>>
    tpu.wait_dma2 semaphore(%arg16 : memref<!tpu.dma_semaphore, #tpu.memory_space<semaphore_mem>>) src(%dma_wait3A_1153 : memref<65xf32, #tpu.memory_space<hbm>>) dst(%dma_wait3A_1151 : memref<65xf32, #tpu.memory_space<vmem>>)
    %dma_wait3A_1154 = arith.constant 39 : i32
    %dma_wait3A_1155 = arith.constant 0 : i32
    %dma_wait3A_1156 = tpu.memref_slice %arg11[%dma_wait3A_1154, %dma_wait3A_1155] : memref<65x65xf32, #tpu.memory_space<vmem>> -> memref<1x65xf32, #tpu.memory_space<vmem>>
    %dma_wait3A_1157 = tpu.memref_squeeze %dma_wait3A_1156 : memref<1x65xf32, #tpu.memory_space<vmem>> -> memref<65xf32, #tpu.memory_space<vmem>>
    %dma_wait3A_1158 = arith.constant 2808 : i32
    %dma_wait3A_1159 = tpu.memref_slice %arg2[%dma_wait3A_1158] : memref<4680xf32, #tpu.memory_space<hbm>> -> memref<65xf32, #tpu.memory_space<hbm>>
    %dma_wait3A_1160 = arith.constant 0 : i32
    %dma_wait3A_1161 = tpu.memref_slice %arg11[%dma_wait3A_1154, %dma_wait3A_1160] : memref<65x65xf32, #tpu.memory_space<vmem>> -> memref<1x65xf32, #tpu.memory_space<vmem>>
    %dma_wait3A_1162 = tpu.memref_squeeze %dma_wait3A_1161 : memref<1x65xf32, #tpu.memory_space<vmem>> -> memref<65xf32, #tpu.memory_space<vmem>>
    %dma_wait3A_1163 = arith.constant 2808 : i32
    %dma_wait3A_1164 = tpu.memref_slice %arg2[%dma_wait3A_1163] : memref<4680xf32, #tpu.memory_space<hbm>> -> memref<65xf32, #tpu.memory_space<hbm>>
    tpu.wait_dma2 semaphore(%arg16 : memref<!tpu.dma_semaphore, #tpu.memory_space<semaphore_mem>>) src(%dma_wait3A_1164 : memref<65xf32, #tpu.memory_space<hbm>>) dst(%dma_wait3A_1162 : memref<65xf32, #tpu.memory_space<vmem>>)
    %dma_wait3A_1165 = arith.constant 40 : i32
    %dma_wait3A_1166 = arith.constant 0 : i32
    %dma_wait3A_1167 = tpu.memref_slice %arg11[%dma_wait3A_1165, %dma_wait3A_1166] : memref<65x65xf32, #tpu.memory_space<vmem>> -> memref<1x65xf32, #tpu.memory_space<vmem>>
    %dma_wait3A_1168 = tpu.memref_squeeze %dma_wait3A_1167 : memref<1x65xf32, #tpu.memory_space<vmem>> -> memref<65xf32, #tpu.memory_space<vmem>>
    %dma_wait3A_1169 = arith.constant 2880 : i32
    %dma_wait3A_1170 = tpu.memref_slice %arg2[%dma_wait3A_1169] : memref<4680xf32, #tpu.memory_space<hbm>> -> memref<65xf32, #tpu.memory_space<hbm>>
    %dma_wait3A_1171 = arith.constant 0 : i32
    %dma_wait3A_1172 = tpu.memref_slice %arg11[%dma_wait3A_1165, %dma_wait3A_1171] : memref<65x65xf32, #tpu.memory_space<vmem>> -> memref<1x65xf32, #tpu.memory_space<vmem>>
    %dma_wait3A_1173 = tpu.memref_squeeze %dma_wait3A_1172 : memref<1x65xf32, #tpu.memory_space<vmem>> -> memref<65xf32, #tpu.memory_space<vmem>>
    %dma_wait3A_1174 = arith.constant 2880 : i32
    %dma_wait3A_1175 = tpu.memref_slice %arg2[%dma_wait3A_1174] : memref<4680xf32, #tpu.memory_space<hbm>> -> memref<65xf32, #tpu.memory_space<hbm>>
    tpu.wait_dma2 semaphore(%arg16 : memref<!tpu.dma_semaphore, #tpu.memory_space<semaphore_mem>>) src(%dma_wait3A_1175 : memref<65xf32, #tpu.memory_space<hbm>>) dst(%dma_wait3A_1173 : memref<65xf32, #tpu.memory_space<vmem>>)
    %dma_wait3A_1176 = arith.constant 41 : i32
    %dma_wait3A_1177 = arith.constant 0 : i32
    %dma_wait3A_1178 = tpu.memref_slice %arg11[%dma_wait3A_1176, %dma_wait3A_1177] : memref<65x65xf32, #tpu.memory_space<vmem>> -> memref<1x65xf32, #tpu.memory_space<vmem>>
    %dma_wait3A_1179 = tpu.memref_squeeze %dma_wait3A_1178 : memref<1x65xf32, #tpu.memory_space<vmem>> -> memref<65xf32, #tpu.memory_space<vmem>>
    %dma_wait3A_1180 = arith.constant 2952 : i32
    %dma_wait3A_1181 = tpu.memref_slice %arg2[%dma_wait3A_1180] : memref<4680xf32, #tpu.memory_space<hbm>> -> memref<65xf32, #tpu.memory_space<hbm>>
    %dma_wait3A_1182 = arith.constant 0 : i32
    %dma_wait3A_1183 = tpu.memref_slice %arg11[%dma_wait3A_1176, %dma_wait3A_1182] : memref<65x65xf32, #tpu.memory_space<vmem>> -> memref<1x65xf32, #tpu.memory_space<vmem>>
    %dma_wait3A_1184 = tpu.memref_squeeze %dma_wait3A_1183 : memref<1x65xf32, #tpu.memory_space<vmem>> -> memref<65xf32, #tpu.memory_space<vmem>>
    %dma_wait3A_1185 = arith.constant 2952 : i32
    %dma_wait3A_1186 = tpu.memref_slice %arg2[%dma_wait3A_1185] : memref<4680xf32, #tpu.memory_space<hbm>> -> memref<65xf32, #tpu.memory_space<hbm>>
    tpu.wait_dma2 semaphore(%arg16 : memref<!tpu.dma_semaphore, #tpu.memory_space<semaphore_mem>>) src(%dma_wait3A_1186 : memref<65xf32, #tpu.memory_space<hbm>>) dst(%dma_wait3A_1184 : memref<65xf32, #tpu.memory_space<vmem>>)
    %dma_wait3A_1187 = arith.constant 42 : i32
    %dma_wait3A_1188 = arith.constant 0 : i32
    %dma_wait3A_1189 = tpu.memref_slice %arg11[%dma_wait3A_1187, %dma_wait3A_1188] : memref<65x65xf32, #tpu.memory_space<vmem>> -> memref<1x65xf32, #tpu.memory_space<vmem>>
    %dma_wait3A_1190 = tpu.memref_squeeze %dma_wait3A_1189 : memref<1x65xf32, #tpu.memory_space<vmem>> -> memref<65xf32, #tpu.memory_space<vmem>>
    %dma_wait3A_1191 = arith.constant 3024 : i32
    %dma_wait3A_1192 = tpu.memref_slice %arg2[%dma_wait3A_1191] : memref<4680xf32, #tpu.memory_space<hbm>> -> memref<65xf32, #tpu.memory_space<hbm>>
    %dma_wait3A_1193 = arith.constant 0 : i32
    %dma_wait3A_1194 = tpu.memref_slice %arg11[%dma_wait3A_1187, %dma_wait3A_1193] : memref<65x65xf32, #tpu.memory_space<vmem>> -> memref<1x65xf32, #tpu.memory_space<vmem>>
    %dma_wait3A_1195 = tpu.memref_squeeze %dma_wait3A_1194 : memref<1x65xf32, #tpu.memory_space<vmem>> -> memref<65xf32, #tpu.memory_space<vmem>>
    %dma_wait3A_1196 = arith.constant 3024 : i32
    %dma_wait3A_1197 = tpu.memref_slice %arg2[%dma_wait3A_1196] : memref<4680xf32, #tpu.memory_space<hbm>> -> memref<65xf32, #tpu.memory_space<hbm>>
    tpu.wait_dma2 semaphore(%arg16 : memref<!tpu.dma_semaphore, #tpu.memory_space<semaphore_mem>>) src(%dma_wait3A_1197 : memref<65xf32, #tpu.memory_space<hbm>>) dst(%dma_wait3A_1195 : memref<65xf32, #tpu.memory_space<vmem>>)
    %dma_wait3A_1198 = arith.constant 43 : i32
    %dma_wait3A_1199 = arith.constant 0 : i32
    %dma_wait3A_1200 = tpu.memref_slice %arg11[%dma_wait3A_1198, %dma_wait3A_1199] : memref<65x65xf32, #tpu.memory_space<vmem>> -> memref<1x65xf32, #tpu.memory_space<vmem>>
    %dma_wait3A_1201 = tpu.memref_squeeze %dma_wait3A_1200 : memref<1x65xf32, #tpu.memory_space<vmem>> -> memref<65xf32, #tpu.memory_space<vmem>>
    %dma_wait3A_1202 = arith.constant 3096 : i32
    %dma_wait3A_1203 = tpu.memref_slice %arg2[%dma_wait3A_1202] : memref<4680xf32, #tpu.memory_space<hbm>> -> memref<65xf32, #tpu.memory_space<hbm>>
    %dma_wait3A_1204 = arith.constant 0 : i32
    %dma_wait3A_1205 = tpu.memref_slice %arg11[%dma_wait3A_1198, %dma_wait3A_1204] : memref<65x65xf32, #tpu.memory_space<vmem>> -> memref<1x65xf32, #tpu.memory_space<vmem>>
    %dma_wait3A_1206 = tpu.memref_squeeze %dma_wait3A_1205 : memref<1x65xf32, #tpu.memory_space<vmem>> -> memref<65xf32, #tpu.memory_space<vmem>>
    %dma_wait3A_1207 = arith.constant 3096 : i32
    %dma_wait3A_1208 = tpu.memref_slice %arg2[%dma_wait3A_1207] : memref<4680xf32, #tpu.memory_space<hbm>> -> memref<65xf32, #tpu.memory_space<hbm>>
    tpu.wait_dma2 semaphore(%arg16 : memref<!tpu.dma_semaphore, #tpu.memory_space<semaphore_mem>>) src(%dma_wait3A_1208 : memref<65xf32, #tpu.memory_space<hbm>>) dst(%dma_wait3A_1206 : memref<65xf32, #tpu.memory_space<vmem>>)
    %dma_wait3A_1209 = arith.constant 44 : i32
    %dma_wait3A_1210 = arith.constant 0 : i32
    %dma_wait3A_1211 = tpu.memref_slice %arg11[%dma_wait3A_1209, %dma_wait3A_1210] : memref<65x65xf32, #tpu.memory_space<vmem>> -> memref<1x65xf32, #tpu.memory_space<vmem>>
    %dma_wait3A_1212 = tpu.memref_squeeze %dma_wait3A_1211 : memref<1x65xf32, #tpu.memory_space<vmem>> -> memref<65xf32, #tpu.memory_space<vmem>>
    %dma_wait3A_1213 = arith.constant 3168 : i32
    %dma_wait3A_1214 = tpu.memref_slice %arg2[%dma_wait3A_1213] : memref<4680xf32, #tpu.memory_space<hbm>> -> memref<65xf32, #tpu.memory_space<hbm>>
    %dma_wait3A_1215 = arith.constant 0 : i32
    %dma_wait3A_1216 = tpu.memref_slice %arg11[%dma_wait3A_1209, %dma_wait3A_1215] : memref<65x65xf32, #tpu.memory_space<vmem>> -> memref<1x65xf32, #tpu.memory_space<vmem>>
    %dma_wait3A_1217 = tpu.memref_squeeze %dma_wait3A_1216 : memref<1x65xf32, #tpu.memory_space<vmem>> -> memref<65xf32, #tpu.memory_space<vmem>>
    %dma_wait3A_1218 = arith.constant 3168 : i32
    %dma_wait3A_1219 = tpu.memref_slice %arg2[%dma_wait3A_1218] : memref<4680xf32, #tpu.memory_space<hbm>> -> memref<65xf32, #tpu.memory_space<hbm>>
    tpu.wait_dma2 semaphore(%arg16 : memref<!tpu.dma_semaphore, #tpu.memory_space<semaphore_mem>>) src(%dma_wait3A_1219 : memref<65xf32, #tpu.memory_space<hbm>>) dst(%dma_wait3A_1217 : memref<65xf32, #tpu.memory_space<vmem>>)
    %dma_wait3A_1220 = arith.constant 45 : i32
    %dma_wait3A_1221 = arith.constant 0 : i32
    %dma_wait3A_1222 = tpu.memref_slice %arg11[%dma_wait3A_1220, %dma_wait3A_1221] : memref<65x65xf32, #tpu.memory_space<vmem>> -> memref<1x65xf32, #tpu.memory_space<vmem>>
    %dma_wait3A_1223 = tpu.memref_squeeze %dma_wait3A_1222 : memref<1x65xf32, #tpu.memory_space<vmem>> -> memref<65xf32, #tpu.memory_space<vmem>>
    %dma_wait3A_1224 = arith.constant 3240 : i32
    %dma_wait3A_1225 = tpu.memref_slice %arg2[%dma_wait3A_1224] : memref<4680xf32, #tpu.memory_space<hbm>> -> memref<65xf32, #tpu.memory_space<hbm>>
    %dma_wait3A_1226 = arith.constant 0 : i32
    %dma_wait3A_1227 = tpu.memref_slice %arg11[%dma_wait3A_1220, %dma_wait3A_1226] : memref<65x65xf32, #tpu.memory_space<vmem>> -> memref<1x65xf32, #tpu.memory_space<vmem>>
    %dma_wait3A_1228 = tpu.memref_squeeze %dma_wait3A_1227 : memref<1x65xf32, #tpu.memory_space<vmem>> -> memref<65xf32, #tpu.memory_space<vmem>>
    %dma_wait3A_1229 = arith.constant 3240 : i32
    %dma_wait3A_1230 = tpu.memref_slice %arg2[%dma_wait3A_1229] : memref<4680xf32, #tpu.memory_space<hbm>> -> memref<65xf32, #tpu.memory_space<hbm>>
    tpu.wait_dma2 semaphore(%arg16 : memref<!tpu.dma_semaphore, #tpu.memory_space<semaphore_mem>>) src(%dma_wait3A_1230 : memref<65xf32, #tpu.memory_space<hbm>>) dst(%dma_wait3A_1228 : memref<65xf32, #tpu.memory_space<vmem>>)
    %dma_wait3A_1231 = arith.constant 46 : i32
    %dma_wait3A_1232 = arith.constant 0 : i32
    %dma_wait3A_1233 = tpu.memref_slice %arg11[%dma_wait3A_1231, %dma_wait3A_1232] : memref<65x65xf32, #tpu.memory_space<vmem>> -> memref<1x65xf32, #tpu.memory_space<vmem>>
    %dma_wait3A_1234 = tpu.memref_squeeze %dma_wait3A_1233 : memref<1x65xf32, #tpu.memory_space<vmem>> -> memref<65xf32, #tpu.memory_space<vmem>>
    %dma_wait3A_1235 = arith.constant 3312 : i32
    %dma_wait3A_1236 = tpu.memref_slice %arg2[%dma_wait3A_1235] : memref<4680xf32, #tpu.memory_space<hbm>> -> memref<65xf32, #tpu.memory_space<hbm>>
    %dma_wait3A_1237 = arith.constant 0 : i32
    %dma_wait3A_1238 = tpu.memref_slice %arg11[%dma_wait3A_1231, %dma_wait3A_1237] : memref<65x65xf32, #tpu.memory_space<vmem>> -> memref<1x65xf32, #tpu.memory_space<vmem>>
    %dma_wait3A_1239 = tpu.memref_squeeze %dma_wait3A_1238 : memref<1x65xf32, #tpu.memory_space<vmem>> -> memref<65xf32, #tpu.memory_space<vmem>>
    %dma_wait3A_1240 = arith.constant 3312 : i32
    %dma_wait3A_1241 = tpu.memref_slice %arg2[%dma_wait3A_1240] : memref<4680xf32, #tpu.memory_space<hbm>> -> memref<65xf32, #tpu.memory_space<hbm>>
    tpu.wait_dma2 semaphore(%arg16 : memref<!tpu.dma_semaphore, #tpu.memory_space<semaphore_mem>>) src(%dma_wait3A_1241 : memref<65xf32, #tpu.memory_space<hbm>>) dst(%dma_wait3A_1239 : memref<65xf32, #tpu.memory_space<vmem>>)
    %dma_wait3A_1242 = arith.constant 47 : i32
    %dma_wait3A_1243 = arith.constant 0 : i32
    %dma_wait3A_1244 = tpu.memref_slice %arg11[%dma_wait3A_1242, %dma_wait3A_1243] : memref<65x65xf32, #tpu.memory_space<vmem>> -> memref<1x65xf32, #tpu.memory_space<vmem>>
    %dma_wait3A_1245 = tpu.memref_squeeze %dma_wait3A_1244 : memref<1x65xf32, #tpu.memory_space<vmem>> -> memref<65xf32, #tpu.memory_space<vmem>>
    %dma_wait3A_1246 = arith.constant 3384 : i32
    %dma_wait3A_1247 = tpu.memref_slice %arg2[%dma_wait3A_1246] : memref<4680xf32, #tpu.memory_space<hbm>> -> memref<65xf32, #tpu.memory_space<hbm>>
    %dma_wait3A_1248 = arith.constant 0 : i32
    %dma_wait3A_1249 = tpu.memref_slice %arg11[%dma_wait3A_1242, %dma_wait3A_1248] : memref<65x65xf32, #tpu.memory_space<vmem>> -> memref<1x65xf32, #tpu.memory_space<vmem>>
    %dma_wait3A_1250 = tpu.memref_squeeze %dma_wait3A_1249 : memref<1x65xf32, #tpu.memory_space<vmem>> -> memref<65xf32, #tpu.memory_space<vmem>>
    %dma_wait3A_1251 = arith.constant 3384 : i32
    %dma_wait3A_1252 = tpu.memref_slice %arg2[%dma_wait3A_1251] : memref<4680xf32, #tpu.memory_space<hbm>> -> memref<65xf32, #tpu.memory_space<hbm>>
    tpu.wait_dma2 semaphore(%arg16 : memref<!tpu.dma_semaphore, #tpu.memory_space<semaphore_mem>>) src(%dma_wait3A_1252 : memref<65xf32, #tpu.memory_space<hbm>>) dst(%dma_wait3A_1250 : memref<65xf32, #tpu.memory_space<vmem>>)
    %dma_wait3A_1253 = arith.constant 48 : i32
    %dma_wait3A_1254 = arith.constant 0 : i32
    %dma_wait3A_1255 = tpu.memref_slice %arg11[%dma_wait3A_1253, %dma_wait3A_1254] : memref<65x65xf32, #tpu.memory_space<vmem>> -> memref<1x65xf32, #tpu.memory_space<vmem>>
    %dma_wait3A_1256 = tpu.memref_squeeze %dma_wait3A_1255 : memref<1x65xf32, #tpu.memory_space<vmem>> -> memref<65xf32, #tpu.memory_space<vmem>>
    %dma_wait3A_1257 = arith.constant 3456 : i32
    %dma_wait3A_1258 = tpu.memref_slice %arg2[%dma_wait3A_1257] : memref<4680xf32, #tpu.memory_space<hbm>> -> memref<65xf32, #tpu.memory_space<hbm>>
    %dma_wait3A_1259 = arith.constant 0 : i32
    %dma_wait3A_1260 = tpu.memref_slice %arg11[%dma_wait3A_1253, %dma_wait3A_1259] : memref<65x65xf32, #tpu.memory_space<vmem>> -> memref<1x65xf32, #tpu.memory_space<vmem>>
    %dma_wait3A_1261 = tpu.memref_squeeze %dma_wait3A_1260 : memref<1x65xf32, #tpu.memory_space<vmem>> -> memref<65xf32, #tpu.memory_space<vmem>>
    %dma_wait3A_1262 = arith.constant 3456 : i32
    %dma_wait3A_1263 = tpu.memref_slice %arg2[%dma_wait3A_1262] : memref<4680xf32, #tpu.memory_space<hbm>> -> memref<65xf32, #tpu.memory_space<hbm>>
    tpu.wait_dma2 semaphore(%arg16 : memref<!tpu.dma_semaphore, #tpu.memory_space<semaphore_mem>>) src(%dma_wait3A_1263 : memref<65xf32, #tpu.memory_space<hbm>>) dst(%dma_wait3A_1261 : memref<65xf32, #tpu.memory_space<vmem>>)
    %dma_wait3A_1264 = arith.constant 49 : i32
    %dma_wait3A_1265 = arith.constant 0 : i32
    %dma_wait3A_1266 = tpu.memref_slice %arg11[%dma_wait3A_1264, %dma_wait3A_1265] : memref<65x65xf32, #tpu.memory_space<vmem>> -> memref<1x65xf32, #tpu.memory_space<vmem>>
    %dma_wait3A_1267 = tpu.memref_squeeze %dma_wait3A_1266 : memref<1x65xf32, #tpu.memory_space<vmem>> -> memref<65xf32, #tpu.memory_space<vmem>>
    %dma_wait3A_1268 = arith.constant 3528 : i32
    %dma_wait3A_1269 = tpu.memref_slice %arg2[%dma_wait3A_1268] : memref<4680xf32, #tpu.memory_space<hbm>> -> memref<65xf32, #tpu.memory_space<hbm>>
    %dma_wait3A_1270 = arith.constant 0 : i32
    %dma_wait3A_1271 = tpu.memref_slice %arg11[%dma_wait3A_1264, %dma_wait3A_1270] : memref<65x65xf32, #tpu.memory_space<vmem>> -> memref<1x65xf32, #tpu.memory_space<vmem>>
    %dma_wait3A_1272 = tpu.memref_squeeze %dma_wait3A_1271 : memref<1x65xf32, #tpu.memory_space<vmem>> -> memref<65xf32, #tpu.memory_space<vmem>>
    %dma_wait3A_1273 = arith.constant 3528 : i32
    %dma_wait3A_1274 = tpu.memref_slice %arg2[%dma_wait3A_1273] : memref<4680xf32, #tpu.memory_space<hbm>> -> memref<65xf32, #tpu.memory_space<hbm>>
    tpu.wait_dma2 semaphore(%arg16 : memref<!tpu.dma_semaphore, #tpu.memory_space<semaphore_mem>>) src(%dma_wait3A_1274 : memref<65xf32, #tpu.memory_space<hbm>>) dst(%dma_wait3A_1272 : memref<65xf32, #tpu.memory_space<vmem>>)
    %dma_wait3A_1275 = arith.constant 50 : i32
    %dma_wait3A_1276 = arith.constant 0 : i32
    %dma_wait3A_1277 = tpu.memref_slice %arg11[%dma_wait3A_1275, %dma_wait3A_1276] : memref<65x65xf32, #tpu.memory_space<vmem>> -> memref<1x65xf32, #tpu.memory_space<vmem>>
    %dma_wait3A_1278 = tpu.memref_squeeze %dma_wait3A_1277 : memref<1x65xf32, #tpu.memory_space<vmem>> -> memref<65xf32, #tpu.memory_space<vmem>>
    %dma_wait3A_1279 = arith.constant 3600 : i32
    %dma_wait3A_1280 = tpu.memref_slice %arg2[%dma_wait3A_1279] : memref<4680xf32, #tpu.memory_space<hbm>> -> memref<65xf32, #tpu.memory_space<hbm>>
    %dma_wait3A_1281 = arith.constant 0 : i32
    %dma_wait3A_1282 = tpu.memref_slice %arg11[%dma_wait3A_1275, %dma_wait3A_1281] : memref<65x65xf32, #tpu.memory_space<vmem>> -> memref<1x65xf32, #tpu.memory_space<vmem>>
    %dma_wait3A_1283 = tpu.memref_squeeze %dma_wait3A_1282 : memref<1x65xf32, #tpu.memory_space<vmem>> -> memref<65xf32, #tpu.memory_space<vmem>>
    %dma_wait3A_1284 = arith.constant 3600 : i32
    %dma_wait3A_1285 = tpu.memref_slice %arg2[%dma_wait3A_1284] : memref<4680xf32, #tpu.memory_space<hbm>> -> memref<65xf32, #tpu.memory_space<hbm>>
    tpu.wait_dma2 semaphore(%arg16 : memref<!tpu.dma_semaphore, #tpu.memory_space<semaphore_mem>>) src(%dma_wait3A_1285 : memref<65xf32, #tpu.memory_space<hbm>>) dst(%dma_wait3A_1283 : memref<65xf32, #tpu.memory_space<vmem>>)
    %dma_wait3A_1286 = arith.constant 51 : i32
    %dma_wait3A_1287 = arith.constant 0 : i32
    %dma_wait3A_1288 = tpu.memref_slice %arg11[%dma_wait3A_1286, %dma_wait3A_1287] : memref<65x65xf32, #tpu.memory_space<vmem>> -> memref<1x65xf32, #tpu.memory_space<vmem>>
    %dma_wait3A_1289 = tpu.memref_squeeze %dma_wait3A_1288 : memref<1x65xf32, #tpu.memory_space<vmem>> -> memref<65xf32, #tpu.memory_space<vmem>>
    %dma_wait3A_1290 = arith.constant 3672 : i32
    %dma_wait3A_1291 = tpu.memref_slice %arg2[%dma_wait3A_1290] : memref<4680xf32, #tpu.memory_space<hbm>> -> memref<65xf32, #tpu.memory_space<hbm>>
    %dma_wait3A_1292 = arith.constant 0 : i32
    %dma_wait3A_1293 = tpu.memref_slice %arg11[%dma_wait3A_1286, %dma_wait3A_1292] : memref<65x65xf32, #tpu.memory_space<vmem>> -> memref<1x65xf32, #tpu.memory_space<vmem>>
    %dma_wait3A_1294 = tpu.memref_squeeze %dma_wait3A_1293 : memref<1x65xf32, #tpu.memory_space<vmem>> -> memref<65xf32, #tpu.memory_space<vmem>>
    %dma_wait3A_1295 = arith.constant 3672 : i32
    %dma_wait3A_1296 = tpu.memref_slice %arg2[%dma_wait3A_1295] : memref<4680xf32, #tpu.memory_space<hbm>> -> memref<65xf32, #tpu.memory_space<hbm>>
    tpu.wait_dma2 semaphore(%arg16 : memref<!tpu.dma_semaphore, #tpu.memory_space<semaphore_mem>>) src(%dma_wait3A_1296 : memref<65xf32, #tpu.memory_space<hbm>>) dst(%dma_wait3A_1294 : memref<65xf32, #tpu.memory_space<vmem>>)
    %dma_wait3A_1297 = arith.constant 52 : i32
    %dma_wait3A_1298 = arith.constant 0 : i32
    %dma_wait3A_1299 = tpu.memref_slice %arg11[%dma_wait3A_1297, %dma_wait3A_1298] : memref<65x65xf32, #tpu.memory_space<vmem>> -> memref<1x65xf32, #tpu.memory_space<vmem>>
    %dma_wait3A_1300 = tpu.memref_squeeze %dma_wait3A_1299 : memref<1x65xf32, #tpu.memory_space<vmem>> -> memref<65xf32, #tpu.memory_space<vmem>>
    %dma_wait3A_1301 = arith.constant 3744 : i32
    %dma_wait3A_1302 = tpu.memref_slice %arg2[%dma_wait3A_1301] : memref<4680xf32, #tpu.memory_space<hbm>> -> memref<65xf32, #tpu.memory_space<hbm>>
    %dma_wait3A_1303 = arith.constant 0 : i32
    %dma_wait3A_1304 = tpu.memref_slice %arg11[%dma_wait3A_1297, %dma_wait3A_1303] : memref<65x65xf32, #tpu.memory_space<vmem>> -> memref<1x65xf32, #tpu.memory_space<vmem>>
    %dma_wait3A_1305 = tpu.memref_squeeze %dma_wait3A_1304 : memref<1x65xf32, #tpu.memory_space<vmem>> -> memref<65xf32, #tpu.memory_space<vmem>>
    %dma_wait3A_1306 = arith.constant 3744 : i32
    %dma_wait3A_1307 = tpu.memref_slice %arg2[%dma_wait3A_1306] : memref<4680xf32, #tpu.memory_space<hbm>> -> memref<65xf32, #tpu.memory_space<hbm>>
    tpu.wait_dma2 semaphore(%arg16 : memref<!tpu.dma_semaphore, #tpu.memory_space<semaphore_mem>>) src(%dma_wait3A_1307 : memref<65xf32, #tpu.memory_space<hbm>>) dst(%dma_wait3A_1305 : memref<65xf32, #tpu.memory_space<vmem>>)
    %dma_wait3A_1308 = arith.constant 53 : i32
    %dma_wait3A_1309 = arith.constant 0 : i32
    %dma_wait3A_1310 = tpu.memref_slice %arg11[%dma_wait3A_1308, %dma_wait3A_1309] : memref<65x65xf32, #tpu.memory_space<vmem>> -> memref<1x65xf32, #tpu.memory_space<vmem>>
    %dma_wait3A_1311 = tpu.memref_squeeze %dma_wait3A_1310 : memref<1x65xf32, #tpu.memory_space<vmem>> -> memref<65xf32, #tpu.memory_space<vmem>>
    %dma_wait3A_1312 = arith.constant 3816 : i32
    %dma_wait3A_1313 = tpu.memref_slice %arg2[%dma_wait3A_1312] : memref<4680xf32, #tpu.memory_space<hbm>> -> memref<65xf32, #tpu.memory_space<hbm>>
    %dma_wait3A_1314 = arith.constant 0 : i32
    %dma_wait3A_1315 = tpu.memref_slice %arg11[%dma_wait3A_1308, %dma_wait3A_1314] : memref<65x65xf32, #tpu.memory_space<vmem>> -> memref<1x65xf32, #tpu.memory_space<vmem>>
    %dma_wait3A_1316 = tpu.memref_squeeze %dma_wait3A_1315 : memref<1x65xf32, #tpu.memory_space<vmem>> -> memref<65xf32, #tpu.memory_space<vmem>>
    %dma_wait3A_1317 = arith.constant 3816 : i32
    %dma_wait3A_1318 = tpu.memref_slice %arg2[%dma_wait3A_1317] : memref<4680xf32, #tpu.memory_space<hbm>> -> memref<65xf32, #tpu.memory_space<hbm>>
    tpu.wait_dma2 semaphore(%arg16 : memref<!tpu.dma_semaphore, #tpu.memory_space<semaphore_mem>>) src(%dma_wait3A_1318 : memref<65xf32, #tpu.memory_space<hbm>>) dst(%dma_wait3A_1316 : memref<65xf32, #tpu.memory_space<vmem>>)
    %dma_wait3A_1319 = arith.constant 54 : i32
    %dma_wait3A_1320 = arith.constant 0 : i32
    %dma_wait3A_1321 = tpu.memref_slice %arg11[%dma_wait3A_1319, %dma_wait3A_1320] : memref<65x65xf32, #tpu.memory_space<vmem>> -> memref<1x65xf32, #tpu.memory_space<vmem>>
    %dma_wait3A_1322 = tpu.memref_squeeze %dma_wait3A_1321 : memref<1x65xf32, #tpu.memory_space<vmem>> -> memref<65xf32, #tpu.memory_space<vmem>>
    %dma_wait3A_1323 = arith.constant 3888 : i32
    %dma_wait3A_1324 = tpu.memref_slice %arg2[%dma_wait3A_1323] : memref<4680xf32, #tpu.memory_space<hbm>> -> memref<65xf32, #tpu.memory_space<hbm>>
    %dma_wait3A_1325 = arith.constant 0 : i32
    %dma_wait3A_1326 = tpu.memref_slice %arg11[%dma_wait3A_1319, %dma_wait3A_1325] : memref<65x65xf32, #tpu.memory_space<vmem>> -> memref<1x65xf32, #tpu.memory_space<vmem>>
    %dma_wait3A_1327 = tpu.memref_squeeze %dma_wait3A_1326 : memref<1x65xf32, #tpu.memory_space<vmem>> -> memref<65xf32, #tpu.memory_space<vmem>>
    %dma_wait3A_1328 = arith.constant 3888 : i32
    %dma_wait3A_1329 = tpu.memref_slice %arg2[%dma_wait3A_1328] : memref<4680xf32, #tpu.memory_space<hbm>> -> memref<65xf32, #tpu.memory_space<hbm>>
    tpu.wait_dma2 semaphore(%arg16 : memref<!tpu.dma_semaphore, #tpu.memory_space<semaphore_mem>>) src(%dma_wait3A_1329 : memref<65xf32, #tpu.memory_space<hbm>>) dst(%dma_wait3A_1327 : memref<65xf32, #tpu.memory_space<vmem>>)
    %dma_wait3A_1330 = arith.constant 55 : i32
    %dma_wait3A_1331 = arith.constant 0 : i32
    %dma_wait3A_1332 = tpu.memref_slice %arg11[%dma_wait3A_1330, %dma_wait3A_1331] : memref<65x65xf32, #tpu.memory_space<vmem>> -> memref<1x65xf32, #tpu.memory_space<vmem>>
    %dma_wait3A_1333 = tpu.memref_squeeze %dma_wait3A_1332 : memref<1x65xf32, #tpu.memory_space<vmem>> -> memref<65xf32, #tpu.memory_space<vmem>>
    %dma_wait3A_1334 = arith.constant 3960 : i32
    %dma_wait3A_1335 = tpu.memref_slice %arg2[%dma_wait3A_1334] : memref<4680xf32, #tpu.memory_space<hbm>> -> memref<65xf32, #tpu.memory_space<hbm>>
    %dma_wait3A_1336 = arith.constant 0 : i32
    %dma_wait3A_1337 = tpu.memref_slice %arg11[%dma_wait3A_1330, %dma_wait3A_1336] : memref<65x65xf32, #tpu.memory_space<vmem>> -> memref<1x65xf32, #tpu.memory_space<vmem>>
    %dma_wait3A_1338 = tpu.memref_squeeze %dma_wait3A_1337 : memref<1x65xf32, #tpu.memory_space<vmem>> -> memref<65xf32, #tpu.memory_space<vmem>>
    %dma_wait3A_1339 = arith.constant 3960 : i32
    %dma_wait3A_1340 = tpu.memref_slice %arg2[%dma_wait3A_1339] : memref<4680xf32, #tpu.memory_space<hbm>> -> memref<65xf32, #tpu.memory_space<hbm>>
    tpu.wait_dma2 semaphore(%arg16 : memref<!tpu.dma_semaphore, #tpu.memory_space<semaphore_mem>>) src(%dma_wait3A_1340 : memref<65xf32, #tpu.memory_space<hbm>>) dst(%dma_wait3A_1338 : memref<65xf32, #tpu.memory_space<vmem>>)
    %dma_wait3A_1341 = arith.constant 56 : i32
    %dma_wait3A_1342 = arith.constant 0 : i32
    %dma_wait3A_1343 = tpu.memref_slice %arg11[%dma_wait3A_1341, %dma_wait3A_1342] : memref<65x65xf32, #tpu.memory_space<vmem>> -> memref<1x65xf32, #tpu.memory_space<vmem>>
    %dma_wait3A_1344 = tpu.memref_squeeze %dma_wait3A_1343 : memref<1x65xf32, #tpu.memory_space<vmem>> -> memref<65xf32, #tpu.memory_space<vmem>>
    %dma_wait3A_1345 = arith.constant 4032 : i32
    %dma_wait3A_1346 = tpu.memref_slice %arg2[%dma_wait3A_1345] : memref<4680xf32, #tpu.memory_space<hbm>> -> memref<65xf32, #tpu.memory_space<hbm>>
    %dma_wait3A_1347 = arith.constant 0 : i32
    %dma_wait3A_1348 = tpu.memref_slice %arg11[%dma_wait3A_1341, %dma_wait3A_1347] : memref<65x65xf32, #tpu.memory_space<vmem>> -> memref<1x65xf32, #tpu.memory_space<vmem>>
    %dma_wait3A_1349 = tpu.memref_squeeze %dma_wait3A_1348 : memref<1x65xf32, #tpu.memory_space<vmem>> -> memref<65xf32, #tpu.memory_space<vmem>>
    %dma_wait3A_1350 = arith.constant 4032 : i32
    %dma_wait3A_1351 = tpu.memref_slice %arg2[%dma_wait3A_1350] : memref<4680xf32, #tpu.memory_space<hbm>> -> memref<65xf32, #tpu.memory_space<hbm>>
    tpu.wait_dma2 semaphore(%arg16 : memref<!tpu.dma_semaphore, #tpu.memory_space<semaphore_mem>>) src(%dma_wait3A_1351 : memref<65xf32, #tpu.memory_space<hbm>>) dst(%dma_wait3A_1349 : memref<65xf32, #tpu.memory_space<vmem>>)
    %dma_wait3A_1352 = arith.constant 57 : i32
    %dma_wait3A_1353 = arith.constant 0 : i32
    %dma_wait3A_1354 = tpu.memref_slice %arg11[%dma_wait3A_1352, %dma_wait3A_1353] : memref<65x65xf32, #tpu.memory_space<vmem>> -> memref<1x65xf32, #tpu.memory_space<vmem>>
    %dma_wait3A_1355 = tpu.memref_squeeze %dma_wait3A_1354 : memref<1x65xf32, #tpu.memory_space<vmem>> -> memref<65xf32, #tpu.memory_space<vmem>>
    %dma_wait3A_1356 = arith.constant 4104 : i32
    %dma_wait3A_1357 = tpu.memref_slice %arg2[%dma_wait3A_1356] : memref<4680xf32, #tpu.memory_space<hbm>> -> memref<65xf32, #tpu.memory_space<hbm>>
    %dma_wait3A_1358 = arith.constant 0 : i32
    %dma_wait3A_1359 = tpu.memref_slice %arg11[%dma_wait3A_1352, %dma_wait3A_1358] : memref<65x65xf32, #tpu.memory_space<vmem>> -> memref<1x65xf32, #tpu.memory_space<vmem>>
    %dma_wait3A_1360 = tpu.memref_squeeze %dma_wait3A_1359 : memref<1x65xf32, #tpu.memory_space<vmem>> -> memref<65xf32, #tpu.memory_space<vmem>>
    %dma_wait3A_1361 = arith.constant 4104 : i32
    %dma_wait3A_1362 = tpu.memref_slice %arg2[%dma_wait3A_1361] : memref<4680xf32, #tpu.memory_space<hbm>> -> memref<65xf32, #tpu.memory_space<hbm>>
    tpu.wait_dma2 semaphore(%arg16 : memref<!tpu.dma_semaphore, #tpu.memory_space<semaphore_mem>>) src(%dma_wait3A_1362 : memref<65xf32, #tpu.memory_space<hbm>>) dst(%dma_wait3A_1360 : memref<65xf32, #tpu.memory_space<vmem>>)
    %dma_wait3A_1363 = arith.constant 58 : i32
    %dma_wait3A_1364 = arith.constant 0 : i32
    %dma_wait3A_1365 = tpu.memref_slice %arg11[%dma_wait3A_1363, %dma_wait3A_1364] : memref<65x65xf32, #tpu.memory_space<vmem>> -> memref<1x65xf32, #tpu.memory_space<vmem>>
    %dma_wait3A_1366 = tpu.memref_squeeze %dma_wait3A_1365 : memref<1x65xf32, #tpu.memory_space<vmem>> -> memref<65xf32, #tpu.memory_space<vmem>>
    %dma_wait3A_1367 = arith.constant 4176 : i32
    %dma_wait3A_1368 = tpu.memref_slice %arg2[%dma_wait3A_1367] : memref<4680xf32, #tpu.memory_space<hbm>> -> memref<65xf32, #tpu.memory_space<hbm>>
    %dma_wait3A_1369 = arith.constant 0 : i32
    %dma_wait3A_1370 = tpu.memref_slice %arg11[%dma_wait3A_1363, %dma_wait3A_1369] : memref<65x65xf32, #tpu.memory_space<vmem>> -> memref<1x65xf32, #tpu.memory_space<vmem>>
    %dma_wait3A_1371 = tpu.memref_squeeze %dma_wait3A_1370 : memref<1x65xf32, #tpu.memory_space<vmem>> -> memref<65xf32, #tpu.memory_space<vmem>>
    %dma_wait3A_1372 = arith.constant 4176 : i32
    %dma_wait3A_1373 = tpu.memref_slice %arg2[%dma_wait3A_1372] : memref<4680xf32, #tpu.memory_space<hbm>> -> memref<65xf32, #tpu.memory_space<hbm>>
    tpu.wait_dma2 semaphore(%arg16 : memref<!tpu.dma_semaphore, #tpu.memory_space<semaphore_mem>>) src(%dma_wait3A_1373 : memref<65xf32, #tpu.memory_space<hbm>>) dst(%dma_wait3A_1371 : memref<65xf32, #tpu.memory_space<vmem>>)
    %dma_wait3A_1374 = arith.constant 59 : i32
    %dma_wait3A_1375 = arith.constant 0 : i32
    %dma_wait3A_1376 = tpu.memref_slice %arg11[%dma_wait3A_1374, %dma_wait3A_1375] : memref<65x65xf32, #tpu.memory_space<vmem>> -> memref<1x65xf32, #tpu.memory_space<vmem>>
    %dma_wait3A_1377 = tpu.memref_squeeze %dma_wait3A_1376 : memref<1x65xf32, #tpu.memory_space<vmem>> -> memref<65xf32, #tpu.memory_space<vmem>>
    %dma_wait3A_1378 = arith.constant 4248 : i32
    %dma_wait3A_1379 = tpu.memref_slice %arg2[%dma_wait3A_1378] : memref<4680xf32, #tpu.memory_space<hbm>> -> memref<65xf32, #tpu.memory_space<hbm>>
    %dma_wait3A_1380 = arith.constant 0 : i32
    %dma_wait3A_1381 = tpu.memref_slice %arg11[%dma_wait3A_1374, %dma_wait3A_1380] : memref<65x65xf32, #tpu.memory_space<vmem>> -> memref<1x65xf32, #tpu.memory_space<vmem>>
    %dma_wait3A_1382 = tpu.memref_squeeze %dma_wait3A_1381 : memref<1x65xf32, #tpu.memory_space<vmem>> -> memref<65xf32, #tpu.memory_space<vmem>>
    %dma_wait3A_1383 = arith.constant 4248 : i32
    %dma_wait3A_1384 = tpu.memref_slice %arg2[%dma_wait3A_1383] : memref<4680xf32, #tpu.memory_space<hbm>> -> memref<65xf32, #tpu.memory_space<hbm>>
    tpu.wait_dma2 semaphore(%arg16 : memref<!tpu.dma_semaphore, #tpu.memory_space<semaphore_mem>>) src(%dma_wait3A_1384 : memref<65xf32, #tpu.memory_space<hbm>>) dst(%dma_wait3A_1382 : memref<65xf32, #tpu.memory_space<vmem>>)
    %dma_wait3A_1385 = arith.constant 60 : i32
    %dma_wait3A_1386 = arith.constant 0 : i32
    %dma_wait3A_1387 = tpu.memref_slice %arg11[%dma_wait3A_1385, %dma_wait3A_1386] : memref<65x65xf32, #tpu.memory_space<vmem>> -> memref<1x65xf32, #tpu.memory_space<vmem>>
    %dma_wait3A_1388 = tpu.memref_squeeze %dma_wait3A_1387 : memref<1x65xf32, #tpu.memory_space<vmem>> -> memref<65xf32, #tpu.memory_space<vmem>>
    %dma_wait3A_1389 = arith.constant 4320 : i32
    %dma_wait3A_1390 = tpu.memref_slice %arg2[%dma_wait3A_1389] : memref<4680xf32, #tpu.memory_space<hbm>> -> memref<65xf32, #tpu.memory_space<hbm>>
    %dma_wait3A_1391 = arith.constant 0 : i32
    %dma_wait3A_1392 = tpu.memref_slice %arg11[%dma_wait3A_1385, %dma_wait3A_1391] : memref<65x65xf32, #tpu.memory_space<vmem>> -> memref<1x65xf32, #tpu.memory_space<vmem>>
    %dma_wait3A_1393 = tpu.memref_squeeze %dma_wait3A_1392 : memref<1x65xf32, #tpu.memory_space<vmem>> -> memref<65xf32, #tpu.memory_space<vmem>>
    %dma_wait3A_1394 = arith.constant 4320 : i32
    %dma_wait3A_1395 = tpu.memref_slice %arg2[%dma_wait3A_1394] : memref<4680xf32, #tpu.memory_space<hbm>> -> memref<65xf32, #tpu.memory_space<hbm>>
    tpu.wait_dma2 semaphore(%arg16 : memref<!tpu.dma_semaphore, #tpu.memory_space<semaphore_mem>>) src(%dma_wait3A_1395 : memref<65xf32, #tpu.memory_space<hbm>>) dst(%dma_wait3A_1393 : memref<65xf32, #tpu.memory_space<vmem>>)
    %dma_wait3A_1396 = arith.constant 61 : i32
    %dma_wait3A_1397 = arith.constant 0 : i32
    %dma_wait3A_1398 = tpu.memref_slice %arg11[%dma_wait3A_1396, %dma_wait3A_1397] : memref<65x65xf32, #tpu.memory_space<vmem>> -> memref<1x65xf32, #tpu.memory_space<vmem>>
    %dma_wait3A_1399 = tpu.memref_squeeze %dma_wait3A_1398 : memref<1x65xf32, #tpu.memory_space<vmem>> -> memref<65xf32, #tpu.memory_space<vmem>>
    %dma_wait3A_1400 = arith.constant 4392 : i32
    %dma_wait3A_1401 = tpu.memref_slice %arg2[%dma_wait3A_1400] : memref<4680xf32, #tpu.memory_space<hbm>> -> memref<65xf32, #tpu.memory_space<hbm>>
    %dma_wait3A_1402 = arith.constant 0 : i32
    %dma_wait3A_1403 = tpu.memref_slice %arg11[%dma_wait3A_1396, %dma_wait3A_1402] : memref<65x65xf32, #tpu.memory_space<vmem>> -> memref<1x65xf32, #tpu.memory_space<vmem>>
    %dma_wait3A_1404 = tpu.memref_squeeze %dma_wait3A_1403 : memref<1x65xf32, #tpu.memory_space<vmem>> -> memref<65xf32, #tpu.memory_space<vmem>>
    %dma_wait3A_1405 = arith.constant 4392 : i32
    %dma_wait3A_1406 = tpu.memref_slice %arg2[%dma_wait3A_1405] : memref<4680xf32, #tpu.memory_space<hbm>> -> memref<65xf32, #tpu.memory_space<hbm>>
    tpu.wait_dma2 semaphore(%arg16 : memref<!tpu.dma_semaphore, #tpu.memory_space<semaphore_mem>>) src(%dma_wait3A_1406 : memref<65xf32, #tpu.memory_space<hbm>>) dst(%dma_wait3A_1404 : memref<65xf32, #tpu.memory_space<vmem>>)
    %dma_wait3A_1407 = arith.constant 62 : i32
    %dma_wait3A_1408 = arith.constant 0 : i32
    %dma_wait3A_1409 = tpu.memref_slice %arg11[%dma_wait3A_1407, %dma_wait3A_1408] : memref<65x65xf32, #tpu.memory_space<vmem>> -> memref<1x65xf32, #tpu.memory_space<vmem>>
    %dma_wait3A_1410 = tpu.memref_squeeze %dma_wait3A_1409 : memref<1x65xf32, #tpu.memory_space<vmem>> -> memref<65xf32, #tpu.memory_space<vmem>>
    %dma_wait3A_1411 = arith.constant 4464 : i32
    %dma_wait3A_1412 = tpu.memref_slice %arg2[%dma_wait3A_1411] : memref<4680xf32, #tpu.memory_space<hbm>> -> memref<65xf32, #tpu.memory_space<hbm>>
    %dma_wait3A_1413 = arith.constant 0 : i32
    %dma_wait3A_1414 = tpu.memref_slice %arg11[%dma_wait3A_1407, %dma_wait3A_1413] : memref<65x65xf32, #tpu.memory_space<vmem>> -> memref<1x65xf32, #tpu.memory_space<vmem>>
    %dma_wait3A_1415 = tpu.memref_squeeze %dma_wait3A_1414 : memref<1x65xf32, #tpu.memory_space<vmem>> -> memref<65xf32, #tpu.memory_space<vmem>>
    %dma_wait3A_1416 = arith.constant 4464 : i32
    %dma_wait3A_1417 = tpu.memref_slice %arg2[%dma_wait3A_1416] : memref<4680xf32, #tpu.memory_space<hbm>> -> memref<65xf32, #tpu.memory_space<hbm>>
    tpu.wait_dma2 semaphore(%arg16 : memref<!tpu.dma_semaphore, #tpu.memory_space<semaphore_mem>>) src(%dma_wait3A_1417 : memref<65xf32, #tpu.memory_space<hbm>>) dst(%dma_wait3A_1415 : memref<65xf32, #tpu.memory_space<vmem>>)
    %dma_wait3A_1418 = arith.constant 63 : i32
    %dma_wait3A_1419 = arith.constant 0 : i32
    %dma_wait3A_1420 = tpu.memref_slice %arg11[%dma_wait3A_1418, %dma_wait3A_1419] : memref<65x65xf32, #tpu.memory_space<vmem>> -> memref<1x65xf32, #tpu.memory_space<vmem>>
    %dma_wait3A_1421 = tpu.memref_squeeze %dma_wait3A_1420 : memref<1x65xf32, #tpu.memory_space<vmem>> -> memref<65xf32, #tpu.memory_space<vmem>>
    %dma_wait3A_1422 = arith.constant 4536 : i32
    %dma_wait3A_1423 = tpu.memref_slice %arg2[%dma_wait3A_1422] : memref<4680xf32, #tpu.memory_space<hbm>> -> memref<65xf32, #tpu.memory_space<hbm>>
    %dma_wait3A_1424 = arith.constant 0 : i32
    %dma_wait3A_1425 = tpu.memref_slice %arg11[%dma_wait3A_1418, %dma_wait3A_1424] : memref<65x65xf32, #tpu.memory_space<vmem>> -> memref<1x65xf32, #tpu.memory_space<vmem>>
    %dma_wait3A_1426 = tpu.memref_squeeze %dma_wait3A_1425 : memref<1x65xf32, #tpu.memory_space<vmem>> -> memref<65xf32, #tpu.memory_space<vmem>>
    %dma_wait3A_1427 = arith.constant 4536 : i32
    %dma_wait3A_1428 = tpu.memref_slice %arg2[%dma_wait3A_1427] : memref<4680xf32, #tpu.memory_space<hbm>> -> memref<65xf32, #tpu.memory_space<hbm>>
    tpu.wait_dma2 semaphore(%arg16 : memref<!tpu.dma_semaphore, #tpu.memory_space<semaphore_mem>>) src(%dma_wait3A_1428 : memref<65xf32, #tpu.memory_space<hbm>>) dst(%dma_wait3A_1426 : memref<65xf32, #tpu.memory_space<vmem>>)
    %dma_wait3A_1429 = arith.constant 64 : i32
    %dma_wait3A_1430 = arith.constant 0 : i32
    %dma_wait3A_1431 = tpu.memref_slice %arg11[%dma_wait3A_1429, %dma_wait3A_1430] : memref<65x65xf32, #tpu.memory_space<vmem>> -> memref<1x65xf32, #tpu.memory_space<vmem>>
    %dma_wait3A_1432 = tpu.memref_squeeze %dma_wait3A_1431 : memref<1x65xf32, #tpu.memory_space<vmem>> -> memref<65xf32, #tpu.memory_space<vmem>>
    %dma_wait3A_1433 = arith.constant 4608 : i32
    %dma_wait3A_1434 = tpu.memref_slice %arg2[%dma_wait3A_1433] : memref<4680xf32, #tpu.memory_space<hbm>> -> memref<65xf32, #tpu.memory_space<hbm>>
    %dma_wait3A_1435 = arith.constant 0 : i32
    %dma_wait3A_1436 = tpu.memref_slice %arg11[%dma_wait3A_1429, %dma_wait3A_1435] : memref<65x65xf32, #tpu.memory_space<vmem>> -> memref<1x65xf32, #tpu.memory_space<vmem>>
    %dma_wait3A_1437 = tpu.memref_squeeze %dma_wait3A_1436 : memref<1x65xf32, #tpu.memory_space<vmem>> -> memref<65xf32, #tpu.memory_space<vmem>>
    %dma_wait3A_1438 = arith.constant 4608 : i32
    %dma_wait3A_1439 = tpu.memref_slice %arg2[%dma_wait3A_1438] : memref<4680xf32, #tpu.memory_space<hbm>> -> memref<65xf32, #tpu.memory_space<hbm>>
    tpu.wait_dma2 semaphore(%arg16 : memref<!tpu.dma_semaphore, #tpu.memory_space<semaphore_mem>>) src(%dma_wait3A_1439 : memref<65xf32, #tpu.memory_space<hbm>>) dst(%dma_wait3A_1437 : memref<65xf32, #tpu.memory_space<vmem>>)
    "tpu.region"() ({
      %run_scoped3A = tpu.sem_alloc : memref<!tpu.dma_semaphore, #tpu.memory_space<semaphore_mem>>
      tpu.enqueue_dma source(%arg11 : memref<65x65xf32, #tpu.memory_space<vmem>>) target(%arg12 : memref<65x65xf32, #tpu.memory_space<vmem_shared>>) target_semaphore(%run_scoped3A : memref<!tpu.dma_semaphore, #tpu.memory_space<semaphore_mem>>)
      tpu.wait_dma2 semaphore(%run_scoped3A : memref<!tpu.dma_semaphore, #tpu.memory_space<semaphore_mem>>) src(%arg11 : memref<65x65xf32, #tpu.memory_space<vmem>>) dst(%arg12 : memref<65x65xf32, #tpu.memory_space<vmem_shared>>)
      tpu.yield
    }) : () -> ()
    %dma_start3A_1440 = arith.constant 0 : i32
    %dma_start3A_1441 = tpu.memref_slice %arg8[%dma_start3A_1440] : memref<4096xi32, #tpu.memory_space<vmem>> -> memref<256xi32, #tpu.memory_space<vmem>>
    %dma_start3A_1442 = arith.constant 0 : i32
    %dma_start3A_1443 = arith.constant 0 : i32
    %dma_start3A_1444 = tpu.memref_slice %arg12[%dma_start3A_1442, %dma_start3A_1443] : memref<65x65xf32, #tpu.memory_space<vmem_shared>> -> memref<65x65xf32, #tpu.memory_space<vmem_shared>>
    tpu.enqueue_indirect_dma source(%dma_start3A_1444 : memref<65x65xf32, #tpu.memory_space<vmem_shared>>) target(%arg13 : memref<256x65xf32, #tpu.memory_space<vmem>>) offsets(%dma_start3A_1441 : memref<256xi32, #tpu.memory_space<vmem>>) semaphore(%arg17 : memref<!tpu.dma_semaphore, #tpu.memory_space<semaphore_mem>>)
    %dma_start3A_1445 = arith.constant 256 : i32
    %dma_start3A_1446 = tpu.memref_slice %arg8[%dma_start3A_1445] : memref<4096xi32, #tpu.memory_space<vmem>> -> memref<256xi32, #tpu.memory_space<vmem>>
    %dma_start3A_1447 = arith.constant 0 : i32
    %dma_start3A_1448 = arith.constant 0 : i32
    %dma_start3A_1449 = tpu.memref_slice %arg12[%dma_start3A_1447, %dma_start3A_1448] : memref<65x65xf32, #tpu.memory_space<vmem_shared>> -> memref<65x65xf32, #tpu.memory_space<vmem_shared>>
    tpu.enqueue_indirect_dma source(%dma_start3A_1449 : memref<65x65xf32, #tpu.memory_space<vmem_shared>>) target(%arg14 : memref<256x65xf32, #tpu.memory_space<vmem>>) offsets(%dma_start3A_1446 : memref<256xi32, #tpu.memory_space<vmem>>) semaphore(%arg18 : memref<!tpu.dma_semaphore, #tpu.memory_space<semaphore_mem>>)
    %dma_wait3A_1450 = arith.constant 0 : i32
    %dma_wait3A_1451 = tpu.memref_slice %arg8[%dma_wait3A_1450] : memref<4096xi32, #tpu.memory_space<vmem>> -> memref<256xi32, #tpu.memory_space<vmem>>
    %dma_wait3A_1452 = arith.constant 0 : i32
    %dma_wait3A_1453 = arith.constant 0 : i32
    %dma_wait3A_1454 = tpu.memref_slice %arg12[%dma_wait3A_1452, %dma_wait3A_1453] : memref<65x65xf32, #tpu.memory_space<vmem_shared>> -> memref<65x65xf32, #tpu.memory_space<vmem_shared>>
    tpu.wait_indirect_dma semaphore(%arg17 : memref<!tpu.dma_semaphore, #tpu.memory_space<semaphore_mem>>) src(%dma_wait3A_1454 : memref<65x65xf32, #tpu.memory_space<vmem_shared>>) dst(%arg13 : memref<256x65xf32, #tpu.memory_space<vmem>>)
    %add3A_1455 = arith.constant 0 : i32
    %add3A_1456 = arith.addi %mul3A_2, %add3A_1455 : i32
    %dma_start3A_1457 = arith.constant 0 : i32
    %dma_start3A_1458 = tpu.memref_slice %arg6[%add3A_1456, %dma_start3A_1457] : memref<131072x65xf32, #tpu.memory_space<hbm>> -> memref<256x65xf32, #tpu.memory_space<hbm>>
    %dma_start3A_1459 = arith.constant 0 : i32
    %dma_start3A_1460 = tpu.memref_slice %arg6[%add3A_1456, %dma_start3A_1459] : memref<131072x65xf32, #tpu.memory_space<hbm>> -> memref<256x65xf32, #tpu.memory_space<hbm>>
    tpu.enqueue_dma source(%arg13 : memref<256x65xf32, #tpu.memory_space<vmem>>) target(%dma_start3A_1460 : memref<256x65xf32, #tpu.memory_space<hbm>>) target_semaphore(%arg19 : memref<!tpu.dma_semaphore, #tpu.memory_space<semaphore_mem>>)
    %dma_wait3A_1461 = arith.constant 0 : i32
    %dma_wait3A_1462 = tpu.memref_slice %arg6[%add3A_1456, %dma_wait3A_1461] : memref<131072x65xf32, #tpu.memory_space<hbm>> -> memref<256x65xf32, #tpu.memory_space<hbm>>
    %dma_wait3A_1463 = arith.constant 0 : i32
    %dma_wait3A_1464 = tpu.memref_slice %arg6[%add3A_1456, %dma_wait3A_1463] : memref<131072x65xf32, #tpu.memory_space<hbm>> -> memref<256x65xf32, #tpu.memory_space<hbm>>
    tpu.wait_dma2 semaphore(%arg19 : memref<!tpu.dma_semaphore, #tpu.memory_space<semaphore_mem>>) src(%arg13 : memref<256x65xf32, #tpu.memory_space<vmem>>) dst(%dma_wait3A_1464 : memref<256x65xf32, #tpu.memory_space<hbm>>)
    %dma_start3A_1465 = arith.constant 512 : i32
    %dma_start3A_1466 = tpu.memref_slice %arg8[%dma_start3A_1465] : memref<4096xi32, #tpu.memory_space<vmem>> -> memref<256xi32, #tpu.memory_space<vmem>>
    %dma_start3A_1467 = arith.constant 0 : i32
    %dma_start3A_1468 = arith.constant 0 : i32
    %dma_start3A_1469 = tpu.memref_slice %arg12[%dma_start3A_1467, %dma_start3A_1468] : memref<65x65xf32, #tpu.memory_space<vmem_shared>> -> memref<65x65xf32, #tpu.memory_space<vmem_shared>>
    tpu.enqueue_indirect_dma source(%dma_start3A_1469 : memref<65x65xf32, #tpu.memory_space<vmem_shared>>) target(%arg13 : memref<256x65xf32, #tpu.memory_space<vmem>>) offsets(%dma_start3A_1466 : memref<256xi32, #tpu.memory_space<vmem>>) semaphore(%arg17 : memref<!tpu.dma_semaphore, #tpu.memory_space<semaphore_mem>>)
    %dma_wait3A_1470 = arith.constant 256 : i32
    %dma_wait3A_1471 = tpu.memref_slice %arg8[%dma_wait3A_1470] : memref<4096xi32, #tpu.memory_space<vmem>> -> memref<256xi32, #tpu.memory_space<vmem>>
    %dma_wait3A_1472 = arith.constant 0 : i32
    %dma_wait3A_1473 = arith.constant 0 : i32
    %dma_wait3A_1474 = tpu.memref_slice %arg12[%dma_wait3A_1472, %dma_wait3A_1473] : memref<65x65xf32, #tpu.memory_space<vmem_shared>> -> memref<65x65xf32, #tpu.memory_space<vmem_shared>>
    tpu.wait_indirect_dma semaphore(%arg18 : memref<!tpu.dma_semaphore, #tpu.memory_space<semaphore_mem>>) src(%dma_wait3A_1474 : memref<65x65xf32, #tpu.memory_space<vmem_shared>>) dst(%arg14 : memref<256x65xf32, #tpu.memory_space<vmem>>)
    %add3A_1475 = arith.constant 256 : i32
    %add3A_1476 = arith.addi %mul3A_2, %add3A_1475 : i32
    %dma_start3A_1477 = arith.constant 0 : i32
    %dma_start3A_1478 = tpu.memref_slice %arg6[%add3A_1476, %dma_start3A_1477] : memref<131072x65xf32, #tpu.memory_space<hbm>> -> memref<256x65xf32, #tpu.memory_space<hbm>>
    %dma_start3A_1479 = arith.constant 0 : i32
    %dma_start3A_1480 = tpu.memref_slice %arg6[%add3A_1476, %dma_start3A_1479] : memref<131072x65xf32, #tpu.memory_space<hbm>> -> memref<256x65xf32, #tpu.memory_space<hbm>>
    tpu.enqueue_dma source(%arg14 : memref<256x65xf32, #tpu.memory_space<vmem>>) target(%dma_start3A_1480 : memref<256x65xf32, #tpu.memory_space<hbm>>) target_semaphore(%arg20 : memref<!tpu.dma_semaphore, #tpu.memory_space<semaphore_mem>>)
    %dma_wait3A_1481 = arith.constant 0 : i32
    %dma_wait3A_1482 = tpu.memref_slice %arg6[%add3A_1476, %dma_wait3A_1481] : memref<131072x65xf32, #tpu.memory_space<hbm>> -> memref<256x65xf32, #tpu.memory_space<hbm>>
    %dma_wait3A_1483 = arith.constant 0 : i32
    %dma_wait3A_1484 = tpu.memref_slice %arg6[%add3A_1476, %dma_wait3A_1483] : memref<131072x65xf32, #tpu.memory_space<hbm>> -> memref<256x65xf32, #tpu.memory_space<hbm>>
    tpu.wait_dma2 semaphore(%arg20 : memref<!tpu.dma_semaphore, #tpu.memory_space<semaphore_mem>>) src(%arg14 : memref<256x65xf32, #tpu.memory_space<vmem>>) dst(%dma_wait3A_1484 : memref<256x65xf32, #tpu.memory_space<hbm>>)
    %dma_start3A_1485 = arith.constant 768 : i32
    %dma_start3A_1486 = tpu.memref_slice %arg8[%dma_start3A_1485] : memref<4096xi32, #tpu.memory_space<vmem>> -> memref<256xi32, #tpu.memory_space<vmem>>
    %dma_start3A_1487 = arith.constant 0 : i32
    %dma_start3A_1488 = arith.constant 0 : i32
    %dma_start3A_1489 = tpu.memref_slice %arg12[%dma_start3A_1487, %dma_start3A_1488] : memref<65x65xf32, #tpu.memory_space<vmem_shared>> -> memref<65x65xf32, #tpu.memory_space<vmem_shared>>
    tpu.enqueue_indirect_dma source(%dma_start3A_1489 : memref<65x65xf32, #tpu.memory_space<vmem_shared>>) target(%arg14 : memref<256x65xf32, #tpu.memory_space<vmem>>) offsets(%dma_start3A_1486 : memref<256xi32, #tpu.memory_space<vmem>>) semaphore(%arg18 : memref<!tpu.dma_semaphore, #tpu.memory_space<semaphore_mem>>)
    %dma_wait3A_1490 = arith.constant 512 : i32
    %dma_wait3A_1491 = tpu.memref_slice %arg8[%dma_wait3A_1490] : memref<4096xi32, #tpu.memory_space<vmem>> -> memref<256xi32, #tpu.memory_space<vmem>>
    %dma_wait3A_1492 = arith.constant 0 : i32
    %dma_wait3A_1493 = arith.constant 0 : i32
    %dma_wait3A_1494 = tpu.memref_slice %arg12[%dma_wait3A_1492, %dma_wait3A_1493] : memref<65x65xf32, #tpu.memory_space<vmem_shared>> -> memref<65x65xf32, #tpu.memory_space<vmem_shared>>
    tpu.wait_indirect_dma semaphore(%arg17 : memref<!tpu.dma_semaphore, #tpu.memory_space<semaphore_mem>>) src(%dma_wait3A_1494 : memref<65x65xf32, #tpu.memory_space<vmem_shared>>) dst(%arg13 : memref<256x65xf32, #tpu.memory_space<vmem>>)
    %add3A_1495 = arith.constant 512 : i32
    %add3A_1496 = arith.addi %mul3A_2, %add3A_1495 : i32
    %dma_start3A_1497 = arith.constant 0 : i32
    %dma_start3A_1498 = tpu.memref_slice %arg6[%add3A_1496, %dma_start3A_1497] : memref<131072x65xf32, #tpu.memory_space<hbm>> -> memref<256x65xf32, #tpu.memory_space<hbm>>
    %dma_start3A_1499 = arith.constant 0 : i32
    %dma_start3A_1500 = tpu.memref_slice %arg6[%add3A_1496, %dma_start3A_1499] : memref<131072x65xf32, #tpu.memory_space<hbm>> -> memref<256x65xf32, #tpu.memory_space<hbm>>
    tpu.enqueue_dma source(%arg13 : memref<256x65xf32, #tpu.memory_space<vmem>>) target(%dma_start3A_1500 : memref<256x65xf32, #tpu.memory_space<hbm>>) target_semaphore(%arg19 : memref<!tpu.dma_semaphore, #tpu.memory_space<semaphore_mem>>)
    %dma_wait3A_1501 = arith.constant 0 : i32
    %dma_wait3A_1502 = tpu.memref_slice %arg6[%add3A_1496, %dma_wait3A_1501] : memref<131072x65xf32, #tpu.memory_space<hbm>> -> memref<256x65xf32, #tpu.memory_space<hbm>>
    %dma_wait3A_1503 = arith.constant 0 : i32
    %dma_wait3A_1504 = tpu.memref_slice %arg6[%add3A_1496, %dma_wait3A_1503] : memref<131072x65xf32, #tpu.memory_space<hbm>> -> memref<256x65xf32, #tpu.memory_space<hbm>>
    tpu.wait_dma2 semaphore(%arg19 : memref<!tpu.dma_semaphore, #tpu.memory_space<semaphore_mem>>) src(%arg13 : memref<256x65xf32, #tpu.memory_space<vmem>>) dst(%dma_wait3A_1504 : memref<256x65xf32, #tpu.memory_space<hbm>>)
    %dma_start3A_1505 = arith.constant 1024 : i32
    %dma_start3A_1506 = tpu.memref_slice %arg8[%dma_start3A_1505] : memref<4096xi32, #tpu.memory_space<vmem>> -> memref<256xi32, #tpu.memory_space<vmem>>
    %dma_start3A_1507 = arith.constant 0 : i32
    %dma_start3A_1508 = arith.constant 0 : i32
    %dma_start3A_1509 = tpu.memref_slice %arg12[%dma_start3A_1507, %dma_start3A_1508] : memref<65x65xf32, #tpu.memory_space<vmem_shared>> -> memref<65x65xf32, #tpu.memory_space<vmem_shared>>
    tpu.enqueue_indirect_dma source(%dma_start3A_1509 : memref<65x65xf32, #tpu.memory_space<vmem_shared>>) target(%arg13 : memref<256x65xf32, #tpu.memory_space<vmem>>) offsets(%dma_start3A_1506 : memref<256xi32, #tpu.memory_space<vmem>>) semaphore(%arg17 : memref<!tpu.dma_semaphore, #tpu.memory_space<semaphore_mem>>)
    %dma_wait3A_1510 = arith.constant 768 : i32
    %dma_wait3A_1511 = tpu.memref_slice %arg8[%dma_wait3A_1510] : memref<4096xi32, #tpu.memory_space<vmem>> -> memref<256xi32, #tpu.memory_space<vmem>>
    %dma_wait3A_1512 = arith.constant 0 : i32
    %dma_wait3A_1513 = arith.constant 0 : i32
    %dma_wait3A_1514 = tpu.memref_slice %arg12[%dma_wait3A_1512, %dma_wait3A_1513] : memref<65x65xf32, #tpu.memory_space<vmem_shared>> -> memref<65x65xf32, #tpu.memory_space<vmem_shared>>
    tpu.wait_indirect_dma semaphore(%arg18 : memref<!tpu.dma_semaphore, #tpu.memory_space<semaphore_mem>>) src(%dma_wait3A_1514 : memref<65x65xf32, #tpu.memory_space<vmem_shared>>) dst(%arg14 : memref<256x65xf32, #tpu.memory_space<vmem>>)
    %add3A_1515 = arith.constant 768 : i32
    %add3A_1516 = arith.addi %mul3A_2, %add3A_1515 : i32
    %dma_start3A_1517 = arith.constant 0 : i32
    %dma_start3A_1518 = tpu.memref_slice %arg6[%add3A_1516, %dma_start3A_1517] : memref<131072x65xf32, #tpu.memory_space<hbm>> -> memref<256x65xf32, #tpu.memory_space<hbm>>
    %dma_start3A_1519 = arith.constant 0 : i32
    %dma_start3A_1520 = tpu.memref_slice %arg6[%add3A_1516, %dma_start3A_1519] : memref<131072x65xf32, #tpu.memory_space<hbm>> -> memref<256x65xf32, #tpu.memory_space<hbm>>
    tpu.enqueue_dma source(%arg14 : memref<256x65xf32, #tpu.memory_space<vmem>>) target(%dma_start3A_1520 : memref<256x65xf32, #tpu.memory_space<hbm>>) target_semaphore(%arg20 : memref<!tpu.dma_semaphore, #tpu.memory_space<semaphore_mem>>)
    %dma_wait3A_1521 = arith.constant 0 : i32
    %dma_wait3A_1522 = tpu.memref_slice %arg6[%add3A_1516, %dma_wait3A_1521] : memref<131072x65xf32, #tpu.memory_space<hbm>> -> memref<256x65xf32, #tpu.memory_space<hbm>>
    %dma_wait3A_1523 = arith.constant 0 : i32
    %dma_wait3A_1524 = tpu.memref_slice %arg6[%add3A_1516, %dma_wait3A_1523] : memref<131072x65xf32, #tpu.memory_space<hbm>> -> memref<256x65xf32, #tpu.memory_space<hbm>>
    tpu.wait_dma2 semaphore(%arg20 : memref<!tpu.dma_semaphore, #tpu.memory_space<semaphore_mem>>) src(%arg14 : memref<256x65xf32, #tpu.memory_space<vmem>>) dst(%dma_wait3A_1524 : memref<256x65xf32, #tpu.memory_space<hbm>>)
    %dma_start3A_1525 = arith.constant 1280 : i32
    %dma_start3A_1526 = tpu.memref_slice %arg8[%dma_start3A_1525] : memref<4096xi32, #tpu.memory_space<vmem>> -> memref<256xi32, #tpu.memory_space<vmem>>
    %dma_start3A_1527 = arith.constant 0 : i32
    %dma_start3A_1528 = arith.constant 0 : i32
    %dma_start3A_1529 = tpu.memref_slice %arg12[%dma_start3A_1527, %dma_start3A_1528] : memref<65x65xf32, #tpu.memory_space<vmem_shared>> -> memref<65x65xf32, #tpu.memory_space<vmem_shared>>
    tpu.enqueue_indirect_dma source(%dma_start3A_1529 : memref<65x65xf32, #tpu.memory_space<vmem_shared>>) target(%arg14 : memref<256x65xf32, #tpu.memory_space<vmem>>) offsets(%dma_start3A_1526 : memref<256xi32, #tpu.memory_space<vmem>>) semaphore(%arg18 : memref<!tpu.dma_semaphore, #tpu.memory_space<semaphore_mem>>)
    %dma_wait3A_1530 = arith.constant 1024 : i32
    %dma_wait3A_1531 = tpu.memref_slice %arg8[%dma_wait3A_1530] : memref<4096xi32, #tpu.memory_space<vmem>> -> memref<256xi32, #tpu.memory_space<vmem>>
    %dma_wait3A_1532 = arith.constant 0 : i32
    %dma_wait3A_1533 = arith.constant 0 : i32
    %dma_wait3A_1534 = tpu.memref_slice %arg12[%dma_wait3A_1532, %dma_wait3A_1533] : memref<65x65xf32, #tpu.memory_space<vmem_shared>> -> memref<65x65xf32, #tpu.memory_space<vmem_shared>>
    tpu.wait_indirect_dma semaphore(%arg17 : memref<!tpu.dma_semaphore, #tpu.memory_space<semaphore_mem>>) src(%dma_wait3A_1534 : memref<65x65xf32, #tpu.memory_space<vmem_shared>>) dst(%arg13 : memref<256x65xf32, #tpu.memory_space<vmem>>)
    %add3A_1535 = arith.constant 1024 : i32
    %add3A_1536 = arith.addi %mul3A_2, %add3A_1535 : i32
    %dma_start3A_1537 = arith.constant 0 : i32
    %dma_start3A_1538 = tpu.memref_slice %arg6[%add3A_1536, %dma_start3A_1537] : memref<131072x65xf32, #tpu.memory_space<hbm>> -> memref<256x65xf32, #tpu.memory_space<hbm>>
    %dma_start3A_1539 = arith.constant 0 : i32
    %dma_start3A_1540 = tpu.memref_slice %arg6[%add3A_1536, %dma_start3A_1539] : memref<131072x65xf32, #tpu.memory_space<hbm>> -> memref<256x65xf32, #tpu.memory_space<hbm>>
    tpu.enqueue_dma source(%arg13 : memref<256x65xf32, #tpu.memory_space<vmem>>) target(%dma_start3A_1540 : memref<256x65xf32, #tpu.memory_space<hbm>>) target_semaphore(%arg19 : memref<!tpu.dma_semaphore, #tpu.memory_space<semaphore_mem>>)
    %dma_wait3A_1541 = arith.constant 0 : i32
    %dma_wait3A_1542 = tpu.memref_slice %arg6[%add3A_1536, %dma_wait3A_1541] : memref<131072x65xf32, #tpu.memory_space<hbm>> -> memref<256x65xf32, #tpu.memory_space<hbm>>
    %dma_wait3A_1543 = arith.constant 0 : i32
    %dma_wait3A_1544 = tpu.memref_slice %arg6[%add3A_1536, %dma_wait3A_1543] : memref<131072x65xf32, #tpu.memory_space<hbm>> -> memref<256x65xf32, #tpu.memory_space<hbm>>
    tpu.wait_dma2 semaphore(%arg19 : memref<!tpu.dma_semaphore, #tpu.memory_space<semaphore_mem>>) src(%arg13 : memref<256x65xf32, #tpu.memory_space<vmem>>) dst(%dma_wait3A_1544 : memref<256x65xf32, #tpu.memory_space<hbm>>)
    %dma_start3A_1545 = arith.constant 1536 : i32
    %dma_start3A_1546 = tpu.memref_slice %arg8[%dma_start3A_1545] : memref<4096xi32, #tpu.memory_space<vmem>> -> memref<256xi32, #tpu.memory_space<vmem>>
    %dma_start3A_1547 = arith.constant 0 : i32
    %dma_start3A_1548 = arith.constant 0 : i32
    %dma_start3A_1549 = tpu.memref_slice %arg12[%dma_start3A_1547, %dma_start3A_1548] : memref<65x65xf32, #tpu.memory_space<vmem_shared>> -> memref<65x65xf32, #tpu.memory_space<vmem_shared>>
    tpu.enqueue_indirect_dma source(%dma_start3A_1549 : memref<65x65xf32, #tpu.memory_space<vmem_shared>>) target(%arg13 : memref<256x65xf32, #tpu.memory_space<vmem>>) offsets(%dma_start3A_1546 : memref<256xi32, #tpu.memory_space<vmem>>) semaphore(%arg17 : memref<!tpu.dma_semaphore, #tpu.memory_space<semaphore_mem>>)
    %dma_wait3A_1550 = arith.constant 1280 : i32
    %dma_wait3A_1551 = tpu.memref_slice %arg8[%dma_wait3A_1550] : memref<4096xi32, #tpu.memory_space<vmem>> -> memref<256xi32, #tpu.memory_space<vmem>>
    %dma_wait3A_1552 = arith.constant 0 : i32
    %dma_wait3A_1553 = arith.constant 0 : i32
    %dma_wait3A_1554 = tpu.memref_slice %arg12[%dma_wait3A_1552, %dma_wait3A_1553] : memref<65x65xf32, #tpu.memory_space<vmem_shared>> -> memref<65x65xf32, #tpu.memory_space<vmem_shared>>
    tpu.wait_indirect_dma semaphore(%arg18 : memref<!tpu.dma_semaphore, #tpu.memory_space<semaphore_mem>>) src(%dma_wait3A_1554 : memref<65x65xf32, #tpu.memory_space<vmem_shared>>) dst(%arg14 : memref<256x65xf32, #tpu.memory_space<vmem>>)
    %add3A_1555 = arith.constant 1280 : i32
    %add3A_1556 = arith.addi %mul3A_2, %add3A_1555 : i32
    %dma_start3A_1557 = arith.constant 0 : i32
    %dma_start3A_1558 = tpu.memref_slice %arg6[%add3A_1556, %dma_start3A_1557] : memref<131072x65xf32, #tpu.memory_space<hbm>> -> memref<256x65xf32, #tpu.memory_space<hbm>>
    %dma_start3A_1559 = arith.constant 0 : i32
    %dma_start3A_1560 = tpu.memref_slice %arg6[%add3A_1556, %dma_start3A_1559] : memref<131072x65xf32, #tpu.memory_space<hbm>> -> memref<256x65xf32, #tpu.memory_space<hbm>>
    tpu.enqueue_dma source(%arg14 : memref<256x65xf32, #tpu.memory_space<vmem>>) target(%dma_start3A_1560 : memref<256x65xf32, #tpu.memory_space<hbm>>) target_semaphore(%arg20 : memref<!tpu.dma_semaphore, #tpu.memory_space<semaphore_mem>>)
    %dma_wait3A_1561 = arith.constant 0 : i32
    %dma_wait3A_1562 = tpu.memref_slice %arg6[%add3A_1556, %dma_wait3A_1561] : memref<131072x65xf32, #tpu.memory_space<hbm>> -> memref<256x65xf32, #tpu.memory_space<hbm>>
    %dma_wait3A_1563 = arith.constant 0 : i32
    %dma_wait3A_1564 = tpu.memref_slice %arg6[%add3A_1556, %dma_wait3A_1563] : memref<131072x65xf32, #tpu.memory_space<hbm>> -> memref<256x65xf32, #tpu.memory_space<hbm>>
    tpu.wait_dma2 semaphore(%arg20 : memref<!tpu.dma_semaphore, #tpu.memory_space<semaphore_mem>>) src(%arg14 : memref<256x65xf32, #tpu.memory_space<vmem>>) dst(%dma_wait3A_1564 : memref<256x65xf32, #tpu.memory_space<hbm>>)
    %dma_start3A_1565 = arith.constant 1792 : i32
    %dma_start3A_1566 = tpu.memref_slice %arg8[%dma_start3A_1565] : memref<4096xi32, #tpu.memory_space<vmem>> -> memref<256xi32, #tpu.memory_space<vmem>>
    %dma_start3A_1567 = arith.constant 0 : i32
    %dma_start3A_1568 = arith.constant 0 : i32
    %dma_start3A_1569 = tpu.memref_slice %arg12[%dma_start3A_1567, %dma_start3A_1568] : memref<65x65xf32, #tpu.memory_space<vmem_shared>> -> memref<65x65xf32, #tpu.memory_space<vmem_shared>>
    tpu.enqueue_indirect_dma source(%dma_start3A_1569 : memref<65x65xf32, #tpu.memory_space<vmem_shared>>) target(%arg14 : memref<256x65xf32, #tpu.memory_space<vmem>>) offsets(%dma_start3A_1566 : memref<256xi32, #tpu.memory_space<vmem>>) semaphore(%arg18 : memref<!tpu.dma_semaphore, #tpu.memory_space<semaphore_mem>>)
    %dma_wait3A_1570 = arith.constant 1536 : i32
    %dma_wait3A_1571 = tpu.memref_slice %arg8[%dma_wait3A_1570] : memref<4096xi32, #tpu.memory_space<vmem>> -> memref<256xi32, #tpu.memory_space<vmem>>
    %dma_wait3A_1572 = arith.constant 0 : i32
    %dma_wait3A_1573 = arith.constant 0 : i32
    %dma_wait3A_1574 = tpu.memref_slice %arg12[%dma_wait3A_1572, %dma_wait3A_1573] : memref<65x65xf32, #tpu.memory_space<vmem_shared>> -> memref<65x65xf32, #tpu.memory_space<vmem_shared>>
    tpu.wait_indirect_dma semaphore(%arg17 : memref<!tpu.dma_semaphore, #tpu.memory_space<semaphore_mem>>) src(%dma_wait3A_1574 : memref<65x65xf32, #tpu.memory_space<vmem_shared>>) dst(%arg13 : memref<256x65xf32, #tpu.memory_space<vmem>>)
    %add3A_1575 = arith.constant 1536 : i32
    %add3A_1576 = arith.addi %mul3A_2, %add3A_1575 : i32
    %dma_start3A_1577 = arith.constant 0 : i32
    %dma_start3A_1578 = tpu.memref_slice %arg6[%add3A_1576, %dma_start3A_1577] : memref<131072x65xf32, #tpu.memory_space<hbm>> -> memref<256x65xf32, #tpu.memory_space<hbm>>
    %dma_start3A_1579 = arith.constant 0 : i32
    %dma_start3A_1580 = tpu.memref_slice %arg6[%add3A_1576, %dma_start3A_1579] : memref<131072x65xf32, #tpu.memory_space<hbm>> -> memref<256x65xf32, #tpu.memory_space<hbm>>
    tpu.enqueue_dma source(%arg13 : memref<256x65xf32, #tpu.memory_space<vmem>>) target(%dma_start3A_1580 : memref<256x65xf32, #tpu.memory_space<hbm>>) target_semaphore(%arg19 : memref<!tpu.dma_semaphore, #tpu.memory_space<semaphore_mem>>)
    %dma_wait3A_1581 = arith.constant 0 : i32
    %dma_wait3A_1582 = tpu.memref_slice %arg6[%add3A_1576, %dma_wait3A_1581] : memref<131072x65xf32, #tpu.memory_space<hbm>> -> memref<256x65xf32, #tpu.memory_space<hbm>>
    %dma_wait3A_1583 = arith.constant 0 : i32
    %dma_wait3A_1584 = tpu.memref_slice %arg6[%add3A_1576, %dma_wait3A_1583] : memref<131072x65xf32, #tpu.memory_space<hbm>> -> memref<256x65xf32, #tpu.memory_space<hbm>>
    tpu.wait_dma2 semaphore(%arg19 : memref<!tpu.dma_semaphore, #tpu.memory_space<semaphore_mem>>) src(%arg13 : memref<256x65xf32, #tpu.memory_space<vmem>>) dst(%dma_wait3A_1584 : memref<256x65xf32, #tpu.memory_space<hbm>>)
    %dma_start3A_1585 = arith.constant 2048 : i32
    %dma_start3A_1586 = tpu.memref_slice %arg8[%dma_start3A_1585] : memref<4096xi32, #tpu.memory_space<vmem>> -> memref<256xi32, #tpu.memory_space<vmem>>
    %dma_start3A_1587 = arith.constant 0 : i32
    %dma_start3A_1588 = arith.constant 0 : i32
    %dma_start3A_1589 = tpu.memref_slice %arg12[%dma_start3A_1587, %dma_start3A_1588] : memref<65x65xf32, #tpu.memory_space<vmem_shared>> -> memref<65x65xf32, #tpu.memory_space<vmem_shared>>
    tpu.enqueue_indirect_dma source(%dma_start3A_1589 : memref<65x65xf32, #tpu.memory_space<vmem_shared>>) target(%arg13 : memref<256x65xf32, #tpu.memory_space<vmem>>) offsets(%dma_start3A_1586 : memref<256xi32, #tpu.memory_space<vmem>>) semaphore(%arg17 : memref<!tpu.dma_semaphore, #tpu.memory_space<semaphore_mem>>)
    %dma_wait3A_1590 = arith.constant 1792 : i32
    %dma_wait3A_1591 = tpu.memref_slice %arg8[%dma_wait3A_1590] : memref<4096xi32, #tpu.memory_space<vmem>> -> memref<256xi32, #tpu.memory_space<vmem>>
    %dma_wait3A_1592 = arith.constant 0 : i32
    %dma_wait3A_1593 = arith.constant 0 : i32
    %dma_wait3A_1594 = tpu.memref_slice %arg12[%dma_wait3A_1592, %dma_wait3A_1593] : memref<65x65xf32, #tpu.memory_space<vmem_shared>> -> memref<65x65xf32, #tpu.memory_space<vmem_shared>>
    tpu.wait_indirect_dma semaphore(%arg18 : memref<!tpu.dma_semaphore, #tpu.memory_space<semaphore_mem>>) src(%dma_wait3A_1594 : memref<65x65xf32, #tpu.memory_space<vmem_shared>>) dst(%arg14 : memref<256x65xf32, #tpu.memory_space<vmem>>)
    %add3A_1595 = arith.constant 1792 : i32
    %add3A_1596 = arith.addi %mul3A_2, %add3A_1595 : i32
    %dma_start3A_1597 = arith.constant 0 : i32
    %dma_start3A_1598 = tpu.memref_slice %arg6[%add3A_1596, %dma_start3A_1597] : memref<131072x65xf32, #tpu.memory_space<hbm>> -> memref<256x65xf32, #tpu.memory_space<hbm>>
    %dma_start3A_1599 = arith.constant 0 : i32
    %dma_start3A_1600 = tpu.memref_slice %arg6[%add3A_1596, %dma_start3A_1599] : memref<131072x65xf32, #tpu.memory_space<hbm>> -> memref<256x65xf32, #tpu.memory_space<hbm>>
    tpu.enqueue_dma source(%arg14 : memref<256x65xf32, #tpu.memory_space<vmem>>) target(%dma_start3A_1600 : memref<256x65xf32, #tpu.memory_space<hbm>>) target_semaphore(%arg20 : memref<!tpu.dma_semaphore, #tpu.memory_space<semaphore_mem>>)
    %dma_wait3A_1601 = arith.constant 0 : i32
    %dma_wait3A_1602 = tpu.memref_slice %arg6[%add3A_1596, %dma_wait3A_1601] : memref<131072x65xf32, #tpu.memory_space<hbm>> -> memref<256x65xf32, #tpu.memory_space<hbm>>
    %dma_wait3A_1603 = arith.constant 0 : i32
    %dma_wait3A_1604 = tpu.memref_slice %arg6[%add3A_1596, %dma_wait3A_1603] : memref<131072x65xf32, #tpu.memory_space<hbm>> -> memref<256x65xf32, #tpu.memory_space<hbm>>
    tpu.wait_dma2 semaphore(%arg20 : memref<!tpu.dma_semaphore, #tpu.memory_space<semaphore_mem>>) src(%arg14 : memref<256x65xf32, #tpu.memory_space<vmem>>) dst(%dma_wait3A_1604 : memref<256x65xf32, #tpu.memory_space<hbm>>)
    %dma_start3A_1605 = arith.constant 2304 : i32
    %dma_start3A_1606 = tpu.memref_slice %arg8[%dma_start3A_1605] : memref<4096xi32, #tpu.memory_space<vmem>> -> memref<256xi32, #tpu.memory_space<vmem>>
    %dma_start3A_1607 = arith.constant 0 : i32
    %dma_start3A_1608 = arith.constant 0 : i32
    %dma_start3A_1609 = tpu.memref_slice %arg12[%dma_start3A_1607, %dma_start3A_1608] : memref<65x65xf32, #tpu.memory_space<vmem_shared>> -> memref<65x65xf32, #tpu.memory_space<vmem_shared>>
    tpu.enqueue_indirect_dma source(%dma_start3A_1609 : memref<65x65xf32, #tpu.memory_space<vmem_shared>>) target(%arg14 : memref<256x65xf32, #tpu.memory_space<vmem>>) offsets(%dma_start3A_1606 : memref<256xi32, #tpu.memory_space<vmem>>) semaphore(%arg18 : memref<!tpu.dma_semaphore, #tpu.memory_space<semaphore_mem>>)
    %dma_wait3A_1610 = arith.constant 2048 : i32
    %dma_wait3A_1611 = tpu.memref_slice %arg8[%dma_wait3A_1610] : memref<4096xi32, #tpu.memory_space<vmem>> -> memref<256xi32, #tpu.memory_space<vmem>>
    %dma_wait3A_1612 = arith.constant 0 : i32
    %dma_wait3A_1613 = arith.constant 0 : i32
    %dma_wait3A_1614 = tpu.memref_slice %arg12[%dma_wait3A_1612, %dma_wait3A_1613] : memref<65x65xf32, #tpu.memory_space<vmem_shared>> -> memref<65x65xf32, #tpu.memory_space<vmem_shared>>
    tpu.wait_indirect_dma semaphore(%arg17 : memref<!tpu.dma_semaphore, #tpu.memory_space<semaphore_mem>>) src(%dma_wait3A_1614 : memref<65x65xf32, #tpu.memory_space<vmem_shared>>) dst(%arg13 : memref<256x65xf32, #tpu.memory_space<vmem>>)
    %add3A_1615 = arith.constant 2048 : i32
    %add3A_1616 = arith.addi %mul3A_2, %add3A_1615 : i32
    %dma_start3A_1617 = arith.constant 0 : i32
    %dma_start3A_1618 = tpu.memref_slice %arg6[%add3A_1616, %dma_start3A_1617] : memref<131072x65xf32, #tpu.memory_space<hbm>> -> memref<256x65xf32, #tpu.memory_space<hbm>>
    %dma_start3A_1619 = arith.constant 0 : i32
    %dma_start3A_1620 = tpu.memref_slice %arg6[%add3A_1616, %dma_start3A_1619] : memref<131072x65xf32, #tpu.memory_space<hbm>> -> memref<256x65xf32, #tpu.memory_space<hbm>>
    tpu.enqueue_dma source(%arg13 : memref<256x65xf32, #tpu.memory_space<vmem>>) target(%dma_start3A_1620 : memref<256x65xf32, #tpu.memory_space<hbm>>) target_semaphore(%arg19 : memref<!tpu.dma_semaphore, #tpu.memory_space<semaphore_mem>>)
    %dma_wait3A_1621 = arith.constant 0 : i32
    %dma_wait3A_1622 = tpu.memref_slice %arg6[%add3A_1616, %dma_wait3A_1621] : memref<131072x65xf32, #tpu.memory_space<hbm>> -> memref<256x65xf32, #tpu.memory_space<hbm>>
    %dma_wait3A_1623 = arith.constant 0 : i32
    %dma_wait3A_1624 = tpu.memref_slice %arg6[%add3A_1616, %dma_wait3A_1623] : memref<131072x65xf32, #tpu.memory_space<hbm>> -> memref<256x65xf32, #tpu.memory_space<hbm>>
    tpu.wait_dma2 semaphore(%arg19 : memref<!tpu.dma_semaphore, #tpu.memory_space<semaphore_mem>>) src(%arg13 : memref<256x65xf32, #tpu.memory_space<vmem>>) dst(%dma_wait3A_1624 : memref<256x65xf32, #tpu.memory_space<hbm>>)
    %dma_start3A_1625 = arith.constant 2560 : i32
    %dma_start3A_1626 = tpu.memref_slice %arg8[%dma_start3A_1625] : memref<4096xi32, #tpu.memory_space<vmem>> -> memref<256xi32, #tpu.memory_space<vmem>>
    %dma_start3A_1627 = arith.constant 0 : i32
    %dma_start3A_1628 = arith.constant 0 : i32
    %dma_start3A_1629 = tpu.memref_slice %arg12[%dma_start3A_1627, %dma_start3A_1628] : memref<65x65xf32, #tpu.memory_space<vmem_shared>> -> memref<65x65xf32, #tpu.memory_space<vmem_shared>>
    tpu.enqueue_indirect_dma source(%dma_start3A_1629 : memref<65x65xf32, #tpu.memory_space<vmem_shared>>) target(%arg13 : memref<256x65xf32, #tpu.memory_space<vmem>>) offsets(%dma_start3A_1626 : memref<256xi32, #tpu.memory_space<vmem>>) semaphore(%arg17 : memref<!tpu.dma_semaphore, #tpu.memory_space<semaphore_mem>>)
    %dma_wait3A_1630 = arith.constant 2304 : i32
    %dma_wait3A_1631 = tpu.memref_slice %arg8[%dma_wait3A_1630] : memref<4096xi32, #tpu.memory_space<vmem>> -> memref<256xi32, #tpu.memory_space<vmem>>
    %dma_wait3A_1632 = arith.constant 0 : i32
    %dma_wait3A_1633 = arith.constant 0 : i32
    %dma_wait3A_1634 = tpu.memref_slice %arg12[%dma_wait3A_1632, %dma_wait3A_1633] : memref<65x65xf32, #tpu.memory_space<vmem_shared>> -> memref<65x65xf32, #tpu.memory_space<vmem_shared>>
    tpu.wait_indirect_dma semaphore(%arg18 : memref<!tpu.dma_semaphore, #tpu.memory_space<semaphore_mem>>) src(%dma_wait3A_1634 : memref<65x65xf32, #tpu.memory_space<vmem_shared>>) dst(%arg14 : memref<256x65xf32, #tpu.memory_space<vmem>>)
    %add3A_1635 = arith.constant 2304 : i32
    %add3A_1636 = arith.addi %mul3A_2, %add3A_1635 : i32
    %dma_start3A_1637 = arith.constant 0 : i32
    %dma_start3A_1638 = tpu.memref_slice %arg6[%add3A_1636, %dma_start3A_1637] : memref<131072x65xf32, #tpu.memory_space<hbm>> -> memref<256x65xf32, #tpu.memory_space<hbm>>
    %dma_start3A_1639 = arith.constant 0 : i32
    %dma_start3A_1640 = tpu.memref_slice %arg6[%add3A_1636, %dma_start3A_1639] : memref<131072x65xf32, #tpu.memory_space<hbm>> -> memref<256x65xf32, #tpu.memory_space<hbm>>
    tpu.enqueue_dma source(%arg14 : memref<256x65xf32, #tpu.memory_space<vmem>>) target(%dma_start3A_1640 : memref<256x65xf32, #tpu.memory_space<hbm>>) target_semaphore(%arg20 : memref<!tpu.dma_semaphore, #tpu.memory_space<semaphore_mem>>)
    %dma_wait3A_1641 = arith.constant 0 : i32
    %dma_wait3A_1642 = tpu.memref_slice %arg6[%add3A_1636, %dma_wait3A_1641] : memref<131072x65xf32, #tpu.memory_space<hbm>> -> memref<256x65xf32, #tpu.memory_space<hbm>>
    %dma_wait3A_1643 = arith.constant 0 : i32
    %dma_wait3A_1644 = tpu.memref_slice %arg6[%add3A_1636, %dma_wait3A_1643] : memref<131072x65xf32, #tpu.memory_space<hbm>> -> memref<256x65xf32, #tpu.memory_space<hbm>>
    tpu.wait_dma2 semaphore(%arg20 : memref<!tpu.dma_semaphore, #tpu.memory_space<semaphore_mem>>) src(%arg14 : memref<256x65xf32, #tpu.memory_space<vmem>>) dst(%dma_wait3A_1644 : memref<256x65xf32, #tpu.memory_space<hbm>>)
    %dma_start3A_1645 = arith.constant 2816 : i32
    %dma_start3A_1646 = tpu.memref_slice %arg8[%dma_start3A_1645] : memref<4096xi32, #tpu.memory_space<vmem>> -> memref<256xi32, #tpu.memory_space<vmem>>
    %dma_start3A_1647 = arith.constant 0 : i32
    %dma_start3A_1648 = arith.constant 0 : i32
    %dma_start3A_1649 = tpu.memref_slice %arg12[%dma_start3A_1647, %dma_start3A_1648] : memref<65x65xf32, #tpu.memory_space<vmem_shared>> -> memref<65x65xf32, #tpu.memory_space<vmem_shared>>
    tpu.enqueue_indirect_dma source(%dma_start3A_1649 : memref<65x65xf32, #tpu.memory_space<vmem_shared>>) target(%arg14 : memref<256x65xf32, #tpu.memory_space<vmem>>) offsets(%dma_start3A_1646 : memref<256xi32, #tpu.memory_space<vmem>>) semaphore(%arg18 : memref<!tpu.dma_semaphore, #tpu.memory_space<semaphore_mem>>)
    %dma_wait3A_1650 = arith.constant 2560 : i32
    %dma_wait3A_1651 = tpu.memref_slice %arg8[%dma_wait3A_1650] : memref<4096xi32, #tpu.memory_space<vmem>> -> memref<256xi32, #tpu.memory_space<vmem>>
    %dma_wait3A_1652 = arith.constant 0 : i32
    %dma_wait3A_1653 = arith.constant 0 : i32
    %dma_wait3A_1654 = tpu.memref_slice %arg12[%dma_wait3A_1652, %dma_wait3A_1653] : memref<65x65xf32, #tpu.memory_space<vmem_shared>> -> memref<65x65xf32, #tpu.memory_space<vmem_shared>>
    tpu.wait_indirect_dma semaphore(%arg17 : memref<!tpu.dma_semaphore, #tpu.memory_space<semaphore_mem>>) src(%dma_wait3A_1654 : memref<65x65xf32, #tpu.memory_space<vmem_shared>>) dst(%arg13 : memref<256x65xf32, #tpu.memory_space<vmem>>)
    %add3A_1655 = arith.constant 2560 : i32
    %add3A_1656 = arith.addi %mul3A_2, %add3A_1655 : i32
    %dma_start3A_1657 = arith.constant 0 : i32
    %dma_start3A_1658 = tpu.memref_slice %arg6[%add3A_1656, %dma_start3A_1657] : memref<131072x65xf32, #tpu.memory_space<hbm>> -> memref<256x65xf32, #tpu.memory_space<hbm>>
    %dma_start3A_1659 = arith.constant 0 : i32
    %dma_start3A_1660 = tpu.memref_slice %arg6[%add3A_1656, %dma_start3A_1659] : memref<131072x65xf32, #tpu.memory_space<hbm>> -> memref<256x65xf32, #tpu.memory_space<hbm>>
    tpu.enqueue_dma source(%arg13 : memref<256x65xf32, #tpu.memory_space<vmem>>) target(%dma_start3A_1660 : memref<256x65xf32, #tpu.memory_space<hbm>>) target_semaphore(%arg19 : memref<!tpu.dma_semaphore, #tpu.memory_space<semaphore_mem>>)
    %dma_wait3A_1661 = arith.constant 0 : i32
    %dma_wait3A_1662 = tpu.memref_slice %arg6[%add3A_1656, %dma_wait3A_1661] : memref<131072x65xf32, #tpu.memory_space<hbm>> -> memref<256x65xf32, #tpu.memory_space<hbm>>
    %dma_wait3A_1663 = arith.constant 0 : i32
    %dma_wait3A_1664 = tpu.memref_slice %arg6[%add3A_1656, %dma_wait3A_1663] : memref<131072x65xf32, #tpu.memory_space<hbm>> -> memref<256x65xf32, #tpu.memory_space<hbm>>
    tpu.wait_dma2 semaphore(%arg19 : memref<!tpu.dma_semaphore, #tpu.memory_space<semaphore_mem>>) src(%arg13 : memref<256x65xf32, #tpu.memory_space<vmem>>) dst(%dma_wait3A_1664 : memref<256x65xf32, #tpu.memory_space<hbm>>)
    %dma_start3A_1665 = arith.constant 3072 : i32
    %dma_start3A_1666 = tpu.memref_slice %arg8[%dma_start3A_1665] : memref<4096xi32, #tpu.memory_space<vmem>> -> memref<256xi32, #tpu.memory_space<vmem>>
    %dma_start3A_1667 = arith.constant 0 : i32
    %dma_start3A_1668 = arith.constant 0 : i32
    %dma_start3A_1669 = tpu.memref_slice %arg12[%dma_start3A_1667, %dma_start3A_1668] : memref<65x65xf32, #tpu.memory_space<vmem_shared>> -> memref<65x65xf32, #tpu.memory_space<vmem_shared>>
    tpu.enqueue_indirect_dma source(%dma_start3A_1669 : memref<65x65xf32, #tpu.memory_space<vmem_shared>>) target(%arg13 : memref<256x65xf32, #tpu.memory_space<vmem>>) offsets(%dma_start3A_1666 : memref<256xi32, #tpu.memory_space<vmem>>) semaphore(%arg17 : memref<!tpu.dma_semaphore, #tpu.memory_space<semaphore_mem>>)
    %dma_wait3A_1670 = arith.constant 2816 : i32
    %dma_wait3A_1671 = tpu.memref_slice %arg8[%dma_wait3A_1670] : memref<4096xi32, #tpu.memory_space<vmem>> -> memref<256xi32, #tpu.memory_space<vmem>>
    %dma_wait3A_1672 = arith.constant 0 : i32
    %dma_wait3A_1673 = arith.constant 0 : i32
    %dma_wait3A_1674 = tpu.memref_slice %arg12[%dma_wait3A_1672, %dma_wait3A_1673] : memref<65x65xf32, #tpu.memory_space<vmem_shared>> -> memref<65x65xf32, #tpu.memory_space<vmem_shared>>
    tpu.wait_indirect_dma semaphore(%arg18 : memref<!tpu.dma_semaphore, #tpu.memory_space<semaphore_mem>>) src(%dma_wait3A_1674 : memref<65x65xf32, #tpu.memory_space<vmem_shared>>) dst(%arg14 : memref<256x65xf32, #tpu.memory_space<vmem>>)
    %add3A_1675 = arith.constant 2816 : i32
    %add3A_1676 = arith.addi %mul3A_2, %add3A_1675 : i32
    %dma_start3A_1677 = arith.constant 0 : i32
    %dma_start3A_1678 = tpu.memref_slice %arg6[%add3A_1676, %dma_start3A_1677] : memref<131072x65xf32, #tpu.memory_space<hbm>> -> memref<256x65xf32, #tpu.memory_space<hbm>>
    %dma_start3A_1679 = arith.constant 0 : i32
    %dma_start3A_1680 = tpu.memref_slice %arg6[%add3A_1676, %dma_start3A_1679] : memref<131072x65xf32, #tpu.memory_space<hbm>> -> memref<256x65xf32, #tpu.memory_space<hbm>>
    tpu.enqueue_dma source(%arg14 : memref<256x65xf32, #tpu.memory_space<vmem>>) target(%dma_start3A_1680 : memref<256x65xf32, #tpu.memory_space<hbm>>) target_semaphore(%arg20 : memref<!tpu.dma_semaphore, #tpu.memory_space<semaphore_mem>>)
    %dma_wait3A_1681 = arith.constant 0 : i32
    %dma_wait3A_1682 = tpu.memref_slice %arg6[%add3A_1676, %dma_wait3A_1681] : memref<131072x65xf32, #tpu.memory_space<hbm>> -> memref<256x65xf32, #tpu.memory_space<hbm>>
    %dma_wait3A_1683 = arith.constant 0 : i32
    %dma_wait3A_1684 = tpu.memref_slice %arg6[%add3A_1676, %dma_wait3A_1683] : memref<131072x65xf32, #tpu.memory_space<hbm>> -> memref<256x65xf32, #tpu.memory_space<hbm>>
    tpu.wait_dma2 semaphore(%arg20 : memref<!tpu.dma_semaphore, #tpu.memory_space<semaphore_mem>>) src(%arg14 : memref<256x65xf32, #tpu.memory_space<vmem>>) dst(%dma_wait3A_1684 : memref<256x65xf32, #tpu.memory_space<hbm>>)
    %dma_start3A_1685 = arith.constant 3328 : i32
    %dma_start3A_1686 = tpu.memref_slice %arg8[%dma_start3A_1685] : memref<4096xi32, #tpu.memory_space<vmem>> -> memref<256xi32, #tpu.memory_space<vmem>>
    %dma_start3A_1687 = arith.constant 0 : i32
    %dma_start3A_1688 = arith.constant 0 : i32
    %dma_start3A_1689 = tpu.memref_slice %arg12[%dma_start3A_1687, %dma_start3A_1688] : memref<65x65xf32, #tpu.memory_space<vmem_shared>> -> memref<65x65xf32, #tpu.memory_space<vmem_shared>>
    tpu.enqueue_indirect_dma source(%dma_start3A_1689 : memref<65x65xf32, #tpu.memory_space<vmem_shared>>) target(%arg14 : memref<256x65xf32, #tpu.memory_space<vmem>>) offsets(%dma_start3A_1686 : memref<256xi32, #tpu.memory_space<vmem>>) semaphore(%arg18 : memref<!tpu.dma_semaphore, #tpu.memory_space<semaphore_mem>>)
    %dma_wait3A_1690 = arith.constant 3072 : i32
    %dma_wait3A_1691 = tpu.memref_slice %arg8[%dma_wait3A_1690] : memref<4096xi32, #tpu.memory_space<vmem>> -> memref<256xi32, #tpu.memory_space<vmem>>
    %dma_wait3A_1692 = arith.constant 0 : i32
    %dma_wait3A_1693 = arith.constant 0 : i32
    %dma_wait3A_1694 = tpu.memref_slice %arg12[%dma_wait3A_1692, %dma_wait3A_1693] : memref<65x65xf32, #tpu.memory_space<vmem_shared>> -> memref<65x65xf32, #tpu.memory_space<vmem_shared>>
    tpu.wait_indirect_dma semaphore(%arg17 : memref<!tpu.dma_semaphore, #tpu.memory_space<semaphore_mem>>) src(%dma_wait3A_1694 : memref<65x65xf32, #tpu.memory_space<vmem_shared>>) dst(%arg13 : memref<256x65xf32, #tpu.memory_space<vmem>>)
    %add3A_1695 = arith.constant 3072 : i32
    %add3A_1696 = arith.addi %mul3A_2, %add3A_1695 : i32
    %dma_start3A_1697 = arith.constant 0 : i32
    %dma_start3A_1698 = tpu.memref_slice %arg6[%add3A_1696, %dma_start3A_1697] : memref<131072x65xf32, #tpu.memory_space<hbm>> -> memref<256x65xf32, #tpu.memory_space<hbm>>
    %dma_start3A_1699 = arith.constant 0 : i32
    %dma_start3A_1700 = tpu.memref_slice %arg6[%add3A_1696, %dma_start3A_1699] : memref<131072x65xf32, #tpu.memory_space<hbm>> -> memref<256x65xf32, #tpu.memory_space<hbm>>
    tpu.enqueue_dma source(%arg13 : memref<256x65xf32, #tpu.memory_space<vmem>>) target(%dma_start3A_1700 : memref<256x65xf32, #tpu.memory_space<hbm>>) target_semaphore(%arg19 : memref<!tpu.dma_semaphore, #tpu.memory_space<semaphore_mem>>)
    %dma_wait3A_1701 = arith.constant 0 : i32
    %dma_wait3A_1702 = tpu.memref_slice %arg6[%add3A_1696, %dma_wait3A_1701] : memref<131072x65xf32, #tpu.memory_space<hbm>> -> memref<256x65xf32, #tpu.memory_space<hbm>>
    %dma_wait3A_1703 = arith.constant 0 : i32
    %dma_wait3A_1704 = tpu.memref_slice %arg6[%add3A_1696, %dma_wait3A_1703] : memref<131072x65xf32, #tpu.memory_space<hbm>> -> memref<256x65xf32, #tpu.memory_space<hbm>>
    tpu.wait_dma2 semaphore(%arg19 : memref<!tpu.dma_semaphore, #tpu.memory_space<semaphore_mem>>) src(%arg13 : memref<256x65xf32, #tpu.memory_space<vmem>>) dst(%dma_wait3A_1704 : memref<256x65xf32, #tpu.memory_space<hbm>>)
    %dma_start3A_1705 = arith.constant 3584 : i32
    %dma_start3A_1706 = tpu.memref_slice %arg8[%dma_start3A_1705] : memref<4096xi32, #tpu.memory_space<vmem>> -> memref<256xi32, #tpu.memory_space<vmem>>
    %dma_start3A_1707 = arith.constant 0 : i32
    %dma_start3A_1708 = arith.constant 0 : i32
    %dma_start3A_1709 = tpu.memref_slice %arg12[%dma_start3A_1707, %dma_start3A_1708] : memref<65x65xf32, #tpu.memory_space<vmem_shared>> -> memref<65x65xf32, #tpu.memory_space<vmem_shared>>
    tpu.enqueue_indirect_dma source(%dma_start3A_1709 : memref<65x65xf32, #tpu.memory_space<vmem_shared>>) target(%arg13 : memref<256x65xf32, #tpu.memory_space<vmem>>) offsets(%dma_start3A_1706 : memref<256xi32, #tpu.memory_space<vmem>>) semaphore(%arg17 : memref<!tpu.dma_semaphore, #tpu.memory_space<semaphore_mem>>)
    %dma_wait3A_1710 = arith.constant 3328 : i32
    %dma_wait3A_1711 = tpu.memref_slice %arg8[%dma_wait3A_1710] : memref<4096xi32, #tpu.memory_space<vmem>> -> memref<256xi32, #tpu.memory_space<vmem>>
    %dma_wait3A_1712 = arith.constant 0 : i32
    %dma_wait3A_1713 = arith.constant 0 : i32
    %dma_wait3A_1714 = tpu.memref_slice %arg12[%dma_wait3A_1712, %dma_wait3A_1713] : memref<65x65xf32, #tpu.memory_space<vmem_shared>> -> memref<65x65xf32, #tpu.memory_space<vmem_shared>>
    tpu.wait_indirect_dma semaphore(%arg18 : memref<!tpu.dma_semaphore, #tpu.memory_space<semaphore_mem>>) src(%dma_wait3A_1714 : memref<65x65xf32, #tpu.memory_space<vmem_shared>>) dst(%arg14 : memref<256x65xf32, #tpu.memory_space<vmem>>)
    %add3A_1715 = arith.constant 3328 : i32
    %add3A_1716 = arith.addi %mul3A_2, %add3A_1715 : i32
    %dma_start3A_1717 = arith.constant 0 : i32
    %dma_start3A_1718 = tpu.memref_slice %arg6[%add3A_1716, %dma_start3A_1717] : memref<131072x65xf32, #tpu.memory_space<hbm>> -> memref<256x65xf32, #tpu.memory_space<hbm>>
    %dma_start3A_1719 = arith.constant 0 : i32
    %dma_start3A_1720 = tpu.memref_slice %arg6[%add3A_1716, %dma_start3A_1719] : memref<131072x65xf32, #tpu.memory_space<hbm>> -> memref<256x65xf32, #tpu.memory_space<hbm>>
    tpu.enqueue_dma source(%arg14 : memref<256x65xf32, #tpu.memory_space<vmem>>) target(%dma_start3A_1720 : memref<256x65xf32, #tpu.memory_space<hbm>>) target_semaphore(%arg20 : memref<!tpu.dma_semaphore, #tpu.memory_space<semaphore_mem>>)
    %dma_wait3A_1721 = arith.constant 0 : i32
    %dma_wait3A_1722 = tpu.memref_slice %arg6[%add3A_1716, %dma_wait3A_1721] : memref<131072x65xf32, #tpu.memory_space<hbm>> -> memref<256x65xf32, #tpu.memory_space<hbm>>
    %dma_wait3A_1723 = arith.constant 0 : i32
    %dma_wait3A_1724 = tpu.memref_slice %arg6[%add3A_1716, %dma_wait3A_1723] : memref<131072x65xf32, #tpu.memory_space<hbm>> -> memref<256x65xf32, #tpu.memory_space<hbm>>
    tpu.wait_dma2 semaphore(%arg20 : memref<!tpu.dma_semaphore, #tpu.memory_space<semaphore_mem>>) src(%arg14 : memref<256x65xf32, #tpu.memory_space<vmem>>) dst(%dma_wait3A_1724 : memref<256x65xf32, #tpu.memory_space<hbm>>)
    %dma_start3A_1725 = arith.constant 3840 : i32
    %dma_start3A_1726 = tpu.memref_slice %arg8[%dma_start3A_1725] : memref<4096xi32, #tpu.memory_space<vmem>> -> memref<256xi32, #tpu.memory_space<vmem>>
    %dma_start3A_1727 = arith.constant 0 : i32
    %dma_start3A_1728 = arith.constant 0 : i32
    %dma_start3A_1729 = tpu.memref_slice %arg12[%dma_start3A_1727, %dma_start3A_1728] : memref<65x65xf32, #tpu.memory_space<vmem_shared>> -> memref<65x65xf32, #tpu.memory_space<vmem_shared>>
    tpu.enqueue_indirect_dma source(%dma_start3A_1729 : memref<65x65xf32, #tpu.memory_space<vmem_shared>>) target(%arg14 : memref<256x65xf32, #tpu.memory_space<vmem>>) offsets(%dma_start3A_1726 : memref<256xi32, #tpu.memory_space<vmem>>) semaphore(%arg18 : memref<!tpu.dma_semaphore, #tpu.memory_space<semaphore_mem>>)
    %dma_wait3A_1730 = arith.constant 3584 : i32
    %dma_wait3A_1731 = tpu.memref_slice %arg8[%dma_wait3A_1730] : memref<4096xi32, #tpu.memory_space<vmem>> -> memref<256xi32, #tpu.memory_space<vmem>>
    %dma_wait3A_1732 = arith.constant 0 : i32
    %dma_wait3A_1733 = arith.constant 0 : i32
    %dma_wait3A_1734 = tpu.memref_slice %arg12[%dma_wait3A_1732, %dma_wait3A_1733] : memref<65x65xf32, #tpu.memory_space<vmem_shared>> -> memref<65x65xf32, #tpu.memory_space<vmem_shared>>
    tpu.wait_indirect_dma semaphore(%arg17 : memref<!tpu.dma_semaphore, #tpu.memory_space<semaphore_mem>>) src(%dma_wait3A_1734 : memref<65x65xf32, #tpu.memory_space<vmem_shared>>) dst(%arg13 : memref<256x65xf32, #tpu.memory_space<vmem>>)
    %add3A_1735 = arith.constant 3584 : i32
    %add3A_1736 = arith.addi %mul3A_2, %add3A_1735 : i32
    %dma_start3A_1737 = arith.constant 0 : i32
    %dma_start3A_1738 = tpu.memref_slice %arg6[%add3A_1736, %dma_start3A_1737] : memref<131072x65xf32, #tpu.memory_space<hbm>> -> memref<256x65xf32, #tpu.memory_space<hbm>>
    %dma_start3A_1739 = arith.constant 0 : i32
    %dma_start3A_1740 = tpu.memref_slice %arg6[%add3A_1736, %dma_start3A_1739] : memref<131072x65xf32, #tpu.memory_space<hbm>> -> memref<256x65xf32, #tpu.memory_space<hbm>>
    tpu.enqueue_dma source(%arg13 : memref<256x65xf32, #tpu.memory_space<vmem>>) target(%dma_start3A_1740 : memref<256x65xf32, #tpu.memory_space<hbm>>) target_semaphore(%arg19 : memref<!tpu.dma_semaphore, #tpu.memory_space<semaphore_mem>>)
    %dma_wait3A_1741 = arith.constant 3840 : i32
    %dma_wait3A_1742 = tpu.memref_slice %arg8[%dma_wait3A_1741] : memref<4096xi32, #tpu.memory_space<vmem>> -> memref<256xi32, #tpu.memory_space<vmem>>
    %dma_wait3A_1743 = arith.constant 0 : i32
    %dma_wait3A_1744 = arith.constant 0 : i32
    %dma_wait3A_1745 = tpu.memref_slice %arg12[%dma_wait3A_1743, %dma_wait3A_1744] : memref<65x65xf32, #tpu.memory_space<vmem_shared>> -> memref<65x65xf32, #tpu.memory_space<vmem_shared>>
    tpu.wait_indirect_dma semaphore(%arg18 : memref<!tpu.dma_semaphore, #tpu.memory_space<semaphore_mem>>) src(%dma_wait3A_1745 : memref<65x65xf32, #tpu.memory_space<vmem_shared>>) dst(%arg14 : memref<256x65xf32, #tpu.memory_space<vmem>>)
    %add3A_1746 = arith.constant 3840 : i32
    %add3A_1747 = arith.addi %mul3A_2, %add3A_1746 : i32
    %dma_start3A_1748 = arith.constant 0 : i32
    %dma_start3A_1749 = tpu.memref_slice %arg6[%add3A_1747, %dma_start3A_1748] : memref<131072x65xf32, #tpu.memory_space<hbm>> -> memref<256x65xf32, #tpu.memory_space<hbm>>
    %dma_start3A_1750 = arith.constant 0 : i32
    %dma_start3A_1751 = tpu.memref_slice %arg6[%add3A_1747, %dma_start3A_1750] : memref<131072x65xf32, #tpu.memory_space<hbm>> -> memref<256x65xf32, #tpu.memory_space<hbm>>
    tpu.enqueue_dma source(%arg14 : memref<256x65xf32, #tpu.memory_space<vmem>>) target(%dma_start3A_1751 : memref<256x65xf32, #tpu.memory_space<hbm>>) target_semaphore(%arg20 : memref<!tpu.dma_semaphore, #tpu.memory_space<semaphore_mem>>)
    %dma_wait3A_1752 = arith.constant 0 : i32
    %dma_wait3A_1753 = tpu.memref_slice %arg6[%add3A_1736, %dma_wait3A_1752] : memref<131072x65xf32, #tpu.memory_space<hbm>> -> memref<256x65xf32, #tpu.memory_space<hbm>>
    %dma_wait3A_1754 = arith.constant 0 : i32
    %dma_wait3A_1755 = tpu.memref_slice %arg6[%add3A_1736, %dma_wait3A_1754] : memref<131072x65xf32, #tpu.memory_space<hbm>> -> memref<256x65xf32, #tpu.memory_space<hbm>>
    tpu.wait_dma2 semaphore(%arg19 : memref<!tpu.dma_semaphore, #tpu.memory_space<semaphore_mem>>) src(%arg13 : memref<256x65xf32, #tpu.memory_space<vmem>>) dst(%dma_wait3A_1755 : memref<256x65xf32, #tpu.memory_space<hbm>>)
    %dma_wait3A_1756 = arith.constant 0 : i32
    %dma_wait3A_1757 = tpu.memref_slice %arg6[%add3A_1747, %dma_wait3A_1756] : memref<131072x65xf32, #tpu.memory_space<hbm>> -> memref<256x65xf32, #tpu.memory_space<hbm>>
    %dma_wait3A_1758 = arith.constant 0 : i32
    %dma_wait3A_1759 = tpu.memref_slice %arg6[%add3A_1747, %dma_wait3A_1758] : memref<131072x65xf32, #tpu.memory_space<hbm>> -> memref<256x65xf32, #tpu.memory_space<hbm>>
    tpu.wait_dma2 semaphore(%arg20 : memref<!tpu.dma_semaphore, #tpu.memory_space<semaphore_mem>>) src(%arg14 : memref<256x65xf32, #tpu.memory_space<vmem>>) dst(%dma_wait3A_1759 : memref<256x65xf32, #tpu.memory_space<hbm>>)
    return
  }
}

module attributes {stable_mosaic.version = 14 : i64} {
  func.func @_nll_body(%arg0: memref<65x65xf32, #tpu.memory_space<vmem>>, %arg1: memref<65x65xf32, #tpu.memory_space<vmem>>) attributes {dimension_semantics = [], scalar_prefetch = 0 : i64, scratch_operands = 0 : i64, tpu.core_type = #tpu.core_type<tc>} {
    %get3A = arith.constant 0 : index
    %get3A_0 = arith.constant 0 : index
    %get3A_1 = vector.load %arg0[%get3A, %get3A_0] : memref<65x65xf32, #tpu.memory_space<vmem>>, vector<65x65xf32>
    %reduce_max3A = arith.constant dense<0xFF800000> : vector<65xf32>
    %reduce_max3A_2 = vector.multi_reduction <maximumf>, %get3A_1, %reduce_max3A [1] : vector<65x65xf32> to vector<65xf32>
    %broadcast_in_dim3A = vector.shape_cast %reduce_max3A_2 : vector<65xf32> to vector<65x1xf32>
    %sub3A = vector.broadcast %broadcast_in_dim3A : vector<65x1xf32> to vector<65x65xf32>
    %sub3A_3 = arith.subf %get3A_1, %sub3A : vector<65x65xf32>
    %exp3A = math.exp %sub3A_3 : vector<65x65xf32>
    %reduce_sum3A = arith.constant dense<0.000000e+00> : vector<65xf32>
    %reduce_sum3A_4 = vector.multi_reduction <add>, %exp3A, %reduce_sum3A [1] : vector<65x65xf32> to vector<65xf32>
    %broadcast_in_dim3A_5 = vector.shape_cast %reduce_sum3A_4 : vector<65xf32> to vector<65x1xf32>
    %log3A = math.log %broadcast_in_dim3A_5 : vector<65x1xf32>
    %add3A = arith.addf %broadcast_in_dim3A, %log3A : vector<65x1xf32>
    %sub3A_6 = vector.broadcast %add3A : vector<65x1xf32> to vector<65x65xf32>
    %sub3A_7 = arith.subf %sub3A_6, %get3A_1 : vector<65x65xf32>
    %swap3A = arith.constant 0 : index
    %swap3A_8 = arith.constant 0 : index
    %swap3A_9 = vector.load %arg1[%swap3A, %swap3A_8] : memref<65x65xf32, #tpu.memory_space<vmem>>, vector<65x65xf32>
    tpu.vector_store %arg1[%swap3A, %swap3A_8], %sub3A_7 {strides = array<i32>} : memref<65x65xf32, #tpu.memory_space<vmem>>, vector<65x65xf32>,
    return
  }
}

module attributes {stable_mosaic.version = 14 : i64} {
  func.func @_loss_reduce_body(%arg0: memref<32x16xf32, #tpu.memory_space<vmem>>, %arg1: memref<1x1xf32, #tpu.memory_space<vmem>>) attributes {dimension_semantics = [], scalar_prefetch = 0 : i64, scratch_operands = 0 : i64, tpu.core_type = #tpu.core_type<tc>} {
    %get3A = arith.constant 0 : index
    %get3A_0 = arith.constant 0 : index
    %get3A_1 = vector.load %arg0[%get3A, %get3A_0] : memref<32x16xf32, #tpu.memory_space<vmem>>, vector<32x16xf32>
    %reduce_sum3A = vector.shape_cast %get3A_1 : vector<32x16xf32> to vector<1x32x16xf32>
    %reduce_sum3A_2 = arith.constant dense<0.000000e+00> : vector<1xf32>
    %reduce_sum3A_3 = vector.multi_reduction <add>, %reduce_sum3A, %reduce_sum3A_2 [1, 2] : vector<1x32x16xf32> to vector<1xf32>
    %reduce_sum3A_4 = vector.shape_cast %reduce_sum3A_3 : vector<1xf32> to vector<1x1x1xf32>
    %reduce_sum3A_5 = vector.extract %reduce_sum3A_4[0, 0, 0] : f32 from vector<1x1x1xf32>
    %div3A = arith.constant 1.310720e+05 : f32
    %div3A_6 = arith.divf %reduce_sum3A_5, %div3A : f32
    %reshape3A = vector.broadcast %div3A_6 : f32 to vector<1x1xf32>
    %swap3A = arith.constant 0 : index
    %swap3A_7 = arith.constant 0 : index
    %swap3A_8 = vector.load %arg1[%swap3A, %swap3A_7] : memref<1x1xf32, #tpu.memory_space<vmem>>, vector<1x1xf32>
    tpu.vector_store %arg1[%swap3A, %swap3A_7], %reshape3A {strides = array<i32>} : memref<1x1xf32, #tpu.memory_space<vmem>>, vector<1x1xf32>,
    return
  }
}

</mosaic_0001>

<sc_bundles>
// kernel: kernel.5.cloned.1.call-start
scs
__scs_entry_jumppad:
0x0: {  	(pc) =	sbr.rel $0x88, $3  }
0x1: {  	(tag) =	ssettag $0x0;
	lr =	simm.s32 $0x1  }
0x2: {  	[smem:$0x3F9E] =	sst lr;
	_ =	strace $0xD0000000  }
0x3: {  	_ = 	snop  }
0x4: {  	_ = 	snop  }
0x5: {  	_ = 	snop  }
0x6: {  	_ = 	snop  }
0x7: {  	_ = 	snop  }
__scs_overlays_trampoline_lowered:
0x8: {  	[smem:$0x3FAD] =	sst s0  }
0x9: {  	[smem:$0x3FAE] =	sst s1  }
0xa: {  	[smem:$0x3FAF] =	sst s2  }
0xb: {  	[smem:$0x3FB0] =	sst s3  }
0xc: {  	[smem:$0x3FB1] =	sst s4  }
0xd: {  	[smem:$0x3FB2] =	sst s5  }
0xe: {  	[smem:$0x3FB3] =	sst s6  }
0xf: {  	[smem:$0x3FB4] =	sst s7  }
0x10: {  	[smem:$0x3FB5] =	sst s8  }
0x11: {  	[smem:$0x3FB6] =	sst s9;
	s0 =	simm.s32 @!p0 $0x0  }
0x12: {  	s1 =	sld [smem:$0x3F9C];
	s0 =	simm.s32 @p0 $0x1  }
0x13: {  	[smem:$0x3FB7] =	sst s0;
	s0 =	simm.s32 @!p1 $0x0  }
0x14: {  	s2 =	sld [smem:$0x3F9B];
	s0 =	simm.s32 @p1 $0x1  }
0x15: {  	[smem:$0x3FB8] =	sst s0;
	s0 =	simm.s32 @!p2 $0x0  }
0x16: {  	s3 =	sld [smem:$0x3FDB];
	s0 =	simm.s32 @p2 $0x1  }
0x17: {  	s4 =	simm.s32 $0x1BF5;
	[smem:$0x3FBA] =	sst s0  }
0x18: {  	s0 =	sld [smem:$0x3F9D];
	_ =	swait.ge [sflag:s4], $0x0  }
0x19: {  	s7 =	sld [smem:$0x3F9E]  }
0x1a: {  	s8 =	sadd.s32 $0xFFFFE003, lr  }
0x1b: {  	s9 =	sadd.s32 $0xFFFFFEF7, lr;
	s5 =	simm.s32 $0xFFFFFFFF;
	p2 =	slt.u32 s8, $0xFFFFF086  }
0x1c: {  	p1 =	slt.u32 s9, $0xF7A;
	s5 =	simm.s32 @!p2 $0x0  }
0x1d: {  	s5 =	simm.s32 @p1 $0x1;
	p0 =	seq.s32 s7, s2  }
0x1e: {  	s7 =	smul.u32 @!p0 $0xF7A, s2;
	p2 =	seq.s32 @!p0 s5, $0x0  }
0x1f: {  	s9 =	smul.u32 $0xF7A, s1;
	s8 =	simm.s32 @!p0 $0x1BF5;
	p2 =	por !p2, p0  }
0x20: {  	[sflag:s8] =	ssyncset.s32 @!p0 $0xFFFFF086;
	s6 =	sadd.s32 @!p0 s3, s7;
	s7 =	simm.s32 @!p0 $0x108  }
0x21: {  	s3 =	sadd.s32 s3, s9;
	s6 =	sadd.s32 @!p0 $0x88, s6;
	s7 =	simm.s32 @p2 $0x1082  }
0x22: {  	[simem:s7], [sflag:s8] =	dma.local @!p0 [hbm:s6], $0xF7A  }
0x23: {  	s9 =	sor.u32 $0xD0000000, s2;
	s6 =	simm.s32 $0x108;
	_ =	swait.ge @!p0 [sflag:s8], $0x0  }
0x24: {  	s3 =	sadd.s32 $0x88, s3;
	s6 =	simm.s32 @!p1 $0x1082;
	[sflag:s4] =	ssyncset.s32 $0xFFFFF086  }
0x25: {  	[simem:s6], [sflag:s4] =	dma.local [hbm:s3], $0xF7A  }
0x26: {  	[smem:$0x3F9E] =	sst s1;
	(tag) =	ssettag s2;
	_ =	strace s9  }
0x27: {  	s1 =	sld [smem:$0x3FAE]  }
0x28: {  	s2 =	sld [smem:$0x3FAF]  }
0x29: {  	s4 =	sld [smem:$0x3FB1]  }
0x2a: {  	p0 =	seq.s32 s5, $0x0;
	s5 =	sld [smem:$0x3FB2]  }
0x2b: {  	s6 =	sld [smem:$0x3FB3]  }
0x2c: {  	s7 =	sld [smem:$0x3FB4]  }
0x2d: {  	s3 =	simm.s32 $0x108;
	s8 =	sld [smem:$0x3FB5]  }
0x2e: {  	s3 =	simm.s32 @!p0 $0x1082;
	s9 =	sld [smem:$0x3FB6]  }
0x2f: {  	lr =	sadd.s32 s0, s3;
	s0 =	sld [smem:$0x3FAD]  }
0x30: {  	s3 =	sld [smem:$0x3FB0]  }
0x31: {  	[smem:$0x3FB9] =	sst s10  }
0x32: {  	s10 =	sld [smem:$0x3FB7];
	_ =	sdelay $0x3  }
0x33: {  	p0 =	seq.s32 s10, $0x1;
	s10 =	sld [smem:$0x3FB9];
	_ =	sdelay $0x3  }
0x34: {  	[smem:$0x3FB9] =	sst s10  }
0x35: {  	s10 =	sld [smem:$0x3FB8];
	_ =	sdelay $0x3  }
0x36: {  	p1 =	seq.s32 s10, $0x1;
	s10 =	sld [smem:$0x3FB9];
	_ =	sdelay $0x3  }
0x37: {  	[smem:$0x3FB9] =	sst s10  }
0x38: {  	s10 =	sld [smem:$0x3FBA]  }
0x39: {  	_ = 	snop;
	(pc) =	sbr.ind lr, $3  }
0x3a: {  	_ = 	snop  }
0x3b: {  	_ = 	snop  }
0x3c: {  	p2 =	seq.s32 s10, $0x1;
	s10 =	sld [smem:$0x3FB9]  }
0x3d: {  	_ =	shalt  }
0x3e: {  	_ =	shalt  }
0x3f: {  	_ =	shalt  }
0x40: {  	_ =	shalt  }
0x41: {  	_ =	shalt  }
0x42: {  	_ =	shalt  }
0x43: {  	_ =	shalt  }
0x44: {  	_ =	shalt  }
0x45: {  	_ =	shalt  }
0x46: {  	_ =	shalt  }
0x47: {  	_ =	shalt  }
0x48: {  	_ =	shalt  }
0x49: {  	_ =	shalt  }
0x4a: {  	_ =	shalt  }
0x4b: {  	_ =	shalt  }
0x4c: {  	_ =	shalt  }
0x4d: {  	_ =	shalt  }
0x4e: {  	_ =	shalt  }
0x4f: {  	_ =	shalt  }
0x50: {  	_ =	shalt  }
0x51: {  	_ =	shalt  }
0x52: {  	_ =	shalt  }
0x53: {  	_ =	shalt  }
0x54: {  	_ =	shalt  }
0x55: {  	_ =	shalt  }
0x56: {  	_ =	shalt  }
0x57: {  	_ =	shalt  }
0x58: {  	_ =	shalt  }
0x59: {  	_ =	shalt  }
0x5a: {  	_ =	shalt  }
0x5b: {  	_ =	shalt  }
0x5c: {  	_ =	shalt  }
0x5d: {  	_ =	shalt  }
0x5e: {  	_ =	shalt  }
0x5f: {  	_ =	shalt  }
0x60: {  	_ =	shalt  }
0x61: {  	_ =	shalt  }
0x62: {  	_ =	shalt  }
0x63: {  	_ =	shalt  }
0x64: {  	_ =	shalt  }
0x65: {  	_ =	shalt  }
0x66: {  	_ =	shalt  }
0x67: {  	_ =	shalt  }
0x68: {  	_ =	shalt  }
0x69: {  	_ =	shalt  }
0x6a: {  	_ =	shalt  }
0x6b: {  	_ =	shalt  }
0x6c: {  	_ =	shalt  }
0x6d: {  	_ =	shalt  }
0x6e: {  	_ =	shalt  }
0x6f: {  	_ =	shalt  }
0x70: {  	_ =	shalt  }
0x71: {  	_ =	shalt  }
0x72: {  	_ =	shalt  }
0x73: {  	_ =	shalt  }
0x74: {  	_ =	shalt  }
0x75: {  	_ =	shalt  }
0x76: {  	_ =	shalt  }
0x77: {  	_ =	shalt  }
0x78: {  	_ =	shalt  }
0x79: {  	_ =	shalt  }
0x7a: {  	_ =	shalt  }
0x7b: {  	_ =	shalt  }
0x7c: {  	_ =	shalt  }
0x7d: {  	_ =	shalt  }
0x7e: {  	_ =	shalt  }
0x7f: {  	_ =	shalt  }
0x80: {  	_ =	shalt  }
0x81: {  	_ =	shalt  }
0x82: {  	_ =	shalt  }
0x83: {  	_ =	shalt  }
0x84: {  	_ =	shalt  }
0x85: {  	_ =	shalt  }
0x86: {  	_ =	shalt  }
0x87: {  	_ =	shalt  }
.Lfunc_end0:
.L_simem_size_0:
called_computation.1_lowered:
.L_overlay_start_0:
0x88: {  	s2 =	sld [smem:$0x3FD9]  }
0x89: {  	s3 =	sld [smem:$0x3FFE];
	_ =	sdelay $0x1  }
0x8a: {  	s1 =	srdreg.scid  }
0x8b: {  	s0 =	sand.u32 $0x1, s1  }
0x8c: {  	s14 =	sshll.u32 s0, $0xA;
	s2 =	sadd.s32 s3, s2  }
0x8d: {  	s2 =	sadd.s32 s2, s14  }
0x8e: {  	[smem:$0x3FC5] =	sst s2  }
0x8f: {  	_ = 	snop  }
0x90: {  	s2 =	sld [smem:$0x3FD0];
	_ =	sdelay $0x2  }
0x91: {  	s15 =	simm.s32 $0xA;
	s4 =	simm.s32 $0x10  }
0x92: {  	[smem:s4], [sflag:s15] =	dma.local [hbm:s2], $0x1  }
0x93: {  	_ =	swait.eq [sflag:s15], $0x1  }
0x94: {  	[sflag:s15] =	ssyncset.done $0x0  }
0x95: {  	[sflag:s15] =	ssyncadd.s32 $0xFFFFFFFF  }
0x96: {  	s16 =	sld [smem:$0x10];
	(tm) =	ssettm $0x1  }
0x97: {  	s17 =	sld [smem:$0x3FFB];
	_ =	sdelay $0x3  }
0x98: {  	_ =	strace s17  }
0x99: {  	s3 =	sld [smem:$0x3FFC];
	_ =	sdelay $0x3  }
0x9a: {  	_ =	strace s3  }
0x9b: {  	s3 =	sld [smem:$0x3FFD];
	_ =	sdelay $0x3  }
0x9c: {  	_ =	strace s3  }
0x9d: {  	_ =	strace $0x8FFFFFFF  }
0x9e: {  	s18 =	sld [smem:$0x3FDB];
	_ =	sdelay $0x1  }
0x9f: {  	s19 =	simm.s32 $_scs_section_size  }
0xa0: {  	s5 =	simm.s32 $_size__tile_overlayer_lowered;
	s6 =	simm.s32 $_tile_overlayer_lowered  }
0xa1: {  	s22 =	simm.s32 $0x1BFF;
	s21 =	sshll.u32 s6, $0x1;
	s3 =	sadd.s32 s19, s18  }
0xa2: {  	s7 =	simm.s32 $0x0;
	s20 =	sshll.u32 s5, $0x1;
	s5 =	sadd.s32 s21, s3  }
0xa3: {  	[timem:s7], [sflag:s22] =	dma.local [hbm:s5], s20  }
0xa4: {  	_ =	swait.ge [sflag:s22], s20  }
0xa5: {  	s4 =	ssub.s32 $0x0, s20;
	[sflag:s22] =	ssyncset.done $0x0  }
0xa6: {  	[sflag:s22] =	ssyncadd.s32 s4;
	_ =	sdelay $0x1  }
0xa7: {  	s23 =	simm.s32 $0x1B8B  }
0xa8: {  	_ =	swait.ge [sflag:s23], $0x1  }
0xa9: {  	[sflag:s23] =	ssyncset.done $0x0  }
0xaa: {  	s25 =	simm.s32 $0x1B8E;
	s24 =	sld [smem:$0x3FFE];
	[sflag:s23] =	ssyncadd.s32 $0xFFFFFFFF  }
0xab: {  	s26 =	simm.s32 $execute0_lowered;
	[smem:$0x3FD2] =	sst s25  }
0xac: {  	s5 =	sshll.u32 s26, $0x1;
	_ =	strace $0x80000046;
	[dreg:$0x1] =	wrdreg $0xFFFFFFFF  }
0xad: {  	s28 =	simm.s32 $_size_execute0_lowered;
	s3 =	sadd.s32 s3, s5;
	[dreg:$0x0] =	wrdreg $0x0  }
0xae: {  	s5 =	sshll.u32 s28, $0x1;
	[dreg:$0x2] =	wrdreg s3  }
0xaf: {  	[dreg:$0x3] =	wrdreg s5  }
0xb0: {  	[dreg:$0x4] =	wrdreg $0xC0  }
0xb1: {  	_ =	task [dreg:s7], $0x5FFFF  }
0xb2: {  	[dreg:$0x1] =	wrdreg $0xFFFFFFFF  }
0xb3: {  	[dreg:$0x0] =	wrdreg $0x60  }
0xb4: {  	[dreg:$0x2] =	wrdreg s24  }
0xb5: {  	[dreg:$0x3] =	wrdreg s16  }
0xb6: {  	[dreg:$0x4] =	wrdreg $0x55000  }
0xb7: {  	[dreg:$0x5] =	wrdreg $0x9  }
0xb8: {  	_ =	task.clear_ibuf [dreg:s7], $0x6FFFF;
	_ =	strace $0x90000046  }
0xb9: {  	s29 =	simm.s32 $0x9;
	_ =	strace $0x80000048  }
0xba: {  	_ =	swait.ge [sflag:s29], $0x1  }
0xbb: {  	[sflag:s29] =	ssyncadd.s32 $0xFFFFFFFF  }
0xbc: {  	_ =	strace $0x90000048  }
0xbd: {  	_ =	sfence  }
0xbe: {  	s30 =	sld [smem:$0x0];
	_ =	sdelay $0x2  }
0xbf: {  	s31 =	sshll.u32 s1, $0xD;
	s1 =	sshrl.u32 s1, $0x2  }
0xc0: {  	s3 =	sand.u32 $0x4000, s31;
	s1 =	sadd.s32 s1, s30  }
0xc1: {  	s0 =	sor.u32 s3, s0;
	s1 =	sshll.u32 s1, $0x11  }
0xc2: {  	s0 =	sor.u32 s1, s0  }
0xc3: {  	s0 =	sadd.s32 $0x8F2B, s0  }
0xc4: {  	[sflag:s0] =	ssyncadd.remote.s32 $0x1  }
0xc5: {  	_ =	sfence.sel $0xFFFF  }
0xc6: {  	[dreg:$0x0] =	wrdreg $0xFFFFFFFF;
	(pc) =	sbr.abs _section_cstart, $3  }
0xc7: {  	[dreg:$0x1] =	wrdreg $0xFFFFFFFF  }
0xc8: {  	_ =	task.clear_ibuf [dreg:s7], $0x2FFFF;
	_ =	strace $0x9FFFFFFF  }
0xc9: {  	(tm) =	ssettm $0x7FFFFFFF  }
tec
execute0_lowered:
.L_overlay_start_1:
0x0: {  	(tag) =	ssettag $0x1  }
0x1: {  	s0 =	rddreg [dreg:$0x0]  }
0x2: {  	s6 =	rddreg [dreg:$0x1]  }
0x3: {  	s2 =	rddreg [dreg:$0x2];
	s3 =	simm.s32 $0x0  }
0x4: {  	[smem:$0x7FF] =	sst s3;
	s5 =	sadd.s32 $0x1400, s0  }
0x5: {  	s17 =	sadd.s32 $0x1000, s0;
	_ =	strace $0x80000047;
	[dreg:$0x4] =	wrdreg s5  }
0x6: {  	s21 =	sadd.s32 $0x1409, s0;
	[dreg:$0x5] =	wrdreg s17  }
0x7: {  	s22 =	sadd.s32 $0x1412, s0;
	[dreg:$0x8] =	wrdreg s21  }
0x8: {  	s23 =	sadd.s32 $0x141B, s0;
	[dreg:$0x9] =	wrdreg s22  }
0x9: {  	s24 =	sadd.s32 $0x1424, s0;
	[dreg:$0xa] =	wrdreg s23  }
0xa: {  	s25 =	sadd.s32 $0x142D, s0;
	[dreg:$0xb] =	wrdreg s24  }
0xb: {  	s26 =	sadd.s32 $0x1436, s0;
	[dreg:$0xc] =	wrdreg s25  }
0xc: {  	s10 =	sadd.s32 $0x145A, s0;
	[dreg:$0xd] =	wrdreg s26  }
0xd: {  	s11 =	sadd.s32 $0x1463, s0;
	[dreg:$0x11] =	wrdreg s10  }
0xe: {  	s12 =	sadd.s32 $0x146C, s0;
	[dreg:$0x12] =	wrdreg s11  }
0xf: {  	s13 =	sadd.s32 $0x1475, s0;
	[dreg:$0x13] =	wrdreg s12  }
0x10: {  	s14 =	sadd.s32 $0x147E, s0;
	[dreg:$0x14] =	wrdreg s13  }
0x11: {  	s15 =	sadd.s32 $0x1487, s0;
	[dreg:$0x15] =	wrdreg s14  }
0x12: {  	s16 =	sadd.s32 $0x1490, s0;
	[dreg:$0x16] =	wrdreg s15  }
0x13: {  	[dreg:$0x17] =	wrdreg s16;
	s17 =	sadd.s32 $0x1499, s0  }
0x14: {  	s21 =	sadd.s32 $0x14BD, s0;
	[dreg:$0x18] =	wrdreg s17  }
0x15: {  	s22 =	sadd.s32 $0x14C6, s0;
	[dreg:$0x1c] =	wrdreg s21  }
0x16: {  	s23 =	sadd.s32 $0x14CF, s0;
	[dreg:$0x1d] =	wrdreg s22  }
0x17: {  	s24 =	sadd.s32 $0x14D8, s0;
	[dreg:$0x1e] =	wrdreg s23  }
0x18: {  	s25 =	sadd.s32 $0x14E1, s0;
	[dreg:$0x1f] =	wrdreg s24  }
0x19: {  	s26 =	sadd.s32 $0x14EA, s0;
	[smem:$0x7D3] =	sst s25  }
0x1a: {  	s10 =	sadd.s32 $0x150E, s0;
	[smem:$0x7D4] =	sst s26  }
0x1b: {  	s11 =	sadd.s32 $0x1517, s0;
	[smem:$0x7D8] =	sst s10  }
0x1c: {  	s12 =	sadd.s32 $0x1520, s0;
	[smem:$0x7D9] =	sst s11  }
0x1d: {  	s13 =	sadd.s32 $0x1529, s0;
	[smem:$0x7DA] =	sst s12  }
0x1e: {  	s14 =	sadd.s32 $0x1532, s0;
	[smem:$0x7DB] =	sst s13  }
0x1f: {  	s15 =	sadd.s32 $0x153B, s0;
	[smem:$0x7DC] =	sst s14  }
0x20: {  	s16 =	sadd.s32 $0x1544, s0;
	[smem:$0x7DD] =	sst s15  }
0x21: {  	[smem:$0x7DE] =	sst s16;
	s17 =	sadd.s32 $0x154D, s0  }
0x22: {  	s21 =	sadd.s32 $0x1571, s0;
	[smem:$0x7DF] =	sst s17  }
0x23: {  	s22 =	sadd.s32 $0x157A, s0;
	[smem:$0x7E3] =	sst s21  }
0x24: {  	s23 =	sadd.s32 $0x1583, s0;
	[smem:$0x7E4] =	sst s22  }
0x25: {  	s1 =	srdreg.scid;
	s24 =	sadd.s32 $0x158C, s0;
	[smem:$0x7E5] =	sst s23  }
0x26: {  	s4 =	stileid.u32;
	s25 =	sadd.s32 $0x1595, s0;
	[smem:$0x7E6] =	sst s24  }
0x27: {  	s1 =	sand.u32 $0x1, s1;
	s26 =	sadd.s32 $0x159E, s0;
	[smem:$0x7E7] =	sst s25  }
0x28: {  	s4 =	sshll.u32 s4, $0x1;
	s10 =	sadd.s32 $0x15C2, s0;
	[smem:$0x7E8] =	sst s26  }
0x29: {  	s4 =	sor.u32 s1, s4;
	s11 =	sadd.s32 $0x15CB, s0;
	[smem:$0x7EC] =	sst s10  }
0x2a: {  	s9 =	ssub.s32 $0x2, s1;
	s12 =	sadd.s32 $0x15D4, s0;
	[smem:$0x7ED] =	sst s11  }
0x2b: {  	s7 =	sshll.u32 s4, $0x9;
	s13 =	sadd.s32 $0x15DD, s0;
	[smem:$0x7EE] =	sst s12  }
0x2c: {  	s18 =	sshll.u32 s4, $0x10;
	s14 =	sadd.s32 $0x15E6, s0;
	[smem:$0x7EF] =	sst s13  }
0x2d: {  	s4 =	sshll.u32 s4, $0x1;
	s15 =	sadd.s32 $0x15EF, s0;
	[smem:$0x7F0] =	sst s14  }
0x2e: {  	s19 =	sshrl.u32 s9, $0x1;
	s16 =	sadd.s32 $0x15F8, s0;
	[smem:$0x7F1] =	sst s15  }
0x2f: {  	s8 =	sadd.s32 s7, s0;
	s6 =	sadd.s32 s6, s7;
	[smem:$0x7F2] =	sst s16  }
0x30: {  	s5 =	sadd.s32 s4, s0;
	s7 =	sadd.s32 $0x143F, s0;
	[dreg:$0x6] =	wrdreg s6  }
0x31: {  	s4 =	ssub.s32 s9, s19;
	s9 =	sadd.s32 $0x1451, s0;
	[dreg:$0xe] =	wrdreg s7  }
0x32: {  	s1 =	sadd.s32 s18, s0;
	s18 =	sadd.s32 $0x14A2, s0;
	[dreg:$0x10] =	wrdreg s9  }
0x33: {  	s19 =	sadd.s32 $0x14AB, s0;
	[dreg:$0x19] =	wrdreg s18  }
0x34: {  	s17 =	sadd.s32 $0x1601, s0;
	[dreg:$0x1a] =	wrdreg s19  }
0x35: {  	s21 =	sadd.s32 $0x1625, s0;
	s22 =	sadd.s32 $0x162E, s0;
	[smem:$0x7F3] =	sst s17  }
0x36: {  	s23 =	sadd.s32 $0x1637, s0;
	s10 =	simm.s32 $0x2;
	[smem:$0x7F7] =	sst s21  }
0x37: {  	s11 =	simm.s32 $0x4;
	s12 =	simm.s32 $0x3;
	[smem:$0x7F8] =	sst s22  }
0x38: {  	s13 =	simm.s32 $0x5;
	s20 =	sadd.s32 $0x1800, s8;
	[smem:$0x7F9] =	sst s23  }
0x39: {  	s14 =	simm.s32 $0x0;
	s8 =	sadd.s32 $0x1448, s0;
	[dreg:$0x7] =	wrdreg s20  }
0x3a: {  	s7 =	sadd.s32 $0x14F3, s0;
	s9 =	sadd.s32 $0x1505, s0;
	[dreg:$0xf] =	wrdreg s8  }
0x3b: {  	s18 =	sadd.s32 $0x1556, s0;
	s19 =	sadd.s32 $0x155F, s0;
	[smem:$0x7D5] =	sst s7  }
0x3c: {  	s24 =	sadd.s32 $0x5800, s5;
	s25 =	sadd.s32 $0x5A00, s1;
	[smem:$0x7D7] =	sst s9  }
0x3d: {  	s26 =	sadd.s32 $0x6A00, s1;
	s17 =	sadd.s32 $0x7A00, s1;
	[smem:$0x7E0] =	sst s18  }
0x3e: {  	s21 =	sadd.s32 $0xBA00, s1;
	s22 =	sadd.s32 $0xCA00, s1;
	[smem:$0x7E1] =	sst s19  }
0x3f: {  	s23 =	sadd.s32 $0xDA00, s1;
	s28 =	sadd.s32 $0x11A00, s1;
	[smem:$0x7FB] =	sst s24  }
0x40: {  	s29 =	sadd.s32 $0x12A00, s1;
	s30 =	sadd.s32 $0x13A00, s1;
	[smem:$0x7FC] =	sst s25  }
0x41: {  	s31 =	sadd.s32 $0x14A00, s1;
	s20 =	sadd.s32 $0x14B4, s0;
	[smem:$0x7FD] =	sst s26  }
0x42: {  	s5 =	simm.s32 $0x3100;
	s8 =	sadd.s32 $0x14FC, s0;
	[dreg:$0x1b] =	wrdreg s20  }
0x43: {  	s6 =	simm.s32 $0x1;
	s7 =	sadd.s32 $0x15A7, s0;
	[smem:$0x7D6] =	sst s8  }
0x44: {  	s9 =	sadd.s32 $0x15B9, s0;
	s18 =	sadd.s32 $0x160A, s0;
	[smem:$0x7E9] =	sst s7  }
0x45: {  	s19 =	sadd.s32 $0x1613, s0;
	s24 =	sadd.s32 $0xEA00, s1;
	[smem:$0x7EB] =	sst s9  }
0x46: {  	s25 =	sadd.s32 $0xFA00, s1;
	s26 =	sadd.s32 $0x10A00, s1;
	[smem:$0x7F4] =	sst s18  }
0x47: {  	s20 =	sadd.s32 $0x1568, s0;
	s8 =	sadd.s32 $0x15B0, s0;
	[smem:$0x7F5] =	sst s19  }
0x48: {  	s18 =	sadd.s32 $0x8A00, s1;
	s19 =	sadd.s32 $0x9A00, s1;
	[smem:$0x7E2] =	sst s20  }
0x49: {  	s7 =	simm.s32 $0x100;
	[smem:$0x7EA] =	sst s8;
	s20 =	sadd.s32 $0x161C, s0  }
0x4a: {  	s9 =	simm.s32 $0xD610;
	s0 =	sadd.s32 $0x1640, s0;
	[smem:$0x7F6] =	sst s20  }
0x4b: {  	s8 =	simm.s32 $0x5610;
	[smem:$0x7FA] =	sst s0;
	s20 =	sadd.s32 $0xAA00, s1  }
0x4c: {  	s0 =	smax.u32 s4, $0x1;
	s1 =	simm.s32 $0x6;
	s4 =	simm.s32 $0x2000  }
.LBB2_1:
0x4d: {  	s15 =	rddreg [dreg:$0x6]  }
0x4e: {  	[tilespmem:s3], [sflag:$0x6] =	stream.linear.gather [hbm4b:s15+s3], $0x1000, $0x38;
	[tilespmem:$0x15690] =	vst v63  }
0x4f: {  	_ =	swait.ge [sflag:s1], $0x1000  }
0x50: {  	[sflag:s1] =	ssyncset.done $0x0  }
0x51: {  	s16 =	simm.s32 $0x1000;
	s15 =	rddreg [dreg:$0x7];
	[sflag:s1] =	ssyncadd.s32 $0xFFFFF000  }
0x52: {  	[tilespmem:s16], [sflag:$0x6] =	stream.linear.gather [hbm4b:s15+s3], $0x1000, $0x38;
	[tilespmem:$0x15690] =	vst v63  }
0x53: {  	_ =	swait.ge [sflag:s1], $0x1000  }
0x54: {  	[sflag:s1] =	ssyncset.done $0x0  }
0x55: {  	s16 =	rddreg [dreg:$0x5];
	[sflag:s1] =	ssyncadd.s32 $0xFFFFF000  }
0x56: {  	[tilespmem:s4], [sflag:$0x6] =	stream.linear.gather [hbm4b:s16+s3], $0x1100, $0x38;
	[tilespmem:$0x15690] =	vst v63  }
0x57: {  	_ =	swait.ge [sflag:s1], $0x1100  }
0x58: {  	[sflag:s1] =	ssyncset.done $0x0  }
0x59: {  	s16 =	rddreg [dreg:$0x4];
	[sflag:s1] =	ssyncadd.s32 $0xFFFFEF00  }
0x5a: {  	[tilespmem:s5], [sflag:$0x1] =	stream.linear.gather [hbm4b:s16+s3], $0x41, $0x38;
	[tilespmem:$0x15690] =	vst v63  }
0x5b: {  	s15 =	rddreg [dreg:$0x8];
	s16 =	simm.s32 $0x3180  }
0x5c: {  	[tilespmem:s16], [sflag:$0x1] =	stream.linear.gather [hbm4b:s15+s3], $0x41, $0x38;
	[tilespmem:$0x15690] =	vst v63  }
0x5d: {  	s15 =	rddreg [dreg:$0x9];
	s16 =	simm.s32 $0x3200  }
0x5e: {  	[tilespmem:s16], [sflag:$0x1] =	stream.linear.gather [hbm4b:s15+s3], $0x41, $0x38;
	[tilespmem:$0x15690] =	vst v63  }
0x5f: {  	s15 =	rddreg [dreg:$0xa];
	s16 =	simm.s32 $0x3280  }
0x60: {  	[tilespmem:s16], [sflag:$0x1] =	stream.linear.gather [hbm4b:s15+s3], $0x41, $0x38;
	[tilespmem:$0x15690] =	vst v63  }
0x61: {  	s15 =	rddreg [dreg:$0xb];
	s16 =	simm.s32 $0x3300  }
0x62: {  	[tilespmem:s16], [sflag:$0x1] =	stream.linear.gather [hbm4b:s15+s3], $0x41, $0x38;
	[tilespmem:$0x15690] =	vst v63  }
0x63: {  	s15 =	rddreg [dreg:$0xc];
	s16 =	simm.s32 $0x3380  }
0x64: {  	[tilespmem:s16], [sflag:$0x1] =	stream.linear.gather [hbm4b:s15+s3], $0x41, $0x38;
	[tilespmem:$0x15690] =	vst v63  }
0x65: {  	s15 =	rddreg [dreg:$0xd];
	s16 =	simm.s32 $0x3400  }
0x66: {  	[tilespmem:s16], [sflag:$0x1] =	stream.linear.gather [hbm4b:s15+s3], $0x41, $0x38;
	[tilespmem:$0x15690] =	vst v63  }
0x67: {  	s15 =	rddreg [dreg:$0xe];
	s16 =	simm.s32 $0x3480  }
0x68: {  	[tilespmem:s16], [sflag:$0x1] =	stream.linear.gather [hbm4b:s15+s3], $0x41, $0x38;
	[tilespmem:$0x15690] =	vst v63  }
0x69: {  	s15 =	rddreg [dreg:$0xf];
	s16 =	simm.s32 $0x3500  }
0x6a: {  	[tilespmem:s16], [sflag:$0x1] =	stream.linear.gather [hbm4b:s15+s3], $0x41, $0x38;
	[tilespmem:$0x15690] =	vst v63  }
0x6b: {  	s15 =	rddreg [dreg:$0x10];
	s16 =	simm.s32 $0x3580  }
0x6c: {  	[tilespmem:s16], [sflag:$0x1] =	stream.linear.gather [hbm4b:s15+s3], $0x41, $0x38;
	[tilespmem:$0x15690] =	vst v63  }
0x6d: {  	s15 =	rddreg [dreg:$0x11];
	s16 =	simm.s32 $0x3600  }
0x6e: {  	[tilespmem:s16], [sflag:$0x1] =	stream.linear.gather [hbm4b:s15+s3], $0x41, $0x38;
	[tilespmem:$0x15690] =	vst v63  }
0x6f: {  	s15 =	rddreg [dreg:$0x12];
	s16 =	simm.s32 $0x3680  }
0x70: {  	[tilespmem:s16], [sflag:$0x1] =	stream.linear.gather [hbm4b:s15+s3], $0x41, $0x38;
	[tilespmem:$0x15690] =	vst v63  }
0x71: {  	s15 =	rddreg [dreg:$0x13];
	s16 =	simm.s32 $0x3700  }
0x72: {  	[tilespmem:s16], [sflag:$0x1] =	stream.linear.gather [hbm4b:s15+s3], $0x41, $0x38;
	[tilespmem:$0x15690] =	vst v63  }
0x73: {  	s15 =	rddreg [dreg:$0x14];
	s16 =	simm.s32 $0x3780  }
0x74: {  	[tilespmem:s16], [sflag:$0x1] =	stream.linear.gather [hbm4b:s15+s3], $0x41, $0x38;
	[tilespmem:$0x15690] =	vst v63  }
0x75: {  	s15 =	rddreg [dreg:$0x15];
	s16 =	simm.s32 $0x3800  }
0x76: {  	[tilespmem:s16], [sflag:$0x1] =	stream.linear.gather [hbm4b:s15+s3], $0x41, $0x38;
	[tilespmem:$0x15690] =	vst v63  }
0x77: {  	s15 =	rddreg [dreg:$0x16];
	s16 =	simm.s32 $0x3880  }
0x78: {  	[tilespmem:s16], [sflag:$0x1] =	stream.linear.gather [hbm4b:s15+s3], $0x41, $0x38;
	[tilespmem:$0x15690] =	vst v63  }
0x79: {  	s15 =	rddreg [dreg:$0x17];
	s16 =	simm.s32 $0x3900  }
0x7a: {  	[tilespmem:s16], [sflag:$0x1] =	stream.linear.gather [hbm4b:s15+s3], $0x41, $0x38;
	[tilespmem:$0x15690] =	vst v63  }
0x7b: {  	s15 =	rddreg [dreg:$0x18];
	s16 =	simm.s32 $0x3980  }
0x7c: {  	[tilespmem:s16], [sflag:$0x1] =	stream.linear.gather [hbm4b:s15+s3], $0x41, $0x38;
	[tilespmem:$0x15690] =	vst v63  }
0x7d: {  	s15 =	rddreg [dreg:$0x19];
	s16 =	simm.s32 $0x3A00  }
0x7e: {  	[tilespmem:s16], [sflag:$0x1] =	stream.linear.gather [hbm4b:s15+s3], $0x41, $0x38;
	[tilespmem:$0x15690] =	vst v63  }
0x7f: {  	s15 =	rddreg [dreg:$0x1a];
	s16 =	simm.s32 $0x3A80  }
0x80: {  	[tilespmem:s16], [sflag:$0x1] =	stream.linear.gather [hbm4b:s15+s3], $0x41, $0x38;
	[tilespmem:$0x15690] =	vst v63  }
0x81: {  	s15 =	rddreg [dreg:$0x1b];
	s16 =	simm.s32 $0x3B00  }
0x82: {  	[tilespmem:s16], [sflag:$0x1] =	stream.linear.gather [hbm4b:s15+s3], $0x41, $0x38;
	[tilespmem:$0x15690] =	vst v63  }
0x83: {  	s15 =	rddreg [dreg:$0x1c];
	s16 =	simm.s32 $0x3B80  }
0x84: {  	[tilespmem:s16], [sflag:$0x1] =	stream.linear.gather [hbm4b:s15+s3], $0x41, $0x38;
	[tilespmem:$0x15690] =	vst v63  }
0x85: {  	s15 =	rddreg [dreg:$0x1d];
	s16 =	simm.s32 $0x3C00  }
0x86: {  	[tilespmem:s16], [sflag:$0x1] =	stream.linear.gather [hbm4b:s15+s3], $0x41, $0x38;
	[tilespmem:$0x15690] =	vst v63  }
0x87: {  	s15 =	rddreg [dreg:$0x1e];
	s16 =	simm.s32 $0x3C80  }
0x88: {  	[tilespmem:s16], [sflag:$0x1] =	stream.linear.gather [hbm4b:s15+s3], $0x41, $0x38;
	[tilespmem:$0x15690] =	vst v63  }
0x89: {  	s15 =	rddreg [dreg:$0x1f];
	s16 =	simm.s32 $0x3D00  }
0x8a: {  	[tilespmem:s16], [sflag:$0x1] =	stream.linear.gather [hbm4b:s15+s3], $0x41, $0x38;
	[tilespmem:$0x15690] =	vst v63  }
0x8b: {  	s15 =	sld [smem:$0x7D3];
	_ =	sdelay $0x1  }
0x8c: {  	s16 =	simm.s32 $0x3D80  }
0x8d: {  	[tilespmem:s16], [sflag:$0x1] =	stream.linear.gather [hbm4b:s15+s3], $0x41, $0x38;
	[tilespmem:$0x15690] =	vst v63  }
0x8e: {  	s15 =	sld [smem:$0x7D4];
	_ =	sdelay $0x1  }
0x8f: {  	s16 =	simm.s32 $0x3E00  }
0x90: {  	[tilespmem:s16], [sflag:$0x1] =	stream.linear.gather [hbm4b:s15+s3], $0x41, $0x38;
	[tilespmem:$0x15690] =	vst v63  }
0x91: {  	s15 =	sld [smem:$0x7D5];
	_ =	sdelay $0x1  }
0x92: {  	s16 =	simm.s32 $0x3E80  }
0x93: {  	[tilespmem:s16], [sflag:$0x1] =	stream.linear.gather [hbm4b:s15+s3], $0x41, $0x38;
	[tilespmem:$0x15690] =	vst v63  }
0x94: {  	s15 =	sld [smem:$0x7D6];
	_ =	sdelay $0x1  }
0x95: {  	s16 =	simm.s32 $0x3F00  }
0x96: {  	[tilespmem:s16], [sflag:$0x1] =	stream.linear.gather [hbm4b:s15+s3], $0x41, $0x38;
	[tilespmem:$0x15690] =	vst v63  }
0x97: {  	s15 =	sld [smem:$0x7D7];
	_ =	sdelay $0x1  }
0x98: {  	s16 =	simm.s32 $0x3F80  }
0x99: {  	[tilespmem:s16], [sflag:$0x1] =	stream.linear.gather [hbm4b:s15+s3], $0x41, $0x38;
	[tilespmem:$0x15690] =	vst v63  }
0x9a: {  	s15 =	sld [smem:$0x7D8];
	_ =	sdelay $0x1  }
0x9b: {  	s16 =	simm.s32 $0x4000  }
0x9c: {  	[tilespmem:s16], [sflag:$0x1] =	stream.linear.gather [hbm4b:s15+s3], $0x41, $0x38;
	[tilespmem:$0x15690] =	vst v63  }
0x9d: {  	s15 =	sld [smem:$0x7D9];
	_ =	sdelay $0x1  }
0x9e: {  	s16 =	simm.s32 $0x4080  }
0x9f: {  	[tilespmem:s16], [sflag:$0x1] =	stream.linear.gather [hbm4b:s15+s3], $0x41, $0x38;
	[tilespmem:$0x15690] =	vst v63  }
0xa0: {  	s15 =	sld [smem:$0x7DA];
	_ =	sdelay $0x1  }
0xa1: {  	s16 =	simm.s32 $0x4100  }
0xa2: {  	[tilespmem:s16], [sflag:$0x1] =	stream.linear.gather [hbm4b:s15+s3], $0x41, $0x38;
	[tilespmem:$0x15690] =	vst v63  }
0xa3: {  	s15 =	sld [smem:$0x7DB];
	_ =	sdelay $0x1  }
0xa4: {  	s16 =	simm.s32 $0x4180  }
0xa5: {  	[tilespmem:s16], [sflag:$0x1] =	stream.linear.gather [hbm4b:s15+s3], $0x41, $0x38;
	[tilespmem:$0x15690] =	vst v63  }
0xa6: {  	s15 =	sld [smem:$0x7DC];
	_ =	sdelay $0x1  }
0xa7: {  	s16 =	simm.s32 $0x4200  }
0xa8: {  	[tilespmem:s16], [sflag:$0x1] =	stream.linear.gather [hbm4b:s15+s3], $0x41, $0x38;
	[tilespmem:$0x15690] =	vst v63  }
0xa9: {  	s15 =	sld [smem:$0x7DD];
	_ =	sdelay $0x1  }
0xaa: {  	s16 =	simm.s32 $0x4280  }
0xab: {  	[tilespmem:s16], [sflag:$0x1] =	stream.linear.gather [hbm4b:s15+s3], $0x41, $0x38;
	[tilespmem:$0x15690] =	vst v63  }
0xac: {  	s15 =	sld [smem:$0x7DE];
	_ =	sdelay $0x1  }
0xad: {  	s16 =	simm.s32 $0x4300  }
0xae: {  	[tilespmem:s16], [sflag:$0x1] =	stream.linear.gather [hbm4b:s15+s3], $0x41, $0x38;
	[tilespmem:$0x15690] =	vst v63  }
0xaf: {  	s15 =	sld [smem:$0x7DF];
	_ =	sdelay $0x1  }
0xb0: {  	s16 =	simm.s32 $0x4380  }
0xb1: {  	[tilespmem:s16], [sflag:$0x1] =	stream.linear.gather [hbm4b:s15+s3], $0x41, $0x38;
	[tilespmem:$0x15690] =	vst v63  }
0xb2: {  	s15 =	sld [smem:$0x7E0];
	_ =	sdelay $0x1  }
0xb3: {  	s16 =	simm.s32 $0x4400  }
0xb4: {  	[tilespmem:s16], [sflag:$0x1] =	stream.linear.gather [hbm4b:s15+s3], $0x41, $0x38;
	[tilespmem:$0x15690] =	vst v63  }
0xb5: {  	s15 =	sld [smem:$0x7E1];
	_ =	sdelay $0x1  }
0xb6: {  	s16 =	simm.s32 $0x4480  }
0xb7: {  	[tilespmem:s16], [sflag:$0x1] =	stream.linear.gather [hbm4b:s15+s3], $0x41, $0x38;
	[tilespmem:$0x15690] =	vst v63  }
0xb8: {  	s15 =	sld [smem:$0x7E2];
	_ =	sdelay $0x1  }
0xb9: {  	s16 =	simm.s32 $0x4500  }
0xba: {  	[tilespmem:s16], [sflag:$0x1] =	stream.linear.gather [hbm4b:s15+s3], $0x41, $0x38;
	[tilespmem:$0x15690] =	vst v63  }
0xbb: {  	s15 =	sld [smem:$0x7E3];
	_ =	sdelay $0x1  }
0xbc: {  	s16 =	simm.s32 $0x4580  }
0xbd: {  	[tilespmem:s16], [sflag:$0x1] =	stream.linear.gather [hbm4b:s15+s3], $0x41, $0x38;
	[tilespmem:$0x15690] =	vst v63  }
0xbe: {  	s15 =	sld [smem:$0x7E4];
	_ =	sdelay $0x1  }
0xbf: {  	s16 =	simm.s32 $0x4600  }
0xc0: {  	[tilespmem:s16], [sflag:$0x1] =	stream.linear.gather [hbm4b:s15+s3], $0x41, $0x38;
	[tilespmem:$0x15690] =	vst v63  }
0xc1: {  	s15 =	sld [smem:$0x7E5];
	_ =	sdelay $0x1  }
0xc2: {  	s16 =	simm.s32 $0x4680  }
0xc3: {  	[tilespmem:s16], [sflag:$0x1] =	stream.linear.gather [hbm4b:s15+s3], $0x41, $0x38;
	[tilespmem:$0x15690] =	vst v63  }
0xc4: {  	s15 =	sld [smem:$0x7E6];
	_ =	sdelay $0x1  }
0xc5: {  	s16 =	simm.s32 $0x4700  }
0xc6: {  	[tilespmem:s16], [sflag:$0x1] =	stream.linear.gather [hbm4b:s15+s3], $0x41, $0x38;
	[tilespmem:$0x15690] =	vst v63  }
0xc7: {  	s15 =	sld [smem:$0x7E7];
	_ =	sdelay $0x1  }
0xc8: {  	s16 =	simm.s32 $0x4780  }
0xc9: {  	[tilespmem:s16], [sflag:$0x1] =	stream.linear.gather [hbm4b:s15+s3], $0x41, $0x38;
	[tilespmem:$0x15690] =	vst v63  }
0xca: {  	s15 =	sld [smem:$0x7E8];
	_ =	sdelay $0x1  }
0xcb: {  	s16 =	simm.s32 $0x4800  }
0xcc: {  	[tilespmem:s16], [sflag:$0x1] =	stream.linear.gather [hbm4b:s15+s3], $0x41, $0x38;
	[tilespmem:$0x15690] =	vst v63  }
0xcd: {  	s15 =	sld [smem:$0x7E9];
	_ =	sdelay $0x1  }
0xce: {  	s16 =	simm.s32 $0x4880  }
0xcf: {  	[tilespmem:s16], [sflag:$0x1] =	stream.linear.gather [hbm4b:s15+s3], $0x41, $0x38;
	[tilespmem:$0x15690] =	vst v63  }
0xd0: {  	s15 =	sld [smem:$0x7EA];
	_ =	sdelay $0x1  }
0xd1: {  	s16 =	simm.s32 $0x4900  }
0xd2: {  	[tilespmem:s16], [sflag:$0x1] =	stream.linear.gather [hbm4b:s15+s3], $0x41, $0x38;
	[tilespmem:$0x15690] =	vst v63  }
0xd3: {  	s15 =	sld [smem:$0x7EB];
	_ =	sdelay $0x1  }
0xd4: {  	s16 =	simm.s32 $0x4980  }
0xd5: {  	[tilespmem:s16], [sflag:$0x1] =	stream.linear.gather [hbm4b:s15+s3], $0x41, $0x38;
	[tilespmem:$0x15690] =	vst v63  }
0xd6: {  	s15 =	sld [smem:$0x7EC];
	_ =	sdelay $0x1  }
0xd7: {  	s16 =	simm.s32 $0x4A00  }
0xd8: {  	[tilespmem:s16], [sflag:$0x1] =	stream.linear.gather [hbm4b:s15+s3], $0x41, $0x38;
	[tilespmem:$0x15690] =	vst v63  }
0xd9: {  	s15 =	sld [smem:$0x7ED];
	_ =	sdelay $0x1  }
0xda: {  	s16 =	simm.s32 $0x4A80  }
0xdb: {  	[tilespmem:s16], [sflag:$0x1] =	stream.linear.gather [hbm4b:s15+s3], $0x41, $0x38;
	[tilespmem:$0x15690] =	vst v63  }
0xdc: {  	s15 =	sld [smem:$0x7EE];
	_ =	sdelay $0x1  }
0xdd: {  	s16 =	simm.s32 $0x4B00  }
0xde: {  	[tilespmem:s16], [sflag:$0x1] =	stream.linear.gather [hbm4b:s15+s3], $0x41, $0x38;
	[tilespmem:$0x15690] =	vst v63  }
0xdf: {  	s15 =	sld [smem:$0x7EF];
	_ =	sdelay $0x1  }
0xe0: {  	s16 =	simm.s32 $0x4B80  }
0xe1: {  	[tilespmem:s16], [sflag:$0x1] =	stream.linear.gather [hbm4b:s15+s3], $0x41, $0x38;
	[tilespmem:$0x15690] =	vst v63  }
0xe2: {  	s15 =	sld [smem:$0x7F0];
	_ =	sdelay $0x1  }
0xe3: {  	s16 =	simm.s32 $0x4C00  }
0xe4: {  	[tilespmem:s16], [sflag:$0x1] =	stream.linear.gather [hbm4b:s15+s3], $0x41, $0x38;
	[tilespmem:$0x15690] =	vst v63  }
0xe5: {  	s15 =	sld [smem:$0x7F1];
	_ =	sdelay $0x1  }
0xe6: {  	s16 =	simm.s32 $0x4C80  }
0xe7: {  	[tilespmem:s16], [sflag:$0x1] =	stream.linear.gather [hbm4b:s15+s3], $0x41, $0x38;
	[tilespmem:$0x15690] =	vst v63  }
0xe8: {  	s15 =	sld [smem:$0x7F2];
	_ =	sdelay $0x1  }
0xe9: {  	s16 =	simm.s32 $0x4D00  }
0xea: {  	[tilespmem:s16], [sflag:$0x1] =	stream.linear.gather [hbm4b:s15+s3], $0x41, $0x38;
	[tilespmem:$0x15690] =	vst v63  }
0xeb: {  	s15 =	sld [smem:$0x7F3];
	_ =	sdelay $0x1  }
0xec: {  	s16 =	simm.s32 $0x4D80  }
0xed: {  	[tilespmem:s16], [sflag:$0x1] =	stream.linear.gather [hbm4b:s15+s3], $0x41, $0x38;
	[tilespmem:$0x15690] =	vst v63  }
0xee: {  	s15 =	sld [smem:$0x7F4];
	_ =	sdelay $0x1  }
0xef: {  	s16 =	simm.s32 $0x4E00  }
0xf0: {  	[tilespmem:s16], [sflag:$0x1] =	stream.linear.gather [hbm4b:s15+s3], $0x41, $0x38;
	[tilespmem:$0x15690] =	vst v63  }
0xf1: {  	s15 =	sld [smem:$0x7F5];
	_ =	sdelay $0x1  }
0xf2: {  	s16 =	simm.s32 $0x4E80  }
0xf3: {  	[tilespmem:s16], [sflag:$0x1] =	stream.linear.gather [hbm4b:s15+s3], $0x41, $0x38;
	[tilespmem:$0x15690] =	vst v63  }
0xf4: {  	s15 =	sld [smem:$0x7F6];
	_ =	sdelay $0x1  }
0xf5: {  	s16 =	simm.s32 $0x4F00  }
0xf6: {  	[tilespmem:s16], [sflag:$0x1] =	stream.linear.gather [hbm4b:s15+s3], $0x41, $0x38;
	[tilespmem:$0x15690] =	vst v63  }
0xf7: {  	s15 =	sld [smem:$0x7F7];
	_ =	sdelay $0x1  }
0xf8: {  	s16 =	simm.s32 $0x4F80  }
0xf9: {  	[tilespmem:s16], [sflag:$0x1] =	stream.linear.gather [hbm4b:s15+s3], $0x41, $0x38;
	[tilespmem:$0x15690] =	vst v63  }
0xfa: {  	s15 =	sld [smem:$0x7F8];
	_ =	sdelay $0x1  }
0xfb: {  	s16 =	simm.s32 $0x5000  }
0xfc: {  	[tilespmem:s16], [sflag:$0x1] =	stream.linear.gather [hbm4b:s15+s3], $0x41, $0x38;
	[tilespmem:$0x15690] =	vst v63  }
0xfd: {  	s15 =	sld [smem:$0x7F9];
	_ =	sdelay $0x1  }
0xfe: {  	s16 =	simm.s32 $0x5080  }
0xff: {  	[tilespmem:s16], [sflag:$0x1] =	stream.linear.gather [hbm4b:s15+s3], $0x41, $0x38;
	[tilespmem:$0x15690] =	vst v63  }
0x100: {  	s15 =	sld [smem:$0x7FA];
	_ =	sdelay $0x1  }
0x101: {  	s16 =	simm.s32 $0x5100  }
0x102: {  	[tilespmem:s16], [sflag:$0x1] =	stream.linear.gather [hbm4b:s15+s3], $0x41, $0x38;
	[tilespmem:$0x15690] =	vst v63  }
0x103: {  	s16 =	simm.s32 $0x0  }
0x104: {  	v0 =	vld [tilespmem:s16+$0x0];
	_ =	sdelay $0x1  }
0x105: {  	v1 =	vld [tilespmem:s16+$0x1000];
	_ =	sdelay $0x1  }
0x106: {  	s16 =	simm.s32 $0x10  }
0x107: {  	v2 =	vld [tilespmem:s16+$0x0];
	v0 =	vmul.u32 $0x41, v0;
	_ =	sdelay $0x1  }
0x108: {  	v3 =	vadd.s32 v1, v0;
	v0 =	vld [tilespmem:s16+$0x1000];
	_ =	sdelay $0x2  }
0x109: {  	v2 =	vmul.u32 $0x41, v2;
	s16 =	simm.s32 $0x20  }
0x10a: {  	v1 =	vld [tilespmem:s16+$0x0]  }
0x10b: {  	v2 =	vadd.s32 v0, v2;
	v3 =	vld.idx.msk [tilespmem:v3+s4+$0x0], $0xffff  }
0x10c: {  	s15 =	simm.s32 $0xC0;
	v4 =	vld [tilespmem:s16+$0x1000];
	v0 =	vimm.f32 $0.0e+00  }
.LBB2_2:
0x10d: {  	p0 =	sne.s32 s15, $0x3FC0  }
.Ltmp0:
0x10e: {  	s16 =	sshra.s32 s15, $0x2;
	(pc) =	sbr.rel @p0 .LBB2_2-.Ltmp0, $4  }
0x10f: {  	s15 =	sadd.s32 $0x40, s15;
	v5 =	vmul.u32 $0x41, v1;
	v1 =	vld [tilespmem:s16+$0x0]  }
0x110: {  	v0 =	vadd.f32 v3, v0;
	v3 =	vld.idx.msk [tilespmem:v2+s4+$0x0], $0xffff  }
0x111: {  	v2 =	vadd.s32 v4, v5  }
0x112: {  	v4 =	vld [tilespmem:s16+$0x1000]  }
0x113: {  	_ =	sdelay $0x1  }
0x114: {  	v1 =	vmul.u32 $0x41, v1;
	_ =	sdelay $0x1  }
0x115: {  	v1 =	vadd.s32 v4, v1;
	_ =	sdelay $0x2  }
0x116: {  	v2 =	vld.idx.msk [tilespmem:v2+s4+$0x0], $0xffff;
	_ =	sdelay $0x1  }
0x117: {  	v1 =	vld.idx.msk [tilespmem:v1+s4+$0x0], $0xffff  }
0x118: {  	v0 =	vadd.f32 v3, v0;
	_ =	sdelay $0x1  }
0x119: {  	v0 =	vadd.f32 v2, v0;
	_ =	sdelay $0x1  }
0x11a: {  	s15 =	sld [smem:$0x7FB];
	v0 =	vadd.f32 v1, v0;
	_ =	sdelay $0x1  }
0x11b: {  	s16 =	simm.s32 $0x15610;
	[tilespmem:$0x15610] =	vst v0  }
0x11c: {  	[hbm4b:s15+s3] =	stream.linear.scatter [tilespmem:s16], [sflag:$0x6], $0x10, $0x38;
	[tilespmem:$0x15690] =	vst v63  }
0x11d: {  	_ =	swait.ge [sflag:s1], $0x10  }
0x11e: {  	[sflag:s1] =	ssyncset.done $0x0  }
0x11f: {  	[sflag:s1] =	ssyncadd.s32 $0xFFFFFFF0  }
0x120: {  	_ =	swait.ge [sflag:s6], $0x41  }
0x121: {  	[sflag:s6] =	ssyncset.done $0x0  }
0x122: {  	[sflag:s6] =	ssyncadd.s32 $0xFFFFFFBF  }
0x123: {  	_ =	swait.ge [sflag:s6], $0x41  }
0x124: {  	[sflag:s6] =	ssyncset.done $0x0  }
0x125: {  	[sflag:s6] =	ssyncadd.s32 $0xFFFFFFBF  }
0x126: {  	_ =	swait.ge [sflag:s6], $0x41  }
0x127: {  	[sflag:s6] =	ssyncset.done $0x0  }
0x128: {  	[sflag:s6] =	ssyncadd.s32 $0xFFFFFFBF  }
0x129: {  	_ =	swait.ge [sflag:s6], $0x41  }
0x12a: {  	[sflag:s6] =	ssyncset.done $0x0  }
0x12b: {  	[sflag:s6] =	ssyncadd.s32 $0xFFFFFFBF  }
0x12c: {  	_ =	swait.ge [sflag:s6], $0x41  }
0x12d: {  	[sflag:s6] =	ssyncset.done $0x0  }
0x12e: {  	[sflag:s6] =	ssyncadd.s32 $0xFFFFFFBF  }
0x12f: {  	_ =	swait.ge [sflag:s6], $0x41  }
0x130: {  	[sflag:s6] =	ssyncset.done $0x0  }
0x131: {  	[sflag:s6] =	ssyncadd.s32 $0xFFFFFFBF  }
0x132: {  	_ =	swait.ge [sflag:s6], $0x41  }
0x133: {  	[sflag:s6] =	ssyncset.done $0x0  }
0x134: {  	[sflag:s6] =	ssyncadd.s32 $0xFFFFFFBF  }
0x135: {  	_ =	swait.ge [sflag:s6], $0x41  }
0x136: {  	[sflag:s6] =	ssyncset.done $0x0  }
0x137: {  	[sflag:s6] =	ssyncadd.s32 $0xFFFFFFBF  }
0x138: {  	_ =	swait.ge [sflag:s6], $0x41  }
0x139: {  	[sflag:s6] =	ssyncset.done $0x0  }
0x13a: {  	[sflag:s6] =	ssyncadd.s32 $0xFFFFFFBF  }
0x13b: {  	_ =	swait.ge [sflag:s6], $0x41  }
0x13c: {  	[sflag:s6] =	ssyncset.done $0x0  }
0x13d: {  	[sflag:s6] =	ssyncadd.s32 $0xFFFFFFBF  }
0x13e: {  	_ =	swait.ge [sflag:s6], $0x41  }
0x13f: {  	[sflag:s6] =	ssyncset.done $0x0  }
0x140: {  	[sflag:s6] =	ssyncadd.s32 $0xFFFFFFBF  }
0x141: {  	_ =	swait.ge [sflag:s6], $0x41  }
0x142: {  	[sflag:s6] =	ssyncset.done $0x0  }
0x143: {  	[sflag:s6] =	ssyncadd.s32 $0xFFFFFFBF  }
0x144: {  	_ =	swait.ge [sflag:s6], $0x41  }
0x145: {  	[sflag:s6] =	ssyncset.done $0x0  }
0x146: {  	[sflag:s6] =	ssyncadd.s32 $0xFFFFFFBF  }
0x147: {  	_ =	swait.ge [sflag:s6], $0x41  }
0x148: {  	[sflag:s6] =	ssyncset.done $0x0  }
0x149: {  	[sflag:s6] =	ssyncadd.s32 $0xFFFFFFBF  }
0x14a: {  	_ =	swait.ge [sflag:s6], $0x41  }
0x14b: {  	[sflag:s6] =	ssyncset.done $0x0  }
0x14c: {  	[sflag:s6] =	ssyncadd.s32 $0xFFFFFFBF  }
0x14d: {  	_ =	swait.ge [sflag:s6], $0x41  }
0x14e: {  	[sflag:s6] =	ssyncset.done $0x0  }
0x14f: {  	[sflag:s6] =	ssyncadd.s32 $0xFFFFFFBF  }
0x150: {  	_ =	swait.ge [sflag:s6], $0x41  }
0x151: {  	[sflag:s6] =	ssyncset.done $0x0  }
0x152: {  	[sflag:s6] =	ssyncadd.s32 $0xFFFFFFBF  }
0x153: {  	_ =	swait.ge [sflag:s6], $0x41  }
0x154: {  	[sflag:s6] =	ssyncset.done $0x0  }
0x155: {  	[sflag:s6] =	ssyncadd.s32 $0xFFFFFFBF  }
0x156: {  	_ =	swait.ge [sflag:s6], $0x41  }
0x157: {  	[sflag:s6] =	ssyncset.done $0x0  }
0x158: {  	[sflag:s6] =	ssyncadd.s32 $0xFFFFFFBF  }
0x159: {  	_ =	swait.ge [sflag:s6], $0x41  }
0x15a: {  	[sflag:s6] =	ssyncset.done $0x0  }
0x15b: {  	[sflag:s6] =	ssyncadd.s32 $0xFFFFFFBF  }
0x15c: {  	_ =	swait.ge [sflag:s6], $0x41  }
0x15d: {  	[sflag:s6] =	ssyncset.done $0x0  }
0x15e: {  	[sflag:s6] =	ssyncadd.s32 $0xFFFFFFBF  }
0x15f: {  	_ =	swait.ge [sflag:s6], $0x41  }
0x160: {  	[sflag:s6] =	ssyncset.done $0x0  }
0x161: {  	[sflag:s6] =	ssyncadd.s32 $0xFFFFFFBF  }
0x162: {  	_ =	swait.ge [sflag:s6], $0x41  }
0x163: {  	[sflag:s6] =	ssyncset.done $0x0  }
0x164: {  	[sflag:s6] =	ssyncadd.s32 $0xFFFFFFBF  }
0x165: {  	_ =	swait.ge [sflag:s6], $0x41  }
0x166: {  	[sflag:s6] =	ssyncset.done $0x0  }
0x167: {  	[sflag:s6] =	ssyncadd.s32 $0xFFFFFFBF  }
0x168: {  	_ =	swait.ge [sflag:s6], $0x41  }
0x169: {  	[sflag:s6] =	ssyncset.done $0x0  }
0x16a: {  	[sflag:s6] =	ssyncadd.s32 $0xFFFFFFBF  }
0x16b: {  	_ =	swait.ge [sflag:s6], $0x41  }
0x16c: {  	[sflag:s6] =	ssyncset.done $0x0  }
0x16d: {  	[sflag:s6] =	ssyncadd.s32 $0xFFFFFFBF  }
0x16e: {  	_ =	swait.ge [sflag:s6], $0x41  }
0x16f: {  	[sflag:s6] =	ssyncset.done $0x0  }
0x170: {  	[sflag:s6] =	ssyncadd.s32 $0xFFFFFFBF  }
0x171: {  	_ =	swait.ge [sflag:s6], $0x41  }
0x172: {  	[sflag:s6] =	ssyncset.done $0x0  }
0x173: {  	[sflag:s6] =	ssyncadd.s32 $0xFFFFFFBF  }
0x174: {  	_ =	swait.ge [sflag:s6], $0x41  }
0x175: {  	[sflag:s6] =	ssyncset.done $0x0  }
0x176: {  	[sflag:s6] =	ssyncadd.s32 $0xFFFFFFBF  }
0x177: {  	_ =	swait.ge [sflag:s6], $0x41  }
0x178: {  	[sflag:s6] =	ssyncset.done $0x0  }
0x179: {  	[sflag:s6] =	ssyncadd.s32 $0xFFFFFFBF  }
0x17a: {  	_ =	swait.ge [sflag:s6], $0x41  }
0x17b: {  	[sflag:s6] =	ssyncset.done $0x0  }
0x17c: {  	[sflag:s6] =	ssyncadd.s32 $0xFFFFFFBF  }
0x17d: {  	_ =	swait.ge [sflag:s6], $0x41  }
0x17e: {  	[sflag:s6] =	ssyncset.done $0x0  }
0x17f: {  	[sflag:s6] =	ssyncadd.s32 $0xFFFFFFBF  }
0x180: {  	_ =	swait.ge [sflag:s6], $0x41  }
0x181: {  	[sflag:s6] =	ssyncset.done $0x0  }
0x182: {  	[sflag:s6] =	ssyncadd.s32 $0xFFFFFFBF  }
0x183: {  	_ =	swait.ge [sflag:s6], $0x41  }
0x184: {  	[sflag:s6] =	ssyncset.done $0x0  }
0x185: {  	[sflag:s6] =	ssyncadd.s32 $0xFFFFFFBF  }
0x186: {  	_ =	swait.ge [sflag:s6], $0x41  }
0x187: {  	[sflag:s6] =	ssyncset.done $0x0  }
0x188: {  	[sflag:s6] =	ssyncadd.s32 $0xFFFFFFBF  }
0x189: {  	_ =	swait.ge [sflag:s6], $0x41  }
0x18a: {  	[sflag:s6] =	ssyncset.done $0x0  }
0x18b: {  	[sflag:s6] =	ssyncadd.s32 $0xFFFFFFBF  }
0x18c: {  	_ =	swait.ge [sflag:s6], $0x41  }
0x18d: {  	[sflag:s6] =	ssyncset.done $0x0  }
0x18e: {  	[sflag:s6] =	ssyncadd.s32 $0xFFFFFFBF  }
0x18f: {  	_ =	swait.ge [sflag:s6], $0x41  }
0x190: {  	[sflag:s6] =	ssyncset.done $0x0  }
0x191: {  	[sflag:s6] =	ssyncadd.s32 $0xFFFFFFBF  }
0x192: {  	_ =	swait.ge [sflag:s6], $0x41  }
0x193: {  	[sflag:s6] =	ssyncset.done $0x0  }
0x194: {  	[sflag:s6] =	ssyncadd.s32 $0xFFFFFFBF  }
0x195: {  	_ =	swait.ge [sflag:s6], $0x41  }
0x196: {  	[sflag:s6] =	ssyncset.done $0x0  }
0x197: {  	[sflag:s6] =	ssyncadd.s32 $0xFFFFFFBF  }
0x198: {  	_ =	swait.ge [sflag:s6], $0x41  }
0x199: {  	[sflag:s6] =	ssyncset.done $0x0  }
0x19a: {  	[sflag:s6] =	ssyncadd.s32 $0xFFFFFFBF  }
0x19b: {  	_ =	swait.ge [sflag:s6], $0x41  }
0x19c: {  	[sflag:s6] =	ssyncset.done $0x0  }
0x19d: {  	[sflag:s6] =	ssyncadd.s32 $0xFFFFFFBF  }
0x19e: {  	_ =	swait.ge [sflag:s6], $0x41  }
0x19f: {  	[sflag:s6] =	ssyncset.done $0x0  }
0x1a0: {  	[sflag:s6] =	ssyncadd.s32 $0xFFFFFFBF  }
0x1a1: {  	_ =	swait.ge [sflag:s6], $0x41  }
0x1a2: {  	[sflag:s6] =	ssyncset.done $0x0  }
0x1a3: {  	[sflag:s6] =	ssyncadd.s32 $0xFFFFFFBF  }
0x1a4: {  	_ =	swait.ge [sflag:s6], $0x41  }
0x1a5: {  	[sflag:s6] =	ssyncset.done $0x0  }
0x1a6: {  	[sflag:s6] =	ssyncadd.s32 $0xFFFFFFBF  }
0x1a7: {  	_ =	swait.ge [sflag:s6], $0x41  }
0x1a8: {  	[sflag:s6] =	ssyncset.done $0x0  }
0x1a9: {  	[sflag:s6] =	ssyncadd.s32 $0xFFFFFFBF  }
0x1aa: {  	_ =	swait.ge [sflag:s6], $0x41  }
0x1ab: {  	[sflag:s6] =	ssyncset.done $0x0  }
0x1ac: {  	[sflag:s6] =	ssyncadd.s32 $0xFFFFFFBF  }
0x1ad: {  	_ =	swait.ge [sflag:s6], $0x41  }
0x1ae: {  	[sflag:s6] =	ssyncset.done $0x0  }
0x1af: {  	[sflag:s6] =	ssyncadd.s32 $0xFFFFFFBF  }
0x1b0: {  	_ =	swait.ge [sflag:s6], $0x41  }
0x1b1: {  	[sflag:s6] =	ssyncset.done $0x0  }
0x1b2: {  	[sflag:s6] =	ssyncadd.s32 $0xFFFFFFBF  }
0x1b3: {  	_ =	swait.ge [sflag:s6], $0x41  }
0x1b4: {  	[sflag:s6] =	ssyncset.done $0x0  }
0x1b5: {  	[sflag:s6] =	ssyncadd.s32 $0xFFFFFFBF  }
0x1b6: {  	_ =	swait.ge [sflag:s6], $0x41  }
0x1b7: {  	[sflag:s6] =	ssyncset.done $0x0  }
0x1b8: {  	[sflag:s6] =	ssyncadd.s32 $0xFFFFFFBF  }
0x1b9: {  	_ =	swait.ge [sflag:s6], $0x41  }
0x1ba: {  	[sflag:s6] =	ssyncset.done $0x0  }
0x1bb: {  	[sflag:s6] =	ssyncadd.s32 $0xFFFFFFBF  }
0x1bc: {  	_ =	swait.ge [sflag:s6], $0x41  }
0x1bd: {  	[sflag:s6] =	ssyncset.done $0x0  }
0x1be: {  	[sflag:s6] =	ssyncadd.s32 $0xFFFFFFBF  }
0x1bf: {  	_ =	swait.ge [sflag:s6], $0x41  }
0x1c0: {  	[sflag:s6] =	ssyncset.done $0x0  }
0x1c1: {  	[sflag:s6] =	ssyncadd.s32 $0xFFFFFFBF  }
0x1c2: {  	_ =	swait.ge [sflag:s6], $0x41  }
0x1c3: {  	[sflag:s6] =	ssyncset.done $0x0  }
0x1c4: {  	[sflag:s6] =	ssyncadd.s32 $0xFFFFFFBF  }
0x1c5: {  	_ =	swait.ge [sflag:s6], $0x41  }
0x1c6: {  	[sflag:s6] =	ssyncset.done $0x0  }
0x1c7: {  	[sflag:s6] =	ssyncadd.s32 $0xFFFFFFBF  }
0x1c8: {  	_ =	swait.ge [sflag:s6], $0x41  }
0x1c9: {  	[sflag:s6] =	ssyncset.done $0x0  }
0x1ca: {  	[sflag:s6] =	ssyncadd.s32 $0xFFFFFFBF  }
0x1cb: {  	_ =	swait.ge [sflag:s6], $0x41  }
0x1cc: {  	[sflag:s6] =	ssyncset.done $0x0  }
0x1cd: {  	[sflag:s6] =	ssyncadd.s32 $0xFFFFFFBF  }
0x1ce: {  	_ =	swait.ge [sflag:s6], $0x41  }
0x1cf: {  	[sflag:s6] =	ssyncset.done $0x0  }
0x1d0: {  	[sflag:s6] =	ssyncadd.s32 $0xFFFFFFBF  }
0x1d1: {  	_ =	swait.ge [sflag:s6], $0x41  }
0x1d2: {  	[sflag:s6] =	ssyncset.done $0x0  }
0x1d3: {  	[sflag:s6] =	ssyncadd.s32 $0xFFFFFFBF  }
0x1d4: {  	_ =	swait.ge [sflag:s6], $0x41  }
0x1d5: {  	[sflag:s6] =	ssyncset.done $0x0  }
0x1d6: {  	[sflag:s6] =	ssyncadd.s32 $0xFFFFFFBF  }
0x1d7: {  	_ =	swait.ge [sflag:s6], $0x41  }
0x1d8: {  	[sflag:s6] =	ssyncset.done $0x0  }
0x1d9: {  	[sflag:s6] =	ssyncadd.s32 $0xFFFFFFBF  }
0x1da: {  	_ =	swait.ge [sflag:s6], $0x41  }
0x1db: {  	[sflag:s6] =	ssyncset.done $0x0  }
0x1dc: {  	[sflag:s6] =	ssyncadd.s32 $0xFFFFFFBF  }
0x1dd: {  	_ =	swait.ge [sflag:s6], $0x41  }
0x1de: {  	[sflag:s6] =	ssyncset.done $0x0  }
0x1df: {  	[sflag:s6] =	ssyncadd.s32 $0xFFFFFFBF  }
0x1e0: {  	_ =	swait.ge [sflag:s6], $0x41  }
0x1e1: {  	[sflag:s6] =	ssyncset.done $0x0  }
0x1e2: {  	[sflag:s6] =	ssyncadd.s32 $0xFFFFFFBF  }
0x1e3: {  	[spmem:s2] =	stream.linear.scatter [tilespmem:s5], [sflag:$0x6], $0x2080, $0x38;
	[tilespmem:$0x15690] =	vst v63  }
0x1e4: {  	_ =	swait.ge [sflag:s1], $0x2080  }
0x1e5: {  	[sflag:s1] =	ssyncset.done $0x0  }
0x1e6: {  	[sflag:s1] =	ssyncadd.s32 $0xFFFFDF80  }
0x1e7: {  	[tilespmem:s8], [sflag:$0x2] =	stream.indirect.gather [spmem:s2], $0x41, s3, s7, $0xb8;
	[tilespmem:$0x15690] =	vst v63  }
0x1e8: {  	_ = 	snop  }
0x1e9: {  	[tilespmem:s9], [sflag:$0x3] =	stream.indirect.gather [spmem:s2], $0x41, s7, s7, $0xb8;
	[tilespmem:$0x15690] =	vst v63  }
0x1ea: {  	_ =	swait.ge [sflag:s10], $0x4100  }
0x1eb: {  	s16 =	sld [smem:$0x7FC]  }
0x1ec: {  	[sflag:s10] =	ssyncset.done $0x0  }
0x1ed: {  	[sflag:s10] =	ssyncadd.s32 $0xFFFFBF00  }
0x1ee: {  	[hbm4b:s16+s3] =	stream.linear.scatter [tilespmem:s8], [sflag:$0x4], $0x8000, $0x38;
	[tilespmem:$0x15690] =	vst v63  }
0x1ef: {  	_ =	swait.ge [sflag:s11], $0x8000  }
0x1f0: {  	[sflag:s11] =	ssyncset.done $0x0  }
0x1f1: {  	s16 =	simm.s32 $0x200;
	[sflag:s11] =	ssyncadd.s32 $0xFFFF8000  }
0x1f2: {  	[tilespmem:s8], [sflag:$0x2] =	stream.indirect.gather [spmem:s2], $0x41, s16, s7, $0xb8;
	[tilespmem:$0x15690] =	vst v63  }
0x1f3: {  	_ =	swait.ge [sflag:s12], $0x4100  }
0x1f4: {  	s16 =	sld [smem:$0x7FD]  }
0x1f5: {  	[sflag:s12] =	ssyncset.done $0x0  }
0x1f6: {  	[sflag:s12] =	ssyncadd.s32 $0xFFFFBF00  }
0x1f7: {  	[hbm4b:s16+s3] =	stream.linear.scatter [tilespmem:s9], [sflag:$0x5], $0x8000, $0x38;
	[tilespmem:$0x15690] =	vst v63  }
0x1f8: {  	_ =	swait.ge [sflag:s13], $0x8000  }
0x1f9: {  	[sflag:s13] =	ssyncset.done $0x0  }
0x1fa: {  	s16 =	simm.s32 $0x300;
	[sflag:s13] =	ssyncadd.s32 $0xFFFF8000  }
0x1fb: {  	[tilespmem:s9], [sflag:$0x3] =	stream.indirect.gather [spmem:s2], $0x41, s16, s7, $0xb8;
	[tilespmem:$0x15690] =	vst v63  }
0x1fc: {  	_ =	swait.ge [sflag:s10], $0x4100  }
0x1fd: {  	[sflag:s10] =	ssyncset.done $0x0  }
0x1fe: {  	[sflag:s10] =	ssyncadd.s32 $0xFFFFBF00  }
0x1ff: {  	[hbm4b:s17+s3] =	stream.linear.scatter [tilespmem:s8], [sflag:$0x4], $0x8000, $0x38;
	[tilespmem:$0x15690] =	vst v63  }
0x200: {  	_ =	swait.ge [sflag:s11], $0x8000  }
0x201: {  	[sflag:s11] =	ssyncset.done $0x0  }
0x202: {  	s16 =	simm.s32 $0x400;
	[sflag:s11] =	ssyncadd.s32 $0xFFFF8000  }
0x203: {  	[tilespmem:s8], [sflag:$0x2] =	stream.indirect.gather [spmem:s2], $0x41, s16, s7, $0xb8;
	[tilespmem:$0x15690] =	vst v63  }
0x204: {  	_ =	swait.ge [sflag:s12], $0x4100  }
0x205: {  	[sflag:s12] =	ssyncset.done $0x0  }
0x206: {  	[sflag:s12] =	ssyncadd.s32 $0xFFFFBF00  }
0x207: {  	[hbm4b:s18+s3] =	stream.linear.scatter [tilespmem:s9], [sflag:$0x5], $0x8000, $0x38;
	[tilespmem:$0x15690] =	vst v63  }
0x208: {  	_ =	swait.ge [sflag:s13], $0x8000  }
0x209: {  	[sflag:s13] =	ssyncset.done $0x0  }
0x20a: {  	s16 =	simm.s32 $0x500;
	[sflag:s13] =	ssyncadd.s32 $0xFFFF8000  }
0x20b: {  	[tilespmem:s9], [sflag:$0x3] =	stream.indirect.gather [spmem:s2], $0x41, s16, s7, $0xb8;
	[tilespmem:$0x15690] =	vst v63  }
0x20c: {  	_ =	swait.ge [sflag:s10], $0x4100  }
0x20d: {  	[sflag:s10] =	ssyncset.done $0x0  }
0x20e: {  	[sflag:s10] =	ssyncadd.s32 $0xFFFFBF00  }
0x20f: {  	[hbm4b:s19+s3] =	stream.linear.scatter [tilespmem:s8], [sflag:$0x4], $0x8000, $0x38;
	[tilespmem:$0x15690] =	vst v63  }
0x210: {  	_ =	swait.ge [sflag:s11], $0x8000  }
0x211: {  	[sflag:s11] =	ssyncset.done $0x0  }
0x212: {  	s16 =	simm.s32 $0x600;
	[sflag:s11] =	ssyncadd.s32 $0xFFFF8000  }
0x213: {  	[tilespmem:s8], [sflag:$0x2] =	stream.indirect.gather [spmem:s2], $0x41, s16, s7, $0xb8;
	[tilespmem:$0x15690] =	vst v63  }
0x214: {  	_ =	swait.ge [sflag:s12], $0x4100  }
0x215: {  	[sflag:s12] =	ssyncset.done $0x0  }
0x216: {  	[sflag:s12] =	ssyncadd.s32 $0xFFFFBF00  }
0x217: {  	[hbm4b:s20+s3] =	stream.linear.scatter [tilespmem:s9], [sflag:$0x5], $0x8000, $0x38;
	[tilespmem:$0x15690] =	vst v63  }
0x218: {  	_ =	swait.ge [sflag:s13], $0x8000  }
0x219: {  	[sflag:s13] =	ssyncset.done $0x0  }
0x21a: {  	s16 =	simm.s32 $0x700;
	[sflag:s13] =	ssyncadd.s32 $0xFFFF8000  }
0x21b: {  	[tilespmem:s9], [sflag:$0x3] =	stream.indirect.gather [spmem:s2], $0x41, s16, s7, $0xb8;
	[tilespmem:$0x15690] =	vst v63  }
0x21c: {  	_ =	swait.ge [sflag:s10], $0x4100  }
0x21d: {  	[sflag:s10] =	ssyncset.done $0x0  }
0x21e: {  	[sflag:s10] =	ssyncadd.s32 $0xFFFFBF00  }
0x21f: {  	[hbm4b:s21+s3] =	stream.linear.scatter [tilespmem:s8], [sflag:$0x4], $0x8000, $0x38;
	[tilespmem:$0x15690] =	vst v63  }
0x220: {  	_ =	swait.ge [sflag:s11], $0x8000  }
0x221: {  	[sflag:s11] =	ssyncset.done $0x0  }
0x222: {  	s16 =	simm.s32 $0x800;
	[sflag:s11] =	ssyncadd.s32 $0xFFFF8000  }
0x223: {  	[tilespmem:s8], [sflag:$0x2] =	stream.indirect.gather [spmem:s2], $0x41, s16, s7, $0xb8;
	[tilespmem:$0x15690] =	vst v63  }
0x224: {  	_ =	swait.ge [sflag:s12], $0x4100  }
0x225: {  	[sflag:s12] =	ssyncset.done $0x0  }
0x226: {  	[sflag:s12] =	ssyncadd.s32 $0xFFFFBF00  }
0x227: {  	[hbm4b:s22+s3] =	stream.linear.scatter [tilespmem:s9], [sflag:$0x5], $0x8000, $0x38;
	[tilespmem:$0x15690] =	vst v63  }
0x228: {  	_ =	swait.ge [sflag:s13], $0x8000  }
0x229: {  	[sflag:s13] =	ssyncset.done $0x0  }
0x22a: {  	s16 =	simm.s32 $0x900;
	[sflag:s13] =	ssyncadd.s32 $0xFFFF8000  }
0x22b: {  	[tilespmem:s9], [sflag:$0x3] =	stream.indirect.gather [spmem:s2], $0x41, s16, s7, $0xb8;
	[tilespmem:$0x15690] =	vst v63  }
0x22c: {  	_ =	swait.ge [sflag:s10], $0x4100  }
0x22d: {  	[sflag:s10] =	ssyncset.done $0x0  }
0x22e: {  	[sflag:s10] =	ssyncadd.s32 $0xFFFFBF00  }
0x22f: {  	[hbm4b:s23+s3] =	stream.linear.scatter [tilespmem:s8], [sflag:$0x4], $0x8000, $0x38;
	[tilespmem:$0x15690] =	vst v63  }
0x230: {  	_ =	swait.ge [sflag:s11], $0x8000  }
0x231: {  	[sflag:s11] =	ssyncset.done $0x0  }
0x232: {  	s16 =	simm.s32 $0xA00;
	[sflag:s11] =	ssyncadd.s32 $0xFFFF8000  }
0x233: {  	[tilespmem:s8], [sflag:$0x2] =	stream.indirect.gather [spmem:s2], $0x41, s16, s7, $0xb8;
	[tilespmem:$0x15690] =	vst v63  }
0x234: {  	_ =	swait.ge [sflag:s12], $0x4100  }
0x235: {  	[sflag:s12] =	ssyncset.done $0x0  }
0x236: {  	[sflag:s12] =	ssyncadd.s32 $0xFFFFBF00  }
0x237: {  	[hbm4b:s24+s3] =	stream.linear.scatter [tilespmem:s9], [sflag:$0x5], $0x8000, $0x38;
	[tilespmem:$0x15690] =	vst v63  }
0x238: {  	_ =	swait.ge [sflag:s13], $0x8000  }
0x239: {  	[sflag:s13] =	ssyncset.done $0x0  }
0x23a: {  	s16 =	simm.s32 $0xB00;
	[sflag:s13] =	ssyncadd.s32 $0xFFFF8000  }
0x23b: {  	[tilespmem:s9], [sflag:$0x3] =	stream.indirect.gather [spmem:s2], $0x41, s16, s7, $0xb8;
	[tilespmem:$0x15690] =	vst v63  }
0x23c: {  	_ =	swait.ge [sflag:s10], $0x4100  }
0x23d: {  	[sflag:s10] =	ssyncset.done $0x0  }
0x23e: {  	[sflag:s10] =	ssyncadd.s32 $0xFFFFBF00  }
0x23f: {  	[hbm4b:s25+s3] =	stream.linear.scatter [tilespmem:s8], [sflag:$0x4], $0x8000, $0x38;
	[tilespmem:$0x15690] =	vst v63  }
0x240: {  	_ =	swait.ge [sflag:s11], $0x8000  }
0x241: {  	[sflag:s11] =	ssyncset.done $0x0  }
0x242: {  	s16 =	simm.s32 $0xC00;
	[sflag:s11] =	ssyncadd.s32 $0xFFFF8000  }
0x243: {  	[tilespmem:s8], [sflag:$0x2] =	stream.indirect.gather [spmem:s2], $0x41, s16, s7, $0xb8;
	[tilespmem:$0x15690] =	vst v63  }
0x244: {  	_ =	swait.ge [sflag:s12], $0x4100  }
0x245: {  	[sflag:s12] =	ssyncset.done $0x0  }
0x246: {  	[sflag:s12] =	ssyncadd.s32 $0xFFFFBF00  }
0x247: {  	[hbm4b:s26+s3] =	stream.linear.scatter [tilespmem:s9], [sflag:$0x5], $0x8000, $0x38;
	[tilespmem:$0x15690] =	vst v63  }
0x248: {  	_ =	swait.ge [sflag:s13], $0x8000  }
0x249: {  	[sflag:s13] =	ssyncset.done $0x0  }
0x24a: {  	s16 =	simm.s32 $0xD00;
	[sflag:s13] =	ssyncadd.s32 $0xFFFF8000  }
0x24b: {  	[tilespmem:s9], [sflag:$0x3] =	stream.indirect.gather [spmem:s2], $0x41, s16, s7, $0xb8;
	[tilespmem:$0x15690] =	vst v63  }
0x24c: {  	_ =	swait.ge [sflag:s10], $0x4100  }
0x24d: {  	[sflag:s10] =	ssyncset.done $0x0  }
0x24e: {  	[sflag:s10] =	ssyncadd.s32 $0xFFFFBF00  }
0x24f: {  	[hbm4b:s28+s3] =	stream.linear.scatter [tilespmem:s8], [sflag:$0x4], $0x8000, $0x38;
	[tilespmem:$0x15690] =	vst v63  }
0x250: {  	_ =	swait.ge [sflag:s11], $0x8000  }
0x251: {  	[sflag:s11] =	ssyncset.done $0x0  }
0x252: {  	s16 =	simm.s32 $0xE00;
	[sflag:s11] =	ssyncadd.s32 $0xFFFF8000  }
0x253: {  	[tilespmem:s8], [sflag:$0x2] =	stream.indirect.gather [spmem:s2], $0x41, s16, s7, $0xb8;
	[tilespmem:$0x15690] =	vst v63  }
0x254: {  	_ =	swait.ge [sflag:s12], $0x4100  }
0x255: {  	[sflag:s12] =	ssyncset.done $0x0  }
0x256: {  	[sflag:s12] =	ssyncadd.s32 $0xFFFFBF00  }
0x257: {  	[hbm4b:s29+s3] =	stream.linear.scatter [tilespmem:s9], [sflag:$0x5], $0x8000, $0x38;
	[tilespmem:$0x15690] =	vst v63  }
0x258: {  	_ =	swait.ge [sflag:s13], $0x8000  }
0x259: {  	[sflag:s13] =	ssyncset.done $0x0  }
0x25a: {  	s16 =	simm.s32 $0xF00;
	[sflag:s13] =	ssyncadd.s32 $0xFFFF8000  }
0x25b: {  	[tilespmem:s9], [sflag:$0x3] =	stream.indirect.gather [spmem:s2], $0x41, s16, s7, $0xb8;
	[tilespmem:$0x15690] =	vst v63  }
0x25c: {  	_ =	swait.ge [sflag:s10], $0x4100  }
0x25d: {  	[sflag:s10] =	ssyncset.done $0x0  }
0x25e: {  	[sflag:s10] =	ssyncadd.s32 $0xFFFFBF00  }
0x25f: {  	[hbm4b:s30+s3] =	stream.linear.scatter [tilespmem:s8], [sflag:$0x4], $0x8000, $0x38;
	[tilespmem:$0x15690] =	vst v63  }
0x260: {  	_ =	swait.ge [sflag:s12], $0x4100  }
0x261: {  	[sflag:s12] =	ssyncset.done $0x0  }
0x262: {  	s14 =	sadd.s32 $0x1, s14;
	[sflag:s12] =	ssyncadd.s32 $0xFFFFBF00  }
0x263: {  	[hbm4b:s31+s3] =	stream.linear.scatter [tilespmem:s9], [sflag:$0x5], $0x8000, $0x38;
	[tilespmem:$0x15690] =	vst v63  }
0x264: {  	p0 =	sne.s32 s14, s0;
	_ =	swait.ge [sflag:s11], $0x8000  }
.Ltmp1:
0x265: {  	[sflag:s11] =	ssyncset.done $0x0;
	(pc) =	sbr.rel @p0 .LBB2_1-.Ltmp1, $4  }
0x266: {  	[sflag:s11] =	ssyncadd.s32 $0xFFFF8000  }
0x267: {  	_ =	swait.ge [sflag:s13], $0x8000  }
0x268: {  	[sflag:s13] =	ssyncset.done $0x0  }
0x269: {  	[sflag:s13] =	ssyncadd.s32 $0xFFFF8000  }
0x26a: {  	_ =	sfence.sel $0x180000  }
0x26b: {  	[bflag:$0x0] =	sbarrier.arrive $0xFFFF  }
0x26c: {  	_ =	strace $0x90000047  }
0x26d: {  	s0 =	stileid.u32;
	[bflag:$0x2] =	sbarrier.arrive $0xFFFF  }
0x26e: {  	p0 =	sne.s32 s0, $0x0;
	s0 =	rddreg [dreg:$0x3]  }
0x26f: {  	s0 =	sadd.s32 @!p0 $0x100000, s0  }
0x270: {  	[sflag:s0] =	ssyncadd.tile.s32 @!p0 $0x1;
	_ =	shalt  }
.Lfunc_end2:
_tile_overlayer_lowered:
.L_overlay_start_2:
0x271: {  	(tag) =	ssettag $0x2  }
0x272: {  	s0 =	rddreg [dreg:$0x0];
	s2 =	stileid.u32  }
0x273: {  	s1 =	rddreg [dreg:$0x1];
	p0 =	sne.s32 s2, $0x0  }
0x274: {  	s3 =	rddreg [dreg:$0x2];
	[bflag:$0x3] =	sbarrier.arrive $0xFFFF;
	s2 =	simm.s32 @!p0 $0x1C06  }
0x275: {  	[timem:s3], [sflag:s2] =	dma.local @!p0 [hbm:s0], s1  }
0x276: {  	s0 =	simm.s32 @!p0 $0x6  }
0x277: {  	_ =	swait.ge @!p0 [sflag:s0], s1  }
0x278: {  	s1 =	ssub.s32 @!p0 $0x0, s1;
	[sflag:s0] =	ssyncset.done @!p0 $0x0  }
0x279: {  	[sflag:s0] =	ssyncadd.s32 @!p0 s1  }
0x27a: {  	[bflag:$0x3] =	sbarrier.arrive $0xFFFF  }
0x27b: {  	_ =	shalt  }

// kernel: sparse-core-data-format-call.cloned.1.call-start
scs
called_computation_lowered:
.L_overlay_start_0:
0x0: {  	s2 =	sld [smem:$0x3FD9]  }
0x1: {  	s3 =	sld [smem:$0x3FFE];
	_ =	sdelay $0x1  }
0x2: {  	s1 =	srdreg.scid  }
0x3: {  	s0 =	sand.u32 $0x1, s1  }
0x4: {  	s15 =	sshll.u32 s0, $0xA;
	s2 =	sadd.s32 s3, s2  }
0x5: {  	s2 =	sadd.s32 s2, s15  }
0x6: {  	[smem:$0x3FC5] =	sst s2  }
0x7: {  	_ = 	snop  }
0x8: {  	s2 =	sld [smem:$0x3FD0];
	_ =	sdelay $0x2  }
0x9: {  	s16 =	simm.s32 $0xA;
	s4 =	simm.s32 $0x10  }
0xa: {  	[smem:s4], [sflag:s16] =	dma.local [hbm:s2], $0x1  }
0xb: {  	_ =	swait.eq [sflag:s16], $0x1  }
0xc: {  	[sflag:s16] =	ssyncset.done $0x0  }
0xd: {  	[sflag:s16] =	ssyncadd.s32 $0xFFFFFFFF  }
0xe: {  	s17 =	sld [smem:$0x10];
	(tm) =	ssettm $0x1  }
0xf: {  	s18 =	sld [smem:$0x3FFB];
	_ =	sdelay $0x3  }
0x10: {  	_ =	strace s18  }
0x11: {  	s3 =	sld [smem:$0x3FFC];
	_ =	sdelay $0x3  }
0x12: {  	_ =	strace s3  }
0x13: {  	s3 =	sld [smem:$0x3FFD];
	_ =	sdelay $0x3  }
0x14: {  	_ =	strace s3  }
0x15: {  	_ =	strace $0x8FFFFFFF  }
0x16: {  	s19 =	sld [smem:$0x3FDB];
	_ =	sdelay $0x1  }
0x17: {  	s20 =	simm.s32 $_scs_section_size  }
0x18: {  	s5 =	simm.s32 $_size__tile_overlayer_lowered;
	s6 =	simm.s32 $_tile_overlayer_lowered  }
0x19: {  	s23 =	simm.s32 $0x1BFF;
	s22 =	sshll.u32 s6, $0x1;
	s3 =	sadd.s32 s20, s19  }
0x1a: {  	s7 =	simm.s32 $0x0;
	s21 =	sshll.u32 s5, $0x1;
	s5 =	sadd.s32 s22, s3  }
0x1b: {  	[timem:s7], [sflag:s23] =	dma.local [hbm:s5], s21  }
0x1c: {  	_ =	swait.ge [sflag:s23], s21  }
0x1d: {  	s4 =	ssub.s32 $0x0, s21;
	[sflag:s23] =	ssyncset.done $0x0  }
0x1e: {  	[sflag:s23] =	ssyncadd.s32 s4;
	_ =	sdelay $0x1  }
0x1f: {  	s24 =	simm.s32 $0x1B8B  }
0x20: {  	_ =	swait.ge [sflag:s24], $0x1  }
0x21: {  	[sflag:s24] =	ssyncset.done $0x0  }
0x22: {  	s26 =	simm.s32 $0x1B8E;
	s25 =	sld [smem:$0x3FFE];
	[sflag:s24] =	ssyncadd.s32 $0xFFFFFFFF  }
0x23: {  	s27 =	simm.s32 $execute0_lowered;
	[smem:$0x3FD2] =	sst s26  }
0x24: {  	s5 =	sshll.u32 s27, $0x1;
	_ =	strace $0x80000049;
	[dreg:$0x1] =	wrdreg $0xFFFFFFFF  }
0x25: {  	s28 =	simm.s32 $_size_execute0_lowered;
	s3 =	sadd.s32 s3, s5;
	[dreg:$0x0] =	wrdreg $0x0  }
0x26: {  	s5 =	sshll.u32 s28, $0x1;
	[dreg:$0x2] =	wrdreg s3  }
0x27: {  	[dreg:$0x3] =	wrdreg s5  }
0x28: {  	[dreg:$0x4] =	wrdreg $0xC0  }
0x29: {  	_ =	task [dreg:s7], $0x5FFFF  }
0x2a: {  	[dreg:$0x1] =	wrdreg $0xFFFFFFFF  }
0x2b: {  	[dreg:$0x0] =	wrdreg $0x60  }
0x2c: {  	[dreg:$0x2] =	wrdreg s25  }
0x2d: {  	[dreg:$0x3] =	wrdreg s17  }
0x2e: {  	[dreg:$0x4] =	wrdreg $0x9  }
0x2f: {  	_ =	task.clear_ibuf [dreg:s7], $0x5FFFF;
	_ =	strace $0x90000049  }
0x30: {  	s29 =	simm.s32 $0x9;
	_ =	strace $0x8000004B  }
0x31: {  	_ =	swait.ge [sflag:s29], $0x1  }
0x32: {  	[sflag:s29] =	ssyncadd.s32 $0xFFFFFFFF  }
0x33: {  	_ =	strace $0x9000004B  }
0x34: {  	_ =	sfence  }
0x35: {  	s30 =	sld [smem:$0x0];
	_ =	sdelay $0x2  }
0x36: {  	s31 =	sshll.u32 s1, $0xD;
	s1 =	sshrl.u32 s1, $0x2  }
0x37: {  	s3 =	sand.u32 $0x4000, s31;
	s1 =	sadd.s32 s1, s30  }
0x38: {  	s0 =	sor.u32 s3, s0;
	s1 =	sshll.u32 s1, $0x11  }
0x39: {  	s0 =	sor.u32 s1, s0  }
0x3a: {  	s0 =	sadd.s32 $0x8F2B, s0  }
0x3b: {  	[sflag:s0] =	ssyncadd.remote.s32 $0x1  }
0x3c: {  	_ =	sfence.sel $0xFFFF  }
0x3d: {  	[dreg:$0x0] =	wrdreg $0xFFFFFFFF;
	(pc) =	sbr.abs _section_cstart, $3  }
0x3e: {  	[dreg:$0x1] =	wrdreg $0xFFFFFFFF  }
0x3f: {  	_ =	task.clear_ibuf [dreg:s7], $0x2FFFF;
	_ =	strace $0x9FFFFFFF  }
0x40: {  	(tm) =	ssettm $0x7FFFFFFF  }
0x41: {  	_ =	shalt  }
tec
execute0_lowered:
.L_overlay_start_1:
0x0: {  	(tag) =	ssettag $0x1  }
0x1: {  	s1 =	rddreg [dreg:$0x0]  }
0x2: {  	s2 =	rddreg [dreg:$0x1]  }
0x3: {  	s0 =	rddreg [dreg:$0x2]  }
0x4: {  	s4 =	srdreg.scid;
	_ =	strace $0x8000004A;
	s6 =	simm.s32 $0x2  }
0x5: {  	s12 =	simm.s32 $0x0;
	p0 =	por $0x0, $0x0;
	s13 =	simm.s32 $0x0  }
.Ltmp0:
0x6: {  	s8 =	simm.s32 $0x0;
	s9 =	simm.s32 $0x0;
	(pc) =	sbr.rel .LBB1_1-.Ltmp0, $4  }
0x7: {  	s10 =	simm.s32 $0x0;
	s3 =	sadd.s32 $0x5A00, s1;
	s4 =	sshll.u32 s4, $0x4  }
0x8: {  	s1 =	stileid.u32;
	s5 =	sand.u32 $0x10, s4;
	s4 =	simm.s32 $0x1  }
0x9: {  	s7 =	simm.s32 $0x0;
	s5 =	sor.u32 s1, s5;
	[sflag:s4] =	ssyncpa.u1 $0x0  }
0xa: {  	[sflag:s6] =	ssyncpa.u1 $0x0;
	s6 =	simm.s32 $0x20000;
	s11 =	smov.u32 s5  }
.LBB1_5:
0xb: {  	p1 =	slt.u32 s7, $0x2  }
0xc: {  	s15 =	smov.u32 s13;
	p2 =	sgt.s32 @!p1 s13, $0x3F;
	s14 =	sshra.s32 @!p1 s13, $0x1F  }
0xd: {  	p3 =	sgt.s32 @!p1 s12, $0x780;
	s16 =	sshra.s32 @!p1 s12, $0x1F;
	p2 =	por !p2, p1  }
0xe: {  	s13 =	sand.u32 @!p1 s14, s13;
	p3 =	por !p3, p1;
	s14 =	smov.u32 s12  }
0xf: {  	s12 =	sand.u32 @!p1 s16, s12;
	s15 =	simm.s32 @p2 $0x3F;
	s14 =	simm.s32 @p3 $0x780  }
0x10: {  	s16 =	smov.u32 s11;
	s13 =	ssub.s32 @!p1 s15, s13;
	s12 =	ssub.s32 @!p1 s14, s12  }
0x11: {  	s14 =	sadd.s32 @!p1 $0xFFFFFFC1, s13;
	s13 =	ssub.s32 @!p1 $0x40, s13;
	s15 =	sadd.s32 @!p1 $0xFFFFF880, s12  }
0x12: {  	p2 =	sgt.s32 @!p1 s14, $0x0;
	s13 =	smul.u32 @!p1 $0x41, s13;
	p3 =	sgt.s32 @!p1 s15, $0x7F  }
0x13: {  	s12 =	ssub.s32 @!p1 $0x800, s12;
	p2 =	por !p2, p1;
	p3 =	por !p3, p1  }
0x14: {  	s14 =	sadd.s32 $0x80, s10;
	s13 =	simm.s32 @!p2 $0x0;
	s12 =	simm.s32 @!p3 $0x0  }
0x15: {  	p2 =	sgt.s32 s14, $0x7FF;
	s12 =	smul.u32 @!p1 s12, s13;
	s13 =	sadd.s32 $0x20, s11  }
0x16: {  	s16 =	smov.u32 @p2 s13  }
0x17: {  	s7 =	sadd.s32 $0x1, s7;
	s14 =	simm.s32 @p2 $0x0;
	p2 =	sgt.s32 s16, $0x3F  }
0x18: {  	s16 =	smov.u32 @p2 s5;
	p2 =	sne.s32 s7, $0x22  }
.Ltmp1:
0x19: {  	p0 =	por !p0, !p0;
	(pc) =	sbr.rel @!p2 .LBB1_6-.Ltmp1, $4  }
0x1a: {  	s15 =	simm.s32 @!p1 $0x2;
	s13 =	smov.u32 s9;
	s12 =	sand.u32 @!p1 $0x3FFFFFFF, s12  }
0x1b: {  	s9 =	smov.u32 s11;
	_ =	swait.ge @!p1 [sflag:s15], s12;
	s17 =	ssub.s32 @!p1 $0x0, s12  }
0x1c: {  	s12 =	smov.u32 s8;
	s8 =	smov.u32 s10;
	[sflag:s15] =	ssyncset.done @!p1 $0x0  }
0x1d: {  	s10 =	smov.u32 s14;
	s11 =	smov.u32 s16;
	[sflag:s15] =	ssyncadd.s32 @!p1 s17  }
.LBB1_1:
0x1e: {  	p1 =	sgt.u32 s7, $0x1F  }
0x1f: {  	s14 =	sxor.u32 @!p1 $0xFFFFFFFF, s7;
	s15 =	sshll.u32 @!p1 s11, $0xF;
	s16 =	sshll.u32 @!p1 s10, $0x4  }
0x20: {  	s14 =	sshll.u32 @!p1 s14, $0xE;
	s16 =	sand.u32 @!p1 $0x7FF0, s16;
	s15 =	sadd.s32 @!p1 s3, s15  }
0x21: {  	s14 =	sand.u32 @!p1 $0x4000, s14;
	s15 =	sadd.s32 @!p1 s16, s15;
	s16 =	simm.s32 @!p1 $0x0  }
0x22: {  	[tilespmem:s14], [sflag:$0x1] =	stream.linear.gather @!p1 [hbm4b:s15+s16], $0x4000, $0x38;
	[tilespmem:$0x10100] =	vst v63  }
0x23: {  	p1 =	seq.s32 s7, $0x0  }
0x24: {  	p2 =	seq.s32 @!p1 s7, $0x21  }
0x25: {  	p1 =	por p1, p2  }
.Ltmp2:
0x26: {  	_ = 	snop;
	(pc) =	sbr.rel @p1 .LBB1_5-.Ltmp2, $1  }
0x27: {  	_ =	sdelay $0x3  }
0x28: {  	s14 =	simm.s32 $0x1  }
0x29: {  	_ =	swait.ge [sflag:s4], $0x4000;
	s14 =	simm.s32 @!p0 $0x0  }
0x2a: {  	[sflag:s4] =	ssyncset.done $0x0;
	s15 =	sshll.u32 s14, $0xE  }
0x2b: {  	[sflag:s4] =	ssyncadd.s32 $0xFFFFC000;
	s15 =	sor.u32 $0x40, s15  }
0x2c: {  	s14 =	smul.u32 $0x10200, s14;
	v0 =	vld [tilespmem:s15+$0x30]  }
0x2d: {  	v1 =	vld [tilespmem:s15+$0xFFFFFFD0]  }
0x2e: {  	s14 =	sshrl.u32 s14, $0x2;
	v5 =	vld [tilespmem:s15+$0xFFFFFFE0]  }
0x2f: {  	v6 =	vld [tilespmem:s15+$0xFFFFFFF0];
	s17 =	sor.u32 $0x8000, s14  }
0x30: {  	s31 =	sand.u32 $0x1, s7;
	v4 =	vld [tilespmem:s15+$0x0];
	s16 =	sadd.s32 $0x0, s17  }
0x31: {  	v3 =	vld [tilespmem:s15+$0x10];
	s14 =	smul.u32 $0x10200, s31;
	[tilespmem:s16+$0x3870 ss:$0x81] =	vst.msk $0xffff, v0  }
0x32: {  	v2 =	vld [tilespmem:s15+$0x20];
	[tilespmem:s16+$0x810 ss:$0x81] =	vst.msk $0xffff, v1  }
0x33: {  	s14 =	sshrl.u32 s14, $0x2;
	v1 =	vld [tilespmem:s15+$0xFFFFFFC0];
	[tilespmem:s16+$0x1020 ss:$0x81] =	vst.msk $0xffff, v5;
	s15 =	sadd.s32 $0x80, s15  }
0x34: {  	s18 =	simm.s32 $0x4;
	s19 =	simm.s32 $0x8;
	s14 =	sor.u32 $0x8000, s14;
	[tilespmem:s16+$0x1830 ss:$0x81] =	vst.msk $0xffff, v6;
	v0 =	vld [tilespmem:s15+$0x30]  }
.LBB1_3:
0x35: {  	p1 =	sne.s32 s19, $0x1FC;
	v5 =	vld [tilespmem:s15+$0xFFFFFFD0];
	[tilespmem:s16+$0x2040 ss:$0x81] =	vst.msk $0xffff, v4  }
0x36: {  	v6 =	vld [tilespmem:s15+$0xFFFFFFE0];
	[tilespmem:s16+$0x2850 ss:$0x81] =	vst.msk $0xffff, v3  }
0x37: {  	s20 =	sshra.s32 s18, $0x2;
	s18 =	smov.u32 s19;
	v7 =	vld [tilespmem:s15+$0xFFFFFFF0];
	[tilespmem:s16+$0x3060 ss:$0x81] =	vst.msk $0xffff, v2  }
.Ltmp3:
0x38: {  	v4 =	vld [tilespmem:s15+$0x0];
	[tilespmem:s16+$0x0 ss:$0x81] =	vst.msk $0xffff, v1;
	s16 =	sadd.s32 s20, s17;
	(pc) =	sbr.rel @p1 .LBB1_3-.Ltmp3, $4  }
0x39: {  	v3 =	vld [tilespmem:s15+$0x10];
	[tilespmem:s16+$0x3870 ss:$0x81] =	vst.msk $0xffff, v0  }
0x3a: {  	[tilespmem:s16+$0x810 ss:$0x81] =	vst.msk $0xffff, v5;
	v2 =	vld [tilespmem:s15+$0x20]  }
0x3b: {  	v1 =	vld [tilespmem:s15+$0xFFFFFFC0];
	[tilespmem:s16+$0x1020 ss:$0x81] =	vst.msk $0xffff, v6;
	s15 =	sadd.s32 $0x80, s15  }
0x3c: {  	s19 =	sadd.s32 $0x4, s19;
	v0 =	vld [tilespmem:s15+$0x30];
	[tilespmem:s16+$0x1830 ss:$0x81] =	vst.msk $0xffff, v7  }
0x3d: {  	s18 =	sshra.s32 s18, $0x2;
	s22 =	sshll.u32 s9, $0xB  }
0x3e: {  	p1 =	sgt.s32 s9, $0x3F;
	s19 =	smov.u32 s9;
	s20 =	sshra.s32 s9, $0x1F  }
0x3f: {  	s21 =	sshra.s32 s8, $0x1F;
	s24 =	sshll.u32 s8, $0x3;
	s26 =	sshll.u32 s9, $0x7  }
0x40: {  	v5 =	vld [tilespmem:s15+$0xFFFFFFD0];
	[tilespmem:s16+$0x2040 ss:$0x81] =	vst.msk $0xffff, v4;
	s27 =	sand.u32 $0x78, s8;
	s17 =	sadd.s32 s18, s17;
	s18 =	sand.u32 $0x1C000, s22  }
0x41: {  	v58 =	vld [tilespmem:s15+$0xFFFFFFE0];
	s19 =	simm.s32 @!p1 $0x3F;
	s20 =	sand.u32 s20, s9;
	[tilespmem:s16+$0x2850 ss:$0x81] =	vst.msk $0xffff, v3;
	p1 =	sgt.s32 s8, $0x780  }
0x42: {  	v59 =	vld [tilespmem:s15+$0xFFFFFFF0];
	s21 =	sand.u32 s21, s8;
	s19 =	ssub.s32 s19, s20;
	s20 =	smov.u32 s8;
	[tilespmem:s16+$0x3060 ss:$0x81] =	vst.msk $0xffff, v2  }
0x43: {  	v60 =	vld [tilespmem:s15+$0x0];
	s18 =	sadd.s32 s18, s24;
	s22 =	ssub.s32 $0x40, s19;
	s20 =	simm.s32 @!p1 $0x780;
	[tilespmem:s16+$0x0 ss:$0x81] =	vst.msk $0xffff, v1  }
0x44: {  	v61 =	vld [tilespmem:s15+$0x10];
	s23 =	sadd.s32 $0xFFFFFFC1, s19;
	s16 =	sand.u32 $0x380, s26;
	s28 =	sand.u32 $0x1F800, s18;
	[tilespmem:s17+$0x3870 ss:$0x81] =	vst.msk $0xffff, v0  }
0x45: {  	v62 =	vld [tilespmem:s15+$0x20];
	s19 =	smul.u32 $0x41, s22;
	s20 =	ssub.s32 s20, s21;
	p1 =	sgt.s32 s23, $0x0;
	[tilespmem:s17+$0x810 ss:$0x81] =	vst.msk $0xffff, v5  }
0x46: {  	v63 =	vld [tilespmem:s15+$0xFFFFFFC0];
	s21 =	sand.u32 $0x400, s24;
	s15 =	sor.u32 s16, s27;
	s25 =	sadd.s32 $0xFFFFF880, s20;
	[tilespmem:s17+$0x1020 ss:$0x81] =	vst.msk $0xffff, v58  }
0x47: {  	[tilespmem:s17+$0x1830 ss:$0x81] =	vst.msk $0xffff, v59;
	s20 =	ssub.s32 $0x800, s20;
	s19 =	simm.s32 @p1 $0x0;
	p1 =	sgt.s32 s25, $0x7F  }
.Ltmp4:
0x48: {  	[tilespmem:s17+$0x2040 ss:$0x81] =	vst.msk $0xffff, v60;
	s15 =	sor.u32 s21, s15;
	s20 =	simm.s32 @p1 $0x0;
	(pc) =	sbr.rel .LBB1_5-.Ltmp4, $4  }
0x49: {  	s30 =	sand.u32 $0x7, s8;
	[tilespmem:s17+$0x2850 ss:$0x81] =	vst.msk $0xffff, v61;
	s15 =	sor.u32 s28, s15;
	s29 =	smul.u32 s20, s19  }
0x4a: {  	s16 =	sshll.u32 s30, $0x12;
	[tilespmem:s17+$0x3060 ss:$0x81] =	vst.msk $0xffff, v62;
	s15 =	sshrl.u32 s15, $0x3  }
0x4b: {  	[tilespmem:s17+$0x0 ss:$0x81] =	vst.msk $0xffff, v63;
	s16 =	sor.u32 $0x80, s16;
	s15 =	sadd.s32 s2, s15;
	s31 =	sand.u32 $0x3FFFFFFF, s29  }
0x4c: {  	[hbm4b:s15+s16] =	stream.strided.scatter [tilespmem:s14], [sflag:$0x2], s31, s6, s16, $0x20;
	[tilespmem:$0x10100] =	vst v63  }
.LBB1_6:
0x4d: {  	_ =	sfence.sel $0x180000  }
0x4e: {  	s2 =	simm.s32 $0x1;
	[bflag:$0x0] =	sbarrier.arrive $0xFFFF  }
0x4f: {  	s31 =	simm.s32 $0x2;
	[sflag:s2] =	ssyncpa.u1 $0x1  }
0x50: {  	[sflag:s31] =	ssyncpa.u1 $0x1  }
0x51: {  	p0 =	sne.s32 s1, $0x0;
	_ =	strace $0x9000004A  }
0x52: {  	s0 =	sadd.s32 @!p0 $0x100000, s0;
	[bflag:$0x2] =	sbarrier.arrive $0xFFFF  }
0x53: {  	[sflag:s0] =	ssyncadd.tile.s32 @!p0 $0x1;
	_ =	shalt  }
.Lfunc_end1:
_tile_overlayer_lowered:
.L_overlay_start_2:
0x54: {  	(tag) =	ssettag $0x2  }
0x55: {  	s0 =	rddreg [dreg:$0x0];
	s2 =	stileid.u32  }
0x56: {  	s1 =	rddreg [dreg:$0x1];
	p0 =	sne.s32 s2, $0x0  }
0x57: {  	s3 =	rddreg [dreg:$0x2];
	[bflag:$0x3] =	sbarrier.arrive $0xFFFF;
	s2 =	simm.s32 @!p0 $0x1C01  }
0x58: {  	[timem:s3], [sflag:s2] =	dma.local @!p0 [hbm:s0], s1  }
0x59: {  	s0 =	simm.s32 @!p0 $0x1  }
0x5a: {  	_ =	swait.ge @!p0 [sflag:s0], s1  }
0x5b: {  	s1 =	ssub.s32 @!p0 $0x0, s1;
	[sflag:s0] =	ssyncset.done @!p0 $0x0  }
0x5c: {  	[sflag:s0] =	ssyncadd.s32 @!p0 s1  }
0x5d: {  	[bflag:$0x3] =	sbarrier.arrive $0xFFFF  }
0x5e: {  	_ =	shalt  }

</sc_bundles>
